<compile_context>
chip_gen: v7x
topology: tpu7x:2x2x1
jax: 0.10.2.dev20260603
libtpu: 0.0.44.dev20260713+nightly
codegen_flags: <defaults>
</compile_context>

<pallas_src>
import jax
import jax.numpy as jnp
from jax import lax
from jax.experimental import pallas as pl
from jax.experimental.pallas import tpu as pltpu
from jax.experimental.pallas import tpu_sc as plsc

NC = 2
NS = 16
NW = NC * NS
K = 128
R = 3
RI = 5
F0 = 0.504


def _mesh():
    return plsc.VectorSubcoreMesh(
        core_axis_name="c", subcore_axis_name="s", num_cores=NC, num_subcores=NS
    )


def _chunk_range(ct):
    s0 = min(ct, max(0, int(round(ct * F0))))
    s1 = ct - s0
    return s0, s0 // NS, s0 % NS, s1 // NS, s1 % NS


def _worker_span(cid, sid, s0, q0, r0, q1, r1):
    nch = jnp.where(cid == 0, q0 + (sid < r0), q1 + (sid < r1))
    base = jnp.where(
        cid == 0,
        sid * q0 + jnp.minimum(sid, r0),
        s0 + sid * q1 + jnp.minimum(sid, r1),
    )
    return nch.astype(jnp.int32), base.astype(jnp.int32)


def _slab_copy(src, dst, sid, n):
    slab = ((n // NS) // 8) * 8
    last = n - (NS - 1) * slab

    @pl.when(sid < NS - 1)
    def _():
        pltpu.sync_copy(
            src.at[pl.ds(sid * slab, slab)], dst.at[pl.ds(sid * slab, slab)]
        )

    @pl.when(sid == NS - 1)
    def _():
        pltpu.sync_copy(
            src.at[pl.ds((NS - 1) * slab, last)],
            dst.at[pl.ds((NS - 1) * slab, last)],
        )


def _make_deg_kernel(nhist, ct):
    slab = nhist // NS
    s0, q0, r0, q1, r1 = _chunk_range(ct)

    def body(ert, out, idxd, ones_v, zbuf, deg_sh, sem_i, sem_s):
        cid = lax.axis_index("c")
        sid = lax.axis_index("s")
        nch, base = _worker_span(cid, sid, s0, q0, r0, q1, r1)
        for j in range(K // 16):
            ones_v[pl.ds(j * 16, 16)] = jnp.full((16,), 1.0, jnp.float32)
        for j in range(slab // 16):
            zbuf[pl.ds(j * 16, 16)] = jnp.zeros((16,), jnp.float32)
        pltpu.sync_copy(zbuf, deg_sh.at[pl.ds(sid * slab, slab)])

        def fetch(c, b):
            pltpu.async_copy(ert.at[base + c, 1], idxd.at[b], sem_i.at[b])

        def wait_fetch(c, b):
            pltpu.make_async_copy(
                ert.at[base + c, 1], idxd.at[b], sem_i.at[b]
            ).wait()

        def wait_scat(b):
            pltpu.make_async_copy(
                ones_v, deg_sh.at[idxd.at[b, 0]], sem_s.at[b]
            ).wait()

        for b in range(RI):
            @pl.when(b < nch)
            def _():
                fetch(b, b)
        plsc.subcore_barrier()

        def chunk(i, carry):
            bi = lax.rem(i, RI)
            bs = lax.rem(i, 2)
            wait_fetch(i, bi)
            pltpu.async_copy(
                ones_v, deg_sh.at[idxd.at[bi, 0]], sem_s.at[bs], add=True
            )

            @pl.when(i > 0)
            def _():
                wait_scat(lax.rem(i - 1, 2))

                @pl.when(i - 1 + RI < nch)
                def _():
                    fetch(i - 1 + RI, lax.rem(i - 1, RI))

            return carry

        lax.fori_loop(0, nch, chunk, 0)

        @pl.when(nch > 0)
        def _():
            wait_scat(lax.rem(nch - 1, 2))

        plsc.subcore_barrier()
        pltpu.sync_copy(
            deg_sh.at[pl.ds(sid * slab, slab)],
            out.at[cid].at[pl.ds(sid * slab, slab)],
        )

    return pl.kernel(
        body,
        out_type=jax.ShapeDtypeStruct((NC, nhist), jnp.float32),
        mesh=_mesh(),
        scratch_types=[
            pltpu.VMEM((RI, 1, K), jnp.int32),
            pltpu.VMEM((K,), jnp.float32),
            pltpu.VMEM((nhist // NS,), jnp.float32),
            pltpu.VMEM_SHARED((nhist,), jnp.float32),
            pltpu.SemaphoreType.DMA((RI,)),
            pltpu.SemaphoreType.DMA((2,)),
        ],
    )


def _make_edge_kernel(n, d, ct):
    s0, q0, r0, q1, r1 = _chunk_range(ct)

    def body(hs_hbm, ert, zeros_hbm, out, idxb, rows, acc,
             sem_i, sem_g, sem_s):
        cid = lax.axis_index("c")
        sid = lax.axis_index("s")
        nch, base = _worker_span(cid, sid, s0, q0, r0, q1, r1)

        @pl.when(cid == 0)
        def _():
            _slab_copy(hs_hbm, acc, sid, n)

        @pl.when(cid == 1)
        def _():
            _slab_copy(zeros_hbm, acc, sid, n)

        def fetch_idx(c, b):
            pltpu.async_copy(ert.at[base + c], idxb.at[b], sem_i.at[b])

        def wait_idx(c, b):
            pltpu.make_async_copy(
                ert.at[base + c], idxb.at[b], sem_i.at[b]
            ).wait()

        def issue_gather(bi, b):
            pltpu.async_copy(
                hs_hbm.at[idxb.at[bi, 0, 0]], rows.at[b], sem_g.at[b]
            )

        def wait_gather(bi, b):
            pltpu.make_async_copy(
                hs_hbm.at[idxb.at[bi, 0, 0]], rows.at[b], sem_g.at[b]
            ).wait()

        def wait_scat(bi, b):
            pltpu.make_async_copy(
                rows.at[b], acc.at[idxb.at[bi, 1, 0]], sem_s.at[b]
            ).wait()

        for b in range(RI):
            @pl.when(b < nch)
            def _():
                fetch_idx(b, b)
        for b in range(R):
            @pl.when(b < nch)
            def _():
                wait_idx(b, b)
                issue_gather(b, b)
        plsc.subcore_barrier()

        def chunk(i, carry):
            b = lax.rem(i, R)
            bi = lax.rem(i, RI)
            wait_gather(bi, b)
            pltpu.async_copy(
                rows.at[b], acc.at[idxb.at[bi, 1, 0]], sem_s.at[b], add=True
            )

            @pl.when(i > 0)
            def _():
                ip = i - 1
                bp = lax.rem(ip, R)
                bip = lax.rem(ip, RI)
                wait_scat(bip, bp)

                @pl.when(ip + RI < nch)
                def _():
                    fetch_idx(ip + RI, bip)

                j = i + R - 1

                @pl.when(j < nch)
                def _():
                    bij = lax.rem(j, RI)
                    wait_idx(j, bij)
                    issue_gather(bij, bp)

            return carry

        lax.fori_loop(0, nch, chunk, 0)

        @pl.when(nch > 0)
        def _():
            wait_scat(lax.rem(nch - 1, RI), lax.rem(nch - 1, R))

        plsc.subcore_barrier()
        _slab_copy(acc, out.at[cid], sid, n)

    return pl.kernel(
        body,
        out_type=jax.ShapeDtypeStruct((NC, n, d), jnp.float32),
        mesh=_mesh(),
        scratch_types=[
            pltpu.VMEM((RI, 2, 1, K), jnp.int32),
            pltpu.VMEM((R, K, d), jnp.float32),
            pltpu.VMEM_SHARED((n, d), jnp.float32),
            pltpu.SemaphoreType.DMA((RI,)),
            pltpu.SemaphoreType.DMA((R,)),
            pltpu.SemaphoreType.DMA((R,)),
        ],
    )


def _mm_scale_body(deg_ref, x_ref, w_ref, hs_ref):
    dinv = lax.rsqrt(deg_ref[...] + 1.0)
    h = jnp.dot(x_ref[...], w_ref[...], preferred_element_type=jnp.float32)
    hs_ref[...] = h * dinv


def _mid_body(acc_ref, deg_ref, b_ref, w_ref, e_ref, hs2_ref):
    dinv = lax.rsqrt(deg_ref[...] + 1.0)
    t = (acc_ref[0] + acc_ref[1]) * dinv + b_ref[...]
    e = jnp.maximum(t, 0.0)
    e_ref[...] = e
    h2 = jnp.dot(e, w_ref[...], preferred_element_type=jnp.float32)
    hs2_ref[...] = h2 * dinv


def _final_body(acc_ref, deg_ref, b_ref, out_ref):
    dinv = lax.rsqrt(deg_ref[...] + 1.0)
    out_ref[...] = (acc_ref[0] + acc_ref[1]) * dinv + b_ref[...]


def kernel(x, edge_index, W0, b0, W1, b1):
    n, d = x.shape
    e = edge_index.shape[1]
    assert e % K == 0 and n % 8 == 0
    ct = e // K
    nhist = ((n + 255) // 256) * 256

    ert = jnp.transpose(edge_index.reshape(2, ct, 1, K), (1, 0, 2, 3))
    zeros2d = jnp.zeros((n, d), jnp.float32)
    b0r = b0.reshape(1, d)
    b1r = b1.reshape(1, d)

    deg_part = _make_deg_kernel(nhist, ct)(ert)
    deg_col = (deg_part[0] + deg_part[1])[:n].reshape(n, 1)

    br = 2048
    grid = (-(-n // br),)
    mm_scale = pl.pallas_call(
        _mm_scale_body,
        grid=grid,
        in_specs=[
            pl.BlockSpec((br, 1), lambda i: (i, 0)),
            pl.BlockSpec((br, d), lambda i: (i, 0)),
            pl.BlockSpec((d, d), lambda i: (0, 0)),
        ],
        out_specs=pl.BlockSpec((br, d), lambda i: (i, 0)),
        out_shape=jax.ShapeDtypeStruct((n, d), jnp.float32),
    )
    hs1 = mm_scale(deg_col, x, W0)

    edge_pass = _make_edge_kernel(n, d, ct)
    acc1 = edge_pass(hs1, ert, zeros2d)

    mid = pl.pallas_call(
        _mid_body,
        grid=grid,
        in_specs=[
            pl.BlockSpec((NC, br, d), lambda i: (0, i, 0)),
            pl.BlockSpec((br, 1), lambda i: (i, 0)),
            pl.BlockSpec((1, d), lambda i: (0, 0)),
            pl.BlockSpec((d, d), lambda i: (0, 0)),
        ],
        out_specs=[
            pl.BlockSpec((br, d), lambda i: (i, 0)),
            pl.BlockSpec((br, d), lambda i: (i, 0)),
        ],
        out_shape=[
            jax.ShapeDtypeStruct((n, d), jnp.float32),
            jax.ShapeDtypeStruct((n, d), jnp.float32),
        ],
    )
    e1, hs2 = mid(acc1, deg_col, b0r, W1)

    acc2 = edge_pass(hs2, ert, zeros2d)

    final = pl.pallas_call(
        _final_body,
        grid=grid,
        in_specs=[
            pl.BlockSpec((NC, br, d), lambda i: (0, i, 0)),
            pl.BlockSpec((br, 1), lambda i: (i, 0)),
            pl.BlockSpec((1, d), lambda i: (0, 0)),
        ],
        out_specs=pl.BlockSpec((br, d), lambda i: (i, 0)),
        out_shape=jax.ShapeDtypeStruct((n, d), jnp.float32),
    )
    out2 = final(acc2, deg_col, b1r)

    return (x, e1, out2)

# --- scband reference (transcript-rebuilt; emitter-appended) ---
"""Pipeline reference for scband-gcn-backbone-70188355551856 (READ-ONLY COPY).

The authoritative reference and input builder live on the scoring server;
editing this copy changes nothing except your own understanding.
"""

import jax, jax.numpy as jnp
import numpy as np

N = 10000
E = 320000
D = 128

def glorot(key, shape):
    lim = float(np.sqrt(6.0 / (shape[0] + shape[1])))
    return jax.random.uniform(key, shape, dtype=jnp.float32, minval=-lim, maxval=lim)

def gcn_conv(x, edge_index, W, b):
    # PyG-style GCNConv: add self-loops, symmetric normalization, linear, scatter-add, bias
    n = x.shape[0]
    loop = jnp.arange(n, dtype=edge_index.dtype)
    src = jnp.concatenate([edge_index[0], loop])
    dst = jnp.concatenate([edge_index[1], loop])
    deg = jnp.zeros((n,), dtype=x.dtype).at[dst].add(1.0)
    dinv = jax.lax.rsqrt(jnp.maximum(deg, 1.0))
    h = x @ W
    coef = (dinv[src] * dinv[dst])[:, None]
    msg = h[src] * coef
    out = jnp.zeros_like(h).at[dst].add(msg)
    return out + b

def setup_inputs(seed: int = 0):
    key = jax.random.key(seed)
    k1, k2, k3, k4 = jax.random.split(key, 4)
    x = jax.random.normal(k1, (N, D), dtype=jnp.float32)
    edge_index = jax.random.randint(k2, (2, E), 0, N, dtype=jnp.int32)
    W0 = glorot(k3, (D, D))
    b0 = jnp.zeros((D,), dtype=jnp.float32)
    W1 = glorot(k4, (D, D))
    b1 = jnp.zeros((D,), dtype=jnp.float32)
    return {"x": x, "edge_index": edge_index, "W0": W0, "b0": b0, "W1": W1, "b1": b1}

def reference(x, edge_index, W0, b0, W1, b1):
    # n_layer=2, keep_init=True, norm=None (identity), eval mode (dropout inactive)
    embed_list = [x]
    hidden = gcn_conv(x, edge_index, W0, b0)
    # idx = 1: norm (identity) -> relu -> store -> dropout (identity in eval) -> conv1
    hidden = jax.nn.relu(hidden)
    embed_list.append(hidden)
    hidden = gcn_conv(hidden, edge_index, W1, b1)
    # final norm (identity)
    embed_list.append(hidden)
    return tuple(embed_list)

if __name__ == "__main__":
    import jax
    _d = setup_inputs()
    print(jax.jit(kernel)(*tuple(_d.values())))

</pallas_src>

<mosaic_0001>
#map = affine_map<(d0, d1) -> (0, 0)>
#map1 = affine_map<(d0, d1) -> (0, 0, 0, 0)>
#map2 = affine_map<(d0, d1) -> (0, 0, 0)>
module attributes {stable_mosaic.version = 14 : i64} {
  func.func @body(%arg0: i32, %arg1: i32, %arg2: memref<10000x128xf32, #tpu.memory_space<hbm>>, %arg3: memref<2500x2x1x128xi32, #tpu.memory_space<hbm>>, %arg4: memref<10000x128xf32, #tpu.memory_space<hbm>>, %arg5: memref<2x10000x128xf32, #tpu.memory_space<hbm>>, %arg6: memref<5x2x1x128xi32, #tpu.memory_space<vmem>>, %arg7: memref<3x128x128xf32, #tpu.memory_space<vmem>>, %arg8: memref<10000x128xf32, #tpu.memory_space<vmem_shared>>, %arg9: memref<5x!tpu.dma_semaphore, #tpu.memory_space<semaphore_mem>>, %arg10: memref<3x!tpu.dma_semaphore, #tpu.memory_space<semaphore_mem>>, %arg11: memref<3x!tpu.dma_semaphore, #tpu.memory_space<semaphore_mem>>) attributes {dimension_semantics = [#tpu.dimension_semantics<core_parallel>, #tpu.dimension_semantics<subcore_parallel>], iteration_bounds = array<i64: 2, 16>, scalar_prefetch = 0 : i64, scratch_operands = 6 : i64, tpu.core_type = #tpu.core_type<sc_vector_subcore>, window_params = [{transform_indices = #map}, {transform_indices = #map1}, {transform_indices = #map}, {transform_indices = #map2}]} {
    %eq3A = arith.constant 0 : i32
    %eq3A_0 = arith.cmpi eq, %arg0, %eq3A : i32
    %lt3A = arith.constant 12 : i32
    %lt3A_1 = arith.cmpi slt, %arg1, %lt3A : i32
    %convert_element_type3A = arith.extui %lt3A_1 : i1 to i32
    %add3A = arith.constant 78 : i32
    %add3A_2 = arith.addi %add3A, %convert_element_type3A : i32
    %lt3A_3 = arith.constant 8 : i32
    %lt3A_4 = arith.cmpi slt, %arg1, %lt3A_3 : i32
    %convert_element_type3A_5 = arith.extui %lt3A_4 : i1 to i32
    %add3A_6 = arith.constant 77 : i32
    %add3A_7 = arith.addi %add3A_6, %convert_element_type3A_5 : i32
    %select_n3A = arith.select %eq3A_0, %add3A_2, %add3A_7 : i32
    %eq3A_8 = arith.constant 0 : i32
    %eq3A_9 = arith.cmpi eq, %arg0, %eq3A_8 : i32
    %mul3A = arith.constant 78 : i32
    %mul3A_10 = arith.muli %arg1, %mul3A : i32
    %min3A = arith.constant 12 : i32
    %min3A_11 = arith.minsi %arg1, %min3A : i32
    %add3A_12 = arith.addi %mul3A_10, %min3A_11 : i32
    %mul3A_13 = arith.constant 77 : i32
    %mul3A_14 = arith.muli %arg1, %mul3A_13 : i32
    %add3A_15 = arith.constant 1260 : i32
    %add3A_16 = arith.addi %add3A_15, %mul3A_14 : i32
    %min3A_17 = arith.constant 8 : i32
    %min3A_18 = arith.minsi %arg1, %min3A_17 : i32
    %add3A_19 = arith.addi %add3A_16, %min3A_18 : i32
    %select_n3A_20 = arith.select %eq3A_9, %add3A_12, %add3A_19 : i32
    %eq3A_21 = arith.constant 0 : i32
    %eq3A_22 = arith.cmpi eq, %arg0, %eq3A_21 : i32
    %convert_element_type3A_23 = arith.extui %eq3A_22 : i1 to i32
    %cond3A = arith.constant 0 : i32
    %cond3A_24 = arith.cmpi ne, %convert_element_type3A_23, %cond3A : i32
    scf.if %cond3A_24 {
      %lt3A_94 = arith.constant 15 : i32
      %lt3A_95 = arith.cmpi slt, %arg1, %lt3A_94 : i32
      %convert_element_type3A_96 = arith.extui %lt3A_95 : i1 to i32
      %cond3A_97 = arith.constant 0 : i32
      %cond3A_98 = arith.cmpi ne, %convert_element_type3A_96, %cond3A_97 : i32
      scf.if %cond3A_98 {
        %mul3A_104 = arith.constant 624 : i32
        %mul3A_105 = arith.muli %arg1, %mul3A_104 : i32
        %mul3A_106 = arith.constant 624 : i32
        %mul3A_107 = arith.muli %arg1, %mul3A_106 : i32
        "tpu.region"() ({
          %run_scoped3A = tpu.sem_alloc : memref<!tpu.dma_semaphore, #tpu.memory_space<semaphore_mem>>
          %dma_start3A = arith.constant 0 : i32
          %dma_start3A_108 = tpu.memref_slice %arg8[%mul3A_107, %dma_start3A] : memref<10000x128xf32, #tpu.memory_space<vmem_shared>> -> memref<624x128xf32, #tpu.memory_space<vmem_shared>>
          %dma_start3A_109 = arith.constant 0 : i32
          %dma_start3A_110 = tpu.memref_slice %arg2[%mul3A_105, %dma_start3A_109] : memref<10000x128xf32, #tpu.memory_space<hbm>> -> memref<624x128xf32, #tpu.memory_space<hbm>>
          tpu.enqueue_dma source(%dma_start3A_110 : memref<624x128xf32, #tpu.memory_space<hbm>>) target(%dma_start3A_108 : memref<624x128xf32, #tpu.memory_space<vmem_shared>>) target_semaphore(%run_scoped3A : memref<!tpu.dma_semaphore, #tpu.memory_space<semaphore_mem>>)
          %dma_wait3A = arith.constant 0 : i32
          %dma_wait3A_111 = tpu.memref_slice %arg8[%mul3A_107, %dma_wait3A] : memref<10000x128xf32, #tpu.memory_space<vmem_shared>> -> memref<624x128xf32, #tpu.memory_space<vmem_shared>>
          %dma_wait3A_112 = arith.constant 0 : i32
          %dma_wait3A_113 = tpu.memref_slice %arg2[%mul3A_105, %dma_wait3A_112] : memref<10000x128xf32, #tpu.memory_space<hbm>> -> memref<624x128xf32, #tpu.memory_space<hbm>>
          tpu.wait_dma2 semaphore(%run_scoped3A : memref<!tpu.dma_semaphore, #tpu.memory_space<semaphore_mem>>) src(%dma_wait3A_113 : memref<624x128xf32, #tpu.memory_space<hbm>>) dst(%dma_wait3A_111 : memref<624x128xf32, #tpu.memory_space<vmem_shared>>)
          tpu.yield
        }) : () -> ()
      } else {
      }
      %eq3A_99 = arith.constant 15 : i32
      %eq3A_100 = arith.cmpi eq, %arg1, %eq3A_99 : i32
      %convert_element_type3A_101 = arith.extui %eq3A_100 : i1 to i32
      %cond3A_102 = arith.constant 0 : i32
      %cond3A_103 = arith.cmpi ne, %convert_element_type3A_101, %cond3A_102 : i32
      scf.if %cond3A_103 {
        "tpu.region"() ({
          %run_scoped3A = tpu.sem_alloc : memref<!tpu.dma_semaphore, #tpu.memory_space<semaphore_mem>>
          %dma_start3A = arith.constant 9360 : i32
          %dma_start3A_104 = arith.constant 0 : i32
          %dma_start3A_105 = tpu.memref_slice %arg8[%dma_start3A, %dma_start3A_104] : memref<10000x128xf32, #tpu.memory_space<vmem_shared>> -> memref<640x128xf32, #tpu.memory_space<vmem_shared>>
          %dma_start3A_106 = arith.constant 9360 : i32
          %dma_start3A_107 = arith.constant 0 : i32
          %dma_start3A_108 = tpu.memref_slice %arg2[%dma_start3A_106, %dma_start3A_107] : memref<10000x128xf32, #tpu.memory_space<hbm>> -> memref<640x128xf32, #tpu.memory_space<hbm>>
          tpu.enqueue_dma source(%dma_start3A_108 : memref<640x128xf32, #tpu.memory_space<hbm>>) target(%dma_start3A_105 : memref<640x128xf32, #tpu.memory_space<vmem_shared>>) target_semaphore(%run_scoped3A : memref<!tpu.dma_semaphore, #tpu.memory_space<semaphore_mem>>)
          %dma_wait3A = arith.constant 9360 : i32
          %dma_wait3A_109 = arith.constant 0 : i32
          %dma_wait3A_110 = tpu.memref_slice %arg8[%dma_wait3A, %dma_wait3A_109] : memref<10000x128xf32, #tpu.memory_space<vmem_shared>> -> memref<640x128xf32, #tpu.memory_space<vmem_shared>>
          %dma_wait3A_111 = arith.constant 9360 : i32
          %dma_wait3A_112 = arith.constant 0 : i32
          %dma_wait3A_113 = tpu.memref_slice %arg2[%dma_wait3A_111, %dma_wait3A_112] : memref<10000x128xf32, #tpu.memory_space<hbm>> -> memref<640x128xf32, #tpu.memory_space<hbm>>
          tpu.wait_dma2 semaphore(%run_scoped3A : memref<!tpu.dma_semaphore, #tpu.memory_space<semaphore_mem>>) src(%dma_wait3A_113 : memref<640x128xf32, #tpu.memory_space<hbm>>) dst(%dma_wait3A_110 : memref<640x128xf32, #tpu.memory_space<vmem_shared>>)
          tpu.yield
        }) : () -> ()
      } else {
      }
    } else {
    }
    %eq3A_25 = arith.constant 1 : i32
    %eq3A_26 = arith.cmpi eq, %arg0, %eq3A_25 : i32
    %convert_element_type3A_27 = arith.extui %eq3A_26 : i1 to i32
    %cond3A_28 = arith.constant 0 : i32
    %cond3A_29 = arith.cmpi ne, %convert_element_type3A_27, %cond3A_28 : i32
    scf.if %cond3A_29 {
      %lt3A_94 = arith.constant 15 : i32
      %lt3A_95 = arith.cmpi slt, %arg1, %lt3A_94 : i32
      %convert_element_type3A_96 = arith.extui %lt3A_95 : i1 to i32
      %cond3A_97 = arith.constant 0 : i32
      %cond3A_98 = arith.cmpi ne, %convert_element_type3A_96, %cond3A_97 : i32
      scf.if %cond3A_98 {
        %mul3A_104 = arith.constant 624 : i32
        %mul3A_105 = arith.muli %arg1, %mul3A_104 : i32
        %mul3A_106 = arith.constant 624 : i32
        %mul3A_107 = arith.muli %arg1, %mul3A_106 : i32
        "tpu.region"() ({
          %run_scoped3A = tpu.sem_alloc : memref<!tpu.dma_semaphore, #tpu.memory_space<semaphore_mem>>
          %dma_start3A = arith.constant 0 : i32
          %dma_start3A_108 = tpu.memref_slice %arg8[%mul3A_107, %dma_start3A] : memref<10000x128xf32, #tpu.memory_space<vmem_shared>> -> memref<624x128xf32, #tpu.memory_space<vmem_shared>>
          %dma_start3A_109 = arith.constant 0 : i32
          %dma_start3A_110 = tpu.memref_slice %arg4[%mul3A_105, %dma_start3A_109] : memref<10000x128xf32, #tpu.memory_space<hbm>> -> memref<624x128xf32, #tpu.memory_space<hbm>>
          tpu.enqueue_dma source(%dma_start3A_110 : memref<624x128xf32, #tpu.memory_space<hbm>>) target(%dma_start3A_108 : memref<624x128xf32, #tpu.memory_space<vmem_shared>>) target_semaphore(%run_scoped3A : memref<!tpu.dma_semaphore, #tpu.memory_space<semaphore_mem>>)
          %dma_wait3A = arith.constant 0 : i32
          %dma_wait3A_111 = tpu.memref_slice %arg8[%mul3A_107, %dma_wait3A] : memref<10000x128xf32, #tpu.memory_space<vmem_shared>> -> memref<624x128xf32, #tpu.memory_space<vmem_shared>>
          %dma_wait3A_112 = arith.constant 0 : i32
          %dma_wait3A_113 = tpu.memref_slice %arg4[%mul3A_105, %dma_wait3A_112] : memref<10000x128xf32, #tpu.memory_space<hbm>> -> memref<624x128xf32, #tpu.memory_space<hbm>>
          tpu.wait_dma2 semaphore(%run_scoped3A : memref<!tpu.dma_semaphore, #tpu.memory_space<semaphore_mem>>) src(%dma_wait3A_113 : memref<624x128xf32, #tpu.memory_space<hbm>>) dst(%dma_wait3A_111 : memref<624x128xf32, #tpu.memory_space<vmem_shared>>)
          tpu.yield
        }) : () -> ()
      } else {
      }
      %eq3A_99 = arith.constant 15 : i32
      %eq3A_100 = arith.cmpi eq, %arg1, %eq3A_99 : i32
      %convert_element_type3A_101 = arith.extui %eq3A_100 : i1 to i32
      %cond3A_102 = arith.constant 0 : i32
      %cond3A_103 = arith.cmpi ne, %convert_element_type3A_101, %cond3A_102 : i32
      scf.if %cond3A_103 {
        "tpu.region"() ({
          %run_scoped3A = tpu.sem_alloc : memref<!tpu.dma_semaphore, #tpu.memory_space<semaphore_mem>>
          %dma_start3A = arith.constant 9360 : i32
          %dma_start3A_104 = arith.constant 0 : i32
          %dma_start3A_105 = tpu.memref_slice %arg8[%dma_start3A, %dma_start3A_104] : memref<10000x128xf32, #tpu.memory_space<vmem_shared>> -> memref<640x128xf32, #tpu.memory_space<vmem_shared>>
          %dma_start3A_106 = arith.constant 9360 : i32
          %dma_start3A_107 = arith.constant 0 : i32
          %dma_start3A_108 = tpu.memref_slice %arg4[%dma_start3A_106, %dma_start3A_107] : memref<10000x128xf32, #tpu.memory_space<hbm>> -> memref<640x128xf32, #tpu.memory_space<hbm>>
          tpu.enqueue_dma source(%dma_start3A_108 : memref<640x128xf32, #tpu.memory_space<hbm>>) target(%dma_start3A_105 : memref<640x128xf32, #tpu.memory_space<vmem_shared>>) target_semaphore(%run_scoped3A : memref<!tpu.dma_semaphore, #tpu.memory_space<semaphore_mem>>)
          %dma_wait3A = arith.constant 9360 : i32
          %dma_wait3A_109 = arith.constant 0 : i32
          %dma_wait3A_110 = tpu.memref_slice %arg8[%dma_wait3A, %dma_wait3A_109] : memref<10000x128xf32, #tpu.memory_space<vmem_shared>> -> memref<640x128xf32, #tpu.memory_space<vmem_shared>>
          %dma_wait3A_111 = arith.constant 9360 : i32
          %dma_wait3A_112 = arith.constant 0 : i32
          %dma_wait3A_113 = tpu.memref_slice %arg4[%dma_wait3A_111, %dma_wait3A_112] : memref<10000x128xf32, #tpu.memory_space<hbm>> -> memref<640x128xf32, #tpu.memory_space<hbm>>
          tpu.wait_dma2 semaphore(%run_scoped3A : memref<!tpu.dma_semaphore, #tpu.memory_space<semaphore_mem>>) src(%dma_wait3A_113 : memref<640x128xf32, #tpu.memory_space<hbm>>) dst(%dma_wait3A_110 : memref<640x128xf32, #tpu.memory_space<vmem_shared>>)
          tpu.yield
        }) : () -> ()
      } else {
      }
    } else {
    }
    %gt3A = arith.constant 0 : i32
    %gt3A_30 = arith.cmpi sgt, %select_n3A, %gt3A : i32
    %convert_element_type3A_31 = arith.extui %gt3A_30 : i1 to i32
    %cond3A_32 = arith.constant 0 : i32
    %cond3A_33 = arith.cmpi ne, %convert_element_type3A_31, %cond3A_32 : i32
    scf.if %cond3A_33 {
      %add3A_94 = arith.constant 0 : i32
      %add3A_95 = arith.addi %select_n3A_20, %add3A_94 : i32
      %dma_start3A = arith.constant 0 : i32
      %dma_start3A_96 = arith.constant 0 : i32
      %dma_start3A_97 = arith.constant 0 : i32
      %dma_start3A_98 = arith.constant 0 : i32
      %dma_start3A_99 = arith.constant 0 : i32
      %dma_start3A_100 = tpu.memref_slice %arg6[%dma_start3A, %dma_start3A_97, %dma_start3A_98, %dma_start3A_99] : memref<5x2x1x128xi32, #tpu.memory_space<vmem>> -> memref<1x2x1x128xi32, #tpu.memory_space<vmem>>
      %dma_start3A_101 = tpu.memref_squeeze %dma_start3A_100 : memref<1x2x1x128xi32, #tpu.memory_space<vmem>> -> memref<2x1x128xi32, #tpu.memory_space<vmem>>
      %dma_start3A_102 = arith.constant 0 : i32
      %dma_start3A_103 = arith.constant 0 : i32
      %dma_start3A_104 = arith.constant 0 : i32
      %dma_start3A_105 = tpu.memref_slice %arg3[%add3A_95, %dma_start3A_102, %dma_start3A_103, %dma_start3A_104] : memref<2500x2x1x128xi32, #tpu.memory_space<hbm>> -> memref<1x2x1x128xi32, #tpu.memory_space<hbm>>
      %dma_start3A_106 = tpu.memref_squeeze %dma_start3A_105 : memref<1x2x1x128xi32, #tpu.memory_space<hbm>> -> memref<2x1x128xi32, #tpu.memory_space<hbm>>
      %dma_start3A_107 = tpu.memref_slice %arg9[%dma_start3A_96] : memref<5x!tpu.dma_semaphore, #tpu.memory_space<semaphore_mem>> -> memref<1x!tpu.dma_semaphore, #tpu.memory_space<semaphore_mem>>
      %dma_start3A_108 = tpu.memref_squeeze %dma_start3A_107 : memref<1x!tpu.dma_semaphore, #tpu.memory_space<semaphore_mem>> -> memref<!tpu.dma_semaphore, #tpu.memory_space<semaphore_mem>>
      %dma_start3A_109 = arith.constant 0 : i32
      %dma_start3A_110 = arith.constant 0 : i32
      %dma_start3A_111 = arith.constant 0 : i32
      %dma_start3A_112 = tpu.memref_slice %arg6[%dma_start3A, %dma_start3A_109, %dma_start3A_110, %dma_start3A_111] : memref<5x2x1x128xi32, #tpu.memory_space<vmem>> -> memref<1x2x1x128xi32, #tpu.memory_space<vmem>>
      %dma_start3A_113 = tpu.memref_squeeze %dma_start3A_112 : memref<1x2x1x128xi32, #tpu.memory_space<vmem>> -> memref<2x1x128xi32, #tpu.memory_space<vmem>>
      %dma_start3A_114 = arith.constant 0 : i32
      %dma_start3A_115 = arith.constant 0 : i32
      %dma_start3A_116 = arith.constant 0 : i32
      %dma_start3A_117 = tpu.memref_slice %arg3[%add3A_95, %dma_start3A_114, %dma_start3A_115, %dma_start3A_116] : memref<2500x2x1x128xi32, #tpu.memory_space<hbm>> -> memref<1x2x1x128xi32, #tpu.memory_space<hbm>>
      %dma_start3A_118 = tpu.memref_squeeze %dma_start3A_117 : memref<1x2x1x128xi32, #tpu.memory_space<hbm>> -> memref<2x1x128xi32, #tpu.memory_space<hbm>>
      tpu.enqueue_dma source(%dma_start3A_118 : memref<2x1x128xi32, #tpu.memory_space<hbm>>) target(%dma_start3A_113 : memref<2x1x128xi32, #tpu.memory_space<vmem>>) target_semaphore(%dma_start3A_108 : memref<!tpu.dma_semaphore, #tpu.memory_space<semaphore_mem>>)
    } else {
    }
    %gt3A_34 = arith.constant 1 : i32
    %gt3A_35 = arith.cmpi sgt, %select_n3A, %gt3A_34 : i32
    %convert_element_type3A_36 = arith.extui %gt3A_35 : i1 to i32
    %cond3A_37 = arith.constant 0 : i32
    %cond3A_38 = arith.cmpi ne, %convert_element_type3A_36, %cond3A_37 : i32
    scf.if %cond3A_38 {
      %add3A_94 = arith.constant 1 : i32
      %add3A_95 = arith.addi %select_n3A_20, %add3A_94 : i32
      %dma_start3A = arith.constant 1 : i32
      %dma_start3A_96 = arith.constant 1 : i32
      %dma_start3A_97 = arith.constant 0 : i32
      %dma_start3A_98 = arith.constant 0 : i32
      %dma_start3A_99 = arith.constant 0 : i32
      %dma_start3A_100 = tpu.memref_slice %arg6[%dma_start3A, %dma_start3A_97, %dma_start3A_98, %dma_start3A_99] : memref<5x2x1x128xi32, #tpu.memory_space<vmem>> -> memref<1x2x1x128xi32, #tpu.memory_space<vmem>>
      %dma_start3A_101 = tpu.memref_squeeze %dma_start3A_100 : memref<1x2x1x128xi32, #tpu.memory_space<vmem>> -> memref<2x1x128xi32, #tpu.memory_space<vmem>>
      %dma_start3A_102 = arith.constant 0 : i32
      %dma_start3A_103 = arith.constant 0 : i32
      %dma_start3A_104 = arith.constant 0 : i32
      %dma_start3A_105 = tpu.memref_slice %arg3[%add3A_95, %dma_start3A_102, %dma_start3A_103, %dma_start3A_104] : memref<2500x2x1x128xi32, #tpu.memory_space<hbm>> -> memref<1x2x1x128xi32, #tpu.memory_space<hbm>>
      %dma_start3A_106 = tpu.memref_squeeze %dma_start3A_105 : memref<1x2x1x128xi32, #tpu.memory_space<hbm>> -> memref<2x1x128xi32, #tpu.memory_space<hbm>>
      %dma_start3A_107 = tpu.memref_slice %arg9[%dma_start3A_96] : memref<5x!tpu.dma_semaphore, #tpu.memory_space<semaphore_mem>> -> memref<1x!tpu.dma_semaphore, #tpu.memory_space<semaphore_mem>>
      %dma_start3A_108 = tpu.memref_squeeze %dma_start3A_107 : memref<1x!tpu.dma_semaphore, #tpu.memory_space<semaphore_mem>> -> memref<!tpu.dma_semaphore, #tpu.memory_space<semaphore_mem>>
      %dma_start3A_109 = arith.constant 0 : i32
      %dma_start3A_110 = arith.constant 0 : i32
      %dma_start3A_111 = arith.constant 0 : i32
      %dma_start3A_112 = tpu.memref_slice %arg6[%dma_start3A, %dma_start3A_109, %dma_start3A_110, %dma_start3A_111] : memref<5x2x1x128xi32, #tpu.memory_space<vmem>> -> memref<1x2x1x128xi32, #tpu.memory_space<vmem>>
      %dma_start3A_113 = tpu.memref_squeeze %dma_start3A_112 : memref<1x2x1x128xi32, #tpu.memory_space<vmem>> -> memref<2x1x128xi32, #tpu.memory_space<vmem>>
      %dma_start3A_114 = arith.constant 0 : i32
      %dma_start3A_115 = arith.constant 0 : i32
      %dma_start3A_116 = arith.constant 0 : i32
      %dma_start3A_117 = tpu.memref_slice %arg3[%add3A_95, %dma_start3A_114, %dma_start3A_115, %dma_start3A_116] : memref<2500x2x1x128xi32, #tpu.memory_space<hbm>> -> memref<1x2x1x128xi32, #tpu.memory_space<hbm>>
      %dma_start3A_118 = tpu.memref_squeeze %dma_start3A_117 : memref<1x2x1x128xi32, #tpu.memory_space<hbm>> -> memref<2x1x128xi32, #tpu.memory_space<hbm>>
      tpu.enqueue_dma source(%dma_start3A_118 : memref<2x1x128xi32, #tpu.memory_space<hbm>>) target(%dma_start3A_113 : memref<2x1x128xi32, #tpu.memory_space<vmem>>) target_semaphore(%dma_start3A_108 : memref<!tpu.dma_semaphore, #tpu.memory_space<semaphore_mem>>)
    } else {
    }
    %gt3A_39 = arith.constant 2 : i32
    %gt3A_40 = arith.cmpi sgt, %select_n3A, %gt3A_39 : i32
    %convert_element_type3A_41 = arith.extui %gt3A_40 : i1 to i32
    %cond3A_42 = arith.constant 0 : i32
    %cond3A_43 = arith.cmpi ne, %convert_element_type3A_41, %cond3A_42 : i32
    scf.if %cond3A_43 {
      %add3A_94 = arith.constant 2 : i32
      %add3A_95 = arith.addi %select_n3A_20, %add3A_94 : i32
      %dma_start3A = arith.constant 2 : i32
      %dma_start3A_96 = arith.constant 2 : i32
      %dma_start3A_97 = arith.constant 0 : i32
      %dma_start3A_98 = arith.constant 0 : i32
      %dma_start3A_99 = arith.constant 0 : i32
      %dma_start3A_100 = tpu.memref_slice %arg6[%dma_start3A, %dma_start3A_97, %dma_start3A_98, %dma_start3A_99] : memref<5x2x1x128xi32, #tpu.memory_space<vmem>> -> memref<1x2x1x128xi32, #tpu.memory_space<vmem>>
      %dma_start3A_101 = tpu.memref_squeeze %dma_start3A_100 : memref<1x2x1x128xi32, #tpu.memory_space<vmem>> -> memref<2x1x128xi32, #tpu.memory_space<vmem>>
      %dma_start3A_102 = arith.constant 0 : i32
      %dma_start3A_103 = arith.constant 0 : i32
      %dma_start3A_104 = arith.constant 0 : i32
      %dma_start3A_105 = tpu.memref_slice %arg3[%add3A_95, %dma_start3A_102, %dma_start3A_103, %dma_start3A_104] : memref<2500x2x1x128xi32, #tpu.memory_space<hbm>> -> memref<1x2x1x128xi32, #tpu.memory_space<hbm>>
      %dma_start3A_106 = tpu.memref_squeeze %dma_start3A_105 : memref<1x2x1x128xi32, #tpu.memory_space<hbm>> -> memref<2x1x128xi32, #tpu.memory_space<hbm>>
      %dma_start3A_107 = tpu.memref_slice %arg9[%dma_start3A_96] : memref<5x!tpu.dma_semaphore, #tpu.memory_space<semaphore_mem>> -> memref<1x!tpu.dma_semaphore, #tpu.memory_space<semaphore_mem>>
      %dma_start3A_108 = tpu.memref_squeeze %dma_start3A_107 : memref<1x!tpu.dma_semaphore, #tpu.memory_space<semaphore_mem>> -> memref<!tpu.dma_semaphore, #tpu.memory_space<semaphore_mem>>
      %dma_start3A_109 = arith.constant 0 : i32
      %dma_start3A_110 = arith.constant 0 : i32
      %dma_start3A_111 = arith.constant 0 : i32
      %dma_start3A_112 = tpu.memref_slice %arg6[%dma_start3A, %dma_start3A_109, %dma_start3A_110, %dma_start3A_111] : memref<5x2x1x128xi32, #tpu.memory_space<vmem>> -> memref<1x2x1x128xi32, #tpu.memory_space<vmem>>
      %dma_start3A_113 = tpu.memref_squeeze %dma_start3A_112 : memref<1x2x1x128xi32, #tpu.memory_space<vmem>> -> memref<2x1x128xi32, #tpu.memory_space<vmem>>
      %dma_start3A_114 = arith.constant 0 : i32
      %dma_start3A_115 = arith.constant 0 : i32
      %dma_start3A_116 = arith.constant 0 : i32
      %dma_start3A_117 = tpu.memref_slice %arg3[%add3A_95, %dma_start3A_114, %dma_start3A_115, %dma_start3A_116] : memref<2500x2x1x128xi32, #tpu.memory_space<hbm>> -> memref<1x2x1x128xi32, #tpu.memory_space<hbm>>
      %dma_start3A_118 = tpu.memref_squeeze %dma_start3A_117 : memref<1x2x1x128xi32, #tpu.memory_space<hbm>> -> memref<2x1x128xi32, #tpu.memory_space<hbm>>
      tpu.enqueue_dma source(%dma_start3A_118 : memref<2x1x128xi32, #tpu.memory_space<hbm>>) target(%dma_start3A_113 : memref<2x1x128xi32, #tpu.memory_space<vmem>>) target_semaphore(%dma_start3A_108 : memref<!tpu.dma_semaphore, #tpu.memory_space<semaphore_mem>>)
    } else {
    }
    %gt3A_44 = arith.constant 3 : i32
    %gt3A_45 = arith.cmpi sgt, %select_n3A, %gt3A_44 : i32
    %convert_element_type3A_46 = arith.extui %gt3A_45 : i1 to i32
    %cond3A_47 = arith.constant 0 : i32
    %cond3A_48 = arith.cmpi ne, %convert_element_type3A_46, %cond3A_47 : i32
    scf.if %cond3A_48 {
      %add3A_94 = arith.constant 3 : i32
      %add3A_95 = arith.addi %select_n3A_20, %add3A_94 : i32
      %dma_start3A = arith.constant 3 : i32
      %dma_start3A_96 = arith.constant 3 : i32
      %dma_start3A_97 = arith.constant 0 : i32
      %dma_start3A_98 = arith.constant 0 : i32
      %dma_start3A_99 = arith.constant 0 : i32
      %dma_start3A_100 = tpu.memref_slice %arg6[%dma_start3A, %dma_start3A_97, %dma_start3A_98, %dma_start3A_99] : memref<5x2x1x128xi32, #tpu.memory_space<vmem>> -> memref<1x2x1x128xi32, #tpu.memory_space<vmem>>
      %dma_start3A_101 = tpu.memref_squeeze %dma_start3A_100 : memref<1x2x1x128xi32, #tpu.memory_space<vmem>> -> memref<2x1x128xi32, #tpu.memory_space<vmem>>
      %dma_start3A_102 = arith.constant 0 : i32
      %dma_start3A_103 = arith.constant 0 : i32
      %dma_start3A_104 = arith.constant 0 : i32
      %dma_start3A_105 = tpu.memref_slice %arg3[%add3A_95, %dma_start3A_102, %dma_start3A_103, %dma_start3A_104] : memref<2500x2x1x128xi32, #tpu.memory_space<hbm>> -> memref<1x2x1x128xi32, #tpu.memory_space<hbm>>
      %dma_start3A_106 = tpu.memref_squeeze %dma_start3A_105 : memref<1x2x1x128xi32, #tpu.memory_space<hbm>> -> memref<2x1x128xi32, #tpu.memory_space<hbm>>
      %dma_start3A_107 = tpu.memref_slice %arg9[%dma_start3A_96] : memref<5x!tpu.dma_semaphore, #tpu.memory_space<semaphore_mem>> -> memref<1x!tpu.dma_semaphore, #tpu.memory_space<semaphore_mem>>
      %dma_start3A_108 = tpu.memref_squeeze %dma_start3A_107 : memref<1x!tpu.dma_semaphore, #tpu.memory_space<semaphore_mem>> -> memref<!tpu.dma_semaphore, #tpu.memory_space<semaphore_mem>>
      %dma_start3A_109 = arith.constant 0 : i32
      %dma_start3A_110 = arith.constant 0 : i32
      %dma_start3A_111 = arith.constant 0 : i32
      %dma_start3A_112 = tpu.memref_slice %arg6[%dma_start3A, %dma_start3A_109, %dma_start3A_110, %dma_start3A_111] : memref<5x2x1x128xi32, #tpu.memory_space<vmem>> -> memref<1x2x1x128xi32, #tpu.memory_space<vmem>>
      %dma_start3A_113 = tpu.memref_squeeze %dma_start3A_112 : memref<1x2x1x128xi32, #tpu.memory_space<vmem>> -> memref<2x1x128xi32, #tpu.memory_space<vmem>>
      %dma_start3A_114 = arith.constant 0 : i32
      %dma_start3A_115 = arith.constant 0 : i32
      %dma_start3A_116 = arith.constant 0 : i32
      %dma_start3A_117 = tpu.memref_slice %arg3[%add3A_95, %dma_start3A_114, %dma_start3A_115, %dma_start3A_116] : memref<2500x2x1x128xi32, #tpu.memory_space<hbm>> -> memref<1x2x1x128xi32, #tpu.memory_space<hbm>>
      %dma_start3A_118 = tpu.memref_squeeze %dma_start3A_117 : memref<1x2x1x128xi32, #tpu.memory_space<hbm>> -> memref<2x1x128xi32, #tpu.memory_space<hbm>>
      tpu.enqueue_dma source(%dma_start3A_118 : memref<2x1x128xi32, #tpu.memory_space<hbm>>) target(%dma_start3A_113 : memref<2x1x128xi32, #tpu.memory_space<vmem>>) target_semaphore(%dma_start3A_108 : memref<!tpu.dma_semaphore, #tpu.memory_space<semaphore_mem>>)
    } else {
    }
    %gt3A_49 = arith.constant 4 : i32
    %gt3A_50 = arith.cmpi sgt, %select_n3A, %gt3A_49 : i32
    %convert_element_type3A_51 = arith.extui %gt3A_50 : i1 to i32
    %cond3A_52 = arith.constant 0 : i32
    %cond3A_53 = arith.cmpi ne, %convert_element_type3A_51, %cond3A_52 : i32
    scf.if %cond3A_53 {
      %add3A_94 = arith.constant 4 : i32
      %add3A_95 = arith.addi %select_n3A_20, %add3A_94 : i32
      %dma_start3A = arith.constant 4 : i32
      %dma_start3A_96 = arith.constant 4 : i32
      %dma_start3A_97 = arith.constant 0 : i32
      %dma_start3A_98 = arith.constant 0 : i32
      %dma_start3A_99 = arith.constant 0 : i32
      %dma_start3A_100 = tpu.memref_slice %arg6[%dma_start3A, %dma_start3A_97, %dma_start3A_98, %dma_start3A_99] : memref<5x2x1x128xi32, #tpu.memory_space<vmem>> -> memref<1x2x1x128xi32, #tpu.memory_space<vmem>>
      %dma_start3A_101 = tpu.memref_squeeze %dma_start3A_100 : memref<1x2x1x128xi32, #tpu.memory_space<vmem>> -> memref<2x1x128xi32, #tpu.memory_space<vmem>>
      %dma_start3A_102 = arith.constant 0 : i32
      %dma_start3A_103 = arith.constant 0 : i32
      %dma_start3A_104 = arith.constant 0 : i32
      %dma_start3A_105 = tpu.memref_slice %arg3[%add3A_95, %dma_start3A_102, %dma_start3A_103, %dma_start3A_104] : memref<2500x2x1x128xi32, #tpu.memory_space<hbm>> -> memref<1x2x1x128xi32, #tpu.memory_space<hbm>>
      %dma_start3A_106 = tpu.memref_squeeze %dma_start3A_105 : memref<1x2x1x128xi32, #tpu.memory_space<hbm>> -> memref<2x1x128xi32, #tpu.memory_space<hbm>>
      %dma_start3A_107 = tpu.memref_slice %arg9[%dma_start3A_96] : memref<5x!tpu.dma_semaphore, #tpu.memory_space<semaphore_mem>> -> memref<1x!tpu.dma_semaphore, #tpu.memory_space<semaphore_mem>>
      %dma_start3A_108 = tpu.memref_squeeze %dma_start3A_107 : memref<1x!tpu.dma_semaphore, #tpu.memory_space<semaphore_mem>> -> memref<!tpu.dma_semaphore, #tpu.memory_space<semaphore_mem>>
      %dma_start3A_109 = arith.constant 0 : i32
      %dma_start3A_110 = arith.constant 0 : i32
      %dma_start3A_111 = arith.constant 0 : i32
      %dma_start3A_112 = tpu.memref_slice %arg6[%dma_start3A, %dma_start3A_109, %dma_start3A_110, %dma_start3A_111] : memref<5x2x1x128xi32, #tpu.memory_space<vmem>> -> memref<1x2x1x128xi32, #tpu.memory_space<vmem>>
      %dma_start3A_113 = tpu.memref_squeeze %dma_start3A_112 : memref<1x2x1x128xi32, #tpu.memory_space<vmem>> -> memref<2x1x128xi32, #tpu.memory_space<vmem>>
      %dma_start3A_114 = arith.constant 0 : i32
      %dma_start3A_115 = arith.constant 0 : i32
      %dma_start3A_116 = arith.constant 0 : i32
      %dma_start3A_117 = tpu.memref_slice %arg3[%add3A_95, %dma_start3A_114, %dma_start3A_115, %dma_start3A_116] : memref<2500x2x1x128xi32, #tpu.memory_space<hbm>> -> memref<1x2x1x128xi32, #tpu.memory_space<hbm>>
      %dma_start3A_118 = tpu.memref_squeeze %dma_start3A_117 : memref<1x2x1x128xi32, #tpu.memory_space<hbm>> -> memref<2x1x128xi32, #tpu.memory_space<hbm>>
      tpu.enqueue_dma source(%dma_start3A_118 : memref<2x1x128xi32, #tpu.memory_space<hbm>>) target(%dma_start3A_113 : memref<2x1x128xi32, #tpu.memory_space<vmem>>) target_semaphore(%dma_start3A_108 : memref<!tpu.dma_semaphore, #tpu.memory_space<semaphore_mem>>)
    } else {
    }
    %gt3A_54 = arith.constant 0 : i32
    %gt3A_55 = arith.cmpi sgt, %select_n3A, %gt3A_54 : i32
    %convert_element_type3A_56 = arith.extui %gt3A_55 : i1 to i32
    %cond3A_57 = arith.constant 0 : i32
    %cond3A_58 = arith.cmpi ne, %convert_element_type3A_56, %cond3A_57 : i32
    scf.if %cond3A_58 {
      %add3A_94 = arith.constant 0 : i32
      %add3A_95 = arith.addi %select_n3A_20, %add3A_94 : i32
      %dma_wait3A = arith.constant 0 : i32
      %dma_wait3A_96 = arith.constant 0 : i32
      %dma_wait3A_97 = arith.constant 0 : i32
      %dma_wait3A_98 = arith.constant 0 : i32
      %dma_wait3A_99 = arith.constant 0 : i32
      %dma_wait3A_100 = tpu.memref_slice %arg6[%dma_wait3A, %dma_wait3A_97, %dma_wait3A_98, %dma_wait3A_99] : memref<5x2x1x128xi32, #tpu.memory_space<vmem>> -> memref<1x2x1x128xi32, #tpu.memory_space<vmem>>
      %dma_wait3A_101 = tpu.memref_squeeze %dma_wait3A_100 : memref<1x2x1x128xi32, #tpu.memory_space<vmem>> -> memref<2x1x128xi32, #tpu.memory_space<vmem>>
      %dma_wait3A_102 = arith.constant 0 : i32
      %dma_wait3A_103 = arith.constant 0 : i32
      %dma_wait3A_104 = arith.constant 0 : i32
      %dma_wait3A_105 = tpu.memref_slice %arg3[%add3A_95, %dma_wait3A_102, %dma_wait3A_103, %dma_wait3A_104] : memref<2500x2x1x128xi32, #tpu.memory_space<hbm>> -> memref<1x2x1x128xi32, #tpu.memory_space<hbm>>
      %dma_wait3A_106 = tpu.memref_squeeze %dma_wait3A_105 : memref<1x2x1x128xi32, #tpu.memory_space<hbm>> -> memref<2x1x128xi32, #tpu.memory_space<hbm>>
      %dma_wait3A_107 = tpu.memref_slice %arg9[%dma_wait3A_96] : memref<5x!tpu.dma_semaphore, #tpu.memory_space<semaphore_mem>> -> memref<1x!tpu.dma_semaphore, #tpu.memory_space<semaphore_mem>>
      %dma_wait3A_108 = tpu.memref_squeeze %dma_wait3A_107 : memref<1x!tpu.dma_semaphore, #tpu.memory_space<semaphore_mem>> -> memref<!tpu.dma_semaphore, #tpu.memory_space<semaphore_mem>>
      %dma_wait3A_109 = arith.constant 0 : i32
      %dma_wait3A_110 = arith.constant 0 : i32
      %dma_wait3A_111 = arith.constant 0 : i32
      %dma_wait3A_112 = tpu.memref_slice %arg6[%dma_wait3A, %dma_wait3A_109, %dma_wait3A_110, %dma_wait3A_111] : memref<5x2x1x128xi32, #tpu.memory_space<vmem>> -> memref<1x2x1x128xi32, #tpu.memory_space<vmem>>
      %dma_wait3A_113 = tpu.memref_squeeze %dma_wait3A_112 : memref<1x2x1x128xi32, #tpu.memory_space<vmem>> -> memref<2x1x128xi32, #tpu.memory_space<vmem>>
      %dma_wait3A_114 = arith.constant 0 : i32
      %dma_wait3A_115 = arith.constant 0 : i32
      %dma_wait3A_116 = arith.constant 0 : i32
      %dma_wait3A_117 = tpu.memref_slice %arg3[%add3A_95, %dma_wait3A_114, %dma_wait3A_115, %dma_wait3A_116] : memref<2500x2x1x128xi32, #tpu.memory_space<hbm>> -> memref<1x2x1x128xi32, #tpu.memory_space<hbm>>
      %dma_wait3A_118 = tpu.memref_squeeze %dma_wait3A_117 : memref<1x2x1x128xi32, #tpu.memory_space<hbm>> -> memref<2x1x128xi32, #tpu.memory_space<hbm>>
      tpu.wait_dma2 semaphore(%dma_wait3A_108 : memref<!tpu.dma_semaphore, #tpu.memory_space<semaphore_mem>>) src(%dma_wait3A_118 : memref<2x1x128xi32, #tpu.memory_space<hbm>>) dst(%dma_wait3A_113 : memref<2x1x128xi32, #tpu.memory_space<vmem>>)
      %dma_start3A = arith.constant 0 : i32
      %dma_start3A_119 = arith.constant 0 : i32
      %dma_start3A_120 = arith.constant 0 : i32
      %dma_start3A_121 = arith.constant 0 : i32
      %dma_start3A_122 = arith.constant 0 : i32
      %dma_start3A_123 = arith.constant 0 : i32
      %dma_start3A_124 = arith.constant 0 : i32
      %dma_start3A_125 = tpu.memref_slice %arg7[%dma_start3A_121, %dma_start3A_123, %dma_start3A_124] : memref<3x128x128xf32, #tpu.memory_space<vmem>> -> memref<1x128x128xf32, #tpu.memory_space<vmem>>
      %dma_start3A_126 = tpu.memref_squeeze %dma_start3A_125 : memref<1x128x128xf32, #tpu.memory_space<vmem>> -> memref<128x128xf32, #tpu.memory_space<vmem>>
      %dma_start3A_127 = arith.constant 0 : i32
      %dma_start3A_128 = tpu.memref_slice %arg6[%dma_start3A, %dma_start3A_119, %dma_start3A_120, %dma_start3A_127] : memref<5x2x1x128xi32, #tpu.memory_space<vmem>> -> memref<1x1x1x128xi32, #tpu.memory_space<vmem>>
      %dma_start3A_129 = tpu.memref_squeeze %dma_start3A_128 : memref<1x1x1x128xi32, #tpu.memory_space<vmem>> -> memref<128xi32, #tpu.memory_space<vmem>>
      %dma_start3A_130 = arith.constant 0 : i32
      %dma_start3A_131 = arith.constant 0 : i32
      %dma_start3A_132 = tpu.memref_slice %arg2[%dma_start3A_130, %dma_start3A_131] : memref<10000x128xf32, #tpu.memory_space<hbm>> -> memref<10000x128xf32, #tpu.memory_space<hbm>>
      %dma_start3A_133 = tpu.memref_slice %arg10[%dma_start3A_122] : memref<3x!tpu.dma_semaphore, #tpu.memory_space<semaphore_mem>> -> memref<1x!tpu.dma_semaphore, #tpu.memory_space<semaphore_mem>>
      %dma_start3A_134 = tpu.memref_squeeze %dma_start3A_133 : memref<1x!tpu.dma_semaphore, #tpu.memory_space<semaphore_mem>> -> memref<!tpu.dma_semaphore, #tpu.memory_space<semaphore_mem>>
      tpu.enqueue_indirect_dma source(%dma_start3A_132 : memref<10000x128xf32, #tpu.memory_space<hbm>>) target(%dma_start3A_126 : memref<128x128xf32, #tpu.memory_space<vmem>>) offsets(%dma_start3A_129 : memref<128xi32, #tpu.memory_space<vmem>>) semaphore(%dma_start3A_134 : memref<!tpu.dma_semaphore, #tpu.memory_space<semaphore_mem>>)
    } else {
    }
    %gt3A_59 = arith.constant 1 : i32
    %gt3A_60 = arith.cmpi sgt, %select_n3A, %gt3A_59 : i32
    %convert_element_type3A_61 = arith.extui %gt3A_60 : i1 to i32
    %cond3A_62 = arith.constant 0 : i32
    %cond3A_63 = arith.cmpi ne, %convert_element_type3A_61, %cond3A_62 : i32
    scf.if %cond3A_63 {
      %add3A_94 = arith.constant 1 : i32
      %add3A_95 = arith.addi %select_n3A_20, %add3A_94 : i32
      %dma_wait3A = arith.constant 1 : i32
      %dma_wait3A_96 = arith.constant 1 : i32
      %dma_wait3A_97 = arith.constant 0 : i32
      %dma_wait3A_98 = arith.constant 0 : i32
      %dma_wait3A_99 = arith.constant 0 : i32
      %dma_wait3A_100 = tpu.memref_slice %arg6[%dma_wait3A, %dma_wait3A_97, %dma_wait3A_98, %dma_wait3A_99] : memref<5x2x1x128xi32, #tpu.memory_space<vmem>> -> memref<1x2x1x128xi32, #tpu.memory_space<vmem>>
      %dma_wait3A_101 = tpu.memref_squeeze %dma_wait3A_100 : memref<1x2x1x128xi32, #tpu.memory_space<vmem>> -> memref<2x1x128xi32, #tpu.memory_space<vmem>>
      %dma_wait3A_102 = arith.constant 0 : i32
      %dma_wait3A_103 = arith.constant 0 : i32
      %dma_wait3A_104 = arith.constant 0 : i32
      %dma_wait3A_105 = tpu.memref_slice %arg3[%add3A_95, %dma_wait3A_102, %dma_wait3A_103, %dma_wait3A_104] : memref<2500x2x1x128xi32, #tpu.memory_space<hbm>> -> memref<1x2x1x128xi32, #tpu.memory_space<hbm>>
      %dma_wait3A_106 = tpu.memref_squeeze %dma_wait3A_105 : memref<1x2x1x128xi32, #tpu.memory_space<hbm>> -> memref<2x1x128xi32, #tpu.memory_space<hbm>>
      %dma_wait3A_107 = tpu.memref_slice %arg9[%dma_wait3A_96] : memref<5x!tpu.dma_semaphore, #tpu.memory_space<semaphore_mem>> -> memref<1x!tpu.dma_semaphore, #tpu.memory_space<semaphore_mem>>
      %dma_wait3A_108 = tpu.memref_squeeze %dma_wait3A_107 : memref<1x!tpu.dma_semaphore, #tpu.memory_space<semaphore_mem>> -> memref<!tpu.dma_semaphore, #tpu.memory_space<semaphore_mem>>
      %dma_wait3A_109 = arith.constant 0 : i32
      %dma_wait3A_110 = arith.constant 0 : i32
      %dma_wait3A_111 = arith.constant 0 : i32
      %dma_wait3A_112 = tpu.memref_slice %arg6[%dma_wait3A, %dma_wait3A_109, %dma_wait3A_110, %dma_wait3A_111] : memref<5x2x1x128xi32, #tpu.memory_space<vmem>> -> memref<1x2x1x128xi32, #tpu.memory_space<vmem>>
      %dma_wait3A_113 = tpu.memref_squeeze %dma_wait3A_112 : memref<1x2x1x128xi32, #tpu.memory_space<vmem>> -> memref<2x1x128xi32, #tpu.memory_space<vmem>>
      %dma_wait3A_114 = arith.constant 0 : i32
      %dma_wait3A_115 = arith.constant 0 : i32
      %dma_wait3A_116 = arith.constant 0 : i32
      %dma_wait3A_117 = tpu.memref_slice %arg3[%add3A_95, %dma_wait3A_114, %dma_wait3A_115, %dma_wait3A_116] : memref<2500x2x1x128xi32, #tpu.memory_space<hbm>> -> memref<1x2x1x128xi32, #tpu.memory_space<hbm>>
      %dma_wait3A_118 = tpu.memref_squeeze %dma_wait3A_117 : memref<1x2x1x128xi32, #tpu.memory_space<hbm>> -> memref<2x1x128xi32, #tpu.memory_space<hbm>>
      tpu.wait_dma2 semaphore(%dma_wait3A_108 : memref<!tpu.dma_semaphore, #tpu.memory_space<semaphore_mem>>) src(%dma_wait3A_118 : memref<2x1x128xi32, #tpu.memory_space<hbm>>) dst(%dma_wait3A_113 : memref<2x1x128xi32, #tpu.memory_space<vmem>>)
      %dma_start3A = arith.constant 1 : i32
      %dma_start3A_119 = arith.constant 0 : i32
      %dma_start3A_120 = arith.constant 0 : i32
      %dma_start3A_121 = arith.constant 1 : i32
      %dma_start3A_122 = arith.constant 1 : i32
      %dma_start3A_123 = arith.constant 0 : i32
      %dma_start3A_124 = arith.constant 0 : i32
      %dma_start3A_125 = tpu.memref_slice %arg7[%dma_start3A_121, %dma_start3A_123, %dma_start3A_124] : memref<3x128x128xf32, #tpu.memory_space<vmem>> -> memref<1x128x128xf32, #tpu.memory_space<vmem>>
      %dma_start3A_126 = tpu.memref_squeeze %dma_start3A_125 : memref<1x128x128xf32, #tpu.memory_space<vmem>> -> memref<128x128xf32, #tpu.memory_space<vmem>>
      %dma_start3A_127 = arith.constant 0 : i32
      %dma_start3A_128 = tpu.memref_slice %arg6[%dma_start3A, %dma_start3A_119, %dma_start3A_120, %dma_start3A_127] : memref<5x2x1x128xi32, #tpu.memory_space<vmem>> -> memref<1x1x1x128xi32, #tpu.memory_space<vmem>>
      %dma_start3A_129 = tpu.memref_squeeze %dma_start3A_128 : memref<1x1x1x128xi32, #tpu.memory_space<vmem>> -> memref<128xi32, #tpu.memory_space<vmem>>
      %dma_start3A_130 = arith.constant 0 : i32
      %dma_start3A_131 = arith.constant 0 : i32
      %dma_start3A_132 = tpu.memref_slice %arg2[%dma_start3A_130, %dma_start3A_131] : memref<10000x128xf32, #tpu.memory_space<hbm>> -> memref<10000x128xf32, #tpu.memory_space<hbm>>
      %dma_start3A_133 = tpu.memref_slice %arg10[%dma_start3A_122] : memref<3x!tpu.dma_semaphore, #tpu.memory_space<semaphore_mem>> -> memref<1x!tpu.dma_semaphore, #tpu.memory_space<semaphore_mem>>
      %dma_start3A_134 = tpu.memref_squeeze %dma_start3A_133 : memref<1x!tpu.dma_semaphore, #tpu.memory_space<semaphore_mem>> -> memref<!tpu.dma_semaphore, #tpu.memory_space<semaphore_mem>>
      tpu.enqueue_indirect_dma source(%dma_start3A_132 : memref<10000x128xf32, #tpu.memory_space<hbm>>) target(%dma_start3A_126 : memref<128x128xf32, #tpu.memory_space<vmem>>) offsets(%dma_start3A_129 : memref<128xi32, #tpu.memory_space<vmem>>) semaphore(%dma_start3A_134 : memref<!tpu.dma_semaphore, #tpu.memory_space<semaphore_mem>>)
    } else {
    }
    %gt3A_64 = arith.constant 2 : i32
    %gt3A_65 = arith.cmpi sgt, %select_n3A, %gt3A_64 : i32
    %convert_element_type3A_66 = arith.extui %gt3A_65 : i1 to i32
    %cond3A_67 = arith.constant 0 : i32
    %cond3A_68 = arith.cmpi ne, %convert_element_type3A_66, %cond3A_67 : i32
    scf.if %cond3A_68 {
      %add3A_94 = arith.constant 2 : i32
      %add3A_95 = arith.addi %select_n3A_20, %add3A_94 : i32
      %dma_wait3A = arith.constant 2 : i32
      %dma_wait3A_96 = arith.constant 2 : i32
      %dma_wait3A_97 = arith.constant 0 : i32
      %dma_wait3A_98 = arith.constant 0 : i32
      %dma_wait3A_99 = arith.constant 0 : i32
      %dma_wait3A_100 = tpu.memref_slice %arg6[%dma_wait3A, %dma_wait3A_97, %dma_wait3A_98, %dma_wait3A_99] : memref<5x2x1x128xi32, #tpu.memory_space<vmem>> -> memref<1x2x1x128xi32, #tpu.memory_space<vmem>>
      %dma_wait3A_101 = tpu.memref_squeeze %dma_wait3A_100 : memref<1x2x1x128xi32, #tpu.memory_space<vmem>> -> memref<2x1x128xi32, #tpu.memory_space<vmem>>
      %dma_wait3A_102 = arith.constant 0 : i32
      %dma_wait3A_103 = arith.constant 0 : i32
      %dma_wait3A_104 = arith.constant 0 : i32
      %dma_wait3A_105 = tpu.memref_slice %arg3[%add3A_95, %dma_wait3A_102, %dma_wait3A_103, %dma_wait3A_104] : memref<2500x2x1x128xi32, #tpu.memory_space<hbm>> -> memref<1x2x1x128xi32, #tpu.memory_space<hbm>>
      %dma_wait3A_106 = tpu.memref_squeeze %dma_wait3A_105 : memref<1x2x1x128xi32, #tpu.memory_space<hbm>> -> memref<2x1x128xi32, #tpu.memory_space<hbm>>
      %dma_wait3A_107 = tpu.memref_slice %arg9[%dma_wait3A_96] : memref<5x!tpu.dma_semaphore, #tpu.memory_space<semaphore_mem>> -> memref<1x!tpu.dma_semaphore, #tpu.memory_space<semaphore_mem>>
      %dma_wait3A_108 = tpu.memref_squeeze %dma_wait3A_107 : memref<1x!tpu.dma_semaphore, #tpu.memory_space<semaphore_mem>> -> memref<!tpu.dma_semaphore, #tpu.memory_space<semaphore_mem>>
      %dma_wait3A_109 = arith.constant 0 : i32
      %dma_wait3A_110 = arith.constant 0 : i32
      %dma_wait3A_111 = arith.constant 0 : i32
      %dma_wait3A_112 = tpu.memref_slice %arg6[%dma_wait3A, %dma_wait3A_109, %dma_wait3A_110, %dma_wait3A_111] : memref<5x2x1x128xi32, #tpu.memory_space<vmem>> -> memref<1x2x1x128xi32, #tpu.memory_space<vmem>>
      %dma_wait3A_113 = tpu.memref_squeeze %dma_wait3A_112 : memref<1x2x1x128xi32, #tpu.memory_space<vmem>> -> memref<2x1x128xi32, #tpu.memory_space<vmem>>
      %dma_wait3A_114 = arith.constant 0 : i32
      %dma_wait3A_115 = arith.constant 0 : i32
      %dma_wait3A_116 = arith.constant 0 : i32
      %dma_wait3A_117 = tpu.memref_slice %arg3[%add3A_95, %dma_wait3A_114, %dma_wait3A_115, %dma_wait3A_116] : memref<2500x2x1x128xi32, #tpu.memory_space<hbm>> -> memref<1x2x1x128xi32, #tpu.memory_space<hbm>>
      %dma_wait3A_118 = tpu.memref_squeeze %dma_wait3A_117 : memref<1x2x1x128xi32, #tpu.memory_space<hbm>> -> memref<2x1x128xi32, #tpu.memory_space<hbm>>
      tpu.wait_dma2 semaphore(%dma_wait3A_108 : memref<!tpu.dma_semaphore, #tpu.memory_space<semaphore_mem>>) src(%dma_wait3A_118 : memref<2x1x128xi32, #tpu.memory_space<hbm>>) dst(%dma_wait3A_113 : memref<2x1x128xi32, #tpu.memory_space<vmem>>)
      %dma_start3A = arith.constant 2 : i32
      %dma_start3A_119 = arith.constant 0 : i32
      %dma_start3A_120 = arith.constant 0 : i32
      %dma_start3A_121 = arith.constant 2 : i32
      %dma_start3A_122 = arith.constant 2 : i32
      %dma_start3A_123 = arith.constant 0 : i32
      %dma_start3A_124 = arith.constant 0 : i32
      %dma_start3A_125 = tpu.memref_slice %arg7[%dma_start3A_121, %dma_start3A_123, %dma_start3A_124] : memref<3x128x128xf32, #tpu.memory_space<vmem>> -> memref<1x128x128xf32, #tpu.memory_space<vmem>>
      %dma_start3A_126 = tpu.memref_squeeze %dma_start3A_125 : memref<1x128x128xf32, #tpu.memory_space<vmem>> -> memref<128x128xf32, #tpu.memory_space<vmem>>
      %dma_start3A_127 = arith.constant 0 : i32
      %dma_start3A_128 = tpu.memref_slice %arg6[%dma_start3A, %dma_start3A_119, %dma_start3A_120, %dma_start3A_127] : memref<5x2x1x128xi32, #tpu.memory_space<vmem>> -> memref<1x1x1x128xi32, #tpu.memory_space<vmem>>
      %dma_start3A_129 = tpu.memref_squeeze %dma_start3A_128 : memref<1x1x1x128xi32, #tpu.memory_space<vmem>> -> memref<128xi32, #tpu.memory_space<vmem>>
      %dma_start3A_130 = arith.constant 0 : i32
      %dma_start3A_131 = arith.constant 0 : i32
      %dma_start3A_132 = tpu.memref_slice %arg2[%dma_start3A_130, %dma_start3A_131] : memref<10000x128xf32, #tpu.memory_space<hbm>> -> memref<10000x128xf32, #tpu.memory_space<hbm>>
      %dma_start3A_133 = tpu.memref_slice %arg10[%dma_start3A_122] : memref<3x!tpu.dma_semaphore, #tpu.memory_space<semaphore_mem>> -> memref<1x!tpu.dma_semaphore, #tpu.memory_space<semaphore_mem>>
      %dma_start3A_134 = tpu.memref_squeeze %dma_start3A_133 : memref<1x!tpu.dma_semaphore, #tpu.memory_space<semaphore_mem>> -> memref<!tpu.dma_semaphore, #tpu.memory_space<semaphore_mem>>
      tpu.enqueue_indirect_dma source(%dma_start3A_132 : memref<10000x128xf32, #tpu.memory_space<hbm>>) target(%dma_start3A_126 : memref<128x128xf32, #tpu.memory_space<vmem>>) offsets(%dma_start3A_129 : memref<128xi32, #tpu.memory_space<vmem>>) semaphore(%dma_start3A_134 : memref<!tpu.dma_semaphore, #tpu.memory_space<semaphore_mem>>)
    } else {
    }
    %barrier3A = arith.constant 0 : index
    tpu.barrier barrier_id(%barrier3A)
    %while3A = arith.constant 0 : i32
    %while3A_69 = arith.constant 0 : i32
    %while3A_70 = arith.subi %select_n3A, %while3A_69 : i32
    %while3A_71 = arith.addi %while3A_69, %while3A_70 : i32
    %while3A_72 = arith.constant 1 : i32
    %while3A_73 = arith.divsi %while3A_70, %while3A_72 : i32
    %while3A_74 = arith.muli %while3A_73, %while3A_72 : i32
    %while3A_75 = arith.addi %while3A_69, %while3A_74 : i32
    %while3A_76 = arith.constant 1 : i32
    scf.for %while3A_94 = %while3A_69 to %while3A_75 step %while3A_76  : i32 {
      %rem3A = arith.constant 3 : i32
      %rem3A_95 = arith.remsi %while3A_94, %rem3A : i32
      %rem3A_96 = arith.constant 5 : i32
      %rem3A_97 = arith.remsi %while3A_94, %rem3A_96 : i32
      %dma_wait3A = arith.constant 0 : i32
      %dma_wait3A_98 = arith.constant 0 : i32
      %dma_wait3A_99 = arith.constant 0 : i32
      %dma_wait3A_100 = arith.constant 0 : i32
      %dma_wait3A_101 = tpu.memref_slice %arg7[%rem3A_95, %dma_wait3A_99, %dma_wait3A_100] : memref<3x128x128xf32, #tpu.memory_space<vmem>> -> memref<1x128x128xf32, #tpu.memory_space<vmem>>
      %dma_wait3A_102 = tpu.memref_squeeze %dma_wait3A_101 : memref<1x128x128xf32, #tpu.memory_space<vmem>> -> memref<128x128xf32, #tpu.memory_space<vmem>>
      %dma_wait3A_103 = arith.constant 0 : i32
      %dma_wait3A_104 = tpu.memref_slice %arg6[%rem3A_97, %dma_wait3A, %dma_wait3A_98, %dma_wait3A_103] : memref<5x2x1x128xi32, #tpu.memory_space<vmem>> -> memref<1x1x1x128xi32, #tpu.memory_space<vmem>>
      %dma_wait3A_105 = tpu.memref_squeeze %dma_wait3A_104 : memref<1x1x1x128xi32, #tpu.memory_space<vmem>> -> memref<128xi32, #tpu.memory_space<vmem>>
      %dma_wait3A_106 = arith.constant 0 : i32
      %dma_wait3A_107 = arith.constant 0 : i32
      %dma_wait3A_108 = tpu.memref_slice %arg2[%dma_wait3A_106, %dma_wait3A_107] : memref<10000x128xf32, #tpu.memory_space<hbm>> -> memref<10000x128xf32, #tpu.memory_space<hbm>>
      %dma_wait3A_109 = tpu.memref_slice %arg10[%rem3A_95] : memref<3x!tpu.dma_semaphore, #tpu.memory_space<semaphore_mem>> -> memref<1x!tpu.dma_semaphore, #tpu.memory_space<semaphore_mem>>
      %dma_wait3A_110 = tpu.memref_squeeze %dma_wait3A_109 : memref<1x!tpu.dma_semaphore, #tpu.memory_space<semaphore_mem>> -> memref<!tpu.dma_semaphore, #tpu.memory_space<semaphore_mem>>
      tpu.wait_indirect_dma semaphore(%dma_wait3A_110 : memref<!tpu.dma_semaphore, #tpu.memory_space<semaphore_mem>>) src(%dma_wait3A_108 : memref<10000x128xf32, #tpu.memory_space<hbm>>) dst(%dma_wait3A_102 : memref<128x128xf32, #tpu.memory_space<vmem>>)
      %dma_start3A = arith.constant 1 : i32
      %dma_start3A_111 = arith.constant 0 : i32
      %dma_start3A_112 = arith.constant 0 : i32
      %dma_start3A_113 = arith.constant 0 : i32
      %dma_start3A_114 = tpu.memref_slice %arg7[%rem3A_95, %dma_start3A_112, %dma_start3A_113] : memref<3x128x128xf32, #tpu.memory_space<vmem>> -> memref<1x128x128xf32, #tpu.memory_space<vmem>>
      %dma_start3A_115 = tpu.memref_squeeze %dma_start3A_114 : memref<1x128x128xf32, #tpu.memory_space<vmem>> -> memref<128x128xf32, #tpu.memory_space<vmem>>
      %dma_start3A_116 = arith.constant 0 : i32
      %dma_start3A_117 = tpu.memref_slice %arg6[%rem3A_97, %dma_start3A, %dma_start3A_111, %dma_start3A_116] : memref<5x2x1x128xi32, #tpu.memory_space<vmem>> -> memref<1x1x1x128xi32, #tpu.memory_space<vmem>>
      %dma_start3A_118 = tpu.memref_squeeze %dma_start3A_117 : memref<1x1x1x128xi32, #tpu.memory_space<vmem>> -> memref<128xi32, #tpu.memory_space<vmem>>
      %dma_start3A_119 = arith.constant 0 : i32
      %dma_start3A_120 = arith.constant 0 : i32
      %dma_start3A_121 = tpu.memref_slice %arg8[%dma_start3A_119, %dma_start3A_120] : memref<10000x128xf32, #tpu.memory_space<vmem_shared>> -> memref<10000x128xf32, #tpu.memory_space<vmem_shared>>
      %dma_start3A_122 = tpu.memref_slice %arg11[%rem3A_95] : memref<3x!tpu.dma_semaphore, #tpu.memory_space<semaphore_mem>> -> memref<1x!tpu.dma_semaphore, #tpu.memory_space<semaphore_mem>>
      %dma_start3A_123 = tpu.memref_squeeze %dma_start3A_122 : memref<1x!tpu.dma_semaphore, #tpu.memory_space<semaphore_mem>> -> memref<!tpu.dma_semaphore, #tpu.memory_space<semaphore_mem>>
      tpu.enqueue_indirect_dma source(%dma_start3A_115 : memref<128x128xf32, #tpu.memory_space<vmem>>) target(%dma_start3A_121 : memref<10000x128xf32, #tpu.memory_space<vmem_shared>>) offsets(%dma_start3A_118 : memref<128xi32, #tpu.memory_space<vmem>>) semaphore(%dma_start3A_123 : memref<!tpu.dma_semaphore, #tpu.memory_space<semaphore_mem>>) {add = true}
      %gt3A_124 = arith.constant 0 : i32
      %gt3A_125 = arith.cmpi sgt, %while3A_94, %gt3A_124 : i32
      %convert_element_type3A_126 = arith.extui %gt3A_125 : i1 to i32
      %cond3A_127 = arith.constant 0 : i32
      %cond3A_128 = arith.cmpi ne, %convert_element_type3A_126, %cond3A_127 : i32
      scf.if %cond3A_128 {
        %sub3A = arith.constant 1 : i32
        %sub3A_129 = arith.subi %while3A_94, %sub3A : i32
        %rem3A_130 = arith.constant 3 : i32
        %rem3A_131 = arith.remsi %sub3A_129, %rem3A_130 : i32
        %rem3A_132 = arith.constant 5 : i32
        %rem3A_133 = arith.remsi %sub3A_129, %rem3A_132 : i32
        %dma_wait3A_134 = arith.constant 1 : i32
        %dma_wait3A_135 = arith.constant 0 : i32
        %dma_wait3A_136 = arith.constant 0 : i32
        %dma_wait3A_137 = arith.constant 0 : i32
        %dma_wait3A_138 = tpu.memref_slice %arg7[%rem3A_131, %dma_wait3A_136, %dma_wait3A_137] : memref<3x128x128xf32, #tpu.memory_space<vmem>> -> memref<1x128x128xf32, #tpu.memory_space<vmem>>
        %dma_wait3A_139 = tpu.memref_squeeze %dma_wait3A_138 : memref<1x128x128xf32, #tpu.memory_space<vmem>> -> memref<128x128xf32, #tpu.memory_space<vmem>>
        %dma_wait3A_140 = arith.constant 0 : i32
        %dma_wait3A_141 = tpu.memref_slice %arg6[%rem3A_133, %dma_wait3A_134, %dma_wait3A_135, %dma_wait3A_140] : memref<5x2x1x128xi32, #tpu.memory_space<vmem>> -> memref<1x1x1x128xi32, #tpu.memory_space<vmem>>
        %dma_wait3A_142 = tpu.memref_squeeze %dma_wait3A_141 : memref<1x1x1x128xi32, #tpu.memory_space<vmem>> -> memref<128xi32, #tpu.memory_space<vmem>>
        %dma_wait3A_143 = arith.constant 0 : i32
        %dma_wait3A_144 = arith.constant 0 : i32
        %dma_wait3A_145 = tpu.memref_slice %arg8[%dma_wait3A_143, %dma_wait3A_144] : memref<10000x128xf32, #tpu.memory_space<vmem_shared>> -> memref<10000x128xf32, #tpu.memory_space<vmem_shared>>
        %dma_wait3A_146 = tpu.memref_slice %arg11[%rem3A_131] : memref<3x!tpu.dma_semaphore, #tpu.memory_space<semaphore_mem>> -> memref<1x!tpu.dma_semaphore, #tpu.memory_space<semaphore_mem>>
        %dma_wait3A_147 = tpu.memref_squeeze %dma_wait3A_146 : memref<1x!tpu.dma_semaphore, #tpu.memory_space<semaphore_mem>> -> memref<!tpu.dma_semaphore, #tpu.memory_space<semaphore_mem>>
        tpu.wait_indirect_dma semaphore(%dma_wait3A_147 : memref<!tpu.dma_semaphore, #tpu.memory_space<semaphore_mem>>) src(%dma_wait3A_139 : memref<128x128xf32, #tpu.memory_space<vmem>>) dst(%dma_wait3A_145 : memref<10000x128xf32, #tpu.memory_space<vmem_shared>>)
        %add3A_148 = arith.constant 5 : i32
        %add3A_149 = arith.addi %sub3A_129, %add3A_148 : i32
        %lt3A_150 = arith.cmpi slt, %add3A_149, %select_n3A : i32
        %convert_element_type3A_151 = arith.extui %lt3A_150 : i1 to i32
        %cond3A_152 = arith.constant 0 : i32
        %cond3A_153 = arith.cmpi ne, %convert_element_type3A_151, %cond3A_152 : i32
        scf.if %cond3A_153 {
          %add3A_162 = arith.constant 5 : i32
          %add3A_163 = arith.addi %sub3A_129, %add3A_162 : i32
          %add3A_164 = arith.addi %select_n3A_20, %add3A_163 : i32
          %dma_start3A_165 = arith.constant 0 : i32
          %dma_start3A_166 = arith.constant 0 : i32
          %dma_start3A_167 = arith.constant 0 : i32
          %dma_start3A_168 = tpu.memref_slice %arg6[%rem3A_133, %dma_start3A_165, %dma_start3A_166, %dma_start3A_167] : memref<5x2x1x128xi32, #tpu.memory_space<vmem>> -> memref<1x2x1x128xi32, #tpu.memory_space<vmem>>
          %dma_start3A_169 = tpu.memref_squeeze %dma_start3A_168 : memref<1x2x1x128xi32, #tpu.memory_space<vmem>> -> memref<2x1x128xi32, #tpu.memory_space<vmem>>
          %dma_start3A_170 = arith.constant 0 : i32
          %dma_start3A_171 = arith.constant 0 : i32
          %dma_start3A_172 = arith.constant 0 : i32
          %dma_start3A_173 = tpu.memref_slice %arg3[%add3A_164, %dma_start3A_170, %dma_start3A_171, %dma_start3A_172] : memref<2500x2x1x128xi32, #tpu.memory_space<hbm>> -> memref<1x2x1x128xi32, #tpu.memory_space<hbm>>
          %dma_start3A_174 = tpu.memref_squeeze %dma_start3A_173 : memref<1x2x1x128xi32, #tpu.memory_space<hbm>> -> memref<2x1x128xi32, #tpu.memory_space<hbm>>
          %dma_start3A_175 = tpu.memref_slice %arg9[%rem3A_133] : memref<5x!tpu.dma_semaphore, #tpu.memory_space<semaphore_mem>> -> memref<1x!tpu.dma_semaphore, #tpu.memory_space<semaphore_mem>>
          %dma_start3A_176 = tpu.memref_squeeze %dma_start3A_175 : memref<1x!tpu.dma_semaphore, #tpu.memory_space<semaphore_mem>> -> memref<!tpu.dma_semaphore, #tpu.memory_space<semaphore_mem>>
          %dma_start3A_177 = arith.constant 0 : i32
          %dma_start3A_178 = arith.constant 0 : i32
          %dma_start3A_179 = arith.constant 0 : i32
          %dma_start3A_180 = tpu.memref_slice %arg6[%rem3A_133, %dma_start3A_177, %dma_start3A_178, %dma_start3A_179] : memref<5x2x1x128xi32, #tpu.memory_space<vmem>> -> memref<1x2x1x128xi32, #tpu.memory_space<vmem>>
          %dma_start3A_181 = tpu.memref_squeeze %dma_start3A_180 : memref<1x2x1x128xi32, #tpu.memory_space<vmem>> -> memref<2x1x128xi32, #tpu.memory_space<vmem>>
          %dma_start3A_182 = arith.constant 0 : i32
          %dma_start3A_183 = arith.constant 0 : i32
          %dma_start3A_184 = arith.constant 0 : i32
          %dma_start3A_185 = tpu.memref_slice %arg3[%add3A_164, %dma_start3A_182, %dma_start3A_183, %dma_start3A_184] : memref<2500x2x1x128xi32, #tpu.memory_space<hbm>> -> memref<1x2x1x128xi32, #tpu.memory_space<hbm>>
          %dma_start3A_186 = tpu.memref_squeeze %dma_start3A_185 : memref<1x2x1x128xi32, #tpu.memory_space<hbm>> -> memref<2x1x128xi32, #tpu.memory_space<hbm>>
          tpu.enqueue_dma source(%dma_start3A_186 : memref<2x1x128xi32, #tpu.memory_space<hbm>>) target(%dma_start3A_181 : memref<2x1x128xi32, #tpu.memory_space<vmem>>) target_semaphore(%dma_start3A_176 : memref<!tpu.dma_semaphore, #tpu.memory_space<semaphore_mem>>)
        } else {
        }
        %add3A_154 = arith.constant 3 : i32
        %add3A_155 = arith.addi %while3A_94, %add3A_154 : i32
        %sub3A_156 = arith.constant 1 : i32
        %sub3A_157 = arith.subi %add3A_155, %sub3A_156 : i32
        %lt3A_158 = arith.cmpi slt, %sub3A_157, %select_n3A : i32
        %convert_element_type3A_159 = arith.extui %lt3A_158 : i1 to i32
        %cond3A_160 = arith.constant 0 : i32
        %cond3A_161 = arith.cmpi ne, %convert_element_type3A_159, %cond3A_160 : i32
        scf.if %cond3A_161 {
          %rem3A_162 = arith.constant 5 : i32
          %rem3A_163 = arith.remsi %sub3A_157, %rem3A_162 : i32
          %add3A_164 = arith.addi %select_n3A_20, %sub3A_157 : i32
          %dma_wait3A_165 = arith.constant 0 : i32
          %dma_wait3A_166 = arith.constant 0 : i32
          %dma_wait3A_167 = arith.constant 0 : i32
          %dma_wait3A_168 = tpu.memref_slice %arg6[%rem3A_163, %dma_wait3A_165, %dma_wait3A_166, %dma_wait3A_167] : memref<5x2x1x128xi32, #tpu.memory_space<vmem>> -> memref<1x2x1x128xi32, #tpu.memory_space<vmem>>
          %dma_wait3A_169 = tpu.memref_squeeze %dma_wait3A_168 : memref<1x2x1x128xi32, #tpu.memory_space<vmem>> -> memref<2x1x128xi32, #tpu.memory_space<vmem>>
          %dma_wait3A_170 = arith.constant 0 : i32
          %dma_wait3A_171 = arith.constant 0 : i32
          %dma_wait3A_172 = arith.constant 0 : i32
          %dma_wait3A_173 = tpu.memref_slice %arg3[%add3A_164, %dma_wait3A_170, %dma_wait3A_171, %dma_wait3A_172] : memref<2500x2x1x128xi32, #tpu.memory_space<hbm>> -> memref<1x2x1x128xi32, #tpu.memory_space<hbm>>
          %dma_wait3A_174 = tpu.memref_squeeze %dma_wait3A_173 : memref<1x2x1x128xi32, #tpu.memory_space<hbm>> -> memref<2x1x128xi32, #tpu.memory_space<hbm>>
          %dma_wait3A_175 = tpu.memref_slice %arg9[%rem3A_163] : memref<5x!tpu.dma_semaphore, #tpu.memory_space<semaphore_mem>> -> memref<1x!tpu.dma_semaphore, #tpu.memory_space<semaphore_mem>>
          %dma_wait3A_176 = tpu.memref_squeeze %dma_wait3A_175 : memref<1x!tpu.dma_semaphore, #tpu.memory_space<semaphore_mem>> -> memref<!tpu.dma_semaphore, #tpu.memory_space<semaphore_mem>>
          %dma_wait3A_177 = arith.constant 0 : i32
          %dma_wait3A_178 = arith.constant 0 : i32
          %dma_wait3A_179 = arith.constant 0 : i32
          %dma_wait3A_180 = tpu.memref_slice %arg6[%rem3A_163, %dma_wait3A_177, %dma_wait3A_178, %dma_wait3A_179] : memref<5x2x1x128xi32, #tpu.memory_space<vmem>> -> memref<1x2x1x128xi32, #tpu.memory_space<vmem>>
          %dma_wait3A_181 = tpu.memref_squeeze %dma_wait3A_180 : memref<1x2x1x128xi32, #tpu.memory_space<vmem>> -> memref<2x1x128xi32, #tpu.memory_space<vmem>>
          %dma_wait3A_182 = arith.constant 0 : i32
          %dma_wait3A_183 = arith.constant 0 : i32
          %dma_wait3A_184 = arith.constant 0 : i32
          %dma_wait3A_185 = tpu.memref_slice %arg3[%add3A_164, %dma_wait3A_182, %dma_wait3A_183, %dma_wait3A_184] : memref<2500x2x1x128xi32, #tpu.memory_space<hbm>> -> memref<1x2x1x128xi32, #tpu.memory_space<hbm>>
          %dma_wait3A_186 = tpu.memref_squeeze %dma_wait3A_185 : memref<1x2x1x128xi32, #tpu.memory_space<hbm>> -> memref<2x1x128xi32, #tpu.memory_space<hbm>>
          tpu.wait_dma2 semaphore(%dma_wait3A_176 : memref<!tpu.dma_semaphore, #tpu.memory_space<semaphore_mem>>) src(%dma_wait3A_186 : memref<2x1x128xi32, #tpu.memory_space<hbm>>) dst(%dma_wait3A_181 : memref<2x1x128xi32, #tpu.memory_space<vmem>>)
          %dma_start3A_187 = arith.constant 0 : i32
          %dma_start3A_188 = arith.constant 0 : i32
          %dma_start3A_189 = arith.constant 0 : i32
          %dma_start3A_190 = arith.constant 0 : i32
          %dma_start3A_191 = tpu.memref_slice %arg7[%rem3A_131, %dma_start3A_189, %dma_start3A_190] : memref<3x128x128xf32, #tpu.memory_space<vmem>> -> memref<1x128x128xf32, #tpu.memory_space<vmem>>
          %dma_start3A_192 = tpu.memref_squeeze %dma_start3A_191 : memref<1x128x128xf32, #tpu.memory_space<vmem>> -> memref<128x128xf32, #tpu.memory_space<vmem>>
          %dma_start3A_193 = arith.constant 0 : i32
          %dma_start3A_194 = tpu.memref_slice %arg6[%rem3A_163, %dma_start3A_187, %dma_start3A_188, %dma_start3A_193] : memref<5x2x1x128xi32, #tpu.memory_space<vmem>> -> memref<1x1x1x128xi32, #tpu.memory_space<vmem>>
          %dma_start3A_195 = tpu.memref_squeeze %dma_start3A_194 : memref<1x1x1x128xi32, #tpu.memory_space<vmem>> -> memref<128xi32, #tpu.memory_space<vmem>>
          %dma_start3A_196 = arith.constant 0 : i32
          %dma_start3A_197 = arith.constant 0 : i32
          %dma_start3A_198 = tpu.memref_slice %arg2[%dma_start3A_196, %dma_start3A_197] : memref<10000x128xf32, #tpu.memory_space<hbm>> -> memref<10000x128xf32, #tpu.memory_space<hbm>>
          %dma_start3A_199 = tpu.memref_slice %arg10[%rem3A_131] : memref<3x!tpu.dma_semaphore, #tpu.memory_space<semaphore_mem>> -> memref<1x!tpu.dma_semaphore, #tpu.memory_space<semaphore_mem>>
          %dma_start3A_200 = tpu.memref_squeeze %dma_start3A_199 : memref<1x!tpu.dma_semaphore, #tpu.memory_space<semaphore_mem>> -> memref<!tpu.dma_semaphore, #tpu.memory_space<semaphore_mem>>
          tpu.enqueue_indirect_dma source(%dma_start3A_198 : memref<10000x128xf32, #tpu.memory_space<hbm>>) target(%dma_start3A_192 : memref<128x128xf32, #tpu.memory_space<vmem>>) offsets(%dma_start3A_195 : memref<128xi32, #tpu.memory_space<vmem>>) semaphore(%dma_start3A_200 : memref<!tpu.dma_semaphore, #tpu.memory_space<semaphore_mem>>)
        } else {
        }
      } else {
      }
    }
    %while3A_77 = arith.constant 1 : i32
    scf.for %while3A_94 = %while3A_75 to %while3A_71 step %while3A_77  : i32 {
      %rem3A = arith.constant 3 : i32
      %rem3A_95 = arith.remsi %while3A_94, %rem3A : i32
      %rem3A_96 = arith.constant 5 : i32
      %rem3A_97 = arith.remsi %while3A_94, %rem3A_96 : i32
      %dma_wait3A = arith.constant 0 : i32
      %dma_wait3A_98 = arith.constant 0 : i32
      %dma_wait3A_99 = arith.constant 0 : i32
      %dma_wait3A_100 = arith.constant 0 : i32
      %dma_wait3A_101 = tpu.memref_slice %arg7[%rem3A_95, %dma_wait3A_99, %dma_wait3A_100] : memref<3x128x128xf32, #tpu.memory_space<vmem>> -> memref<1x128x128xf32, #tpu.memory_space<vmem>>
      %dma_wait3A_102 = tpu.memref_squeeze %dma_wait3A_101 : memref<1x128x128xf32, #tpu.memory_space<vmem>> -> memref<128x128xf32, #tpu.memory_space<vmem>>
      %dma_wait3A_103 = arith.constant 0 : i32
      %dma_wait3A_104 = tpu.memref_slice %arg6[%rem3A_97, %dma_wait3A, %dma_wait3A_98, %dma_wait3A_103] : memref<5x2x1x128xi32, #tpu.memory_space<vmem>> -> memref<1x1x1x128xi32, #tpu.memory_space<vmem>>
      %dma_wait3A_105 = tpu.memref_squeeze %dma_wait3A_104 : memref<1x1x1x128xi32, #tpu.memory_space<vmem>> -> memref<128xi32, #tpu.memory_space<vmem>>
      %dma_wait3A_106 = arith.constant 0 : i32
      %dma_wait3A_107 = arith.constant 0 : i32
      %dma_wait3A_108 = tpu.memref_slice %arg2[%dma_wait3A_106, %dma_wait3A_107] : memref<10000x128xf32, #tpu.memory_space<hbm>> -> memref<10000x128xf32, #tpu.memory_space<hbm>>
      %dma_wait3A_109 = tpu.memref_slice %arg10[%rem3A_95] : memref<3x!tpu.dma_semaphore, #tpu.memory_space<semaphore_mem>> -> memref<1x!tpu.dma_semaphore, #tpu.memory_space<semaphore_mem>>
      %dma_wait3A_110 = tpu.memref_squeeze %dma_wait3A_109 : memref<1x!tpu.dma_semaphore, #tpu.memory_space<semaphore_mem>> -> memref<!tpu.dma_semaphore, #tpu.memory_space<semaphore_mem>>
      tpu.wait_indirect_dma semaphore(%dma_wait3A_110 : memref<!tpu.dma_semaphore, #tpu.memory_space<semaphore_mem>>) src(%dma_wait3A_108 : memref<10000x128xf32, #tpu.memory_space<hbm>>) dst(%dma_wait3A_102 : memref<128x128xf32, #tpu.memory_space<vmem>>)
      %dma_start3A = arith.constant 1 : i32
      %dma_start3A_111 = arith.constant 0 : i32
      %dma_start3A_112 = arith.constant 0 : i32
      %dma_start3A_113 = arith.constant 0 : i32
      %dma_start3A_114 = tpu.memref_slice %arg7[%rem3A_95, %dma_start3A_112, %dma_start3A_113] : memref<3x128x128xf32, #tpu.memory_space<vmem>> -> memref<1x128x128xf32, #tpu.memory_space<vmem>>
      %dma_start3A_115 = tpu.memref_squeeze %dma_start3A_114 : memref<1x128x128xf32, #tpu.memory_space<vmem>> -> memref<128x128xf32, #tpu.memory_space<vmem>>
      %dma_start3A_116 = arith.constant 0 : i32
      %dma_start3A_117 = tpu.memref_slice %arg6[%rem3A_97, %dma_start3A, %dma_start3A_111, %dma_start3A_116] : memref<5x2x1x128xi32, #tpu.memory_space<vmem>> -> memref<1x1x1x128xi32, #tpu.memory_space<vmem>>
      %dma_start3A_118 = tpu.memref_squeeze %dma_start3A_117 : memref<1x1x1x128xi32, #tpu.memory_space<vmem>> -> memref<128xi32, #tpu.memory_space<vmem>>
      %dma_start3A_119 = arith.constant 0 : i32
      %dma_start3A_120 = arith.constant 0 : i32
      %dma_start3A_121 = tpu.memref_slice %arg8[%dma_start3A_119, %dma_start3A_120] : memref<10000x128xf32, #tpu.memory_space<vmem_shared>> -> memref<10000x128xf32, #tpu.memory_space<vmem_shared>>
      %dma_start3A_122 = tpu.memref_slice %arg11[%rem3A_95] : memref<3x!tpu.dma_semaphore, #tpu.memory_space<semaphore_mem>> -> memref<1x!tpu.dma_semaphore, #tpu.memory_space<semaphore_mem>>
      %dma_start3A_123 = tpu.memref_squeeze %dma_start3A_122 : memref<1x!tpu.dma_semaphore, #tpu.memory_space<semaphore_mem>> -> memref<!tpu.dma_semaphore, #tpu.memory_space<semaphore_mem>>
      tpu.enqueue_indirect_dma source(%dma_start3A_115 : memref<128x128xf32, #tpu.memory_space<vmem>>) target(%dma_start3A_121 : memref<10000x128xf32, #tpu.memory_space<vmem_shared>>) offsets(%dma_start3A_118 : memref<128xi32, #tpu.memory_space<vmem>>) semaphore(%dma_start3A_123 : memref<!tpu.dma_semaphore, #tpu.memory_space<semaphore_mem>>) {add = true}
      %gt3A_124 = arith.constant 0 : i32
      %gt3A_125 = arith.cmpi sgt, %while3A_94, %gt3A_124 : i32
      %convert_element_type3A_126 = arith.extui %gt3A_125 : i1 to i32
      %cond3A_127 = arith.constant 0 : i32
      %cond3A_128 = arith.cmpi ne, %convert_element_type3A_126, %cond3A_127 : i32
      scf.if %cond3A_128 {
        %sub3A = arith.constant 1 : i32
        %sub3A_129 = arith.subi %while3A_94, %sub3A : i32
        %rem3A_130 = arith.constant 3 : i32
        %rem3A_131 = arith.remsi %sub3A_129, %rem3A_130 : i32
        %rem3A_132 = arith.constant 5 : i32
        %rem3A_133 = arith.remsi %sub3A_129, %rem3A_132 : i32
        %dma_wait3A_134 = arith.constant 1 : i32
        %dma_wait3A_135 = arith.constant 0 : i32
        %dma_wait3A_136 = arith.constant 0 : i32
        %dma_wait3A_137 = arith.constant 0 : i32
        %dma_wait3A_138 = tpu.memref_slice %arg7[%rem3A_131, %dma_wait3A_136, %dma_wait3A_137] : memref<3x128x128xf32, #tpu.memory_space<vmem>> -> memref<1x128x128xf32, #tpu.memory_space<vmem>>
        %dma_wait3A_139 = tpu.memref_squeeze %dma_wait3A_138 : memref<1x128x128xf32, #tpu.memory_space<vmem>> -> memref<128x128xf32, #tpu.memory_space<vmem>>
        %dma_wait3A_140 = arith.constant 0 : i32
        %dma_wait3A_141 = tpu.memref_slice %arg6[%rem3A_133, %dma_wait3A_134, %dma_wait3A_135, %dma_wait3A_140] : memref<5x2x1x128xi32, #tpu.memory_space<vmem>> -> memref<1x1x1x128xi32, #tpu.memory_space<vmem>>
        %dma_wait3A_142 = tpu.memref_squeeze %dma_wait3A_141 : memref<1x1x1x128xi32, #tpu.memory_space<vmem>> -> memref<128xi32, #tpu.memory_space<vmem>>
        %dma_wait3A_143 = arith.constant 0 : i32
        %dma_wait3A_144 = arith.constant 0 : i32
        %dma_wait3A_145 = tpu.memref_slice %arg8[%dma_wait3A_143, %dma_wait3A_144] : memref<10000x128xf32, #tpu.memory_space<vmem_shared>> -> memref<10000x128xf32, #tpu.memory_space<vmem_shared>>
        %dma_wait3A_146 = tpu.memref_slice %arg11[%rem3A_131] : memref<3x!tpu.dma_semaphore, #tpu.memory_space<semaphore_mem>> -> memref<1x!tpu.dma_semaphore, #tpu.memory_space<semaphore_mem>>
        %dma_wait3A_147 = tpu.memref_squeeze %dma_wait3A_146 : memref<1x!tpu.dma_semaphore, #tpu.memory_space<semaphore_mem>> -> memref<!tpu.dma_semaphore, #tpu.memory_space<semaphore_mem>>
        tpu.wait_indirect_dma semaphore(%dma_wait3A_147 : memref<!tpu.dma_semaphore, #tpu.memory_space<semaphore_mem>>) src(%dma_wait3A_139 : memref<128x128xf32, #tpu.memory_space<vmem>>) dst(%dma_wait3A_145 : memref<10000x128xf32, #tpu.memory_space<vmem_shared>>)
        %add3A_148 = arith.constant 5 : i32
        %add3A_149 = arith.addi %sub3A_129, %add3A_148 : i32
        %lt3A_150 = arith.cmpi slt, %add3A_149, %select_n3A : i32
        %convert_element_type3A_151 = arith.extui %lt3A_150 : i1 to i32
        %cond3A_152 = arith.constant 0 : i32
        %cond3A_153 = arith.cmpi ne, %convert_element_type3A_151, %cond3A_152 : i32
        scf.if %cond3A_153 {
          %add3A_162 = arith.constant 5 : i32
          %add3A_163 = arith.addi %sub3A_129, %add3A_162 : i32
          %add3A_164 = arith.addi %select_n3A_20, %add3A_163 : i32
          %dma_start3A_165 = arith.constant 0 : i32
          %dma_start3A_166 = arith.constant 0 : i32
          %dma_start3A_167 = arith.constant 0 : i32
          %dma_start3A_168 = tpu.memref_slice %arg6[%rem3A_133, %dma_start3A_165, %dma_start3A_166, %dma_start3A_167] : memref<5x2x1x128xi32, #tpu.memory_space<vmem>> -> memref<1x2x1x128xi32, #tpu.memory_space<vmem>>
          %dma_start3A_169 = tpu.memref_squeeze %dma_start3A_168 : memref<1x2x1x128xi32, #tpu.memory_space<vmem>> -> memref<2x1x128xi32, #tpu.memory_space<vmem>>
          %dma_start3A_170 = arith.constant 0 : i32
          %dma_start3A_171 = arith.constant 0 : i32
          %dma_start3A_172 = arith.constant 0 : i32
          %dma_start3A_173 = tpu.memref_slice %arg3[%add3A_164, %dma_start3A_170, %dma_start3A_171, %dma_start3A_172] : memref<2500x2x1x128xi32, #tpu.memory_space<hbm>> -> memref<1x2x1x128xi32, #tpu.memory_space<hbm>>
          %dma_start3A_174 = tpu.memref_squeeze %dma_start3A_173 : memref<1x2x1x128xi32, #tpu.memory_space<hbm>> -> memref<2x1x128xi32, #tpu.memory_space<hbm>>
          %dma_start3A_175 = tpu.memref_slice %arg9[%rem3A_133] : memref<5x!tpu.dma_semaphore, #tpu.memory_space<semaphore_mem>> -> memref<1x!tpu.dma_semaphore, #tpu.memory_space<semaphore_mem>>
          %dma_start3A_176 = tpu.memref_squeeze %dma_start3A_175 : memref<1x!tpu.dma_semaphore, #tpu.memory_space<semaphore_mem>> -> memref<!tpu.dma_semaphore, #tpu.memory_space<semaphore_mem>>
          %dma_start3A_177 = arith.constant 0 : i32
          %dma_start3A_178 = arith.constant 0 : i32
          %dma_start3A_179 = arith.constant 0 : i32
          %dma_start3A_180 = tpu.memref_slice %arg6[%rem3A_133, %dma_start3A_177, %dma_start3A_178, %dma_start3A_179] : memref<5x2x1x128xi32, #tpu.memory_space<vmem>> -> memref<1x2x1x128xi32, #tpu.memory_space<vmem>>
          %dma_start3A_181 = tpu.memref_squeeze %dma_start3A_180 : memref<1x2x1x128xi32, #tpu.memory_space<vmem>> -> memref<2x1x128xi32, #tpu.memory_space<vmem>>
          %dma_start3A_182 = arith.constant 0 : i32
          %dma_start3A_183 = arith.constant 0 : i32
          %dma_start3A_184 = arith.constant 0 : i32
          %dma_start3A_185 = tpu.memref_slice %arg3[%add3A_164, %dma_start3A_182, %dma_start3A_183, %dma_start3A_184] : memref<2500x2x1x128xi32, #tpu.memory_space<hbm>> -> memref<1x2x1x128xi32, #tpu.memory_space<hbm>>
          %dma_start3A_186 = tpu.memref_squeeze %dma_start3A_185 : memref<1x2x1x128xi32, #tpu.memory_space<hbm>> -> memref<2x1x128xi32, #tpu.memory_space<hbm>>
          tpu.enqueue_dma source(%dma_start3A_186 : memref<2x1x128xi32, #tpu.memory_space<hbm>>) target(%dma_start3A_181 : memref<2x1x128xi32, #tpu.memory_space<vmem>>) target_semaphore(%dma_start3A_176 : memref<!tpu.dma_semaphore, #tpu.memory_space<semaphore_mem>>)
        } else {
        }
        %add3A_154 = arith.constant 3 : i32
        %add3A_155 = arith.addi %while3A_94, %add3A_154 : i32
        %sub3A_156 = arith.constant 1 : i32
        %sub3A_157 = arith.subi %add3A_155, %sub3A_156 : i32
        %lt3A_158 = arith.cmpi slt, %sub3A_157, %select_n3A : i32
        %convert_element_type3A_159 = arith.extui %lt3A_158 : i1 to i32
        %cond3A_160 = arith.constant 0 : i32
        %cond3A_161 = arith.cmpi ne, %convert_element_type3A_159, %cond3A_160 : i32
        scf.if %cond3A_161 {
          %rem3A_162 = arith.constant 5 : i32
          %rem3A_163 = arith.remsi %sub3A_157, %rem3A_162 : i32
          %add3A_164 = arith.addi %select_n3A_20, %sub3A_157 : i32
          %dma_wait3A_165 = arith.constant 0 : i32
          %dma_wait3A_166 = arith.constant 0 : i32
          %dma_wait3A_167 = arith.constant 0 : i32
          %dma_wait3A_168 = tpu.memref_slice %arg6[%rem3A_163, %dma_wait3A_165, %dma_wait3A_166, %dma_wait3A_167] : memref<5x2x1x128xi32, #tpu.memory_space<vmem>> -> memref<1x2x1x128xi32, #tpu.memory_space<vmem>>
          %dma_wait3A_169 = tpu.memref_squeeze %dma_wait3A_168 : memref<1x2x1x128xi32, #tpu.memory_space<vmem>> -> memref<2x1x128xi32, #tpu.memory_space<vmem>>
          %dma_wait3A_170 = arith.constant 0 : i32
          %dma_wait3A_171 = arith.constant 0 : i32
          %dma_wait3A_172 = arith.constant 0 : i32
          %dma_wait3A_173 = tpu.memref_slice %arg3[%add3A_164, %dma_wait3A_170, %dma_wait3A_171, %dma_wait3A_172] : memref<2500x2x1x128xi32, #tpu.memory_space<hbm>> -> memref<1x2x1x128xi32, #tpu.memory_space<hbm>>
          %dma_wait3A_174 = tpu.memref_squeeze %dma_wait3A_173 : memref<1x2x1x128xi32, #tpu.memory_space<hbm>> -> memref<2x1x128xi32, #tpu.memory_space<hbm>>
          %dma_wait3A_175 = tpu.memref_slice %arg9[%rem3A_163] : memref<5x!tpu.dma_semaphore, #tpu.memory_space<semaphore_mem>> -> memref<1x!tpu.dma_semaphore, #tpu.memory_space<semaphore_mem>>
          %dma_wait3A_176 = tpu.memref_squeeze %dma_wait3A_175 : memref<1x!tpu.dma_semaphore, #tpu.memory_space<semaphore_mem>> -> memref<!tpu.dma_semaphore, #tpu.memory_space<semaphore_mem>>
          %dma_wait3A_177 = arith.constant 0 : i32
          %dma_wait3A_178 = arith.constant 0 : i32
          %dma_wait3A_179 = arith.constant 0 : i32
          %dma_wait3A_180 = tpu.memref_slice %arg6[%rem3A_163, %dma_wait3A_177, %dma_wait3A_178, %dma_wait3A_179] : memref<5x2x1x128xi32, #tpu.memory_space<vmem>> -> memref<1x2x1x128xi32, #tpu.memory_space<vmem>>
          %dma_wait3A_181 = tpu.memref_squeeze %dma_wait3A_180 : memref<1x2x1x128xi32, #tpu.memory_space<vmem>> -> memref<2x1x128xi32, #tpu.memory_space<vmem>>
          %dma_wait3A_182 = arith.constant 0 : i32
          %dma_wait3A_183 = arith.constant 0 : i32
          %dma_wait3A_184 = arith.constant 0 : i32
          %dma_wait3A_185 = tpu.memref_slice %arg3[%add3A_164, %dma_wait3A_182, %dma_wait3A_183, %dma_wait3A_184] : memref<2500x2x1x128xi32, #tpu.memory_space<hbm>> -> memref<1x2x1x128xi32, #tpu.memory_space<hbm>>
          %dma_wait3A_186 = tpu.memref_squeeze %dma_wait3A_185 : memref<1x2x1x128xi32, #tpu.memory_space<hbm>> -> memref<2x1x128xi32, #tpu.memory_space<hbm>>
          tpu.wait_dma2 semaphore(%dma_wait3A_176 : memref<!tpu.dma_semaphore, #tpu.memory_space<semaphore_mem>>) src(%dma_wait3A_186 : memref<2x1x128xi32, #tpu.memory_space<hbm>>) dst(%dma_wait3A_181 : memref<2x1x128xi32, #tpu.memory_space<vmem>>)
          %dma_start3A_187 = arith.constant 0 : i32
          %dma_start3A_188 = arith.constant 0 : i32
          %dma_start3A_189 = arith.constant 0 : i32
          %dma_start3A_190 = arith.constant 0 : i32
          %dma_start3A_191 = tpu.memref_slice %arg7[%rem3A_131, %dma_start3A_189, %dma_start3A_190] : memref<3x128x128xf32, #tpu.memory_space<vmem>> -> memref<1x128x128xf32, #tpu.memory_space<vmem>>
          %dma_start3A_192 = tpu.memref_squeeze %dma_start3A_191 : memref<1x128x128xf32, #tpu.memory_space<vmem>> -> memref<128x128xf32, #tpu.memory_space<vmem>>
          %dma_start3A_193 = arith.constant 0 : i32
          %dma_start3A_194 = tpu.memref_slice %arg6[%rem3A_163, %dma_start3A_187, %dma_start3A_188, %dma_start3A_193] : memref<5x2x1x128xi32, #tpu.memory_space<vmem>> -> memref<1x1x1x128xi32, #tpu.memory_space<vmem>>
          %dma_start3A_195 = tpu.memref_squeeze %dma_start3A_194 : memref<1x1x1x128xi32, #tpu.memory_space<vmem>> -> memref<128xi32, #tpu.memory_space<vmem>>
          %dma_start3A_196 = arith.constant 0 : i32
          %dma_start3A_197 = arith.constant 0 : i32
          %dma_start3A_198 = tpu.memref_slice %arg2[%dma_start3A_196, %dma_start3A_197] : memref<10000x128xf32, #tpu.memory_space<hbm>> -> memref<10000x128xf32, #tpu.memory_space<hbm>>
          %dma_start3A_199 = tpu.memref_slice %arg10[%rem3A_131] : memref<3x!tpu.dma_semaphore, #tpu.memory_space<semaphore_mem>> -> memref<1x!tpu.dma_semaphore, #tpu.memory_space<semaphore_mem>>
          %dma_start3A_200 = tpu.memref_squeeze %dma_start3A_199 : memref<1x!tpu.dma_semaphore, #tpu.memory_space<semaphore_mem>> -> memref<!tpu.dma_semaphore, #tpu.memory_space<semaphore_mem>>
          tpu.enqueue_indirect_dma source(%dma_start3A_198 : memref<10000x128xf32, #tpu.memory_space<hbm>>) target(%dma_start3A_192 : memref<128x128xf32, #tpu.memory_space<vmem>>) offsets(%dma_start3A_195 : memref<128xi32, #tpu.memory_space<vmem>>) semaphore(%dma_start3A_200 : memref<!tpu.dma_semaphore, #tpu.memory_space<semaphore_mem>>)
        } else {
        }
      } else {
      }
    }
    %gt3A_78 = arith.constant 0 : i32
    %gt3A_79 = arith.cmpi sgt, %select_n3A, %gt3A_78 : i32
    %convert_element_type3A_80 = arith.extui %gt3A_79 : i1 to i32
    %cond3A_81 = arith.constant 0 : i32
    %cond3A_82 = arith.cmpi ne, %convert_element_type3A_80, %cond3A_81 : i32
    scf.if %cond3A_82 {
      %sub3A = arith.constant 1 : i32
      %sub3A_94 = arith.subi %select_n3A, %sub3A : i32
      %rem3A = arith.constant 5 : i32
      %rem3A_95 = arith.remsi %sub3A_94, %rem3A : i32
      %sub3A_96 = arith.constant 1 : i32
      %sub3A_97 = arith.subi %select_n3A, %sub3A_96 : i32
      %rem3A_98 = arith.constant 3 : i32
      %rem3A_99 = arith.remsi %sub3A_97, %rem3A_98 : i32
      %dma_wait3A = arith.constant 1 : i32
      %dma_wait3A_100 = arith.constant 0 : i32
      %dma_wait3A_101 = arith.constant 0 : i32
      %dma_wait3A_102 = arith.constant 0 : i32
      %dma_wait3A_103 = tpu.memref_slice %arg7[%rem3A_99, %dma_wait3A_101, %dma_wait3A_102] : memref<3x128x128xf32, #tpu.memory_space<vmem>> -> memref<1x128x128xf32, #tpu.memory_space<vmem>>
      %dma_wait3A_104 = tpu.memref_squeeze %dma_wait3A_103 : memref<1x128x128xf32, #tpu.memory_space<vmem>> -> memref<128x128xf32, #tpu.memory_space<vmem>>
      %dma_wait3A_105 = arith.constant 0 : i32
      %dma_wait3A_106 = tpu.memref_slice %arg6[%rem3A_95, %dma_wait3A, %dma_wait3A_100, %dma_wait3A_105] : memref<5x2x1x128xi32, #tpu.memory_space<vmem>> -> memref<1x1x1x128xi32, #tpu.memory_space<vmem>>
      %dma_wait3A_107 = tpu.memref_squeeze %dma_wait3A_106 : memref<1x1x1x128xi32, #tpu.memory_space<vmem>> -> memref<128xi32, #tpu.memory_space<vmem>>
      %dma_wait3A_108 = arith.constant 0 : i32
      %dma_wait3A_109 = arith.constant 0 : i32
      %dma_wait3A_110 = tpu.memref_slice %arg8[%dma_wait3A_108, %dma_wait3A_109] : memref<10000x128xf32, #tpu.memory_space<vmem_shared>> -> memref<10000x128xf32, #tpu.memory_space<vmem_shared>>
      %dma_wait3A_111 = tpu.memref_slice %arg11[%rem3A_99] : memref<3x!tpu.dma_semaphore, #tpu.memory_space<semaphore_mem>> -> memref<1x!tpu.dma_semaphore, #tpu.memory_space<semaphore_mem>>
      %dma_wait3A_112 = tpu.memref_squeeze %dma_wait3A_111 : memref<1x!tpu.dma_semaphore, #tpu.memory_space<semaphore_mem>> -> memref<!tpu.dma_semaphore, #tpu.memory_space<semaphore_mem>>
      tpu.wait_indirect_dma semaphore(%dma_wait3A_112 : memref<!tpu.dma_semaphore, #tpu.memory_space<semaphore_mem>>) src(%dma_wait3A_104 : memref<128x128xf32, #tpu.memory_space<vmem>>) dst(%dma_wait3A_110 : memref<10000x128xf32, #tpu.memory_space<vmem_shared>>)
    } else {
    }
    %barrier3A_83 = arith.constant 0 : index
    tpu.barrier barrier_id(%barrier3A_83)
    %lt3A_84 = arith.constant 15 : i32
    %lt3A_85 = arith.cmpi slt, %arg1, %lt3A_84 : i32
    %convert_element_type3A_86 = arith.extui %lt3A_85 : i1 to i32
    %cond3A_87 = arith.constant 0 : i32
    %cond3A_88 = arith.cmpi ne, %convert_element_type3A_86, %cond3A_87 : i32
    scf.if %cond3A_88 {
      %mul3A_94 = arith.constant 624 : i32
      %mul3A_95 = arith.muli %arg1, %mul3A_94 : i32
      %mul3A_96 = arith.constant 624 : i32
      %mul3A_97 = arith.muli %arg1, %mul3A_96 : i32
      "tpu.region"() ({
        %run_scoped3A = tpu.sem_alloc : memref<!tpu.dma_semaphore, #tpu.memory_space<semaphore_mem>>
        %dma_start3A = arith.constant 0 : i32
        %dma_start3A_98 = arith.constant 0 : i32
        %dma_start3A_99 = tpu.memref_slice %arg5[%arg0, %dma_start3A, %dma_start3A_98] : memref<2x10000x128xf32, #tpu.memory_space<hbm>> -> memref<1x10000x128xf32, #tpu.memory_space<hbm>>
        %dma_start3A_100 = tpu.memref_squeeze %dma_start3A_99 : memref<1x10000x128xf32, #tpu.memory_space<hbm>> -> memref<10000x128xf32, #tpu.memory_space<hbm>>
        %dma_start3A_101 = arith.constant 0 : i32
        %dma_start3A_102 = tpu.memref_slice %dma_start3A_100[%mul3A_97, %dma_start3A_101] : memref<10000x128xf32, #tpu.memory_space<hbm>> -> memref<624x128xf32, #tpu.memory_space<hbm>>
        %dma_start3A_103 = arith.constant 0 : i32
        %dma_start3A_104 = tpu.memref_slice %arg8[%mul3A_95, %dma_start3A_103] : memref<10000x128xf32, #tpu.memory_space<vmem_shared>> -> memref<624x128xf32, #tpu.memory_space<vmem_shared>>
        tpu.enqueue_dma source(%dma_start3A_104 : memref<624x128xf32, #tpu.memory_space<vmem_shared>>) target(%dma_start3A_102 : memref<624x128xf32, #tpu.memory_space<hbm>>) target_semaphore(%run_scoped3A : memref<!tpu.dma_semaphore, #tpu.memory_space<semaphore_mem>>)
        %dma_wait3A = arith.constant 0 : i32
        %dma_wait3A_105 = arith.constant 0 : i32
        %dma_wait3A_106 = tpu.memref_slice %arg5[%arg0, %dma_wait3A, %dma_wait3A_105] : memref<2x10000x128xf32, #tpu.memory_space<hbm>> -> memref<1x10000x128xf32, #tpu.memory_space<hbm>>
        %dma_wait3A_107 = tpu.memref_squeeze %dma_wait3A_106 : memref<1x10000x128xf32, #tpu.memory_space<hbm>> -> memref<10000x128xf32, #tpu.memory_space<hbm>>
        %dma_wait3A_108 = arith.constant 0 : i32
        %dma_wait3A_109 = tpu.memref_slice %dma_wait3A_107[%mul3A_97, %dma_wait3A_108] : memref<10000x128xf32, #tpu.memory_space<hbm>> -> memref<624x128xf32, #tpu.memory_space<hbm>>
        %dma_wait3A_110 = arith.constant 0 : i32
        %dma_wait3A_111 = tpu.memref_slice %arg8[%mul3A_95, %dma_wait3A_110] : memref<10000x128xf32, #tpu.memory_space<vmem_shared>> -> memref<624x128xf32, #tpu.memory_space<vmem_shared>>
        tpu.wait_dma2 semaphore(%run_scoped3A : memref<!tpu.dma_semaphore, #tpu.memory_space<semaphore_mem>>) src(%dma_wait3A_111 : memref<624x128xf32, #tpu.memory_space<vmem_shared>>) dst(%dma_wait3A_109 : memref<624x128xf32, #tpu.memory_space<hbm>>)
        tpu.yield
      }) : () -> ()
    } else {
    }
    %eq3A_89 = arith.constant 15 : i32
    %eq3A_90 = arith.cmpi eq, %arg1, %eq3A_89 : i32
    %convert_element_type3A_91 = arith.extui %eq3A_90 : i1 to i32
    %cond3A_92 = arith.constant 0 : i32
    %cond3A_93 = arith.cmpi ne, %convert_element_type3A_91, %cond3A_92 : i32
    scf.if %cond3A_93 {
      "tpu.region"() ({
        %run_scoped3A = tpu.sem_alloc : memref<!tpu.dma_semaphore, #tpu.memory_space<semaphore_mem>>
        %dma_start3A = arith.constant 0 : i32
        %dma_start3A_94 = arith.constant 0 : i32
        %dma_start3A_95 = tpu.memref_slice %arg5[%arg0, %dma_start3A, %dma_start3A_94] : memref<2x10000x128xf32, #tpu.memory_space<hbm>> -> memref<1x10000x128xf32, #tpu.memory_space<hbm>>
        %dma_start3A_96 = tpu.memref_squeeze %dma_start3A_95 : memref<1x10000x128xf32, #tpu.memory_space<hbm>> -> memref<10000x128xf32, #tpu.memory_space<hbm>>
        %dma_start3A_97 = arith.constant 9360 : i32
        %dma_start3A_98 = arith.constant 0 : i32
        %dma_start3A_99 = tpu.memref_slice %dma_start3A_96[%dma_start3A_97, %dma_start3A_98] : memref<10000x128xf32, #tpu.memory_space<hbm>> -> memref<640x128xf32, #tpu.memory_space<hbm>>
        %dma_start3A_100 = arith.constant 9360 : i32
        %dma_start3A_101 = arith.constant 0 : i32
        %dma_start3A_102 = tpu.memref_slice %arg8[%dma_start3A_100, %dma_start3A_101] : memref<10000x128xf32, #tpu.memory_space<vmem_shared>> -> memref<640x128xf32, #tpu.memory_space<vmem_shared>>
        tpu.enqueue_dma source(%dma_start3A_102 : memref<640x128xf32, #tpu.memory_space<vmem_shared>>) target(%dma_start3A_99 : memref<640x128xf32, #tpu.memory_space<hbm>>) target_semaphore(%run_scoped3A : memref<!tpu.dma_semaphore, #tpu.memory_space<semaphore_mem>>)
        %dma_wait3A = arith.constant 0 : i32
        %dma_wait3A_103 = arith.constant 0 : i32
        %dma_wait3A_104 = tpu.memref_slice %arg5[%arg0, %dma_wait3A, %dma_wait3A_103] : memref<2x10000x128xf32, #tpu.memory_space<hbm>> -> memref<1x10000x128xf32, #tpu.memory_space<hbm>>
        %dma_wait3A_105 = tpu.memref_squeeze %dma_wait3A_104 : memref<1x10000x128xf32, #tpu.memory_space<hbm>> -> memref<10000x128xf32, #tpu.memory_space<hbm>>
        %dma_wait3A_106 = arith.constant 9360 : i32
        %dma_wait3A_107 = arith.constant 0 : i32
        %dma_wait3A_108 = tpu.memref_slice %dma_wait3A_105[%dma_wait3A_106, %dma_wait3A_107] : memref<10000x128xf32, #tpu.memory_space<hbm>> -> memref<640x128xf32, #tpu.memory_space<hbm>>
        %dma_wait3A_109 = arith.constant 9360 : i32
        %dma_wait3A_110 = arith.constant 0 : i32
        %dma_wait3A_111 = tpu.memref_slice %arg8[%dma_wait3A_109, %dma_wait3A_110] : memref<10000x128xf32, #tpu.memory_space<vmem_shared>> -> memref<640x128xf32, #tpu.memory_space<vmem_shared>>
        tpu.wait_dma2 semaphore(%run_scoped3A : memref<!tpu.dma_semaphore, #tpu.memory_space<semaphore_mem>>) src(%dma_wait3A_111 : memref<640x128xf32, #tpu.memory_space<vmem_shared>>) dst(%dma_wait3A_108 : memref<640x128xf32, #tpu.memory_space<hbm>>)
        tpu.yield
      }) : () -> ()
    } else {
    }
    return
  }
}

#map = affine_map<(d0, d1) -> (0, 0, 0, 0)>
#map1 = affine_map<(d0, d1) -> (0, 0)>
module attributes {stable_mosaic.version = 14 : i64} {
  func.func @body(%arg0: i32, %arg1: i32, %arg2: memref<2500x2x1x128xi32, #tpu.memory_space<hbm>>, %arg3: memref<2x10240xf32, #tpu.memory_space<hbm>>, %arg4: memref<5x1x128xi32, #tpu.memory_space<vmem>>, %arg5: memref<128xf32, #tpu.memory_space<vmem>>, %arg6: memref<640xf32, #tpu.memory_space<vmem>>, %arg7: memref<10240xf32, #tpu.memory_space<vmem_shared>>, %arg8: memref<5x!tpu.dma_semaphore, #tpu.memory_space<semaphore_mem>>, %arg9: memref<2x!tpu.dma_semaphore, #tpu.memory_space<semaphore_mem>>) attributes {dimension_semantics = [#tpu.dimension_semantics<core_parallel>, #tpu.dimension_semantics<subcore_parallel>], iteration_bounds = array<i64: 2, 16>, scalar_prefetch = 0 : i64, scratch_operands = 6 : i64, tpu.core_type = #tpu.core_type<sc_vector_subcore>, window_params = [{transform_indices = #map}, {transform_indices = #map1}]} {
    %eq3A = arith.constant 0 : i32
    %eq3A_0 = arith.cmpi eq, %arg0, %eq3A : i32
    %lt3A = arith.constant 12 : i32
    %lt3A_1 = arith.cmpi slt, %arg1, %lt3A : i32
    %convert_element_type3A = arith.extui %lt3A_1 : i1 to i32
    %add3A = arith.constant 78 : i32
    %add3A_2 = arith.addi %add3A, %convert_element_type3A : i32
    %lt3A_3 = arith.constant 8 : i32
    %lt3A_4 = arith.cmpi slt, %arg1, %lt3A_3 : i32
    %convert_element_type3A_5 = arith.extui %lt3A_4 : i1 to i32
    %add3A_6 = arith.constant 77 : i32
    %add3A_7 = arith.addi %add3A_6, %convert_element_type3A_5 : i32
    %select_n3A = arith.select %eq3A_0, %add3A_2, %add3A_7 : i32
    %eq3A_8 = arith.constant 0 : i32
    %eq3A_9 = arith.cmpi eq, %arg0, %eq3A_8 : i32
    %mul3A = arith.constant 78 : i32
    %mul3A_10 = arith.muli %arg1, %mul3A : i32
    %min3A = arith.constant 12 : i32
    %min3A_11 = arith.minsi %arg1, %min3A : i32
    %add3A_12 = arith.addi %mul3A_10, %min3A_11 : i32
    %mul3A_13 = arith.constant 77 : i32
    %mul3A_14 = arith.muli %arg1, %mul3A_13 : i32
    %add3A_15 = arith.constant 1260 : i32
    %add3A_16 = arith.addi %add3A_15, %mul3A_14 : i32
    %min3A_17 = arith.constant 8 : i32
    %min3A_18 = arith.minsi %arg1, %min3A_17 : i32
    %add3A_19 = arith.addi %add3A_16, %min3A_18 : i32
    %select_n3A_20 = arith.select %eq3A_9, %add3A_12, %add3A_19 : i32
    %broadcast_in_dim3A = arith.constant 1.000000e+00 : f32
    %broadcast_in_dim3A_21 = vector.broadcast %broadcast_in_dim3A : f32 to vector<16xf32>
    %swap3A = arith.constant 0 : index
    %swap3A_22 = tpu.vector_load %arg5[%swap3A] {strides = array<i32>} : memref<128xf32, #tpu.memory_space<vmem>>, vector<16xf32>,
    %swap3A_23 = vector.shape_cast %swap3A_22 : vector<16xf32> to vector<16xf32>
    %swap3A_24 = vector.shape_cast %broadcast_in_dim3A_21 : vector<16xf32> to vector<16xf32>
    tpu.vector_store %arg5[%swap3A], %swap3A_24 {strides = array<i32>} : memref<128xf32, #tpu.memory_space<vmem>>, vector<16xf32>,
    %broadcast_in_dim3A_25 = arith.constant 1.000000e+00 : f32
    %broadcast_in_dim3A_26 = vector.broadcast %broadcast_in_dim3A_25 : f32 to vector<16xf32>
    %swap3A_27 = arith.constant 16 : index
    %swap3A_28 = tpu.vector_load %arg5[%swap3A_27] {strides = array<i32>} : memref<128xf32, #tpu.memory_space<vmem>>, vector<16xf32>,
    %swap3A_29 = vector.shape_cast %swap3A_28 : vector<16xf32> to vector<16xf32>
    %swap3A_30 = vector.shape_cast %broadcast_in_dim3A_26 : vector<16xf32> to vector<16xf32>
    tpu.vector_store %arg5[%swap3A_27], %swap3A_30 {strides = array<i32>} : memref<128xf32, #tpu.memory_space<vmem>>, vector<16xf32>,
    %broadcast_in_dim3A_31 = arith.constant 1.000000e+00 : f32
    %broadcast_in_dim3A_32 = vector.broadcast %broadcast_in_dim3A_31 : f32 to vector<16xf32>
    %swap3A_33 = arith.constant 32 : index
    %swap3A_34 = tpu.vector_load %arg5[%swap3A_33] {strides = array<i32>} : memref<128xf32, #tpu.memory_space<vmem>>, vector<16xf32>,
    %swap3A_35 = vector.shape_cast %swap3A_34 : vector<16xf32> to vector<16xf32>
    %swap3A_36 = vector.shape_cast %broadcast_in_dim3A_32 : vector<16xf32> to vector<16xf32>
    tpu.vector_store %arg5[%swap3A_33], %swap3A_36 {strides = array<i32>} : memref<128xf32, #tpu.memory_space<vmem>>, vector<16xf32>,
    %broadcast_in_dim3A_37 = arith.constant 1.000000e+00 : f32
    %broadcast_in_dim3A_38 = vector.broadcast %broadcast_in_dim3A_37 : f32 to vector<16xf32>
    %swap3A_39 = arith.constant 48 : index
    %swap3A_40 = tpu.vector_load %arg5[%swap3A_39] {strides = array<i32>} : memref<128xf32, #tpu.memory_space<vmem>>, vector<16xf32>,
    %swap3A_41 = vector.shape_cast %swap3A_40 : vector<16xf32> to vector<16xf32>
    %swap3A_42 = vector.shape_cast %broadcast_in_dim3A_38 : vector<16xf32> to vector<16xf32>
    tpu.vector_store %arg5[%swap3A_39], %swap3A_42 {strides = array<i32>} : memref<128xf32, #tpu.memory_space<vmem>>, vector<16xf32>,
    %broadcast_in_dim3A_43 = arith.constant 1.000000e+00 : f32
    %broadcast_in_dim3A_44 = vector.broadcast %broadcast_in_dim3A_43 : f32 to vector<16xf32>
    %swap3A_45 = arith.constant 64 : index
    %swap3A_46 = tpu.vector_load %arg5[%swap3A_45] {strides = array<i32>} : memref<128xf32, #tpu.memory_space<vmem>>, vector<16xf32>,
    %swap3A_47 = vector.shape_cast %swap3A_46 : vector<16xf32> to vector<16xf32>
    %swap3A_48 = vector.shape_cast %broadcast_in_dim3A_44 : vector<16xf32> to vector<16xf32>
    tpu.vector_store %arg5[%swap3A_45], %swap3A_48 {strides = array<i32>} : memref<128xf32, #tpu.memory_space<vmem>>, vector<16xf32>,
    %broadcast_in_dim3A_49 = arith.constant 1.000000e+00 : f32
    %broadcast_in_dim3A_50 = vector.broadcast %broadcast_in_dim3A_49 : f32 to vector<16xf32>
    %swap3A_51 = arith.constant 80 : index
    %swap3A_52 = tpu.vector_load %arg5[%swap3A_51] {strides = array<i32>} : memref<128xf32, #tpu.memory_space<vmem>>, vector<16xf32>,
    %swap3A_53 = vector.shape_cast %swap3A_52 : vector<16xf32> to vector<16xf32>
    %swap3A_54 = vector.shape_cast %broadcast_in_dim3A_50 : vector<16xf32> to vector<16xf32>
    tpu.vector_store %arg5[%swap3A_51], %swap3A_54 {strides = array<i32>} : memref<128xf32, #tpu.memory_space<vmem>>, vector<16xf32>,
    %broadcast_in_dim3A_55 = arith.constant 1.000000e+00 : f32
    %broadcast_in_dim3A_56 = vector.broadcast %broadcast_in_dim3A_55 : f32 to vector<16xf32>
    %swap3A_57 = arith.constant 96 : index
    %swap3A_58 = tpu.vector_load %arg5[%swap3A_57] {strides = array<i32>} : memref<128xf32, #tpu.memory_space<vmem>>, vector<16xf32>,
    %swap3A_59 = vector.shape_cast %swap3A_58 : vector<16xf32> to vector<16xf32>
    %swap3A_60 = vector.shape_cast %broadcast_in_dim3A_56 : vector<16xf32> to vector<16xf32>
    tpu.vector_store %arg5[%swap3A_57], %swap3A_60 {strides = array<i32>} : memref<128xf32, #tpu.memory_space<vmem>>, vector<16xf32>,
    %broadcast_in_dim3A_61 = arith.constant 1.000000e+00 : f32
    %broadcast_in_dim3A_62 = vector.broadcast %broadcast_in_dim3A_61 : f32 to vector<16xf32>
    %swap3A_63 = arith.constant 112 : index
    %swap3A_64 = tpu.vector_load %arg5[%swap3A_63] {strides = array<i32>} : memref<128xf32, #tpu.memory_space<vmem>>, vector<16xf32>,
    %swap3A_65 = vector.shape_cast %swap3A_64 : vector<16xf32> to vector<16xf32>
    %swap3A_66 = vector.shape_cast %broadcast_in_dim3A_62 : vector<16xf32> to vector<16xf32>
    tpu.vector_store %arg5[%swap3A_63], %swap3A_66 {strides = array<i32>} : memref<128xf32, #tpu.memory_space<vmem>>, vector<16xf32>,
    %broadcast_in_dim3A_67 = arith.constant 0.000000e+00 : f32
    %broadcast_in_dim3A_68 = vector.broadcast %broadcast_in_dim3A_67 : f32 to vector<16xf32>
    %swap3A_69 = arith.constant 0 : index
    %swap3A_70 = tpu.vector_load %arg6[%swap3A_69] {strides = array<i32>} : memref<640xf32, #tpu.memory_space<vmem>>, vector<16xf32>,
    %swap3A_71 = vector.shape_cast %swap3A_70 : vector<16xf32> to vector<16xf32>
    %swap3A_72 = vector.shape_cast %broadcast_in_dim3A_68 : vector<16xf32> to vector<16xf32>
    tpu.vector_store %arg6[%swap3A_69], %swap3A_72 {strides = array<i32>} : memref<640xf32, #tpu.memory_space<vmem>>, vector<16xf32>,
    %broadcast_in_dim3A_73 = arith.constant 0.000000e+00 : f32
    %broadcast_in_dim3A_74 = vector.broadcast %broadcast_in_dim3A_73 : f32 to vector<16xf32>
    %swap3A_75 = arith.constant 16 : index
    %swap3A_76 = tpu.vector_load %arg6[%swap3A_75] {strides = array<i32>} : memref<640xf32, #tpu.memory_space<vmem>>, vector<16xf32>,
    %swap3A_77 = vector.shape_cast %swap3A_76 : vector<16xf32> to vector<16xf32>
    %swap3A_78 = vector.shape_cast %broadcast_in_dim3A_74 : vector<16xf32> to vector<16xf32>
    tpu.vector_store %arg6[%swap3A_75], %swap3A_78 {strides = array<i32>} : memref<640xf32, #tpu.memory_space<vmem>>, vector<16xf32>,
    %broadcast_in_dim3A_79 = arith.constant 0.000000e+00 : f32
    %broadcast_in_dim3A_80 = vector.broadcast %broadcast_in_dim3A_79 : f32 to vector<16xf32>
    %swap3A_81 = arith.constant 32 : index
    %swap3A_82 = tpu.vector_load %arg6[%swap3A_81] {strides = array<i32>} : memref<640xf32, #tpu.memory_space<vmem>>, vector<16xf32>,
    %swap3A_83 = vector.shape_cast %swap3A_82 : vector<16xf32> to vector<16xf32>
    %swap3A_84 = vector.shape_cast %broadcast_in_dim3A_80 : vector<16xf32> to vector<16xf32>
    tpu.vector_store %arg6[%swap3A_81], %swap3A_84 {strides = array<i32>} : memref<640xf32, #tpu.memory_space<vmem>>, vector<16xf32>,
    %broadcast_in_dim3A_85 = arith.constant 0.000000e+00 : f32
    %broadcast_in_dim3A_86 = vector.broadcast %broadcast_in_dim3A_85 : f32 to vector<16xf32>
    %swap3A_87 = arith.constant 48 : index
    %swap3A_88 = tpu.vector_load %arg6[%swap3A_87] {strides = array<i32>} : memref<640xf32, #tpu.memory_space<vmem>>, vector<16xf32>,
    %swap3A_89 = vector.shape_cast %swap3A_88 : vector<16xf32> to vector<16xf32>
    %swap3A_90 = vector.shape_cast %broadcast_in_dim3A_86 : vector<16xf32> to vector<16xf32>
    tpu.vector_store %arg6[%swap3A_87], %swap3A_90 {strides = array<i32>} : memref<640xf32, #tpu.memory_space<vmem>>, vector<16xf32>,
    %broadcast_in_dim3A_91 = arith.constant 0.000000e+00 : f32
    %broadcast_in_dim3A_92 = vector.broadcast %broadcast_in_dim3A_91 : f32 to vector<16xf32>
    %swap3A_93 = arith.constant 64 : index
    %swap3A_94 = tpu.vector_load %arg6[%swap3A_93] {strides = array<i32>} : memref<640xf32, #tpu.memory_space<vmem>>, vector<16xf32>,
    %swap3A_95 = vector.shape_cast %swap3A_94 : vector<16xf32> to vector<16xf32>
    %swap3A_96 = vector.shape_cast %broadcast_in_dim3A_92 : vector<16xf32> to vector<16xf32>
    tpu.vector_store %arg6[%swap3A_93], %swap3A_96 {strides = array<i32>} : memref<640xf32, #tpu.memory_space<vmem>>, vector<16xf32>,
    %broadcast_in_dim3A_97 = arith.constant 0.000000e+00 : f32
    %broadcast_in_dim3A_98 = vector.broadcast %broadcast_in_dim3A_97 : f32 to vector<16xf32>
    %swap3A_99 = arith.constant 80 : index
    %swap3A_100 = tpu.vector_load %arg6[%swap3A_99] {strides = array<i32>} : memref<640xf32, #tpu.memory_space<vmem>>, vector<16xf32>,
    %swap3A_101 = vector.shape_cast %swap3A_100 : vector<16xf32> to vector<16xf32>
    %swap3A_102 = vector.shape_cast %broadcast_in_dim3A_98 : vector<16xf32> to vector<16xf32>
    tpu.vector_store %arg6[%swap3A_99], %swap3A_102 {strides = array<i32>} : memref<640xf32, #tpu.memory_space<vmem>>, vector<16xf32>,
    %broadcast_in_dim3A_103 = arith.constant 0.000000e+00 : f32
    %broadcast_in_dim3A_104 = vector.broadcast %broadcast_in_dim3A_103 : f32 to vector<16xf32>
    %swap3A_105 = arith.constant 96 : index
    %swap3A_106 = tpu.vector_load %arg6[%swap3A_105] {strides = array<i32>} : memref<640xf32, #tpu.memory_space<vmem>>, vector<16xf32>,
    %swap3A_107 = vector.shape_cast %swap3A_106 : vector<16xf32> to vector<16xf32>
    %swap3A_108 = vector.shape_cast %broadcast_in_dim3A_104 : vector<16xf32> to vector<16xf32>
    tpu.vector_store %arg6[%swap3A_105], %swap3A_108 {strides = array<i32>} : memref<640xf32, #tpu.memory_space<vmem>>, vector<16xf32>,
    %broadcast_in_dim3A_109 = arith.constant 0.000000e+00 : f32
    %broadcast_in_dim3A_110 = vector.broadcast %broadcast_in_dim3A_109 : f32 to vector<16xf32>
    %swap3A_111 = arith.constant 112 : index
    %swap3A_112 = tpu.vector_load %arg6[%swap3A_111] {strides = array<i32>} : memref<640xf32, #tpu.memory_space<vmem>>, vector<16xf32>,
    %swap3A_113 = vector.shape_cast %swap3A_112 : vector<16xf32> to vector<16xf32>
    %swap3A_114 = vector.shape_cast %broadcast_in_dim3A_110 : vector<16xf32> to vector<16xf32>
    tpu.vector_store %arg6[%swap3A_111], %swap3A_114 {strides = array<i32>} : memref<640xf32, #tpu.memory_space<vmem>>, vector<16xf32>,
    %broadcast_in_dim3A_115 = arith.constant 0.000000e+00 : f32
    %broadcast_in_dim3A_116 = vector.broadcast %broadcast_in_dim3A_115 : f32 to vector<16xf32>
    %swap3A_117 = arith.constant 128 : index
    %swap3A_118 = tpu.vector_load %arg6[%swap3A_117] {strides = array<i32>} : memref<640xf32, #tpu.memory_space<vmem>>, vector<16xf32>,
    %swap3A_119 = vector.shape_cast %swap3A_118 : vector<16xf32> to vector<16xf32>
    %swap3A_120 = vector.shape_cast %broadcast_in_dim3A_116 : vector<16xf32> to vector<16xf32>
    tpu.vector_store %arg6[%swap3A_117], %swap3A_120 {strides = array<i32>} : memref<640xf32, #tpu.memory_space<vmem>>, vector<16xf32>,
    %broadcast_in_dim3A_121 = arith.constant 0.000000e+00 : f32
    %broadcast_in_dim3A_122 = vector.broadcast %broadcast_in_dim3A_121 : f32 to vector<16xf32>
    %swap3A_123 = arith.constant 144 : index
    %swap3A_124 = tpu.vector_load %arg6[%swap3A_123] {strides = array<i32>} : memref<640xf32, #tpu.memory_space<vmem>>, vector<16xf32>,
    %swap3A_125 = vector.shape_cast %swap3A_124 : vector<16xf32> to vector<16xf32>
    %swap3A_126 = vector.shape_cast %broadcast_in_dim3A_122 : vector<16xf32> to vector<16xf32>
    tpu.vector_store %arg6[%swap3A_123], %swap3A_126 {strides = array<i32>} : memref<640xf32, #tpu.memory_space<vmem>>, vector<16xf32>,
    %broadcast_in_dim3A_127 = arith.constant 0.000000e+00 : f32
    %broadcast_in_dim3A_128 = vector.broadcast %broadcast_in_dim3A_127 : f32 to vector<16xf32>
    %swap3A_129 = arith.constant 160 : index
    %swap3A_130 = tpu.vector_load %arg6[%swap3A_129] {strides = array<i32>} : memref<640xf32, #tpu.memory_space<vmem>>, vector<16xf32>,
    %swap3A_131 = vector.shape_cast %swap3A_130 : vector<16xf32> to vector<16xf32>
    %swap3A_132 = vector.shape_cast %broadcast_in_dim3A_128 : vector<16xf32> to vector<16xf32>
    tpu.vector_store %arg6[%swap3A_129], %swap3A_132 {strides = array<i32>} : memref<640xf32, #tpu.memory_space<vmem>>, vector<16xf32>,
    %broadcast_in_dim3A_133 = arith.constant 0.000000e+00 : f32
    %broadcast_in_dim3A_134 = vector.broadcast %broadcast_in_dim3A_133 : f32 to vector<16xf32>
    %swap3A_135 = arith.constant 176 : index
    %swap3A_136 = tpu.vector_load %arg6[%swap3A_135] {strides = array<i32>} : memref<640xf32, #tpu.memory_space<vmem>>, vector<16xf32>,
    %swap3A_137 = vector.shape_cast %swap3A_136 : vector<16xf32> to vector<16xf32>
    %swap3A_138 = vector.shape_cast %broadcast_in_dim3A_134 : vector<16xf32> to vector<16xf32>
    tpu.vector_store %arg6[%swap3A_135], %swap3A_138 {strides = array<i32>} : memref<640xf32, #tpu.memory_space<vmem>>, vector<16xf32>,
    %broadcast_in_dim3A_139 = arith.constant 0.000000e+00 : f32
    %broadcast_in_dim3A_140 = vector.broadcast %broadcast_in_dim3A_139 : f32 to vector<16xf32>
    %swap3A_141 = arith.constant 192 : index
    %swap3A_142 = tpu.vector_load %arg6[%swap3A_141] {strides = array<i32>} : memref<640xf32, #tpu.memory_space<vmem>>, vector<16xf32>,
    %swap3A_143 = vector.shape_cast %swap3A_142 : vector<16xf32> to vector<16xf32>
    %swap3A_144 = vector.shape_cast %broadcast_in_dim3A_140 : vector<16xf32> to vector<16xf32>
    tpu.vector_store %arg6[%swap3A_141], %swap3A_144 {strides = array<i32>} : memref<640xf32, #tpu.memory_space<vmem>>, vector<16xf32>,
    %broadcast_in_dim3A_145 = arith.constant 0.000000e+00 : f32
    %broadcast_in_dim3A_146 = vector.broadcast %broadcast_in_dim3A_145 : f32 to vector<16xf32>
    %swap3A_147 = arith.constant 208 : index
    %swap3A_148 = tpu.vector_load %arg6[%swap3A_147] {strides = array<i32>} : memref<640xf32, #tpu.memory_space<vmem>>, vector<16xf32>,
    %swap3A_149 = vector.shape_cast %swap3A_148 : vector<16xf32> to vector<16xf32>
    %swap3A_150 = vector.shape_cast %broadcast_in_dim3A_146 : vector<16xf32> to vector<16xf32>
    tpu.vector_store %arg6[%swap3A_147], %swap3A_150 {strides = array<i32>} : memref<640xf32, #tpu.memory_space<vmem>>, vector<16xf32>,
    %broadcast_in_dim3A_151 = arith.constant 0.000000e+00 : f32
    %broadcast_in_dim3A_152 = vector.broadcast %broadcast_in_dim3A_151 : f32 to vector<16xf32>
    %swap3A_153 = arith.constant 224 : index
    %swap3A_154 = tpu.vector_load %arg6[%swap3A_153] {strides = array<i32>} : memref<640xf32, #tpu.memory_space<vmem>>, vector<16xf32>,
    %swap3A_155 = vector.shape_cast %swap3A_154 : vector<16xf32> to vector<16xf32>
    %swap3A_156 = vector.shape_cast %broadcast_in_dim3A_152 : vector<16xf32> to vector<16xf32>
    tpu.vector_store %arg6[%swap3A_153], %swap3A_156 {strides = array<i32>} : memref<640xf32, #tpu.memory_space<vmem>>, vector<16xf32>,
    %broadcast_in_dim3A_157 = arith.constant 0.000000e+00 : f32
    %broadcast_in_dim3A_158 = vector.broadcast %broadcast_in_dim3A_157 : f32 to vector<16xf32>
    %swap3A_159 = arith.constant 240 : index
    %swap3A_160 = tpu.vector_load %arg6[%swap3A_159] {strides = array<i32>} : memref<640xf32, #tpu.memory_space<vmem>>, vector<16xf32>,
    %swap3A_161 = vector.shape_cast %swap3A_160 : vector<16xf32> to vector<16xf32>
    %swap3A_162 = vector.shape_cast %broadcast_in_dim3A_158 : vector<16xf32> to vector<16xf32>
    tpu.vector_store %arg6[%swap3A_159], %swap3A_162 {strides = array<i32>} : memref<640xf32, #tpu.memory_space<vmem>>, vector<16xf32>,
    %broadcast_in_dim3A_163 = arith.constant 0.000000e+00 : f32
    %broadcast_in_dim3A_164 = vector.broadcast %broadcast_in_dim3A_163 : f32 to vector<16xf32>
    %swap3A_165 = arith.constant 256 : index
    %swap3A_166 = tpu.vector_load %arg6[%swap3A_165] {strides = array<i32>} : memref<640xf32, #tpu.memory_space<vmem>>, vector<16xf32>,
    %swap3A_167 = vector.shape_cast %swap3A_166 : vector<16xf32> to vector<16xf32>
    %swap3A_168 = vector.shape_cast %broadcast_in_dim3A_164 : vector<16xf32> to vector<16xf32>
    tpu.vector_store %arg6[%swap3A_165], %swap3A_168 {strides = array<i32>} : memref<640xf32, #tpu.memory_space<vmem>>, vector<16xf32>,
    %broadcast_in_dim3A_169 = arith.constant 0.000000e+00 : f32
    %broadcast_in_dim3A_170 = vector.broadcast %broadcast_in_dim3A_169 : f32 to vector<16xf32>
    %swap3A_171 = arith.constant 272 : index
    %swap3A_172 = tpu.vector_load %arg6[%swap3A_171] {strides = array<i32>} : memref<640xf32, #tpu.memory_space<vmem>>, vector<16xf32>,
    %swap3A_173 = vector.shape_cast %swap3A_172 : vector<16xf32> to vector<16xf32>
    %swap3A_174 = vector.shape_cast %broadcast_in_dim3A_170 : vector<16xf32> to vector<16xf32>
    tpu.vector_store %arg6[%swap3A_171], %swap3A_174 {strides = array<i32>} : memref<640xf32, #tpu.memory_space<vmem>>, vector<16xf32>,
    %broadcast_in_dim3A_175 = arith.constant 0.000000e+00 : f32
    %broadcast_in_dim3A_176 = vector.broadcast %broadcast_in_dim3A_175 : f32 to vector<16xf32>
    %swap3A_177 = arith.constant 288 : index
    %swap3A_178 = tpu.vector_load %arg6[%swap3A_177] {strides = array<i32>} : memref<640xf32, #tpu.memory_space<vmem>>, vector<16xf32>,
    %swap3A_179 = vector.shape_cast %swap3A_178 : vector<16xf32> to vector<16xf32>
    %swap3A_180 = vector.shape_cast %broadcast_in_dim3A_176 : vector<16xf32> to vector<16xf32>
    tpu.vector_store %arg6[%swap3A_177], %swap3A_180 {strides = array<i32>} : memref<640xf32, #tpu.memory_space<vmem>>, vector<16xf32>,
    %broadcast_in_dim3A_181 = arith.constant 0.000000e+00 : f32
    %broadcast_in_dim3A_182 = vector.broadcast %broadcast_in_dim3A_181 : f32 to vector<16xf32>
    %swap3A_183 = arith.constant 304 : index
    %swap3A_184 = tpu.vector_load %arg6[%swap3A_183] {strides = array<i32>} : memref<640xf32, #tpu.memory_space<vmem>>, vector<16xf32>,
    %swap3A_185 = vector.shape_cast %swap3A_184 : vector<16xf32> to vector<16xf32>
    %swap3A_186 = vector.shape_cast %broadcast_in_dim3A_182 : vector<16xf32> to vector<16xf32>
    tpu.vector_store %arg6[%swap3A_183], %swap3A_186 {strides = array<i32>} : memref<640xf32, #tpu.memory_space<vmem>>, vector<16xf32>,
    %broadcast_in_dim3A_187 = arith.constant 0.000000e+00 : f32
    %broadcast_in_dim3A_188 = vector.broadcast %broadcast_in_dim3A_187 : f32 to vector<16xf32>
    %swap3A_189 = arith.constant 320 : index
    %swap3A_190 = tpu.vector_load %arg6[%swap3A_189] {strides = array<i32>} : memref<640xf32, #tpu.memory_space<vmem>>, vector<16xf32>,
    %swap3A_191 = vector.shape_cast %swap3A_190 : vector<16xf32> to vector<16xf32>
    %swap3A_192 = vector.shape_cast %broadcast_in_dim3A_188 : vector<16xf32> to vector<16xf32>
    tpu.vector_store %arg6[%swap3A_189], %swap3A_192 {strides = array<i32>} : memref<640xf32, #tpu.memory_space<vmem>>, vector<16xf32>,
    %broadcast_in_dim3A_193 = arith.constant 0.000000e+00 : f32
    %broadcast_in_dim3A_194 = vector.broadcast %broadcast_in_dim3A_193 : f32 to vector<16xf32>
    %swap3A_195 = arith.constant 336 : index
    %swap3A_196 = tpu.vector_load %arg6[%swap3A_195] {strides = array<i32>} : memref<640xf32, #tpu.memory_space<vmem>>, vector<16xf32>,
    %swap3A_197 = vector.shape_cast %swap3A_196 : vector<16xf32> to vector<16xf32>
    %swap3A_198 = vector.shape_cast %broadcast_in_dim3A_194 : vector<16xf32> to vector<16xf32>
    tpu.vector_store %arg6[%swap3A_195], %swap3A_198 {strides = array<i32>} : memref<640xf32, #tpu.memory_space<vmem>>, vector<16xf32>,
    %broadcast_in_dim3A_199 = arith.constant 0.000000e+00 : f32
    %broadcast_in_dim3A_200 = vector.broadcast %broadcast_in_dim3A_199 : f32 to vector<16xf32>
    %swap3A_201 = arith.constant 352 : index
    %swap3A_202 = tpu.vector_load %arg6[%swap3A_201] {strides = array<i32>} : memref<640xf32, #tpu.memory_space<vmem>>, vector<16xf32>,
    %swap3A_203 = vector.shape_cast %swap3A_202 : vector<16xf32> to vector<16xf32>
    %swap3A_204 = vector.shape_cast %broadcast_in_dim3A_200 : vector<16xf32> to vector<16xf32>
    tpu.vector_store %arg6[%swap3A_201], %swap3A_204 {strides = array<i32>} : memref<640xf32, #tpu.memory_space<vmem>>, vector<16xf32>,
    %broadcast_in_dim3A_205 = arith.constant 0.000000e+00 : f32
    %broadcast_in_dim3A_206 = vector.broadcast %broadcast_in_dim3A_205 : f32 to vector<16xf32>
    %swap3A_207 = arith.constant 368 : index
    %swap3A_208 = tpu.vector_load %arg6[%swap3A_207] {strides = array<i32>} : memref<640xf32, #tpu.memory_space<vmem>>, vector<16xf32>,
    %swap3A_209 = vector.shape_cast %swap3A_208 : vector<16xf32> to vector<16xf32>
    %swap3A_210 = vector.shape_cast %broadcast_in_dim3A_206 : vector<16xf32> to vector<16xf32>
    tpu.vector_store %arg6[%swap3A_207], %swap3A_210 {strides = array<i32>} : memref<640xf32, #tpu.memory_space<vmem>>, vector<16xf32>,
    %broadcast_in_dim3A_211 = arith.constant 0.000000e+00 : f32
    %broadcast_in_dim3A_212 = vector.broadcast %broadcast_in_dim3A_211 : f32 to vector<16xf32>
    %swap3A_213 = arith.constant 384 : index
    %swap3A_214 = tpu.vector_load %arg6[%swap3A_213] {strides = array<i32>} : memref<640xf32, #tpu.memory_space<vmem>>, vector<16xf32>,
    %swap3A_215 = vector.shape_cast %swap3A_214 : vector<16xf32> to vector<16xf32>
    %swap3A_216 = vector.shape_cast %broadcast_in_dim3A_212 : vector<16xf32> to vector<16xf32>
    tpu.vector_store %arg6[%swap3A_213], %swap3A_216 {strides = array<i32>} : memref<640xf32, #tpu.memory_space<vmem>>, vector<16xf32>,
    %broadcast_in_dim3A_217 = arith.constant 0.000000e+00 : f32
    %broadcast_in_dim3A_218 = vector.broadcast %broadcast_in_dim3A_217 : f32 to vector<16xf32>
    %swap3A_219 = arith.constant 400 : index
    %swap3A_220 = tpu.vector_load %arg6[%swap3A_219] {strides = array<i32>} : memref<640xf32, #tpu.memory_space<vmem>>, vector<16xf32>,
    %swap3A_221 = vector.shape_cast %swap3A_220 : vector<16xf32> to vector<16xf32>
    %swap3A_222 = vector.shape_cast %broadcast_in_dim3A_218 : vector<16xf32> to vector<16xf32>
    tpu.vector_store %arg6[%swap3A_219], %swap3A_222 {strides = array<i32>} : memref<640xf32, #tpu.memory_space<vmem>>, vector<16xf32>,
    %broadcast_in_dim3A_223 = arith.constant 0.000000e+00 : f32
    %broadcast_in_dim3A_224 = vector.broadcast %broadcast_in_dim3A_223 : f32 to vector<16xf32>
    %swap3A_225 = arith.constant 416 : index
    %swap3A_226 = tpu.vector_load %arg6[%swap3A_225] {strides = array<i32>} : memref<640xf32, #tpu.memory_space<vmem>>, vector<16xf32>,
    %swap3A_227 = vector.shape_cast %swap3A_226 : vector<16xf32> to vector<16xf32>
    %swap3A_228 = vector.shape_cast %broadcast_in_dim3A_224 : vector<16xf32> to vector<16xf32>
    tpu.vector_store %arg6[%swap3A_225], %swap3A_228 {strides = array<i32>} : memref<640xf32, #tpu.memory_space<vmem>>, vector<16xf32>,
    %broadcast_in_dim3A_229 = arith.constant 0.000000e+00 : f32
    %broadcast_in_dim3A_230 = vector.broadcast %broadcast_in_dim3A_229 : f32 to vector<16xf32>
    %swap3A_231 = arith.constant 432 : index
    %swap3A_232 = tpu.vector_load %arg6[%swap3A_231] {strides = array<i32>} : memref<640xf32, #tpu.memory_space<vmem>>, vector<16xf32>,
    %swap3A_233 = vector.shape_cast %swap3A_232 : vector<16xf32> to vector<16xf32>
    %swap3A_234 = vector.shape_cast %broadcast_in_dim3A_230 : vector<16xf32> to vector<16xf32>
    tpu.vector_store %arg6[%swap3A_231], %swap3A_234 {strides = array<i32>} : memref<640xf32, #tpu.memory_space<vmem>>, vector<16xf32>,
    %broadcast_in_dim3A_235 = arith.constant 0.000000e+00 : f32
    %broadcast_in_dim3A_236 = vector.broadcast %broadcast_in_dim3A_235 : f32 to vector<16xf32>
    %swap3A_237 = arith.constant 448 : index
    %swap3A_238 = tpu.vector_load %arg6[%swap3A_237] {strides = array<i32>} : memref<640xf32, #tpu.memory_space<vmem>>, vector<16xf32>,
    %swap3A_239 = vector.shape_cast %swap3A_238 : vector<16xf32> to vector<16xf32>
    %swap3A_240 = vector.shape_cast %broadcast_in_dim3A_236 : vector<16xf32> to vector<16xf32>
    tpu.vector_store %arg6[%swap3A_237], %swap3A_240 {strides = array<i32>} : memref<640xf32, #tpu.memory_space<vmem>>, vector<16xf32>,
    %broadcast_in_dim3A_241 = arith.constant 0.000000e+00 : f32
    %broadcast_in_dim3A_242 = vector.broadcast %broadcast_in_dim3A_241 : f32 to vector<16xf32>
    %swap3A_243 = arith.constant 464 : index
    %swap3A_244 = tpu.vector_load %arg6[%swap3A_243] {strides = array<i32>} : memref<640xf32, #tpu.memory_space<vmem>>, vector<16xf32>,
    %swap3A_245 = vector.shape_cast %swap3A_244 : vector<16xf32> to vector<16xf32>
    %swap3A_246 = vector.shape_cast %broadcast_in_dim3A_242 : vector<16xf32> to vector<16xf32>
    tpu.vector_store %arg6[%swap3A_243], %swap3A_246 {strides = array<i32>} : memref<640xf32, #tpu.memory_space<vmem>>, vector<16xf32>,
    %broadcast_in_dim3A_247 = arith.constant 0.000000e+00 : f32
    %broadcast_in_dim3A_248 = vector.broadcast %broadcast_in_dim3A_247 : f32 to vector<16xf32>
    %swap3A_249 = arith.constant 480 : index
    %swap3A_250 = tpu.vector_load %arg6[%swap3A_249] {strides = array<i32>} : memref<640xf32, #tpu.memory_space<vmem>>, vector<16xf32>,
    %swap3A_251 = vector.shape_cast %swap3A_250 : vector<16xf32> to vector<16xf32>
    %swap3A_252 = vector.shape_cast %broadcast_in_dim3A_248 : vector<16xf32> to vector<16xf32>
    tpu.vector_store %arg6[%swap3A_249], %swap3A_252 {strides = array<i32>} : memref<640xf32, #tpu.memory_space<vmem>>, vector<16xf32>,
    %broadcast_in_dim3A_253 = arith.constant 0.000000e+00 : f32
    %broadcast_in_dim3A_254 = vector.broadcast %broadcast_in_dim3A_253 : f32 to vector<16xf32>
    %swap3A_255 = arith.constant 496 : index
    %swap3A_256 = tpu.vector_load %arg6[%swap3A_255] {strides = array<i32>} : memref<640xf32, #tpu.memory_space<vmem>>, vector<16xf32>,
    %swap3A_257 = vector.shape_cast %swap3A_256 : vector<16xf32> to vector<16xf32>
    %swap3A_258 = vector.shape_cast %broadcast_in_dim3A_254 : vector<16xf32> to vector<16xf32>
    tpu.vector_store %arg6[%swap3A_255], %swap3A_258 {strides = array<i32>} : memref<640xf32, #tpu.memory_space<vmem>>, vector<16xf32>,
    %broadcast_in_dim3A_259 = arith.constant 0.000000e+00 : f32
    %broadcast_in_dim3A_260 = vector.broadcast %broadcast_in_dim3A_259 : f32 to vector<16xf32>
    %swap3A_261 = arith.constant 512 : index
    %swap3A_262 = tpu.vector_load %arg6[%swap3A_261] {strides = array<i32>} : memref<640xf32, #tpu.memory_space<vmem>>, vector<16xf32>,
    %swap3A_263 = vector.shape_cast %swap3A_262 : vector<16xf32> to vector<16xf32>
    %swap3A_264 = vector.shape_cast %broadcast_in_dim3A_260 : vector<16xf32> to vector<16xf32>
    tpu.vector_store %arg6[%swap3A_261], %swap3A_264 {strides = array<i32>} : memref<640xf32, #tpu.memory_space<vmem>>, vector<16xf32>,
    %broadcast_in_dim3A_265 = arith.constant 0.000000e+00 : f32
    %broadcast_in_dim3A_266 = vector.broadcast %broadcast_in_dim3A_265 : f32 to vector<16xf32>
    %swap3A_267 = arith.constant 528 : index
    %swap3A_268 = tpu.vector_load %arg6[%swap3A_267] {strides = array<i32>} : memref<640xf32, #tpu.memory_space<vmem>>, vector<16xf32>,
    %swap3A_269 = vector.shape_cast %swap3A_268 : vector<16xf32> to vector<16xf32>
    %swap3A_270 = vector.shape_cast %broadcast_in_dim3A_266 : vector<16xf32> to vector<16xf32>
    tpu.vector_store %arg6[%swap3A_267], %swap3A_270 {strides = array<i32>} : memref<640xf32, #tpu.memory_space<vmem>>, vector<16xf32>,
    %broadcast_in_dim3A_271 = arith.constant 0.000000e+00 : f32
    %broadcast_in_dim3A_272 = vector.broadcast %broadcast_in_dim3A_271 : f32 to vector<16xf32>
    %swap3A_273 = arith.constant 544 : index
    %swap3A_274 = tpu.vector_load %arg6[%swap3A_273] {strides = array<i32>} : memref<640xf32, #tpu.memory_space<vmem>>, vector<16xf32>,
    %swap3A_275 = vector.shape_cast %swap3A_274 : vector<16xf32> to vector<16xf32>
    %swap3A_276 = vector.shape_cast %broadcast_in_dim3A_272 : vector<16xf32> to vector<16xf32>
    tpu.vector_store %arg6[%swap3A_273], %swap3A_276 {strides = array<i32>} : memref<640xf32, #tpu.memory_space<vmem>>, vector<16xf32>,
    %broadcast_in_dim3A_277 = arith.constant 0.000000e+00 : f32
    %broadcast_in_dim3A_278 = vector.broadcast %broadcast_in_dim3A_277 : f32 to vector<16xf32>
    %swap3A_279 = arith.constant 560 : index
    %swap3A_280 = tpu.vector_load %arg6[%swap3A_279] {strides = array<i32>} : memref<640xf32, #tpu.memory_space<vmem>>, vector<16xf32>,
    %swap3A_281 = vector.shape_cast %swap3A_280 : vector<16xf32> to vector<16xf32>
    %swap3A_282 = vector.shape_cast %broadcast_in_dim3A_278 : vector<16xf32> to vector<16xf32>
    tpu.vector_store %arg6[%swap3A_279], %swap3A_282 {strides = array<i32>} : memref<640xf32, #tpu.memory_space<vmem>>, vector<16xf32>,
    %broadcast_in_dim3A_283 = arith.constant 0.000000e+00 : f32
    %broadcast_in_dim3A_284 = vector.broadcast %broadcast_in_dim3A_283 : f32 to vector<16xf32>
    %swap3A_285 = arith.constant 576 : index
    %swap3A_286 = tpu.vector_load %arg6[%swap3A_285] {strides = array<i32>} : memref<640xf32, #tpu.memory_space<vmem>>, vector<16xf32>,
    %swap3A_287 = vector.shape_cast %swap3A_286 : vector<16xf32> to vector<16xf32>
    %swap3A_288 = vector.shape_cast %broadcast_in_dim3A_284 : vector<16xf32> to vector<16xf32>
    tpu.vector_store %arg6[%swap3A_285], %swap3A_288 {strides = array<i32>} : memref<640xf32, #tpu.memory_space<vmem>>, vector<16xf32>,
    %broadcast_in_dim3A_289 = arith.constant 0.000000e+00 : f32
    %broadcast_in_dim3A_290 = vector.broadcast %broadcast_in_dim3A_289 : f32 to vector<16xf32>
    %swap3A_291 = arith.constant 592 : index
    %swap3A_292 = tpu.vector_load %arg6[%swap3A_291] {strides = array<i32>} : memref<640xf32, #tpu.memory_space<vmem>>, vector<16xf32>,
    %swap3A_293 = vector.shape_cast %swap3A_292 : vector<16xf32> to vector<16xf32>
    %swap3A_294 = vector.shape_cast %broadcast_in_dim3A_290 : vector<16xf32> to vector<16xf32>
    tpu.vector_store %arg6[%swap3A_291], %swap3A_294 {strides = array<i32>} : memref<640xf32, #tpu.memory_space<vmem>>, vector<16xf32>,
    %broadcast_in_dim3A_295 = arith.constant 0.000000e+00 : f32
    %broadcast_in_dim3A_296 = vector.broadcast %broadcast_in_dim3A_295 : f32 to vector<16xf32>
    %swap3A_297 = arith.constant 608 : index
    %swap3A_298 = tpu.vector_load %arg6[%swap3A_297] {strides = array<i32>} : memref<640xf32, #tpu.memory_space<vmem>>, vector<16xf32>,
    %swap3A_299 = vector.shape_cast %swap3A_298 : vector<16xf32> to vector<16xf32>
    %swap3A_300 = vector.shape_cast %broadcast_in_dim3A_296 : vector<16xf32> to vector<16xf32>
    tpu.vector_store %arg6[%swap3A_297], %swap3A_300 {strides = array<i32>} : memref<640xf32, #tpu.memory_space<vmem>>, vector<16xf32>,
    %broadcast_in_dim3A_301 = arith.constant 0.000000e+00 : f32
    %broadcast_in_dim3A_302 = vector.broadcast %broadcast_in_dim3A_301 : f32 to vector<16xf32>
    %swap3A_303 = arith.constant 624 : index
    %swap3A_304 = tpu.vector_load %arg6[%swap3A_303] {strides = array<i32>} : memref<640xf32, #tpu.memory_space<vmem>>, vector<16xf32>,
    %swap3A_305 = vector.shape_cast %swap3A_304 : vector<16xf32> to vector<16xf32>
    %swap3A_306 = vector.shape_cast %broadcast_in_dim3A_302 : vector<16xf32> to vector<16xf32>
    tpu.vector_store %arg6[%swap3A_303], %swap3A_306 {strides = array<i32>} : memref<640xf32, #tpu.memory_space<vmem>>, vector<16xf32>,
    %mul3A_307 = arith.constant 640 : i32
    %mul3A_308 = arith.muli %arg1, %mul3A_307 : i32
    "tpu.region"() ({
      %run_scoped3A = tpu.sem_alloc : memref<!tpu.dma_semaphore, #tpu.memory_space<semaphore_mem>>
      %dma_start3A = tpu.memref_slice %arg7[%mul3A_308] : memref<10240xf32, #tpu.memory_space<vmem_shared>> -> memref<640xf32, #tpu.memory_space<vmem_shared>>
      %dma_start3A_351 = tpu.memref_slice %arg7[%mul3A_308] : memref<10240xf32, #tpu.memory_space<vmem_shared>> -> memref<640xf32, #tpu.memory_space<vmem_shared>>
      tpu.enqueue_dma source(%arg6 : memref<640xf32, #tpu.memory_space<vmem>>) target(%dma_start3A_351 : memref<640xf32, #tpu.memory_space<vmem_shared>>) target_semaphore(%run_scoped3A : memref<!tpu.dma_semaphore, #tpu.memory_space<semaphore_mem>>)
      %dma_wait3A = tpu.memref_slice %arg7[%mul3A_308] : memref<10240xf32, #tpu.memory_space<vmem_shared>> -> memref<640xf32, #tpu.memory_space<vmem_shared>>
      %dma_wait3A_352 = tpu.memref_slice %arg7[%mul3A_308] : memref<10240xf32, #tpu.memory_space<vmem_shared>> -> memref<640xf32, #tpu.memory_space<vmem_shared>>
      tpu.wait_dma2 semaphore(%run_scoped3A : memref<!tpu.dma_semaphore, #tpu.memory_space<semaphore_mem>>) src(%arg6 : memref<640xf32, #tpu.memory_space<vmem>>) dst(%dma_wait3A_352 : memref<640xf32, #tpu.memory_space<vmem_shared>>)
      tpu.yield
    }) : () -> ()
    %gt3A = arith.constant 0 : i32
    %gt3A_309 = arith.cmpi sgt, %select_n3A, %gt3A : i32
    %convert_element_type3A_310 = arith.extui %gt3A_309 : i1 to i32
    %cond3A = arith.constant 0 : i32
    %cond3A_311 = arith.cmpi ne, %convert_element_type3A_310, %cond3A : i32
    scf.if %cond3A_311 {
      %add3A_351 = arith.constant 0 : i32
      %add3A_352 = arith.addi %select_n3A_20, %add3A_351 : i32
      %dma_start3A = arith.constant 1 : i32
      %dma_start3A_353 = arith.constant 0 : i32
      %dma_start3A_354 = arith.constant 0 : i32
      %dma_start3A_355 = arith.constant 0 : i32
      %dma_start3A_356 = arith.constant 0 : i32
      %dma_start3A_357 = tpu.memref_slice %arg4[%dma_start3A_353, %dma_start3A_355, %dma_start3A_356] : memref<5x1x128xi32, #tpu.memory_space<vmem>> -> memref<1x1x128xi32, #tpu.memory_space<vmem>>
      %dma_start3A_358 = tpu.memref_squeeze %dma_start3A_357 : memref<1x1x128xi32, #tpu.memory_space<vmem>> -> memref<1x128xi32, #tpu.memory_space<vmem>>
      %dma_start3A_359 = arith.constant 0 : i32
      %dma_start3A_360 = arith.constant 0 : i32
      %dma_start3A_361 = tpu.memref_slice %arg2[%add3A_352, %dma_start3A, %dma_start3A_359, %dma_start3A_360] : memref<2500x2x1x128xi32, #tpu.memory_space<hbm>> -> memref<1x1x1x128xi32, #tpu.memory_space<hbm>>
      %dma_start3A_362 = tpu.memref_squeeze %dma_start3A_361 : memref<1x1x1x128xi32, #tpu.memory_space<hbm>> -> memref<1x128xi32, #tpu.memory_space<hbm>>
      %dma_start3A_363 = tpu.memref_slice %arg8[%dma_start3A_354] : memref<5x!tpu.dma_semaphore, #tpu.memory_space<semaphore_mem>> -> memref<1x!tpu.dma_semaphore, #tpu.memory_space<semaphore_mem>>
      %dma_start3A_364 = tpu.memref_squeeze %dma_start3A_363 : memref<1x!tpu.dma_semaphore, #tpu.memory_space<semaphore_mem>> -> memref<!tpu.dma_semaphore, #tpu.memory_space<semaphore_mem>>
      %dma_start3A_365 = arith.constant 0 : i32
      %dma_start3A_366 = arith.constant 0 : i32
      %dma_start3A_367 = tpu.memref_slice %arg4[%dma_start3A_353, %dma_start3A_365, %dma_start3A_366] : memref<5x1x128xi32, #tpu.memory_space<vmem>> -> memref<1x1x128xi32, #tpu.memory_space<vmem>>
      %dma_start3A_368 = tpu.memref_squeeze %dma_start3A_367 : memref<1x1x128xi32, #tpu.memory_space<vmem>> -> memref<1x128xi32, #tpu.memory_space<vmem>>
      %dma_start3A_369 = arith.constant 0 : i32
      %dma_start3A_370 = arith.constant 0 : i32
      %dma_start3A_371 = tpu.memref_slice %arg2[%add3A_352, %dma_start3A, %dma_start3A_369, %dma_start3A_370] : memref<2500x2x1x128xi32, #tpu.memory_space<hbm>> -> memref<1x1x1x128xi32, #tpu.memory_space<hbm>>
      %dma_start3A_372 = tpu.memref_squeeze %dma_start3A_371 : memref<1x1x1x128xi32, #tpu.memory_space<hbm>> -> memref<1x128xi32, #tpu.memory_space<hbm>>
      tpu.enqueue_dma source(%dma_start3A_372 : memref<1x128xi32, #tpu.memory_space<hbm>>) target(%dma_start3A_368 : memref<1x128xi32, #tpu.memory_space<vmem>>) target_semaphore(%dma_start3A_364 : memref<!tpu.dma_semaphore, #tpu.memory_space<semaphore_mem>>)
    } else {
    }
    %gt3A_312 = arith.constant 1 : i32
    %gt3A_313 = arith.cmpi sgt, %select_n3A, %gt3A_312 : i32
    %convert_element_type3A_314 = arith.extui %gt3A_313 : i1 to i32
    %cond3A_315 = arith.constant 0 : i32
    %cond3A_316 = arith.cmpi ne, %convert_element_type3A_314, %cond3A_315 : i32
    scf.if %cond3A_316 {
      %add3A_351 = arith.constant 1 : i32
      %add3A_352 = arith.addi %select_n3A_20, %add3A_351 : i32
      %dma_start3A = arith.constant 1 : i32
      %dma_start3A_353 = arith.constant 1 : i32
      %dma_start3A_354 = arith.constant 1 : i32
      %dma_start3A_355 = arith.constant 0 : i32
      %dma_start3A_356 = arith.constant 0 : i32
      %dma_start3A_357 = tpu.memref_slice %arg4[%dma_start3A_353, %dma_start3A_355, %dma_start3A_356] : memref<5x1x128xi32, #tpu.memory_space<vmem>> -> memref<1x1x128xi32, #tpu.memory_space<vmem>>
      %dma_start3A_358 = tpu.memref_squeeze %dma_start3A_357 : memref<1x1x128xi32, #tpu.memory_space<vmem>> -> memref<1x128xi32, #tpu.memory_space<vmem>>
      %dma_start3A_359 = arith.constant 0 : i32
      %dma_start3A_360 = arith.constant 0 : i32
      %dma_start3A_361 = tpu.memref_slice %arg2[%add3A_352, %dma_start3A, %dma_start3A_359, %dma_start3A_360] : memref<2500x2x1x128xi32, #tpu.memory_space<hbm>> -> memref<1x1x1x128xi32, #tpu.memory_space<hbm>>
      %dma_start3A_362 = tpu.memref_squeeze %dma_start3A_361 : memref<1x1x1x128xi32, #tpu.memory_space<hbm>> -> memref<1x128xi32, #tpu.memory_space<hbm>>
      %dma_start3A_363 = tpu.memref_slice %arg8[%dma_start3A_354] : memref<5x!tpu.dma_semaphore, #tpu.memory_space<semaphore_mem>> -> memref<1x!tpu.dma_semaphore, #tpu.memory_space<semaphore_mem>>
      %dma_start3A_364 = tpu.memref_squeeze %dma_start3A_363 : memref<1x!tpu.dma_semaphore, #tpu.memory_space<semaphore_mem>> -> memref<!tpu.dma_semaphore, #tpu.memory_space<semaphore_mem>>
      %dma_start3A_365 = arith.constant 0 : i32
      %dma_start3A_366 = arith.constant 0 : i32
      %dma_start3A_367 = tpu.memref_slice %arg4[%dma_start3A_353, %dma_start3A_365, %dma_start3A_366] : memref<5x1x128xi32, #tpu.memory_space<vmem>> -> memref<1x1x128xi32, #tpu.memory_space<vmem>>
      %dma_start3A_368 = tpu.memref_squeeze %dma_start3A_367 : memref<1x1x128xi32, #tpu.memory_space<vmem>> -> memref<1x128xi32, #tpu.memory_space<vmem>>
      %dma_start3A_369 = arith.constant 0 : i32
      %dma_start3A_370 = arith.constant 0 : i32
      %dma_start3A_371 = tpu.memref_slice %arg2[%add3A_352, %dma_start3A, %dma_start3A_369, %dma_start3A_370] : memref<2500x2x1x128xi32, #tpu.memory_space<hbm>> -> memref<1x1x1x128xi32, #tpu.memory_space<hbm>>
      %dma_start3A_372 = tpu.memref_squeeze %dma_start3A_371 : memref<1x1x1x128xi32, #tpu.memory_space<hbm>> -> memref<1x128xi32, #tpu.memory_space<hbm>>
      tpu.enqueue_dma source(%dma_start3A_372 : memref<1x128xi32, #tpu.memory_space<hbm>>) target(%dma_start3A_368 : memref<1x128xi32, #tpu.memory_space<vmem>>) target_semaphore(%dma_start3A_364 : memref<!tpu.dma_semaphore, #tpu.memory_space<semaphore_mem>>)
    } else {
    }
    %gt3A_317 = arith.constant 2 : i32
    %gt3A_318 = arith.cmpi sgt, %select_n3A, %gt3A_317 : i32
    %convert_element_type3A_319 = arith.extui %gt3A_318 : i1 to i32
    %cond3A_320 = arith.constant 0 : i32
    %cond3A_321 = arith.cmpi ne, %convert_element_type3A_319, %cond3A_320 : i32
    scf.if %cond3A_321 {
      %add3A_351 = arith.constant 2 : i32
      %add3A_352 = arith.addi %select_n3A_20, %add3A_351 : i32
      %dma_start3A = arith.constant 1 : i32
      %dma_start3A_353 = arith.constant 2 : i32
      %dma_start3A_354 = arith.constant 2 : i32
      %dma_start3A_355 = arith.constant 0 : i32
      %dma_start3A_356 = arith.constant 0 : i32
      %dma_start3A_357 = tpu.memref_slice %arg4[%dma_start3A_353, %dma_start3A_355, %dma_start3A_356] : memref<5x1x128xi32, #tpu.memory_space<vmem>> -> memref<1x1x128xi32, #tpu.memory_space<vmem>>
      %dma_start3A_358 = tpu.memref_squeeze %dma_start3A_357 : memref<1x1x128xi32, #tpu.memory_space<vmem>> -> memref<1x128xi32, #tpu.memory_space<vmem>>
      %dma_start3A_359 = arith.constant 0 : i32
      %dma_start3A_360 = arith.constant 0 : i32
      %dma_start3A_361 = tpu.memref_slice %arg2[%add3A_352, %dma_start3A, %dma_start3A_359, %dma_start3A_360] : memref<2500x2x1x128xi32, #tpu.memory_space<hbm>> -> memref<1x1x1x128xi32, #tpu.memory_space<hbm>>
      %dma_start3A_362 = tpu.memref_squeeze %dma_start3A_361 : memref<1x1x1x128xi32, #tpu.memory_space<hbm>> -> memref<1x128xi32, #tpu.memory_space<hbm>>
      %dma_start3A_363 = tpu.memref_slice %arg8[%dma_start3A_354] : memref<5x!tpu.dma_semaphore, #tpu.memory_space<semaphore_mem>> -> memref<1x!tpu.dma_semaphore, #tpu.memory_space<semaphore_mem>>
      %dma_start3A_364 = tpu.memref_squeeze %dma_start3A_363 : memref<1x!tpu.dma_semaphore, #tpu.memory_space<semaphore_mem>> -> memref<!tpu.dma_semaphore, #tpu.memory_space<semaphore_mem>>
      %dma_start3A_365 = arith.constant 0 : i32
      %dma_start3A_366 = arith.constant 0 : i32
      %dma_start3A_367 = tpu.memref_slice %arg4[%dma_start3A_353, %dma_start3A_365, %dma_start3A_366] : memref<5x1x128xi32, #tpu.memory_space<vmem>> -> memref<1x1x128xi32, #tpu.memory_space<vmem>>
      %dma_start3A_368 = tpu.memref_squeeze %dma_start3A_367 : memref<1x1x128xi32, #tpu.memory_space<vmem>> -> memref<1x128xi32, #tpu.memory_space<vmem>>
      %dma_start3A_369 = arith.constant 0 : i32
      %dma_start3A_370 = arith.constant 0 : i32
      %dma_start3A_371 = tpu.memref_slice %arg2[%add3A_352, %dma_start3A, %dma_start3A_369, %dma_start3A_370] : memref<2500x2x1x128xi32, #tpu.memory_space<hbm>> -> memref<1x1x1x128xi32, #tpu.memory_space<hbm>>
      %dma_start3A_372 = tpu.memref_squeeze %dma_start3A_371 : memref<1x1x1x128xi32, #tpu.memory_space<hbm>> -> memref<1x128xi32, #tpu.memory_space<hbm>>
      tpu.enqueue_dma source(%dma_start3A_372 : memref<1x128xi32, #tpu.memory_space<hbm>>) target(%dma_start3A_368 : memref<1x128xi32, #tpu.memory_space<vmem>>) target_semaphore(%dma_start3A_364 : memref<!tpu.dma_semaphore, #tpu.memory_space<semaphore_mem>>)
    } else {
    }
    %gt3A_322 = arith.constant 3 : i32
    %gt3A_323 = arith.cmpi sgt, %select_n3A, %gt3A_322 : i32
    %convert_element_type3A_324 = arith.extui %gt3A_323 : i1 to i32
    %cond3A_325 = arith.constant 0 : i32
    %cond3A_326 = arith.cmpi ne, %convert_element_type3A_324, %cond3A_325 : i32
    scf.if %cond3A_326 {
      %add3A_351 = arith.constant 3 : i32
      %add3A_352 = arith.addi %select_n3A_20, %add3A_351 : i32
      %dma_start3A = arith.constant 1 : i32
      %dma_start3A_353 = arith.constant 3 : i32
      %dma_start3A_354 = arith.constant 3 : i32
      %dma_start3A_355 = arith.constant 0 : i32
      %dma_start3A_356 = arith.constant 0 : i32
      %dma_start3A_357 = tpu.memref_slice %arg4[%dma_start3A_353, %dma_start3A_355, %dma_start3A_356] : memref<5x1x128xi32, #tpu.memory_space<vmem>> -> memref<1x1x128xi32, #tpu.memory_space<vmem>>
      %dma_start3A_358 = tpu.memref_squeeze %dma_start3A_357 : memref<1x1x128xi32, #tpu.memory_space<vmem>> -> memref<1x128xi32, #tpu.memory_space<vmem>>
      %dma_start3A_359 = arith.constant 0 : i32
      %dma_start3A_360 = arith.constant 0 : i32
      %dma_start3A_361 = tpu.memref_slice %arg2[%add3A_352, %dma_start3A, %dma_start3A_359, %dma_start3A_360] : memref<2500x2x1x128xi32, #tpu.memory_space<hbm>> -> memref<1x1x1x128xi32, #tpu.memory_space<hbm>>
      %dma_start3A_362 = tpu.memref_squeeze %dma_start3A_361 : memref<1x1x1x128xi32, #tpu.memory_space<hbm>> -> memref<1x128xi32, #tpu.memory_space<hbm>>
      %dma_start3A_363 = tpu.memref_slice %arg8[%dma_start3A_354] : memref<5x!tpu.dma_semaphore, #tpu.memory_space<semaphore_mem>> -> memref<1x!tpu.dma_semaphore, #tpu.memory_space<semaphore_mem>>
      %dma_start3A_364 = tpu.memref_squeeze %dma_start3A_363 : memref<1x!tpu.dma_semaphore, #tpu.memory_space<semaphore_mem>> -> memref<!tpu.dma_semaphore, #tpu.memory_space<semaphore_mem>>
      %dma_start3A_365 = arith.constant 0 : i32
      %dma_start3A_366 = arith.constant 0 : i32
      %dma_start3A_367 = tpu.memref_slice %arg4[%dma_start3A_353, %dma_start3A_365, %dma_start3A_366] : memref<5x1x128xi32, #tpu.memory_space<vmem>> -> memref<1x1x128xi32, #tpu.memory_space<vmem>>
      %dma_start3A_368 = tpu.memref_squeeze %dma_start3A_367 : memref<1x1x128xi32, #tpu.memory_space<vmem>> -> memref<1x128xi32, #tpu.memory_space<vmem>>
      %dma_start3A_369 = arith.constant 0 : i32
      %dma_start3A_370 = arith.constant 0 : i32
      %dma_start3A_371 = tpu.memref_slice %arg2[%add3A_352, %dma_start3A, %dma_start3A_369, %dma_start3A_370] : memref<2500x2x1x128xi32, #tpu.memory_space<hbm>> -> memref<1x1x1x128xi32, #tpu.memory_space<hbm>>
      %dma_start3A_372 = tpu.memref_squeeze %dma_start3A_371 : memref<1x1x1x128xi32, #tpu.memory_space<hbm>> -> memref<1x128xi32, #tpu.memory_space<hbm>>
      tpu.enqueue_dma source(%dma_start3A_372 : memref<1x128xi32, #tpu.memory_space<hbm>>) target(%dma_start3A_368 : memref<1x128xi32, #tpu.memory_space<vmem>>) target_semaphore(%dma_start3A_364 : memref<!tpu.dma_semaphore, #tpu.memory_space<semaphore_mem>>)
    } else {
    }
    %gt3A_327 = arith.constant 4 : i32
    %gt3A_328 = arith.cmpi sgt, %select_n3A, %gt3A_327 : i32
    %convert_element_type3A_329 = arith.extui %gt3A_328 : i1 to i32
    %cond3A_330 = arith.constant 0 : i32
    %cond3A_331 = arith.cmpi ne, %convert_element_type3A_329, %cond3A_330 : i32
    scf.if %cond3A_331 {
      %add3A_351 = arith.constant 4 : i32
      %add3A_352 = arith.addi %select_n3A_20, %add3A_351 : i32
      %dma_start3A = arith.constant 1 : i32
      %dma_start3A_353 = arith.constant 4 : i32
      %dma_start3A_354 = arith.constant 4 : i32
      %dma_start3A_355 = arith.constant 0 : i32
      %dma_start3A_356 = arith.constant 0 : i32
      %dma_start3A_357 = tpu.memref_slice %arg4[%dma_start3A_353, %dma_start3A_355, %dma_start3A_356] : memref<5x1x128xi32, #tpu.memory_space<vmem>> -> memref<1x1x128xi32, #tpu.memory_space<vmem>>
      %dma_start3A_358 = tpu.memref_squeeze %dma_start3A_357 : memref<1x1x128xi32, #tpu.memory_space<vmem>> -> memref<1x128xi32, #tpu.memory_space<vmem>>
      %dma_start3A_359 = arith.constant 0 : i32
      %dma_start3A_360 = arith.constant 0 : i32
      %dma_start3A_361 = tpu.memref_slice %arg2[%add3A_352, %dma_start3A, %dma_start3A_359, %dma_start3A_360] : memref<2500x2x1x128xi32, #tpu.memory_space<hbm>> -> memref<1x1x1x128xi32, #tpu.memory_space<hbm>>
      %dma_start3A_362 = tpu.memref_squeeze %dma_start3A_361 : memref<1x1x1x128xi32, #tpu.memory_space<hbm>> -> memref<1x128xi32, #tpu.memory_space<hbm>>
      %dma_start3A_363 = tpu.memref_slice %arg8[%dma_start3A_354] : memref<5x!tpu.dma_semaphore, #tpu.memory_space<semaphore_mem>> -> memref<1x!tpu.dma_semaphore, #tpu.memory_space<semaphore_mem>>
      %dma_start3A_364 = tpu.memref_squeeze %dma_start3A_363 : memref<1x!tpu.dma_semaphore, #tpu.memory_space<semaphore_mem>> -> memref<!tpu.dma_semaphore, #tpu.memory_space<semaphore_mem>>
      %dma_start3A_365 = arith.constant 0 : i32
      %dma_start3A_366 = arith.constant 0 : i32
      %dma_start3A_367 = tpu.memref_slice %arg4[%dma_start3A_353, %dma_start3A_365, %dma_start3A_366] : memref<5x1x128xi32, #tpu.memory_space<vmem>> -> memref<1x1x128xi32, #tpu.memory_space<vmem>>
      %dma_start3A_368 = tpu.memref_squeeze %dma_start3A_367 : memref<1x1x128xi32, #tpu.memory_space<vmem>> -> memref<1x128xi32, #tpu.memory_space<vmem>>
      %dma_start3A_369 = arith.constant 0 : i32
      %dma_start3A_370 = arith.constant 0 : i32
      %dma_start3A_371 = tpu.memref_slice %arg2[%add3A_352, %dma_start3A, %dma_start3A_369, %dma_start3A_370] : memref<2500x2x1x128xi32, #tpu.memory_space<hbm>> -> memref<1x1x1x128xi32, #tpu.memory_space<hbm>>
      %dma_start3A_372 = tpu.memref_squeeze %dma_start3A_371 : memref<1x1x1x128xi32, #tpu.memory_space<hbm>> -> memref<1x128xi32, #tpu.memory_space<hbm>>
      tpu.enqueue_dma source(%dma_start3A_372 : memref<1x128xi32, #tpu.memory_space<hbm>>) target(%dma_start3A_368 : memref<1x128xi32, #tpu.memory_space<vmem>>) target_semaphore(%dma_start3A_364 : memref<!tpu.dma_semaphore, #tpu.memory_space<semaphore_mem>>)
    } else {
    }
    %barrier3A = arith.constant 0 : index
    tpu.barrier barrier_id(%barrier3A)
    %while3A = arith.constant 0 : i32
    %while3A_332 = arith.constant 0 : i32
    %while3A_333 = arith.subi %select_n3A, %while3A_332 : i32
    %while3A_334 = arith.addi %while3A_332, %while3A_333 : i32
    %while3A_335 = arith.constant 1 : i32
    %while3A_336 = arith.divsi %while3A_333, %while3A_335 : i32
    %while3A_337 = arith.muli %while3A_336, %while3A_335 : i32
    %while3A_338 = arith.addi %while3A_332, %while3A_337 : i32
    %while3A_339 = arith.constant 1 : i32
    scf.for %while3A_351 = %while3A_332 to %while3A_338 step %while3A_339  : i32 {
      %rem3A = arith.constant 5 : i32
      %rem3A_352 = arith.remsi %while3A_351, %rem3A : i32
      %rem3A_353 = arith.constant 2 : i32
      %rem3A_354 = arith.remsi %while3A_351, %rem3A_353 : i32
      %add3A_355 = arith.addi %select_n3A_20, %while3A_351 : i32
      %dma_wait3A = arith.constant 1 : i32
      %dma_wait3A_356 = arith.constant 0 : i32
      %dma_wait3A_357 = arith.constant 0 : i32
      %dma_wait3A_358 = tpu.memref_slice %arg4[%rem3A_352, %dma_wait3A_356, %dma_wait3A_357] : memref<5x1x128xi32, #tpu.memory_space<vmem>> -> memref<1x1x128xi32, #tpu.memory_space<vmem>>
      %dma_wait3A_359 = tpu.memref_squeeze %dma_wait3A_358 : memref<1x1x128xi32, #tpu.memory_space<vmem>> -> memref<1x128xi32, #tpu.memory_space<vmem>>
      %dma_wait3A_360 = arith.constant 0 : i32
      %dma_wait3A_361 = arith.constant 0 : i32
      %dma_wait3A_362 = tpu.memref_slice %arg2[%add3A_355, %dma_wait3A, %dma_wait3A_360, %dma_wait3A_361] : memref<2500x2x1x128xi32, #tpu.memory_space<hbm>> -> memref<1x1x1x128xi32, #tpu.memory_space<hbm>>
      %dma_wait3A_363 = tpu.memref_squeeze %dma_wait3A_362 : memref<1x1x1x128xi32, #tpu.memory_space<hbm>> -> memref<1x128xi32, #tpu.memory_space<hbm>>
      %dma_wait3A_364 = tpu.memref_slice %arg8[%rem3A_352] : memref<5x!tpu.dma_semaphore, #tpu.memory_space<semaphore_mem>> -> memref<1x!tpu.dma_semaphore, #tpu.memory_space<semaphore_mem>>
      %dma_wait3A_365 = tpu.memref_squeeze %dma_wait3A_364 : memref<1x!tpu.dma_semaphore, #tpu.memory_space<semaphore_mem>> -> memref<!tpu.dma_semaphore, #tpu.memory_space<semaphore_mem>>
      %dma_wait3A_366 = arith.constant 0 : i32
      %dma_wait3A_367 = arith.constant 0 : i32
      %dma_wait3A_368 = tpu.memref_slice %arg4[%rem3A_352, %dma_wait3A_366, %dma_wait3A_367] : memref<5x1x128xi32, #tpu.memory_space<vmem>> -> memref<1x1x128xi32, #tpu.memory_space<vmem>>
      %dma_wait3A_369 = tpu.memref_squeeze %dma_wait3A_368 : memref<1x1x128xi32, #tpu.memory_space<vmem>> -> memref<1x128xi32, #tpu.memory_space<vmem>>
      %dma_wait3A_370 = arith.constant 0 : i32
      %dma_wait3A_371 = arith.constant 0 : i32
      %dma_wait3A_372 = tpu.memref_slice %arg2[%add3A_355, %dma_wait3A, %dma_wait3A_370, %dma_wait3A_371] : memref<2500x2x1x128xi32, #tpu.memory_space<hbm>> -> memref<1x1x1x128xi32, #tpu.memory_space<hbm>>
      %dma_wait3A_373 = tpu.memref_squeeze %dma_wait3A_372 : memref<1x1x1x128xi32, #tpu.memory_space<hbm>> -> memref<1x128xi32, #tpu.memory_space<hbm>>
      tpu.wait_dma2 semaphore(%dma_wait3A_365 : memref<!tpu.dma_semaphore, #tpu.memory_space<semaphore_mem>>) src(%dma_wait3A_373 : memref<1x128xi32, #tpu.memory_space<hbm>>) dst(%dma_wait3A_369 : memref<1x128xi32, #tpu.memory_space<vmem>>)
      %dma_start3A = arith.constant 0 : i32
      %dma_start3A_374 = arith.constant 0 : i32
      %dma_start3A_375 = tpu.memref_slice %arg4[%rem3A_352, %dma_start3A, %dma_start3A_374] : memref<5x1x128xi32, #tpu.memory_space<vmem>> -> memref<1x1x128xi32, #tpu.memory_space<vmem>>
      %dma_start3A_376 = tpu.memref_squeeze %dma_start3A_375 : memref<1x1x128xi32, #tpu.memory_space<vmem>> -> memref<128xi32, #tpu.memory_space<vmem>>
      %dma_start3A_377 = arith.constant 0 : i32
      %dma_start3A_378 = tpu.memref_slice %arg7[%dma_start3A_377] : memref<10240xf32, #tpu.memory_space<vmem_shared>> -> memref<10240xf32, #tpu.memory_space<vmem_shared>>
      %dma_start3A_379 = tpu.memref_slice %arg9[%rem3A_354] : memref<2x!tpu.dma_semaphore, #tpu.memory_space<semaphore_mem>> -> memref<1x!tpu.dma_semaphore, #tpu.memory_space<semaphore_mem>>
      %dma_start3A_380 = tpu.memref_squeeze %dma_start3A_379 : memref<1x!tpu.dma_semaphore, #tpu.memory_space<semaphore_mem>> -> memref<!tpu.dma_semaphore, #tpu.memory_space<semaphore_mem>>
      tpu.enqueue_indirect_dma source(%arg5 : memref<128xf32, #tpu.memory_space<vmem>>) target(%dma_start3A_378 : memref<10240xf32, #tpu.memory_space<vmem_shared>>) offsets(%dma_start3A_376 : memref<128xi32, #tpu.memory_space<vmem>>) semaphore(%dma_start3A_380 : memref<!tpu.dma_semaphore, #tpu.memory_space<semaphore_mem>>) {add = true}
      %gt3A_381 = arith.constant 0 : i32
      %gt3A_382 = arith.cmpi sgt, %while3A_351, %gt3A_381 : i32
      %convert_element_type3A_383 = arith.extui %gt3A_382 : i1 to i32
      %cond3A_384 = arith.constant 0 : i32
      %cond3A_385 = arith.cmpi ne, %convert_element_type3A_383, %cond3A_384 : i32
      scf.if %cond3A_385 {
        %sub3A = arith.constant 1 : i32
        %sub3A_386 = arith.subi %while3A_351, %sub3A : i32
        %rem3A_387 = arith.constant 2 : i32
        %rem3A_388 = arith.remsi %sub3A_386, %rem3A_387 : i32
        %dma_wait3A_389 = arith.constant 0 : i32
        %dma_wait3A_390 = arith.constant 0 : i32
        %dma_wait3A_391 = tpu.memref_slice %arg4[%rem3A_388, %dma_wait3A_389, %dma_wait3A_390] : memref<5x1x128xi32, #tpu.memory_space<vmem>> -> memref<1x1x128xi32, #tpu.memory_space<vmem>>
        %dma_wait3A_392 = tpu.memref_squeeze %dma_wait3A_391 : memref<1x1x128xi32, #tpu.memory_space<vmem>> -> memref<128xi32, #tpu.memory_space<vmem>>
        %dma_wait3A_393 = arith.constant 0 : i32
        %dma_wait3A_394 = tpu.memref_slice %arg7[%dma_wait3A_393] : memref<10240xf32, #tpu.memory_space<vmem_shared>> -> memref<10240xf32, #tpu.memory_space<vmem_shared>>
        %dma_wait3A_395 = tpu.memref_slice %arg9[%rem3A_388] : memref<2x!tpu.dma_semaphore, #tpu.memory_space<semaphore_mem>> -> memref<1x!tpu.dma_semaphore, #tpu.memory_space<semaphore_mem>>
        %dma_wait3A_396 = tpu.memref_squeeze %dma_wait3A_395 : memref<1x!tpu.dma_semaphore, #tpu.memory_space<semaphore_mem>> -> memref<!tpu.dma_semaphore, #tpu.memory_space<semaphore_mem>>
        tpu.wait_indirect_dma semaphore(%dma_wait3A_396 : memref<!tpu.dma_semaphore, #tpu.memory_space<semaphore_mem>>) src(%arg5 : memref<128xf32, #tpu.memory_space<vmem>>) dst(%dma_wait3A_394 : memref<10240xf32, #tpu.memory_space<vmem_shared>>)
        %sub3A_397 = arith.constant 1 : i32
        %sub3A_398 = arith.subi %while3A_351, %sub3A_397 : i32
        %add3A_399 = arith.constant 5 : i32
        %add3A_400 = arith.addi %sub3A_398, %add3A_399 : i32
        %lt3A_401 = arith.cmpi slt, %add3A_400, %select_n3A : i32
        %convert_element_type3A_402 = arith.extui %lt3A_401 : i1 to i32
        %cond3A_403 = arith.constant 0 : i32
        %cond3A_404 = arith.cmpi ne, %convert_element_type3A_402, %cond3A_403 : i32
        scf.if %cond3A_404 {
          %sub3A_405 = arith.constant 1 : i32
          %sub3A_406 = arith.subi %while3A_351, %sub3A_405 : i32
          %add3A_407 = arith.constant 5 : i32
          %add3A_408 = arith.addi %sub3A_406, %add3A_407 : i32
          %sub3A_409 = arith.constant 1 : i32
          %sub3A_410 = arith.subi %while3A_351, %sub3A_409 : i32
          %rem3A_411 = arith.constant 5 : i32
          %rem3A_412 = arith.remsi %sub3A_410, %rem3A_411 : i32
          %add3A_413 = arith.addi %select_n3A_20, %add3A_408 : i32
          %dma_start3A_414 = arith.constant 1 : i32
          %dma_start3A_415 = arith.constant 0 : i32
          %dma_start3A_416 = arith.constant 0 : i32
          %dma_start3A_417 = tpu.memref_slice %arg4[%rem3A_412, %dma_start3A_415, %dma_start3A_416] : memref<5x1x128xi32, #tpu.memory_space<vmem>> -> memref<1x1x128xi32, #tpu.memory_space<vmem>>
          %dma_start3A_418 = tpu.memref_squeeze %dma_start3A_417 : memref<1x1x128xi32, #tpu.memory_space<vmem>> -> memref<1x128xi32, #tpu.memory_space<vmem>>
          %dma_start3A_419 = arith.constant 0 : i32
          %dma_start3A_420 = arith.constant 0 : i32
          %dma_start3A_421 = tpu.memref_slice %arg2[%add3A_413, %dma_start3A_414, %dma_start3A_419, %dma_start3A_420] : memref<2500x2x1x128xi32, #tpu.memory_space<hbm>> -> memref<1x1x1x128xi32, #tpu.memory_space<hbm>>
          %dma_start3A_422 = tpu.memref_squeeze %dma_start3A_421 : memref<1x1x1x128xi32, #tpu.memory_space<hbm>> -> memref<1x128xi32, #tpu.memory_space<hbm>>
          %dma_start3A_423 = tpu.memref_slice %arg8[%rem3A_412] : memref<5x!tpu.dma_semaphore, #tpu.memory_space<semaphore_mem>> -> memref<1x!tpu.dma_semaphore, #tpu.memory_space<semaphore_mem>>
          %dma_start3A_424 = tpu.memref_squeeze %dma_start3A_423 : memref<1x!tpu.dma_semaphore, #tpu.memory_space<semaphore_mem>> -> memref<!tpu.dma_semaphore, #tpu.memory_space<semaphore_mem>>
          %dma_start3A_425 = arith.constant 0 : i32
          %dma_start3A_426 = arith.constant 0 : i32
          %dma_start3A_427 = tpu.memref_slice %arg4[%rem3A_412, %dma_start3A_425, %dma_start3A_426] : memref<5x1x128xi32, #tpu.memory_space<vmem>> -> memref<1x1x128xi32, #tpu.memory_space<vmem>>
          %dma_start3A_428 = tpu.memref_squeeze %dma_start3A_427 : memref<1x1x128xi32, #tpu.memory_space<vmem>> -> memref<1x128xi32, #tpu.memory_space<vmem>>
          %dma_start3A_429 = arith.constant 0 : i32
          %dma_start3A_430 = arith.constant 0 : i32
          %dma_start3A_431 = tpu.memref_slice %arg2[%add3A_413, %dma_start3A_414, %dma_start3A_429, %dma_start3A_430] : memref<2500x2x1x128xi32, #tpu.memory_space<hbm>> -> memref<1x1x1x128xi32, #tpu.memory_space<hbm>>
          %dma_start3A_432 = tpu.memref_squeeze %dma_start3A_431 : memref<1x1x1x128xi32, #tpu.memory_space<hbm>> -> memref<1x128xi32, #tpu.memory_space<hbm>>
          tpu.enqueue_dma source(%dma_start3A_432 : memref<1x128xi32, #tpu.memory_space<hbm>>) target(%dma_start3A_428 : memref<1x128xi32, #tpu.memory_space<vmem>>) target_semaphore(%dma_start3A_424 : memref<!tpu.dma_semaphore, #tpu.memory_space<semaphore_mem>>)
        } else {
        }
      } else {
      }
    }
    %while3A_340 = arith.constant 1 : i32
    scf.for %while3A_351 = %while3A_338 to %while3A_334 step %while3A_340  : i32 {
      %rem3A = arith.constant 5 : i32
      %rem3A_352 = arith.remsi %while3A_351, %rem3A : i32
      %rem3A_353 = arith.constant 2 : i32
      %rem3A_354 = arith.remsi %while3A_351, %rem3A_353 : i32
      %add3A_355 = arith.addi %select_n3A_20, %while3A_351 : i32
      %dma_wait3A = arith.constant 1 : i32
      %dma_wait3A_356 = arith.constant 0 : i32
      %dma_wait3A_357 = arith.constant 0 : i32
      %dma_wait3A_358 = tpu.memref_slice %arg4[%rem3A_352, %dma_wait3A_356, %dma_wait3A_357] : memref<5x1x128xi32, #tpu.memory_space<vmem>> -> memref<1x1x128xi32, #tpu.memory_space<vmem>>
      %dma_wait3A_359 = tpu.memref_squeeze %dma_wait3A_358 : memref<1x1x128xi32, #tpu.memory_space<vmem>> -> memref<1x128xi32, #tpu.memory_space<vmem>>
      %dma_wait3A_360 = arith.constant 0 : i32
      %dma_wait3A_361 = arith.constant 0 : i32
      %dma_wait3A_362 = tpu.memref_slice %arg2[%add3A_355, %dma_wait3A, %dma_wait3A_360, %dma_wait3A_361] : memref<2500x2x1x128xi32, #tpu.memory_space<hbm>> -> memref<1x1x1x128xi32, #tpu.memory_space<hbm>>
      %dma_wait3A_363 = tpu.memref_squeeze %dma_wait3A_362 : memref<1x1x1x128xi32, #tpu.memory_space<hbm>> -> memref<1x128xi32, #tpu.memory_space<hbm>>
      %dma_wait3A_364 = tpu.memref_slice %arg8[%rem3A_352] : memref<5x!tpu.dma_semaphore, #tpu.memory_space<semaphore_mem>> -> memref<1x!tpu.dma_semaphore, #tpu.memory_space<semaphore_mem>>
      %dma_wait3A_365 = tpu.memref_squeeze %dma_wait3A_364 : memref<1x!tpu.dma_semaphore, #tpu.memory_space<semaphore_mem>> -> memref<!tpu.dma_semaphore, #tpu.memory_space<semaphore_mem>>
      %dma_wait3A_366 = arith.constant 0 : i32
      %dma_wait3A_367 = arith.constant 0 : i32
      %dma_wait3A_368 = tpu.memref_slice %arg4[%rem3A_352, %dma_wait3A_366, %dma_wait3A_367] : memref<5x1x128xi32, #tpu.memory_space<vmem>> -> memref<1x1x128xi32, #tpu.memory_space<vmem>>
      %dma_wait3A_369 = tpu.memref_squeeze %dma_wait3A_368 : memref<1x1x128xi32, #tpu.memory_space<vmem>> -> memref<1x128xi32, #tpu.memory_space<vmem>>
      %dma_wait3A_370 = arith.constant 0 : i32
      %dma_wait3A_371 = arith.constant 0 : i32
      %dma_wait3A_372 = tpu.memref_slice %arg2[%add3A_355, %dma_wait3A, %dma_wait3A_370, %dma_wait3A_371] : memref<2500x2x1x128xi32, #tpu.memory_space<hbm>> -> memref<1x1x1x128xi32, #tpu.memory_space<hbm>>
      %dma_wait3A_373 = tpu.memref_squeeze %dma_wait3A_372 : memref<1x1x1x128xi32, #tpu.memory_space<hbm>> -> memref<1x128xi32, #tpu.memory_space<hbm>>
      tpu.wait_dma2 semaphore(%dma_wait3A_365 : memref<!tpu.dma_semaphore, #tpu.memory_space<semaphore_mem>>) src(%dma_wait3A_373 : memref<1x128xi32, #tpu.memory_space<hbm>>) dst(%dma_wait3A_369 : memref<1x128xi32, #tpu.memory_space<vmem>>)
      %dma_start3A = arith.constant 0 : i32
      %dma_start3A_374 = arith.constant 0 : i32
      %dma_start3A_375 = tpu.memref_slice %arg4[%rem3A_352, %dma_start3A, %dma_start3A_374] : memref<5x1x128xi32, #tpu.memory_space<vmem>> -> memref<1x1x128xi32, #tpu.memory_space<vmem>>
      %dma_start3A_376 = tpu.memref_squeeze %dma_start3A_375 : memref<1x1x128xi32, #tpu.memory_space<vmem>> -> memref<128xi32, #tpu.memory_space<vmem>>
      %dma_start3A_377 = arith.constant 0 : i32
      %dma_start3A_378 = tpu.memref_slice %arg7[%dma_start3A_377] : memref<10240xf32, #tpu.memory_space<vmem_shared>> -> memref<10240xf32, #tpu.memory_space<vmem_shared>>
      %dma_start3A_379 = tpu.memref_slice %arg9[%rem3A_354] : memref<2x!tpu.dma_semaphore, #tpu.memory_space<semaphore_mem>> -> memref<1x!tpu.dma_semaphore, #tpu.memory_space<semaphore_mem>>
      %dma_start3A_380 = tpu.memref_squeeze %dma_start3A_379 : memref<1x!tpu.dma_semaphore, #tpu.memory_space<semaphore_mem>> -> memref<!tpu.dma_semaphore, #tpu.memory_space<semaphore_mem>>
      tpu.enqueue_indirect_dma source(%arg5 : memref<128xf32, #tpu.memory_space<vmem>>) target(%dma_start3A_378 : memref<10240xf32, #tpu.memory_space<vmem_shared>>) offsets(%dma_start3A_376 : memref<128xi32, #tpu.memory_space<vmem>>) semaphore(%dma_start3A_380 : memref<!tpu.dma_semaphore, #tpu.memory_space<semaphore_mem>>) {add = true}
      %gt3A_381 = arith.constant 0 : i32
      %gt3A_382 = arith.cmpi sgt, %while3A_351, %gt3A_381 : i32
      %convert_element_type3A_383 = arith.extui %gt3A_382 : i1 to i32
      %cond3A_384 = arith.constant 0 : i32
      %cond3A_385 = arith.cmpi ne, %convert_element_type3A_383, %cond3A_384 : i32
      scf.if %cond3A_385 {
        %sub3A = arith.constant 1 : i32
        %sub3A_386 = arith.subi %while3A_351, %sub3A : i32
        %rem3A_387 = arith.constant 2 : i32
        %rem3A_388 = arith.remsi %sub3A_386, %rem3A_387 : i32
        %dma_wait3A_389 = arith.constant 0 : i32
        %dma_wait3A_390 = arith.constant 0 : i32
        %dma_wait3A_391 = tpu.memref_slice %arg4[%rem3A_388, %dma_wait3A_389, %dma_wait3A_390] : memref<5x1x128xi32, #tpu.memory_space<vmem>> -> memref<1x1x128xi32, #tpu.memory_space<vmem>>
        %dma_wait3A_392 = tpu.memref_squeeze %dma_wait3A_391 : memref<1x1x128xi32, #tpu.memory_space<vmem>> -> memref<128xi32, #tpu.memory_space<vmem>>
        %dma_wait3A_393 = arith.constant 0 : i32
        %dma_wait3A_394 = tpu.memref_slice %arg7[%dma_wait3A_393] : memref<10240xf32, #tpu.memory_space<vmem_shared>> -> memref<10240xf32, #tpu.memory_space<vmem_shared>>
        %dma_wait3A_395 = tpu.memref_slice %arg9[%rem3A_388] : memref<2x!tpu.dma_semaphore, #tpu.memory_space<semaphore_mem>> -> memref<1x!tpu.dma_semaphore, #tpu.memory_space<semaphore_mem>>
        %dma_wait3A_396 = tpu.memref_squeeze %dma_wait3A_395 : memref<1x!tpu.dma_semaphore, #tpu.memory_space<semaphore_mem>> -> memref<!tpu.dma_semaphore, #tpu.memory_space<semaphore_mem>>
        tpu.wait_indirect_dma semaphore(%dma_wait3A_396 : memref<!tpu.dma_semaphore, #tpu.memory_space<semaphore_mem>>) src(%arg5 : memref<128xf32, #tpu.memory_space<vmem>>) dst(%dma_wait3A_394 : memref<10240xf32, #tpu.memory_space<vmem_shared>>)
        %sub3A_397 = arith.constant 1 : i32
        %sub3A_398 = arith.subi %while3A_351, %sub3A_397 : i32
        %add3A_399 = arith.constant 5 : i32
        %add3A_400 = arith.addi %sub3A_398, %add3A_399 : i32
        %lt3A_401 = arith.cmpi slt, %add3A_400, %select_n3A : i32
        %convert_element_type3A_402 = arith.extui %lt3A_401 : i1 to i32
        %cond3A_403 = arith.constant 0 : i32
        %cond3A_404 = arith.cmpi ne, %convert_element_type3A_402, %cond3A_403 : i32
        scf.if %cond3A_404 {
          %sub3A_405 = arith.constant 1 : i32
          %sub3A_406 = arith.subi %while3A_351, %sub3A_405 : i32
          %add3A_407 = arith.constant 5 : i32
          %add3A_408 = arith.addi %sub3A_406, %add3A_407 : i32
          %sub3A_409 = arith.constant 1 : i32
          %sub3A_410 = arith.subi %while3A_351, %sub3A_409 : i32
          %rem3A_411 = arith.constant 5 : i32
          %rem3A_412 = arith.remsi %sub3A_410, %rem3A_411 : i32
          %add3A_413 = arith.addi %select_n3A_20, %add3A_408 : i32
          %dma_start3A_414 = arith.constant 1 : i32
          %dma_start3A_415 = arith.constant 0 : i32
          %dma_start3A_416 = arith.constant 0 : i32
          %dma_start3A_417 = tpu.memref_slice %arg4[%rem3A_412, %dma_start3A_415, %dma_start3A_416] : memref<5x1x128xi32, #tpu.memory_space<vmem>> -> memref<1x1x128xi32, #tpu.memory_space<vmem>>
          %dma_start3A_418 = tpu.memref_squeeze %dma_start3A_417 : memref<1x1x128xi32, #tpu.memory_space<vmem>> -> memref<1x128xi32, #tpu.memory_space<vmem>>
          %dma_start3A_419 = arith.constant 0 : i32
          %dma_start3A_420 = arith.constant 0 : i32
          %dma_start3A_421 = tpu.memref_slice %arg2[%add3A_413, %dma_start3A_414, %dma_start3A_419, %dma_start3A_420] : memref<2500x2x1x128xi32, #tpu.memory_space<hbm>> -> memref<1x1x1x128xi32, #tpu.memory_space<hbm>>
          %dma_start3A_422 = tpu.memref_squeeze %dma_start3A_421 : memref<1x1x1x128xi32, #tpu.memory_space<hbm>> -> memref<1x128xi32, #tpu.memory_space<hbm>>
          %dma_start3A_423 = tpu.memref_slice %arg8[%rem3A_412] : memref<5x!tpu.dma_semaphore, #tpu.memory_space<semaphore_mem>> -> memref<1x!tpu.dma_semaphore, #tpu.memory_space<semaphore_mem>>
          %dma_start3A_424 = tpu.memref_squeeze %dma_start3A_423 : memref<1x!tpu.dma_semaphore, #tpu.memory_space<semaphore_mem>> -> memref<!tpu.dma_semaphore, #tpu.memory_space<semaphore_mem>>
          %dma_start3A_425 = arith.constant 0 : i32
          %dma_start3A_426 = arith.constant 0 : i32
          %dma_start3A_427 = tpu.memref_slice %arg4[%rem3A_412, %dma_start3A_425, %dma_start3A_426] : memref<5x1x128xi32, #tpu.memory_space<vmem>> -> memref<1x1x128xi32, #tpu.memory_space<vmem>>
          %dma_start3A_428 = tpu.memref_squeeze %dma_start3A_427 : memref<1x1x128xi32, #tpu.memory_space<vmem>> -> memref<1x128xi32, #tpu.memory_space<vmem>>
          %dma_start3A_429 = arith.constant 0 : i32
          %dma_start3A_430 = arith.constant 0 : i32
          %dma_start3A_431 = tpu.memref_slice %arg2[%add3A_413, %dma_start3A_414, %dma_start3A_429, %dma_start3A_430] : memref<2500x2x1x128xi32, #tpu.memory_space<hbm>> -> memref<1x1x1x128xi32, #tpu.memory_space<hbm>>
          %dma_start3A_432 = tpu.memref_squeeze %dma_start3A_431 : memref<1x1x1x128xi32, #tpu.memory_space<hbm>> -> memref<1x128xi32, #tpu.memory_space<hbm>>
          tpu.enqueue_dma source(%dma_start3A_432 : memref<1x128xi32, #tpu.memory_space<hbm>>) target(%dma_start3A_428 : memref<1x128xi32, #tpu.memory_space<vmem>>) target_semaphore(%dma_start3A_424 : memref<!tpu.dma_semaphore, #tpu.memory_space<semaphore_mem>>)
        } else {
        }
      } else {
      }
    }
    %gt3A_341 = arith.constant 0 : i32
    %gt3A_342 = arith.cmpi sgt, %select_n3A, %gt3A_341 : i32
    %convert_element_type3A_343 = arith.extui %gt3A_342 : i1 to i32
    %cond3A_344 = arith.constant 0 : i32
    %cond3A_345 = arith.cmpi ne, %convert_element_type3A_343, %cond3A_344 : i32
    scf.if %cond3A_345 {
      %sub3A = arith.constant 1 : i32
      %sub3A_351 = arith.subi %select_n3A, %sub3A : i32
      %rem3A = arith.constant 2 : i32
      %rem3A_352 = arith.remsi %sub3A_351, %rem3A : i32
      %dma_wait3A = arith.constant 0 : i32
      %dma_wait3A_353 = arith.constant 0 : i32
      %dma_wait3A_354 = tpu.memref_slice %arg4[%rem3A_352, %dma_wait3A, %dma_wait3A_353] : memref<5x1x128xi32, #tpu.memory_space<vmem>> -> memref<1x1x128xi32, #tpu.memory_space<vmem>>
      %dma_wait3A_355 = tpu.memref_squeeze %dma_wait3A_354 : memref<1x1x128xi32, #tpu.memory_space<vmem>> -> memref<128xi32, #tpu.memory_space<vmem>>
      %dma_wait3A_356 = arith.constant 0 : i32
      %dma_wait3A_357 = tpu.memref_slice %arg7[%dma_wait3A_356] : memref<10240xf32, #tpu.memory_space<vmem_shared>> -> memref<10240xf32, #tpu.memory_space<vmem_shared>>
      %dma_wait3A_358 = tpu.memref_slice %arg9[%rem3A_352] : memref<2x!tpu.dma_semaphore, #tpu.memory_space<semaphore_mem>> -> memref<1x!tpu.dma_semaphore, #tpu.memory_space<semaphore_mem>>
      %dma_wait3A_359 = tpu.memref_squeeze %dma_wait3A_358 : memref<1x!tpu.dma_semaphore, #tpu.memory_space<semaphore_mem>> -> memref<!tpu.dma_semaphore, #tpu.memory_space<semaphore_mem>>
      tpu.wait_indirect_dma semaphore(%dma_wait3A_359 : memref<!tpu.dma_semaphore, #tpu.memory_space<semaphore_mem>>) src(%arg5 : memref<128xf32, #tpu.memory_space<vmem>>) dst(%dma_wait3A_357 : memref<10240xf32, #tpu.memory_space<vmem_shared>>)
    } else {
    }
    %barrier3A_346 = arith.constant 0 : index
    tpu.barrier barrier_id(%barrier3A_346)
    %mul3A_347 = arith.constant 640 : i32
    %mul3A_348 = arith.muli %arg1, %mul3A_347 : i32
    %mul3A_349 = arith.constant 640 : i32
    %mul3A_350 = arith.muli %arg1, %mul3A_349 : i32
    "tpu.region"() ({
      %run_scoped3A = tpu.sem_alloc : memref<!tpu.dma_semaphore, #tpu.memory_space<semaphore_mem>>
      %dma_start3A = arith.constant 0 : i32
      %dma_start3A_351 = tpu.memref_slice %arg3[%arg0, %dma_start3A] : memref<2x10240xf32, #tpu.memory_space<hbm>> -> memref<1x10240xf32, #tpu.memory_space<hbm>>
      %dma_start3A_352 = tpu.memref_squeeze %dma_start3A_351 : memref<1x10240xf32, #tpu.memory_space<hbm>> -> memref<10240xf32, #tpu.memory_space<hbm>>
      %dma_start3A_353 = tpu.memref_slice %dma_start3A_352[%mul3A_350] : memref<10240xf32, #tpu.memory_space<hbm>> -> memref<640xf32, #tpu.memory_space<hbm>>
      %dma_start3A_354 = tpu.memref_slice %arg7[%mul3A_348] : memref<10240xf32, #tpu.memory_space<vmem_shared>> -> memref<640xf32, #tpu.memory_space<vmem_shared>>
      tpu.enqueue_dma source(%dma_start3A_354 : memref<640xf32, #tpu.memory_space<vmem_shared>>) target(%dma_start3A_353 : memref<640xf32, #tpu.memory_space<hbm>>) target_semaphore(%run_scoped3A : memref<!tpu.dma_semaphore, #tpu.memory_space<semaphore_mem>>)
      %dma_wait3A = arith.constant 0 : i32
      %dma_wait3A_355 = tpu.memref_slice %arg3[%arg0, %dma_wait3A] : memref<2x10240xf32, #tpu.memory_space<hbm>> -> memref<1x10240xf32, #tpu.memory_space<hbm>>
      %dma_wait3A_356 = tpu.memref_squeeze %dma_wait3A_355 : memref<1x10240xf32, #tpu.memory_space<hbm>> -> memref<10240xf32, #tpu.memory_space<hbm>>
      %dma_wait3A_357 = tpu.memref_slice %dma_wait3A_356[%mul3A_350] : memref<10240xf32, #tpu.memory_space<hbm>> -> memref<640xf32, #tpu.memory_space<hbm>>
      %dma_wait3A_358 = tpu.memref_slice %arg7[%mul3A_348] : memref<10240xf32, #tpu.memory_space<vmem_shared>> -> memref<640xf32, #tpu.memory_space<vmem_shared>>
      tpu.wait_dma2 semaphore(%run_scoped3A : memref<!tpu.dma_semaphore, #tpu.memory_space<semaphore_mem>>) src(%dma_wait3A_358 : memref<640xf32, #tpu.memory_space<vmem_shared>>) dst(%dma_wait3A_357 : memref<640xf32, #tpu.memory_space<hbm>>)
      tpu.yield
    }) : () -> ()
    return
  }
}

#map = affine_map<(d0, d1) -> (0, 0)>
#map1 = affine_map<(d0, d1) -> (0, 0, 0, 0)>
#map2 = affine_map<(d0, d1) -> (0, 0, 0)>
module attributes {stable_mosaic.version = 14 : i64} {
  func.func @body(%arg0: i32, %arg1: i32, %arg2: memref<10000x128xf32, #tpu.memory_space<hbm>>, %arg3: memref<2500x2x1x128xi32, #tpu.memory_space<hbm>>, %arg4: memref<10000x128xf32, #tpu.memory_space<hbm>>, %arg5: memref<2x10000x128xf32, #tpu.memory_space<hbm>>, %arg6: memref<5x2x1x128xi32, #tpu.memory_space<vmem>>, %arg7: memref<3x128x128xf32, #tpu.memory_space<vmem>>, %arg8: memref<10000x128xf32, #tpu.memory_space<vmem_shared>>, %arg9: memref<5x!tpu.dma_semaphore, #tpu.memory_space<semaphore_mem>>, %arg10: memref<3x!tpu.dma_semaphore, #tpu.memory_space<semaphore_mem>>, %arg11: memref<3x!tpu.dma_semaphore, #tpu.memory_space<semaphore_mem>>) attributes {dimension_semantics = [#tpu.dimension_semantics<core_parallel>, #tpu.dimension_semantics<subcore_parallel>], iteration_bounds = array<i64: 2, 16>, scalar_prefetch = 0 : i64, scratch_operands = 6 : i64, tpu.core_type = #tpu.core_type<sc_vector_subcore>, window_params = [{transform_indices = #map}, {transform_indices = #map1}, {transform_indices = #map}, {transform_indices = #map2}]} {
    %eq3A = arith.constant 0 : i32
    %eq3A_0 = arith.cmpi eq, %arg0, %eq3A : i32
    %lt3A = arith.constant 12 : i32
    %lt3A_1 = arith.cmpi slt, %arg1, %lt3A : i32
    %convert_element_type3A = arith.extui %lt3A_1 : i1 to i32
    %add3A = arith.constant 78 : i32
    %add3A_2 = arith.addi %add3A, %convert_element_type3A : i32
    %lt3A_3 = arith.constant 8 : i32
    %lt3A_4 = arith.cmpi slt, %arg1, %lt3A_3 : i32
    %convert_element_type3A_5 = arith.extui %lt3A_4 : i1 to i32
    %add3A_6 = arith.constant 77 : i32
    %add3A_7 = arith.addi %add3A_6, %convert_element_type3A_5 : i32
    %select_n3A = arith.select %eq3A_0, %add3A_2, %add3A_7 : i32
    %eq3A_8 = arith.constant 0 : i32
    %eq3A_9 = arith.cmpi eq, %arg0, %eq3A_8 : i32
    %mul3A = arith.constant 78 : i32
    %mul3A_10 = arith.muli %arg1, %mul3A : i32
    %min3A = arith.constant 12 : i32
    %min3A_11 = arith.minsi %arg1, %min3A : i32
    %add3A_12 = arith.addi %mul3A_10, %min3A_11 : i32
    %mul3A_13 = arith.constant 77 : i32
    %mul3A_14 = arith.muli %arg1, %mul3A_13 : i32
    %add3A_15 = arith.constant 1260 : i32
    %add3A_16 = arith.addi %add3A_15, %mul3A_14 : i32
    %min3A_17 = arith.constant 8 : i32
    %min3A_18 = arith.minsi %arg1, %min3A_17 : i32
    %add3A_19 = arith.addi %add3A_16, %min3A_18 : i32
    %select_n3A_20 = arith.select %eq3A_9, %add3A_12, %add3A_19 : i32
    %eq3A_21 = arith.constant 0 : i32
    %eq3A_22 = arith.cmpi eq, %arg0, %eq3A_21 : i32
    %convert_element_type3A_23 = arith.extui %eq3A_22 : i1 to i32
    %cond3A = arith.constant 0 : i32
    %cond3A_24 = arith.cmpi ne, %convert_element_type3A_23, %cond3A : i32
    scf.if %cond3A_24 {
      %lt3A_94 = arith.constant 15 : i32
      %lt3A_95 = arith.cmpi slt, %arg1, %lt3A_94 : i32
      %convert_element_type3A_96 = arith.extui %lt3A_95 : i1 to i32
      %cond3A_97 = arith.constant 0 : i32
      %cond3A_98 = arith.cmpi ne, %convert_element_type3A_96, %cond3A_97 : i32
      scf.if %cond3A_98 {
        %mul3A_104 = arith.constant 624 : i32
        %mul3A_105 = arith.muli %arg1, %mul3A_104 : i32
        %mul3A_106 = arith.constant 624 : i32
        %mul3A_107 = arith.muli %arg1, %mul3A_106 : i32
        "tpu.region"() ({
          %run_scoped3A = tpu.sem_alloc : memref<!tpu.dma_semaphore, #tpu.memory_space<semaphore_mem>>
          %dma_start3A = arith.constant 0 : i32
          %dma_start3A_108 = tpu.memref_slice %arg8[%mul3A_107, %dma_start3A] : memref<10000x128xf32, #tpu.memory_space<vmem_shared>> -> memref<624x128xf32, #tpu.memory_space<vmem_shared>>
          %dma_start3A_109 = arith.constant 0 : i32
          %dma_start3A_110 = tpu.memref_slice %arg2[%mul3A_105, %dma_start3A_109] : memref<10000x128xf32, #tpu.memory_space<hbm>> -> memref<624x128xf32, #tpu.memory_space<hbm>>
          tpu.enqueue_dma source(%dma_start3A_110 : memref<624x128xf32, #tpu.memory_space<hbm>>) target(%dma_start3A_108 : memref<624x128xf32, #tpu.memory_space<vmem_shared>>) target_semaphore(%run_scoped3A : memref<!tpu.dma_semaphore, #tpu.memory_space<semaphore_mem>>)
          %dma_wait3A = arith.constant 0 : i32
          %dma_wait3A_111 = tpu.memref_slice %arg8[%mul3A_107, %dma_wait3A] : memref<10000x128xf32, #tpu.memory_space<vmem_shared>> -> memref<624x128xf32, #tpu.memory_space<vmem_shared>>
          %dma_wait3A_112 = arith.constant 0 : i32
          %dma_wait3A_113 = tpu.memref_slice %arg2[%mul3A_105, %dma_wait3A_112] : memref<10000x128xf32, #tpu.memory_space<hbm>> -> memref<624x128xf32, #tpu.memory_space<hbm>>
          tpu.wait_dma2 semaphore(%run_scoped3A : memref<!tpu.dma_semaphore, #tpu.memory_space<semaphore_mem>>) src(%dma_wait3A_113 : memref<624x128xf32, #tpu.memory_space<hbm>>) dst(%dma_wait3A_111 : memref<624x128xf32, #tpu.memory_space<vmem_shared>>)
          tpu.yield
        }) : () -> ()
      } else {
      }
      %eq3A_99 = arith.constant 15 : i32
      %eq3A_100 = arith.cmpi eq, %arg1, %eq3A_99 : i32
      %convert_element_type3A_101 = arith.extui %eq3A_100 : i1 to i32
      %cond3A_102 = arith.constant 0 : i32
      %cond3A_103 = arith.cmpi ne, %convert_element_type3A_101, %cond3A_102 : i32
      scf.if %cond3A_103 {
        "tpu.region"() ({
          %run_scoped3A = tpu.sem_alloc : memref<!tpu.dma_semaphore, #tpu.memory_space<semaphore_mem>>
          %dma_start3A = arith.constant 9360 : i32
          %dma_start3A_104 = arith.constant 0 : i32
          %dma_start3A_105 = tpu.memref_slice %arg8[%dma_start3A, %dma_start3A_104] : memref<10000x128xf32, #tpu.memory_space<vmem_shared>> -> memref<640x128xf32, #tpu.memory_space<vmem_shared>>
          %dma_start3A_106 = arith.constant 9360 : i32
          %dma_start3A_107 = arith.constant 0 : i32
          %dma_start3A_108 = tpu.memref_slice %arg2[%dma_start3A_106, %dma_start3A_107] : memref<10000x128xf32, #tpu.memory_space<hbm>> -> memref<640x128xf32, #tpu.memory_space<hbm>>
          tpu.enqueue_dma source(%dma_start3A_108 : memref<640x128xf32, #tpu.memory_space<hbm>>) target(%dma_start3A_105 : memref<640x128xf32, #tpu.memory_space<vmem_shared>>) target_semaphore(%run_scoped3A : memref<!tpu.dma_semaphore, #tpu.memory_space<semaphore_mem>>)
          %dma_wait3A = arith.constant 9360 : i32
          %dma_wait3A_109 = arith.constant 0 : i32
          %dma_wait3A_110 = tpu.memref_slice %arg8[%dma_wait3A, %dma_wait3A_109] : memref<10000x128xf32, #tpu.memory_space<vmem_shared>> -> memref<640x128xf32, #tpu.memory_space<vmem_shared>>
          %dma_wait3A_111 = arith.constant 9360 : i32
          %dma_wait3A_112 = arith.constant 0 : i32
          %dma_wait3A_113 = tpu.memref_slice %arg2[%dma_wait3A_111, %dma_wait3A_112] : memref<10000x128xf32, #tpu.memory_space<hbm>> -> memref<640x128xf32, #tpu.memory_space<hbm>>
          tpu.wait_dma2 semaphore(%run_scoped3A : memref<!tpu.dma_semaphore, #tpu.memory_space<semaphore_mem>>) src(%dma_wait3A_113 : memref<640x128xf32, #tpu.memory_space<hbm>>) dst(%dma_wait3A_110 : memref<640x128xf32, #tpu.memory_space<vmem_shared>>)
          tpu.yield
        }) : () -> ()
      } else {
      }
    } else {
    }
    %eq3A_25 = arith.constant 1 : i32
    %eq3A_26 = arith.cmpi eq, %arg0, %eq3A_25 : i32
    %convert_element_type3A_27 = arith.extui %eq3A_26 : i1 to i32
    %cond3A_28 = arith.constant 0 : i32
    %cond3A_29 = arith.cmpi ne, %convert_element_type3A_27, %cond3A_28 : i32
    scf.if %cond3A_29 {
      %lt3A_94 = arith.constant 15 : i32
      %lt3A_95 = arith.cmpi slt, %arg1, %lt3A_94 : i32
      %convert_element_type3A_96 = arith.extui %lt3A_95 : i1 to i32
      %cond3A_97 = arith.constant 0 : i32
      %cond3A_98 = arith.cmpi ne, %convert_element_type3A_96, %cond3A_97 : i32
      scf.if %cond3A_98 {
        %mul3A_104 = arith.constant 624 : i32
        %mul3A_105 = arith.muli %arg1, %mul3A_104 : i32
        %mul3A_106 = arith.constant 624 : i32
        %mul3A_107 = arith.muli %arg1, %mul3A_106 : i32
        "tpu.region"() ({
          %run_scoped3A = tpu.sem_alloc : memref<!tpu.dma_semaphore, #tpu.memory_space<semaphore_mem>>
          %dma_start3A = arith.constant 0 : i32
          %dma_start3A_108 = tpu.memref_slice %arg8[%mul3A_107, %dma_start3A] : memref<10000x128xf32, #tpu.memory_space<vmem_shared>> -> memref<624x128xf32, #tpu.memory_space<vmem_shared>>
          %dma_start3A_109 = arith.constant 0 : i32
          %dma_start3A_110 = tpu.memref_slice %arg4[%mul3A_105, %dma_start3A_109] : memref<10000x128xf32, #tpu.memory_space<hbm>> -> memref<624x128xf32, #tpu.memory_space<hbm>>
          tpu.enqueue_dma source(%dma_start3A_110 : memref<624x128xf32, #tpu.memory_space<hbm>>) target(%dma_start3A_108 : memref<624x128xf32, #tpu.memory_space<vmem_shared>>) target_semaphore(%run_scoped3A : memref<!tpu.dma_semaphore, #tpu.memory_space<semaphore_mem>>)
          %dma_wait3A = arith.constant 0 : i32
          %dma_wait3A_111 = tpu.memref_slice %arg8[%mul3A_107, %dma_wait3A] : memref<10000x128xf32, #tpu.memory_space<vmem_shared>> -> memref<624x128xf32, #tpu.memory_space<vmem_shared>>
          %dma_wait3A_112 = arith.constant 0 : i32
          %dma_wait3A_113 = tpu.memref_slice %arg4[%mul3A_105, %dma_wait3A_112] : memref<10000x128xf32, #tpu.memory_space<hbm>> -> memref<624x128xf32, #tpu.memory_space<hbm>>
          tpu.wait_dma2 semaphore(%run_scoped3A : memref<!tpu.dma_semaphore, #tpu.memory_space<semaphore_mem>>) src(%dma_wait3A_113 : memref<624x128xf32, #tpu.memory_space<hbm>>) dst(%dma_wait3A_111 : memref<624x128xf32, #tpu.memory_space<vmem_shared>>)
          tpu.yield
        }) : () -> ()
      } else {
      }
      %eq3A_99 = arith.constant 15 : i32
      %eq3A_100 = arith.cmpi eq, %arg1, %eq3A_99 : i32
      %convert_element_type3A_101 = arith.extui %eq3A_100 : i1 to i32
      %cond3A_102 = arith.constant 0 : i32
      %cond3A_103 = arith.cmpi ne, %convert_element_type3A_101, %cond3A_102 : i32
      scf.if %cond3A_103 {
        "tpu.region"() ({
          %run_scoped3A = tpu.sem_alloc : memref<!tpu.dma_semaphore, #tpu.memory_space<semaphore_mem>>
          %dma_start3A = arith.constant 9360 : i32
          %dma_start3A_104 = arith.constant 0 : i32
          %dma_start3A_105 = tpu.memref_slice %arg8[%dma_start3A, %dma_start3A_104] : memref<10000x128xf32, #tpu.memory_space<vmem_shared>> -> memref<640x128xf32, #tpu.memory_space<vmem_shared>>
          %dma_start3A_106 = arith.constant 9360 : i32
          %dma_start3A_107 = arith.constant 0 : i32
          %dma_start3A_108 = tpu.memref_slice %arg4[%dma_start3A_106, %dma_start3A_107] : memref<10000x128xf32, #tpu.memory_space<hbm>> -> memref<640x128xf32, #tpu.memory_space<hbm>>
          tpu.enqueue_dma source(%dma_start3A_108 : memref<640x128xf32, #tpu.memory_space<hbm>>) target(%dma_start3A_105 : memref<640x128xf32, #tpu.memory_space<vmem_shared>>) target_semaphore(%run_scoped3A : memref<!tpu.dma_semaphore, #tpu.memory_space<semaphore_mem>>)
          %dma_wait3A = arith.constant 9360 : i32
          %dma_wait3A_109 = arith.constant 0 : i32
          %dma_wait3A_110 = tpu.memref_slice %arg8[%dma_wait3A, %dma_wait3A_109] : memref<10000x128xf32, #tpu.memory_space<vmem_shared>> -> memref<640x128xf32, #tpu.memory_space<vmem_shared>>
          %dma_wait3A_111 = arith.constant 9360 : i32
          %dma_wait3A_112 = arith.constant 0 : i32
          %dma_wait3A_113 = tpu.memref_slice %arg4[%dma_wait3A_111, %dma_wait3A_112] : memref<10000x128xf32, #tpu.memory_space<hbm>> -> memref<640x128xf32, #tpu.memory_space<hbm>>
          tpu.wait_dma2 semaphore(%run_scoped3A : memref<!tpu.dma_semaphore, #tpu.memory_space<semaphore_mem>>) src(%dma_wait3A_113 : memref<640x128xf32, #tpu.memory_space<hbm>>) dst(%dma_wait3A_110 : memref<640x128xf32, #tpu.memory_space<vmem_shared>>)
          tpu.yield
        }) : () -> ()
      } else {
      }
    } else {
    }
    %gt3A = arith.constant 0 : i32
    %gt3A_30 = arith.cmpi sgt, %select_n3A, %gt3A : i32
    %convert_element_type3A_31 = arith.extui %gt3A_30 : i1 to i32
    %cond3A_32 = arith.constant 0 : i32
    %cond3A_33 = arith.cmpi ne, %convert_element_type3A_31, %cond3A_32 : i32
    scf.if %cond3A_33 {
      %add3A_94 = arith.constant 0 : i32
      %add3A_95 = arith.addi %select_n3A_20, %add3A_94 : i32
      %dma_start3A = arith.constant 0 : i32
      %dma_start3A_96 = arith.constant 0 : i32
      %dma_start3A_97 = arith.constant 0 : i32
      %dma_start3A_98 = arith.constant 0 : i32
      %dma_start3A_99 = arith.constant 0 : i32
      %dma_start3A_100 = tpu.memref_slice %arg6[%dma_start3A, %dma_start3A_97, %dma_start3A_98, %dma_start3A_99] : memref<5x2x1x128xi32, #tpu.memory_space<vmem>> -> memref<1x2x1x128xi32, #tpu.memory_space<vmem>>
      %dma_start3A_101 = tpu.memref_squeeze %dma_start3A_100 : memref<1x2x1x128xi32, #tpu.memory_space<vmem>> -> memref<2x1x128xi32, #tpu.memory_space<vmem>>
      %dma_start3A_102 = arith.constant 0 : i32
      %dma_start3A_103 = arith.constant 0 : i32
      %dma_start3A_104 = arith.constant 0 : i32
      %dma_start3A_105 = tpu.memref_slice %arg3[%add3A_95, %dma_start3A_102, %dma_start3A_103, %dma_start3A_104] : memref<2500x2x1x128xi32, #tpu.memory_space<hbm>> -> memref<1x2x1x128xi32, #tpu.memory_space<hbm>>
      %dma_start3A_106 = tpu.memref_squeeze %dma_start3A_105 : memref<1x2x1x128xi32, #tpu.memory_space<hbm>> -> memref<2x1x128xi32, #tpu.memory_space<hbm>>
      %dma_start3A_107 = tpu.memref_slice %arg9[%dma_start3A_96] : memref<5x!tpu.dma_semaphore, #tpu.memory_space<semaphore_mem>> -> memref<1x!tpu.dma_semaphore, #tpu.memory_space<semaphore_mem>>
      %dma_start3A_108 = tpu.memref_squeeze %dma_start3A_107 : memref<1x!tpu.dma_semaphore, #tpu.memory_space<semaphore_mem>> -> memref<!tpu.dma_semaphore, #tpu.memory_space<semaphore_mem>>
      %dma_start3A_109 = arith.constant 0 : i32
      %dma_start3A_110 = arith.constant 0 : i32
      %dma_start3A_111 = arith.constant 0 : i32
      %dma_start3A_112 = tpu.memref_slice %arg6[%dma_start3A, %dma_start3A_109, %dma_start3A_110, %dma_start3A_111] : memref<5x2x1x128xi32, #tpu.memory_space<vmem>> -> memref<1x2x1x128xi32, #tpu.memory_space<vmem>>
      %dma_start3A_113 = tpu.memref_squeeze %dma_start3A_112 : memref<1x2x1x128xi32, #tpu.memory_space<vmem>> -> memref<2x1x128xi32, #tpu.memory_space<vmem>>
      %dma_start3A_114 = arith.constant 0 : i32
      %dma_start3A_115 = arith.constant 0 : i32
      %dma_start3A_116 = arith.constant 0 : i32
      %dma_start3A_117 = tpu.memref_slice %arg3[%add3A_95, %dma_start3A_114, %dma_start3A_115, %dma_start3A_116] : memref<2500x2x1x128xi32, #tpu.memory_space<hbm>> -> memref<1x2x1x128xi32, #tpu.memory_space<hbm>>
      %dma_start3A_118 = tpu.memref_squeeze %dma_start3A_117 : memref<1x2x1x128xi32, #tpu.memory_space<hbm>> -> memref<2x1x128xi32, #tpu.memory_space<hbm>>
      tpu.enqueue_dma source(%dma_start3A_118 : memref<2x1x128xi32, #tpu.memory_space<hbm>>) target(%dma_start3A_113 : memref<2x1x128xi32, #tpu.memory_space<vmem>>) target_semaphore(%dma_start3A_108 : memref<!tpu.dma_semaphore, #tpu.memory_space<semaphore_mem>>)
    } else {
    }
    %gt3A_34 = arith.constant 1 : i32
    %gt3A_35 = arith.cmpi sgt, %select_n3A, %gt3A_34 : i32
    %convert_element_type3A_36 = arith.extui %gt3A_35 : i1 to i32
    %cond3A_37 = arith.constant 0 : i32
    %cond3A_38 = arith.cmpi ne, %convert_element_type3A_36, %cond3A_37 : i32
    scf.if %cond3A_38 {
      %add3A_94 = arith.constant 1 : i32
      %add3A_95 = arith.addi %select_n3A_20, %add3A_94 : i32
      %dma_start3A = arith.constant 1 : i32
      %dma_start3A_96 = arith.constant 1 : i32
      %dma_start3A_97 = arith.constant 0 : i32
      %dma_start3A_98 = arith.constant 0 : i32
      %dma_start3A_99 = arith.constant 0 : i32
      %dma_start3A_100 = tpu.memref_slice %arg6[%dma_start3A, %dma_start3A_97, %dma_start3A_98, %dma_start3A_99] : memref<5x2x1x128xi32, #tpu.memory_space<vmem>> -> memref<1x2x1x128xi32, #tpu.memory_space<vmem>>
      %dma_start3A_101 = tpu.memref_squeeze %dma_start3A_100 : memref<1x2x1x128xi32, #tpu.memory_space<vmem>> -> memref<2x1x128xi32, #tpu.memory_space<vmem>>
      %dma_start3A_102 = arith.constant 0 : i32
      %dma_start3A_103 = arith.constant 0 : i32
      %dma_start3A_104 = arith.constant 0 : i32
      %dma_start3A_105 = tpu.memref_slice %arg3[%add3A_95, %dma_start3A_102, %dma_start3A_103, %dma_start3A_104] : memref<2500x2x1x128xi32, #tpu.memory_space<hbm>> -> memref<1x2x1x128xi32, #tpu.memory_space<hbm>>
      %dma_start3A_106 = tpu.memref_squeeze %dma_start3A_105 : memref<1x2x1x128xi32, #tpu.memory_space<hbm>> -> memref<2x1x128xi32, #tpu.memory_space<hbm>>
      %dma_start3A_107 = tpu.memref_slice %arg9[%dma_start3A_96] : memref<5x!tpu.dma_semaphore, #tpu.memory_space<semaphore_mem>> -> memref<1x!tpu.dma_semaphore, #tpu.memory_space<semaphore_mem>>
      %dma_start3A_108 = tpu.memref_squeeze %dma_start3A_107 : memref<1x!tpu.dma_semaphore, #tpu.memory_space<semaphore_mem>> -> memref<!tpu.dma_semaphore, #tpu.memory_space<semaphore_mem>>
      %dma_start3A_109 = arith.constant 0 : i32
      %dma_start3A_110 = arith.constant 0 : i32
      %dma_start3A_111 = arith.constant 0 : i32
      %dma_start3A_112 = tpu.memref_slice %arg6[%dma_start3A, %dma_start3A_109, %dma_start3A_110, %dma_start3A_111] : memref<5x2x1x128xi32, #tpu.memory_space<vmem>> -> memref<1x2x1x128xi32, #tpu.memory_space<vmem>>
      %dma_start3A_113 = tpu.memref_squeeze %dma_start3A_112 : memref<1x2x1x128xi32, #tpu.memory_space<vmem>> -> memref<2x1x128xi32, #tpu.memory_space<vmem>>
      %dma_start3A_114 = arith.constant 0 : i32
      %dma_start3A_115 = arith.constant 0 : i32
      %dma_start3A_116 = arith.constant 0 : i32
      %dma_start3A_117 = tpu.memref_slice %arg3[%add3A_95, %dma_start3A_114, %dma_start3A_115, %dma_start3A_116] : memref<2500x2x1x128xi32, #tpu.memory_space<hbm>> -> memref<1x2x1x128xi32, #tpu.memory_space<hbm>>
      %dma_start3A_118 = tpu.memref_squeeze %dma_start3A_117 : memref<1x2x1x128xi32, #tpu.memory_space<hbm>> -> memref<2x1x128xi32, #tpu.memory_space<hbm>>
      tpu.enqueue_dma source(%dma_start3A_118 : memref<2x1x128xi32, #tpu.memory_space<hbm>>) target(%dma_start3A_113 : memref<2x1x128xi32, #tpu.memory_space<vmem>>) target_semaphore(%dma_start3A_108 : memref<!tpu.dma_semaphore, #tpu.memory_space<semaphore_mem>>)
    } else {
    }
    %gt3A_39 = arith.constant 2 : i32
    %gt3A_40 = arith.cmpi sgt, %select_n3A, %gt3A_39 : i32
    %convert_element_type3A_41 = arith.extui %gt3A_40 : i1 to i32
    %cond3A_42 = arith.constant 0 : i32
    %cond3A_43 = arith.cmpi ne, %convert_element_type3A_41, %cond3A_42 : i32
    scf.if %cond3A_43 {
      %add3A_94 = arith.constant 2 : i32
      %add3A_95 = arith.addi %select_n3A_20, %add3A_94 : i32
      %dma_start3A = arith.constant 2 : i32
      %dma_start3A_96 = arith.constant 2 : i32
      %dma_start3A_97 = arith.constant 0 : i32
      %dma_start3A_98 = arith.constant 0 : i32
      %dma_start3A_99 = arith.constant 0 : i32
      %dma_start3A_100 = tpu.memref_slice %arg6[%dma_start3A, %dma_start3A_97, %dma_start3A_98, %dma_start3A_99] : memref<5x2x1x128xi32, #tpu.memory_space<vmem>> -> memref<1x2x1x128xi32, #tpu.memory_space<vmem>>
      %dma_start3A_101 = tpu.memref_squeeze %dma_start3A_100 : memref<1x2x1x128xi32, #tpu.memory_space<vmem>> -> memref<2x1x128xi32, #tpu.memory_space<vmem>>
      %dma_start3A_102 = arith.constant 0 : i32
      %dma_start3A_103 = arith.constant 0 : i32
      %dma_start3A_104 = arith.constant 0 : i32
      %dma_start3A_105 = tpu.memref_slice %arg3[%add3A_95, %dma_start3A_102, %dma_start3A_103, %dma_start3A_104] : memref<2500x2x1x128xi32, #tpu.memory_space<hbm>> -> memref<1x2x1x128xi32, #tpu.memory_space<hbm>>
      %dma_start3A_106 = tpu.memref_squeeze %dma_start3A_105 : memref<1x2x1x128xi32, #tpu.memory_space<hbm>> -> memref<2x1x128xi32, #tpu.memory_space<hbm>>
      %dma_start3A_107 = tpu.memref_slice %arg9[%dma_start3A_96] : memref<5x!tpu.dma_semaphore, #tpu.memory_space<semaphore_mem>> -> memref<1x!tpu.dma_semaphore, #tpu.memory_space<semaphore_mem>>
      %dma_start3A_108 = tpu.memref_squeeze %dma_start3A_107 : memref<1x!tpu.dma_semaphore, #tpu.memory_space<semaphore_mem>> -> memref<!tpu.dma_semaphore, #tpu.memory_space<semaphore_mem>>
      %dma_start3A_109 = arith.constant 0 : i32
      %dma_start3A_110 = arith.constant 0 : i32
      %dma_start3A_111 = arith.constant 0 : i32
      %dma_start3A_112 = tpu.memref_slice %arg6[%dma_start3A, %dma_start3A_109, %dma_start3A_110, %dma_start3A_111] : memref<5x2x1x128xi32, #tpu.memory_space<vmem>> -> memref<1x2x1x128xi32, #tpu.memory_space<vmem>>
      %dma_start3A_113 = tpu.memref_squeeze %dma_start3A_112 : memref<1x2x1x128xi32, #tpu.memory_space<vmem>> -> memref<2x1x128xi32, #tpu.memory_space<vmem>>
      %dma_start3A_114 = arith.constant 0 : i32
      %dma_start3A_115 = arith.constant 0 : i32
      %dma_start3A_116 = arith.constant 0 : i32
      %dma_start3A_117 = tpu.memref_slice %arg3[%add3A_95, %dma_start3A_114, %dma_start3A_115, %dma_start3A_116] : memref<2500x2x1x128xi32, #tpu.memory_space<hbm>> -> memref<1x2x1x128xi32, #tpu.memory_space<hbm>>
      %dma_start3A_118 = tpu.memref_squeeze %dma_start3A_117 : memref<1x2x1x128xi32, #tpu.memory_space<hbm>> -> memref<2x1x128xi32, #tpu.memory_space<hbm>>
      tpu.enqueue_dma source(%dma_start3A_118 : memref<2x1x128xi32, #tpu.memory_space<hbm>>) target(%dma_start3A_113 : memref<2x1x128xi32, #tpu.memory_space<vmem>>) target_semaphore(%dma_start3A_108 : memref<!tpu.dma_semaphore, #tpu.memory_space<semaphore_mem>>)
    } else {
    }
    %gt3A_44 = arith.constant 3 : i32
    %gt3A_45 = arith.cmpi sgt, %select_n3A, %gt3A_44 : i32
    %convert_element_type3A_46 = arith.extui %gt3A_45 : i1 to i32
    %cond3A_47 = arith.constant 0 : i32
    %cond3A_48 = arith.cmpi ne, %convert_element_type3A_46, %cond3A_47 : i32
    scf.if %cond3A_48 {
      %add3A_94 = arith.constant 3 : i32
      %add3A_95 = arith.addi %select_n3A_20, %add3A_94 : i32
      %dma_start3A = arith.constant 3 : i32
      %dma_start3A_96 = arith.constant 3 : i32
      %dma_start3A_97 = arith.constant 0 : i32
      %dma_start3A_98 = arith.constant 0 : i32
      %dma_start3A_99 = arith.constant 0 : i32
      %dma_start3A_100 = tpu.memref_slice %arg6[%dma_start3A, %dma_start3A_97, %dma_start3A_98, %dma_start3A_99] : memref<5x2x1x128xi32, #tpu.memory_space<vmem>> -> memref<1x2x1x128xi32, #tpu.memory_space<vmem>>
      %dma_start3A_101 = tpu.memref_squeeze %dma_start3A_100 : memref<1x2x1x128xi32, #tpu.memory_space<vmem>> -> memref<2x1x128xi32, #tpu.memory_space<vmem>>
      %dma_start3A_102 = arith.constant 0 : i32
      %dma_start3A_103 = arith.constant 0 : i32
      %dma_start3A_104 = arith.constant 0 : i32
      %dma_start3A_105 = tpu.memref_slice %arg3[%add3A_95, %dma_start3A_102, %dma_start3A_103, %dma_start3A_104] : memref<2500x2x1x128xi32, #tpu.memory_space<hbm>> -> memref<1x2x1x128xi32, #tpu.memory_space<hbm>>
      %dma_start3A_106 = tpu.memref_squeeze %dma_start3A_105 : memref<1x2x1x128xi32, #tpu.memory_space<hbm>> -> memref<2x1x128xi32, #tpu.memory_space<hbm>>
      %dma_start3A_107 = tpu.memref_slice %arg9[%dma_start3A_96] : memref<5x!tpu.dma_semaphore, #tpu.memory_space<semaphore_mem>> -> memref<1x!tpu.dma_semaphore, #tpu.memory_space<semaphore_mem>>
      %dma_start3A_108 = tpu.memref_squeeze %dma_start3A_107 : memref<1x!tpu.dma_semaphore, #tpu.memory_space<semaphore_mem>> -> memref<!tpu.dma_semaphore, #tpu.memory_space<semaphore_mem>>
      %dma_start3A_109 = arith.constant 0 : i32
      %dma_start3A_110 = arith.constant 0 : i32
      %dma_start3A_111 = arith.constant 0 : i32
      %dma_start3A_112 = tpu.memref_slice %arg6[%dma_start3A, %dma_start3A_109, %dma_start3A_110, %dma_start3A_111] : memref<5x2x1x128xi32, #tpu.memory_space<vmem>> -> memref<1x2x1x128xi32, #tpu.memory_space<vmem>>
      %dma_start3A_113 = tpu.memref_squeeze %dma_start3A_112 : memref<1x2x1x128xi32, #tpu.memory_space<vmem>> -> memref<2x1x128xi32, #tpu.memory_space<vmem>>
      %dma_start3A_114 = arith.constant 0 : i32
      %dma_start3A_115 = arith.constant 0 : i32
      %dma_start3A_116 = arith.constant 0 : i32
      %dma_start3A_117 = tpu.memref_slice %arg3[%add3A_95, %dma_start3A_114, %dma_start3A_115, %dma_start3A_116] : memref<2500x2x1x128xi32, #tpu.memory_space<hbm>> -> memref<1x2x1x128xi32, #tpu.memory_space<hbm>>
      %dma_start3A_118 = tpu.memref_squeeze %dma_start3A_117 : memref<1x2x1x128xi32, #tpu.memory_space<hbm>> -> memref<2x1x128xi32, #tpu.memory_space<hbm>>
      tpu.enqueue_dma source(%dma_start3A_118 : memref<2x1x128xi32, #tpu.memory_space<hbm>>) target(%dma_start3A_113 : memref<2x1x128xi32, #tpu.memory_space<vmem>>) target_semaphore(%dma_start3A_108 : memref<!tpu.dma_semaphore, #tpu.memory_space<semaphore_mem>>)
    } else {
    }
    %gt3A_49 = arith.constant 4 : i32
    %gt3A_50 = arith.cmpi sgt, %select_n3A, %gt3A_49 : i32
    %convert_element_type3A_51 = arith.extui %gt3A_50 : i1 to i32
    %cond3A_52 = arith.constant 0 : i32
    %cond3A_53 = arith.cmpi ne, %convert_element_type3A_51, %cond3A_52 : i32
    scf.if %cond3A_53 {
      %add3A_94 = arith.constant 4 : i32
      %add3A_95 = arith.addi %select_n3A_20, %add3A_94 : i32
      %dma_start3A = arith.constant 4 : i32
      %dma_start3A_96 = arith.constant 4 : i32
      %dma_start3A_97 = arith.constant 0 : i32
      %dma_start3A_98 = arith.constant 0 : i32
      %dma_start3A_99 = arith.constant 0 : i32
      %dma_start3A_100 = tpu.memref_slice %arg6[%dma_start3A, %dma_start3A_97, %dma_start3A_98, %dma_start3A_99] : memref<5x2x1x128xi32, #tpu.memory_space<vmem>> -> memref<1x2x1x128xi32, #tpu.memory_space<vmem>>
      %dma_start3A_101 = tpu.memref_squeeze %dma_start3A_100 : memref<1x2x1x128xi32, #tpu.memory_space<vmem>> -> memref<2x1x128xi32, #tpu.memory_space<vmem>>
      %dma_start3A_102 = arith.constant 0 : i32
      %dma_start3A_103 = arith.constant 0 : i32
      %dma_start3A_104 = arith.constant 0 : i32
      %dma_start3A_105 = tpu.memref_slice %arg3[%add3A_95, %dma_start3A_102, %dma_start3A_103, %dma_start3A_104] : memref<2500x2x1x128xi32, #tpu.memory_space<hbm>> -> memref<1x2x1x128xi32, #tpu.memory_space<hbm>>
      %dma_start3A_106 = tpu.memref_squeeze %dma_start3A_105 : memref<1x2x1x128xi32, #tpu.memory_space<hbm>> -> memref<2x1x128xi32, #tpu.memory_space<hbm>>
      %dma_start3A_107 = tpu.memref_slice %arg9[%dma_start3A_96] : memref<5x!tpu.dma_semaphore, #tpu.memory_space<semaphore_mem>> -> memref<1x!tpu.dma_semaphore, #tpu.memory_space<semaphore_mem>>
      %dma_start3A_108 = tpu.memref_squeeze %dma_start3A_107 : memref<1x!tpu.dma_semaphore, #tpu.memory_space<semaphore_mem>> -> memref<!tpu.dma_semaphore, #tpu.memory_space<semaphore_mem>>
      %dma_start3A_109 = arith.constant 0 : i32
      %dma_start3A_110 = arith.constant 0 : i32
      %dma_start3A_111 = arith.constant 0 : i32
      %dma_start3A_112 = tpu.memref_slice %arg6[%dma_start3A, %dma_start3A_109, %dma_start3A_110, %dma_start3A_111] : memref<5x2x1x128xi32, #tpu.memory_space<vmem>> -> memref<1x2x1x128xi32, #tpu.memory_space<vmem>>
      %dma_start3A_113 = tpu.memref_squeeze %dma_start3A_112 : memref<1x2x1x128xi32, #tpu.memory_space<vmem>> -> memref<2x1x128xi32, #tpu.memory_space<vmem>>
      %dma_start3A_114 = arith.constant 0 : i32
      %dma_start3A_115 = arith.constant 0 : i32
      %dma_start3A_116 = arith.constant 0 : i32
      %dma_start3A_117 = tpu.memref_slice %arg3[%add3A_95, %dma_start3A_114, %dma_start3A_115, %dma_start3A_116] : memref<2500x2x1x128xi32, #tpu.memory_space<hbm>> -> memref<1x2x1x128xi32, #tpu.memory_space<hbm>>
      %dma_start3A_118 = tpu.memref_squeeze %dma_start3A_117 : memref<1x2x1x128xi32, #tpu.memory_space<hbm>> -> memref<2x1x128xi32, #tpu.memory_space<hbm>>
      tpu.enqueue_dma source(%dma_start3A_118 : memref<2x1x128xi32, #tpu.memory_space<hbm>>) target(%dma_start3A_113 : memref<2x1x128xi32, #tpu.memory_space<vmem>>) target_semaphore(%dma_start3A_108 : memref<!tpu.dma_semaphore, #tpu.memory_space<semaphore_mem>>)
    } else {
    }
    %gt3A_54 = arith.constant 0 : i32
    %gt3A_55 = arith.cmpi sgt, %select_n3A, %gt3A_54 : i32
    %convert_element_type3A_56 = arith.extui %gt3A_55 : i1 to i32
    %cond3A_57 = arith.constant 0 : i32
    %cond3A_58 = arith.cmpi ne, %convert_element_type3A_56, %cond3A_57 : i32
    scf.if %cond3A_58 {
      %add3A_94 = arith.constant 0 : i32
      %add3A_95 = arith.addi %select_n3A_20, %add3A_94 : i32
      %dma_wait3A = arith.constant 0 : i32
      %dma_wait3A_96 = arith.constant 0 : i32
      %dma_wait3A_97 = arith.constant 0 : i32
      %dma_wait3A_98 = arith.constant 0 : i32
      %dma_wait3A_99 = arith.constant 0 : i32
      %dma_wait3A_100 = tpu.memref_slice %arg6[%dma_wait3A, %dma_wait3A_97, %dma_wait3A_98, %dma_wait3A_99] : memref<5x2x1x128xi32, #tpu.memory_space<vmem>> -> memref<1x2x1x128xi32, #tpu.memory_space<vmem>>
      %dma_wait3A_101 = tpu.memref_squeeze %dma_wait3A_100 : memref<1x2x1x128xi32, #tpu.memory_space<vmem>> -> memref<2x1x128xi32, #tpu.memory_space<vmem>>
      %dma_wait3A_102 = arith.constant 0 : i32
      %dma_wait3A_103 = arith.constant 0 : i32
      %dma_wait3A_104 = arith.constant 0 : i32
      %dma_wait3A_105 = tpu.memref_slice %arg3[%add3A_95, %dma_wait3A_102, %dma_wait3A_103, %dma_wait3A_104] : memref<2500x2x1x128xi32, #tpu.memory_space<hbm>> -> memref<1x2x1x128xi32, #tpu.memory_space<hbm>>
      %dma_wait3A_106 = tpu.memref_squeeze %dma_wait3A_105 : memref<1x2x1x128xi32, #tpu.memory_space<hbm>> -> memref<2x1x128xi32, #tpu.memory_space<hbm>>
      %dma_wait3A_107 = tpu.memref_slice %arg9[%dma_wait3A_96] : memref<5x!tpu.dma_semaphore, #tpu.memory_space<semaphore_mem>> -> memref<1x!tpu.dma_semaphore, #tpu.memory_space<semaphore_mem>>
      %dma_wait3A_108 = tpu.memref_squeeze %dma_wait3A_107 : memref<1x!tpu.dma_semaphore, #tpu.memory_space<semaphore_mem>> -> memref<!tpu.dma_semaphore, #tpu.memory_space<semaphore_mem>>
      %dma_wait3A_109 = arith.constant 0 : i32
      %dma_wait3A_110 = arith.constant 0 : i32
      %dma_wait3A_111 = arith.constant 0 : i32
      %dma_wait3A_112 = tpu.memref_slice %arg6[%dma_wait3A, %dma_wait3A_109, %dma_wait3A_110, %dma_wait3A_111] : memref<5x2x1x128xi32, #tpu.memory_space<vmem>> -> memref<1x2x1x128xi32, #tpu.memory_space<vmem>>
      %dma_wait3A_113 = tpu.memref_squeeze %dma_wait3A_112 : memref<1x2x1x128xi32, #tpu.memory_space<vmem>> -> memref<2x1x128xi32, #tpu.memory_space<vmem>>
      %dma_wait3A_114 = arith.constant 0 : i32
      %dma_wait3A_115 = arith.constant 0 : i32
      %dma_wait3A_116 = arith.constant 0 : i32
      %dma_wait3A_117 = tpu.memref_slice %arg3[%add3A_95, %dma_wait3A_114, %dma_wait3A_115, %dma_wait3A_116] : memref<2500x2x1x128xi32, #tpu.memory_space<hbm>> -> memref<1x2x1x128xi32, #tpu.memory_space<hbm>>
      %dma_wait3A_118 = tpu.memref_squeeze %dma_wait3A_117 : memref<1x2x1x128xi32, #tpu.memory_space<hbm>> -> memref<2x1x128xi32, #tpu.memory_space<hbm>>
      tpu.wait_dma2 semaphore(%dma_wait3A_108 : memref<!tpu.dma_semaphore, #tpu.memory_space<semaphore_mem>>) src(%dma_wait3A_118 : memref<2x1x128xi32, #tpu.memory_space<hbm>>) dst(%dma_wait3A_113 : memref<2x1x128xi32, #tpu.memory_space<vmem>>)
      %dma_start3A = arith.constant 0 : i32
      %dma_start3A_119 = arith.constant 0 : i32
      %dma_start3A_120 = arith.constant 0 : i32
      %dma_start3A_121 = arith.constant 0 : i32
      %dma_start3A_122 = arith.constant 0 : i32
      %dma_start3A_123 = arith.constant 0 : i32
      %dma_start3A_124 = arith.constant 0 : i32
      %dma_start3A_125 = tpu.memref_slice %arg7[%dma_start3A_121, %dma_start3A_123, %dma_start3A_124] : memref<3x128x128xf32, #tpu.memory_space<vmem>> -> memref<1x128x128xf32, #tpu.memory_space<vmem>>
      %dma_start3A_126 = tpu.memref_squeeze %dma_start3A_125 : memref<1x128x128xf32, #tpu.memory_space<vmem>> -> memref<128x128xf32, #tpu.memory_space<vmem>>
      %dma_start3A_127 = arith.constant 0 : i32
      %dma_start3A_128 = tpu.memref_slice %arg6[%dma_start3A, %dma_start3A_119, %dma_start3A_120, %dma_start3A_127] : memref<5x2x1x128xi32, #tpu.memory_space<vmem>> -> memref<1x1x1x128xi32, #tpu.memory_space<vmem>>
      %dma_start3A_129 = tpu.memref_squeeze %dma_start3A_128 : memref<1x1x1x128xi32, #tpu.memory_space<vmem>> -> memref<128xi32, #tpu.memory_space<vmem>>
      %dma_start3A_130 = arith.constant 0 : i32
      %dma_start3A_131 = arith.constant 0 : i32
      %dma_start3A_132 = tpu.memref_slice %arg2[%dma_start3A_130, %dma_start3A_131] : memref<10000x128xf32, #tpu.memory_space<hbm>> -> memref<10000x128xf32, #tpu.memory_space<hbm>>
      %dma_start3A_133 = tpu.memref_slice %arg10[%dma_start3A_122] : memref<3x!tpu.dma_semaphore, #tpu.memory_space<semaphore_mem>> -> memref<1x!tpu.dma_semaphore, #tpu.memory_space<semaphore_mem>>
      %dma_start3A_134 = tpu.memref_squeeze %dma_start3A_133 : memref<1x!tpu.dma_semaphore, #tpu.memory_space<semaphore_mem>> -> memref<!tpu.dma_semaphore, #tpu.memory_space<semaphore_mem>>
      tpu.enqueue_indirect_dma source(%dma_start3A_132 : memref<10000x128xf32, #tpu.memory_space<hbm>>) target(%dma_start3A_126 : memref<128x128xf32, #tpu.memory_space<vmem>>) offsets(%dma_start3A_129 : memref<128xi32, #tpu.memory_space<vmem>>) semaphore(%dma_start3A_134 : memref<!tpu.dma_semaphore, #tpu.memory_space<semaphore_mem>>)
    } else {
    }
    %gt3A_59 = arith.constant 1 : i32
    %gt3A_60 = arith.cmpi sgt, %select_n3A, %gt3A_59 : i32
    %convert_element_type3A_61 = arith.extui %gt3A_60 : i1 to i32
    %cond3A_62 = arith.constant 0 : i32
    %cond3A_63 = arith.cmpi ne, %convert_element_type3A_61, %cond3A_62 : i32
    scf.if %cond3A_63 {
      %add3A_94 = arith.constant 1 : i32
      %add3A_95 = arith.addi %select_n3A_20, %add3A_94 : i32
      %dma_wait3A = arith.constant 1 : i32
      %dma_wait3A_96 = arith.constant 1 : i32
      %dma_wait3A_97 = arith.constant 0 : i32
      %dma_wait3A_98 = arith.constant 0 : i32
      %dma_wait3A_99 = arith.constant 0 : i32
      %dma_wait3A_100 = tpu.memref_slice %arg6[%dma_wait3A, %dma_wait3A_97, %dma_wait3A_98, %dma_wait3A_99] : memref<5x2x1x128xi32, #tpu.memory_space<vmem>> -> memref<1x2x1x128xi32, #tpu.memory_space<vmem>>
      %dma_wait3A_101 = tpu.memref_squeeze %dma_wait3A_100 : memref<1x2x1x128xi32, #tpu.memory_space<vmem>> -> memref<2x1x128xi32, #tpu.memory_space<vmem>>
      %dma_wait3A_102 = arith.constant 0 : i32
      %dma_wait3A_103 = arith.constant 0 : i32
      %dma_wait3A_104 = arith.constant 0 : i32
      %dma_wait3A_105 = tpu.memref_slice %arg3[%add3A_95, %dma_wait3A_102, %dma_wait3A_103, %dma_wait3A_104] : memref<2500x2x1x128xi32, #tpu.memory_space<hbm>> -> memref<1x2x1x128xi32, #tpu.memory_space<hbm>>
      %dma_wait3A_106 = tpu.memref_squeeze %dma_wait3A_105 : memref<1x2x1x128xi32, #tpu.memory_space<hbm>> -> memref<2x1x128xi32, #tpu.memory_space<hbm>>
      %dma_wait3A_107 = tpu.memref_slice %arg9[%dma_wait3A_96] : memref<5x!tpu.dma_semaphore, #tpu.memory_space<semaphore_mem>> -> memref<1x!tpu.dma_semaphore, #tpu.memory_space<semaphore_mem>>
      %dma_wait3A_108 = tpu.memref_squeeze %dma_wait3A_107 : memref<1x!tpu.dma_semaphore, #tpu.memory_space<semaphore_mem>> -> memref<!tpu.dma_semaphore, #tpu.memory_space<semaphore_mem>>
      %dma_wait3A_109 = arith.constant 0 : i32
      %dma_wait3A_110 = arith.constant 0 : i32
      %dma_wait3A_111 = arith.constant 0 : i32
      %dma_wait3A_112 = tpu.memref_slice %arg6[%dma_wait3A, %dma_wait3A_109, %dma_wait3A_110, %dma_wait3A_111] : memref<5x2x1x128xi32, #tpu.memory_space<vmem>> -> memref<1x2x1x128xi32, #tpu.memory_space<vmem>>
      %dma_wait3A_113 = tpu.memref_squeeze %dma_wait3A_112 : memref<1x2x1x128xi32, #tpu.memory_space<vmem>> -> memref<2x1x128xi32, #tpu.memory_space<vmem>>
      %dma_wait3A_114 = arith.constant 0 : i32
      %dma_wait3A_115 = arith.constant 0 : i32
      %dma_wait3A_116 = arith.constant 0 : i32
      %dma_wait3A_117 = tpu.memref_slice %arg3[%add3A_95, %dma_wait3A_114, %dma_wait3A_115, %dma_wait3A_116] : memref<2500x2x1x128xi32, #tpu.memory_space<hbm>> -> memref<1x2x1x128xi32, #tpu.memory_space<hbm>>
      %dma_wait3A_118 = tpu.memref_squeeze %dma_wait3A_117 : memref<1x2x1x128xi32, #tpu.memory_space<hbm>> -> memref<2x1x128xi32, #tpu.memory_space<hbm>>
      tpu.wait_dma2 semaphore(%dma_wait3A_108 : memref<!tpu.dma_semaphore, #tpu.memory_space<semaphore_mem>>) src(%dma_wait3A_118 : memref<2x1x128xi32, #tpu.memory_space<hbm>>) dst(%dma_wait3A_113 : memref<2x1x128xi32, #tpu.memory_space<vmem>>)
      %dma_start3A = arith.constant 1 : i32
      %dma_start3A_119 = arith.constant 0 : i32
      %dma_start3A_120 = arith.constant 0 : i32
      %dma_start3A_121 = arith.constant 1 : i32
      %dma_start3A_122 = arith.constant 1 : i32
      %dma_start3A_123 = arith.constant 0 : i32
      %dma_start3A_124 = arith.constant 0 : i32
      %dma_start3A_125 = tpu.memref_slice %arg7[%dma_start3A_121, %dma_start3A_123, %dma_start3A_124] : memref<3x128x128xf32, #tpu.memory_space<vmem>> -> memref<1x128x128xf32, #tpu.memory_space<vmem>>
      %dma_start3A_126 = tpu.memref_squeeze %dma_start3A_125 : memref<1x128x128xf32, #tpu.memory_space<vmem>> -> memref<128x128xf32, #tpu.memory_space<vmem>>
      %dma_start3A_127 = arith.constant 0 : i32
      %dma_start3A_128 = tpu.memref_slice %arg6[%dma_start3A, %dma_start3A_119, %dma_start3A_120, %dma_start3A_127] : memref<5x2x1x128xi32, #tpu.memory_space<vmem>> -> memref<1x1x1x128xi32, #tpu.memory_space<vmem>>
      %dma_start3A_129 = tpu.memref_squeeze %dma_start3A_128 : memref<1x1x1x128xi32, #tpu.memory_space<vmem>> -> memref<128xi32, #tpu.memory_space<vmem>>
      %dma_start3A_130 = arith.constant 0 : i32
      %dma_start3A_131 = arith.constant 0 : i32
      %dma_start3A_132 = tpu.memref_slice %arg2[%dma_start3A_130, %dma_start3A_131] : memref<10000x128xf32, #tpu.memory_space<hbm>> -> memref<10000x128xf32, #tpu.memory_space<hbm>>
      %dma_start3A_133 = tpu.memref_slice %arg10[%dma_start3A_122] : memref<3x!tpu.dma_semaphore, #tpu.memory_space<semaphore_mem>> -> memref<1x!tpu.dma_semaphore, #tpu.memory_space<semaphore_mem>>
      %dma_start3A_134 = tpu.memref_squeeze %dma_start3A_133 : memref<1x!tpu.dma_semaphore, #tpu.memory_space<semaphore_mem>> -> memref<!tpu.dma_semaphore, #tpu.memory_space<semaphore_mem>>
      tpu.enqueue_indirect_dma source(%dma_start3A_132 : memref<10000x128xf32, #tpu.memory_space<hbm>>) target(%dma_start3A_126 : memref<128x128xf32, #tpu.memory_space<vmem>>) offsets(%dma_start3A_129 : memref<128xi32, #tpu.memory_space<vmem>>) semaphore(%dma_start3A_134 : memref<!tpu.dma_semaphore, #tpu.memory_space<semaphore_mem>>)
    } else {
    }
    %gt3A_64 = arith.constant 2 : i32
    %gt3A_65 = arith.cmpi sgt, %select_n3A, %gt3A_64 : i32
    %convert_element_type3A_66 = arith.extui %gt3A_65 : i1 to i32
    %cond3A_67 = arith.constant 0 : i32
    %cond3A_68 = arith.cmpi ne, %convert_element_type3A_66, %cond3A_67 : i32
    scf.if %cond3A_68 {
      %add3A_94 = arith.constant 2 : i32
      %add3A_95 = arith.addi %select_n3A_20, %add3A_94 : i32
      %dma_wait3A = arith.constant 2 : i32
      %dma_wait3A_96 = arith.constant 2 : i32
      %dma_wait3A_97 = arith.constant 0 : i32
      %dma_wait3A_98 = arith.constant 0 : i32
      %dma_wait3A_99 = arith.constant 0 : i32
      %dma_wait3A_100 = tpu.memref_slice %arg6[%dma_wait3A, %dma_wait3A_97, %dma_wait3A_98, %dma_wait3A_99] : memref<5x2x1x128xi32, #tpu.memory_space<vmem>> -> memref<1x2x1x128xi32, #tpu.memory_space<vmem>>
      %dma_wait3A_101 = tpu.memref_squeeze %dma_wait3A_100 : memref<1x2x1x128xi32, #tpu.memory_space<vmem>> -> memref<2x1x128xi32, #tpu.memory_space<vmem>>
      %dma_wait3A_102 = arith.constant 0 : i32
      %dma_wait3A_103 = arith.constant 0 : i32
      %dma_wait3A_104 = arith.constant 0 : i32
      %dma_wait3A_105 = tpu.memref_slice %arg3[%add3A_95, %dma_wait3A_102, %dma_wait3A_103, %dma_wait3A_104] : memref<2500x2x1x128xi32, #tpu.memory_space<hbm>> -> memref<1x2x1x128xi32, #tpu.memory_space<hbm>>
      %dma_wait3A_106 = tpu.memref_squeeze %dma_wait3A_105 : memref<1x2x1x128xi32, #tpu.memory_space<hbm>> -> memref<2x1x128xi32, #tpu.memory_space<hbm>>
      %dma_wait3A_107 = tpu.memref_slice %arg9[%dma_wait3A_96] : memref<5x!tpu.dma_semaphore, #tpu.memory_space<semaphore_mem>> -> memref<1x!tpu.dma_semaphore, #tpu.memory_space<semaphore_mem>>
      %dma_wait3A_108 = tpu.memref_squeeze %dma_wait3A_107 : memref<1x!tpu.dma_semaphore, #tpu.memory_space<semaphore_mem>> -> memref<!tpu.dma_semaphore, #tpu.memory_space<semaphore_mem>>
      %dma_wait3A_109 = arith.constant 0 : i32
      %dma_wait3A_110 = arith.constant 0 : i32
      %dma_wait3A_111 = arith.constant 0 : i32
      %dma_wait3A_112 = tpu.memref_slice %arg6[%dma_wait3A, %dma_wait3A_109, %dma_wait3A_110, %dma_wait3A_111] : memref<5x2x1x128xi32, #tpu.memory_space<vmem>> -> memref<1x2x1x128xi32, #tpu.memory_space<vmem>>
      %dma_wait3A_113 = tpu.memref_squeeze %dma_wait3A_112 : memref<1x2x1x128xi32, #tpu.memory_space<vmem>> -> memref<2x1x128xi32, #tpu.memory_space<vmem>>
      %dma_wait3A_114 = arith.constant 0 : i32
      %dma_wait3A_115 = arith.constant 0 : i32
      %dma_wait3A_116 = arith.constant 0 : i32
      %dma_wait3A_117 = tpu.memref_slice %arg3[%add3A_95, %dma_wait3A_114, %dma_wait3A_115, %dma_wait3A_116] : memref<2500x2x1x128xi32, #tpu.memory_space<hbm>> -> memref<1x2x1x128xi32, #tpu.memory_space<hbm>>
      %dma_wait3A_118 = tpu.memref_squeeze %dma_wait3A_117 : memref<1x2x1x128xi32, #tpu.memory_space<hbm>> -> memref<2x1x128xi32, #tpu.memory_space<hbm>>
      tpu.wait_dma2 semaphore(%dma_wait3A_108 : memref<!tpu.dma_semaphore, #tpu.memory_space<semaphore_mem>>) src(%dma_wait3A_118 : memref<2x1x128xi32, #tpu.memory_space<hbm>>) dst(%dma_wait3A_113 : memref<2x1x128xi32, #tpu.memory_space<vmem>>)
      %dma_start3A = arith.constant 2 : i32
      %dma_start3A_119 = arith.constant 0 : i32
      %dma_start3A_120 = arith.constant 0 : i32
      %dma_start3A_121 = arith.constant 2 : i32
      %dma_start3A_122 = arith.constant 2 : i32
      %dma_start3A_123 = arith.constant 0 : i32
      %dma_start3A_124 = arith.constant 0 : i32
      %dma_start3A_125 = tpu.memref_slice %arg7[%dma_start3A_121, %dma_start3A_123, %dma_start3A_124] : memref<3x128x128xf32, #tpu.memory_space<vmem>> -> memref<1x128x128xf32, #tpu.memory_space<vmem>>
      %dma_start3A_126 = tpu.memref_squeeze %dma_start3A_125 : memref<1x128x128xf32, #tpu.memory_space<vmem>> -> memref<128x128xf32, #tpu.memory_space<vmem>>
      %dma_start3A_127 = arith.constant 0 : i32
      %dma_start3A_128 = tpu.memref_slice %arg6[%dma_start3A, %dma_start3A_119, %dma_start3A_120, %dma_start3A_127] : memref<5x2x1x128xi32, #tpu.memory_space<vmem>> -> memref<1x1x1x128xi32, #tpu.memory_space<vmem>>
      %dma_start3A_129 = tpu.memref_squeeze %dma_start3A_128 : memref<1x1x1x128xi32, #tpu.memory_space<vmem>> -> memref<128xi32, #tpu.memory_space<vmem>>
      %dma_start3A_130 = arith.constant 0 : i32
      %dma_start3A_131 = arith.constant 0 : i32
      %dma_start3A_132 = tpu.memref_slice %arg2[%dma_start3A_130, %dma_start3A_131] : memref<10000x128xf32, #tpu.memory_space<hbm>> -> memref<10000x128xf32, #tpu.memory_space<hbm>>
      %dma_start3A_133 = tpu.memref_slice %arg10[%dma_start3A_122] : memref<3x!tpu.dma_semaphore, #tpu.memory_space<semaphore_mem>> -> memref<1x!tpu.dma_semaphore, #tpu.memory_space<semaphore_mem>>
      %dma_start3A_134 = tpu.memref_squeeze %dma_start3A_133 : memref<1x!tpu.dma_semaphore, #tpu.memory_space<semaphore_mem>> -> memref<!tpu.dma_semaphore, #tpu.memory_space<semaphore_mem>>
      tpu.enqueue_indirect_dma source(%dma_start3A_132 : memref<10000x128xf32, #tpu.memory_space<hbm>>) target(%dma_start3A_126 : memref<128x128xf32, #tpu.memory_space<vmem>>) offsets(%dma_start3A_129 : memref<128xi32, #tpu.memory_space<vmem>>) semaphore(%dma_start3A_134 : memref<!tpu.dma_semaphore, #tpu.memory_space<semaphore_mem>>)
    } else {
    }
    %barrier3A = arith.constant 0 : index
    tpu.barrier barrier_id(%barrier3A)
    %while3A = arith.constant 0 : i32
    %while3A_69 = arith.constant 0 : i32
    %while3A_70 = arith.subi %select_n3A, %while3A_69 : i32
    %while3A_71 = arith.addi %while3A_69, %while3A_70 : i32
    %while3A_72 = arith.constant 1 : i32
    %while3A_73 = arith.divsi %while3A_70, %while3A_72 : i32
    %while3A_74 = arith.muli %while3A_73, %while3A_72 : i32
    %while3A_75 = arith.addi %while3A_69, %while3A_74 : i32
    %while3A_76 = arith.constant 1 : i32
    scf.for %while3A_94 = %while3A_69 to %while3A_75 step %while3A_76  : i32 {
      %rem3A = arith.constant 3 : i32
      %rem3A_95 = arith.remsi %while3A_94, %rem3A : i32
      %rem3A_96 = arith.constant 5 : i32
      %rem3A_97 = arith.remsi %while3A_94, %rem3A_96 : i32
      %dma_wait3A = arith.constant 0 : i32
      %dma_wait3A_98 = arith.constant 0 : i32
      %dma_wait3A_99 = arith.constant 0 : i32
      %dma_wait3A_100 = arith.constant 0 : i32
      %dma_wait3A_101 = tpu.memref_slice %arg7[%rem3A_95, %dma_wait3A_99, %dma_wait3A_100] : memref<3x128x128xf32, #tpu.memory_space<vmem>> -> memref<1x128x128xf32, #tpu.memory_space<vmem>>
      %dma_wait3A_102 = tpu.memref_squeeze %dma_wait3A_101 : memref<1x128x128xf32, #tpu.memory_space<vmem>> -> memref<128x128xf32, #tpu.memory_space<vmem>>
      %dma_wait3A_103 = arith.constant 0 : i32
      %dma_wait3A_104 = tpu.memref_slice %arg6[%rem3A_97, %dma_wait3A, %dma_wait3A_98, %dma_wait3A_103] : memref<5x2x1x128xi32, #tpu.memory_space<vmem>> -> memref<1x1x1x128xi32, #tpu.memory_space<vmem>>
      %dma_wait3A_105 = tpu.memref_squeeze %dma_wait3A_104 : memref<1x1x1x128xi32, #tpu.memory_space<vmem>> -> memref<128xi32, #tpu.memory_space<vmem>>
      %dma_wait3A_106 = arith.constant 0 : i32
      %dma_wait3A_107 = arith.constant 0 : i32
      %dma_wait3A_108 = tpu.memref_slice %arg2[%dma_wait3A_106, %dma_wait3A_107] : memref<10000x128xf32, #tpu.memory_space<hbm>> -> memref<10000x128xf32, #tpu.memory_space<hbm>>
      %dma_wait3A_109 = tpu.memref_slice %arg10[%rem3A_95] : memref<3x!tpu.dma_semaphore, #tpu.memory_space<semaphore_mem>> -> memref<1x!tpu.dma_semaphore, #tpu.memory_space<semaphore_mem>>
      %dma_wait3A_110 = tpu.memref_squeeze %dma_wait3A_109 : memref<1x!tpu.dma_semaphore, #tpu.memory_space<semaphore_mem>> -> memref<!tpu.dma_semaphore, #tpu.memory_space<semaphore_mem>>
      tpu.wait_indirect_dma semaphore(%dma_wait3A_110 : memref<!tpu.dma_semaphore, #tpu.memory_space<semaphore_mem>>) src(%dma_wait3A_108 : memref<10000x128xf32, #tpu.memory_space<hbm>>) dst(%dma_wait3A_102 : memref<128x128xf32, #tpu.memory_space<vmem>>)
      %dma_start3A = arith.constant 1 : i32
      %dma_start3A_111 = arith.constant 0 : i32
      %dma_start3A_112 = arith.constant 0 : i32
      %dma_start3A_113 = arith.constant 0 : i32
      %dma_start3A_114 = tpu.memref_slice %arg7[%rem3A_95, %dma_start3A_112, %dma_start3A_113] : memref<3x128x128xf32, #tpu.memory_space<vmem>> -> memref<1x128x128xf32, #tpu.memory_space<vmem>>
      %dma_start3A_115 = tpu.memref_squeeze %dma_start3A_114 : memref<1x128x128xf32, #tpu.memory_space<vmem>> -> memref<128x128xf32, #tpu.memory_space<vmem>>
      %dma_start3A_116 = arith.constant 0 : i32
      %dma_start3A_117 = tpu.memref_slice %arg6[%rem3A_97, %dma_start3A, %dma_start3A_111, %dma_start3A_116] : memref<5x2x1x128xi32, #tpu.memory_space<vmem>> -> memref<1x1x1x128xi32, #tpu.memory_space<vmem>>
      %dma_start3A_118 = tpu.memref_squeeze %dma_start3A_117 : memref<1x1x1x128xi32, #tpu.memory_space<vmem>> -> memref<128xi32, #tpu.memory_space<vmem>>
      %dma_start3A_119 = arith.constant 0 : i32
      %dma_start3A_120 = arith.constant 0 : i32
      %dma_start3A_121 = tpu.memref_slice %arg8[%dma_start3A_119, %dma_start3A_120] : memref<10000x128xf32, #tpu.memory_space<vmem_shared>> -> memref<10000x128xf32, #tpu.memory_space<vmem_shared>>
      %dma_start3A_122 = tpu.memref_slice %arg11[%rem3A_95] : memref<3x!tpu.dma_semaphore, #tpu.memory_space<semaphore_mem>> -> memref<1x!tpu.dma_semaphore, #tpu.memory_space<semaphore_mem>>
      %dma_start3A_123 = tpu.memref_squeeze %dma_start3A_122 : memref<1x!tpu.dma_semaphore, #tpu.memory_space<semaphore_mem>> -> memref<!tpu.dma_semaphore, #tpu.memory_space<semaphore_mem>>
      tpu.enqueue_indirect_dma source(%dma_start3A_115 : memref<128x128xf32, #tpu.memory_space<vmem>>) target(%dma_start3A_121 : memref<10000x128xf32, #tpu.memory_space<vmem_shared>>) offsets(%dma_start3A_118 : memref<128xi32, #tpu.memory_space<vmem>>) semaphore(%dma_start3A_123 : memref<!tpu.dma_semaphore, #tpu.memory_space<semaphore_mem>>) {add = true}
      %gt3A_124 = arith.constant 0 : i32
      %gt3A_125 = arith.cmpi sgt, %while3A_94, %gt3A_124 : i32
      %convert_element_type3A_126 = arith.extui %gt3A_125 : i1 to i32
      %cond3A_127 = arith.constant 0 : i32
      %cond3A_128 = arith.cmpi ne, %convert_element_type3A_126, %cond3A_127 : i32
      scf.if %cond3A_128 {
        %sub3A = arith.constant 1 : i32
        %sub3A_129 = arith.subi %while3A_94, %sub3A : i32
        %rem3A_130 = arith.constant 3 : i32
        %rem3A_131 = arith.remsi %sub3A_129, %rem3A_130 : i32
        %rem3A_132 = arith.constant 5 : i32
        %rem3A_133 = arith.remsi %sub3A_129, %rem3A_132 : i32
        %dma_wait3A_134 = arith.constant 1 : i32
        %dma_wait3A_135 = arith.constant 0 : i32
        %dma_wait3A_136 = arith.constant 0 : i32
        %dma_wait3A_137 = arith.constant 0 : i32
        %dma_wait3A_138 = tpu.memref_slice %arg7[%rem3A_131, %dma_wait3A_136, %dma_wait3A_137] : memref<3x128x128xf32, #tpu.memory_space<vmem>> -> memref<1x128x128xf32, #tpu.memory_space<vmem>>
        %dma_wait3A_139 = tpu.memref_squeeze %dma_wait3A_138 : memref<1x128x128xf32, #tpu.memory_space<vmem>> -> memref<128x128xf32, #tpu.memory_space<vmem>>
        %dma_wait3A_140 = arith.constant 0 : i32
        %dma_wait3A_141 = tpu.memref_slice %arg6[%rem3A_133, %dma_wait3A_134, %dma_wait3A_135, %dma_wait3A_140] : memref<5x2x1x128xi32, #tpu.memory_space<vmem>> -> memref<1x1x1x128xi32, #tpu.memory_space<vmem>>
        %dma_wait3A_142 = tpu.memref_squeeze %dma_wait3A_141 : memref<1x1x1x128xi32, #tpu.memory_space<vmem>> -> memref<128xi32, #tpu.memory_space<vmem>>
        %dma_wait3A_143 = arith.constant 0 : i32
        %dma_wait3A_144 = arith.constant 0 : i32
        %dma_wait3A_145 = tpu.memref_slice %arg8[%dma_wait3A_143, %dma_wait3A_144] : memref<10000x128xf32, #tpu.memory_space<vmem_shared>> -> memref<10000x128xf32, #tpu.memory_space<vmem_shared>>
        %dma_wait3A_146 = tpu.memref_slice %arg11[%rem3A_131] : memref<3x!tpu.dma_semaphore, #tpu.memory_space<semaphore_mem>> -> memref<1x!tpu.dma_semaphore, #tpu.memory_space<semaphore_mem>>
        %dma_wait3A_147 = tpu.memref_squeeze %dma_wait3A_146 : memref<1x!tpu.dma_semaphore, #tpu.memory_space<semaphore_mem>> -> memref<!tpu.dma_semaphore, #tpu.memory_space<semaphore_mem>>
        tpu.wait_indirect_dma semaphore(%dma_wait3A_147 : memref<!tpu.dma_semaphore, #tpu.memory_space<semaphore_mem>>) src(%dma_wait3A_139 : memref<128x128xf32, #tpu.memory_space<vmem>>) dst(%dma_wait3A_145 : memref<10000x128xf32, #tpu.memory_space<vmem_shared>>)
        %add3A_148 = arith.constant 5 : i32
        %add3A_149 = arith.addi %sub3A_129, %add3A_148 : i32
        %lt3A_150 = arith.cmpi slt, %add3A_149, %select_n3A : i32
        %convert_element_type3A_151 = arith.extui %lt3A_150 : i1 to i32
        %cond3A_152 = arith.constant 0 : i32
        %cond3A_153 = arith.cmpi ne, %convert_element_type3A_151, %cond3A_152 : i32
        scf.if %cond3A_153 {
          %add3A_162 = arith.constant 5 : i32
          %add3A_163 = arith.addi %sub3A_129, %add3A_162 : i32
          %add3A_164 = arith.addi %select_n3A_20, %add3A_163 : i32
          %dma_start3A_165 = arith.constant 0 : i32
          %dma_start3A_166 = arith.constant 0 : i32
          %dma_start3A_167 = arith.constant 0 : i32
          %dma_start3A_168 = tpu.memref_slice %arg6[%rem3A_133, %dma_start3A_165, %dma_start3A_166, %dma_start3A_167] : memref<5x2x1x128xi32, #tpu.memory_space<vmem>> -> memref<1x2x1x128xi32, #tpu.memory_space<vmem>>
          %dma_start3A_169 = tpu.memref_squeeze %dma_start3A_168 : memref<1x2x1x128xi32, #tpu.memory_space<vmem>> -> memref<2x1x128xi32, #tpu.memory_space<vmem>>
          %dma_start3A_170 = arith.constant 0 : i32
          %dma_start3A_171 = arith.constant 0 : i32
          %dma_start3A_172 = arith.constant 0 : i32
          %dma_start3A_173 = tpu.memref_slice %arg3[%add3A_164, %dma_start3A_170, %dma_start3A_171, %dma_start3A_172] : memref<2500x2x1x128xi32, #tpu.memory_space<hbm>> -> memref<1x2x1x128xi32, #tpu.memory_space<hbm>>
          %dma_start3A_174 = tpu.memref_squeeze %dma_start3A_173 : memref<1x2x1x128xi32, #tpu.memory_space<hbm>> -> memref<2x1x128xi32, #tpu.memory_space<hbm>>
          %dma_start3A_175 = tpu.memref_slice %arg9[%rem3A_133] : memref<5x!tpu.dma_semaphore, #tpu.memory_space<semaphore_mem>> -> memref<1x!tpu.dma_semaphore, #tpu.memory_space<semaphore_mem>>
          %dma_start3A_176 = tpu.memref_squeeze %dma_start3A_175 : memref<1x!tpu.dma_semaphore, #tpu.memory_space<semaphore_mem>> -> memref<!tpu.dma_semaphore, #tpu.memory_space<semaphore_mem>>
          %dma_start3A_177 = arith.constant 0 : i32
          %dma_start3A_178 = arith.constant 0 : i32
          %dma_start3A_179 = arith.constant 0 : i32
          %dma_start3A_180 = tpu.memref_slice %arg6[%rem3A_133, %dma_start3A_177, %dma_start3A_178, %dma_start3A_179] : memref<5x2x1x128xi32, #tpu.memory_space<vmem>> -> memref<1x2x1x128xi32, #tpu.memory_space<vmem>>
          %dma_start3A_181 = tpu.memref_squeeze %dma_start3A_180 : memref<1x2x1x128xi32, #tpu.memory_space<vmem>> -> memref<2x1x128xi32, #tpu.memory_space<vmem>>
          %dma_start3A_182 = arith.constant 0 : i32
          %dma_start3A_183 = arith.constant 0 : i32
          %dma_start3A_184 = arith.constant 0 : i32
          %dma_start3A_185 = tpu.memref_slice %arg3[%add3A_164, %dma_start3A_182, %dma_start3A_183, %dma_start3A_184] : memref<2500x2x1x128xi32, #tpu.memory_space<hbm>> -> memref<1x2x1x128xi32, #tpu.memory_space<hbm>>
          %dma_start3A_186 = tpu.memref_squeeze %dma_start3A_185 : memref<1x2x1x128xi32, #tpu.memory_space<hbm>> -> memref<2x1x128xi32, #tpu.memory_space<hbm>>
          tpu.enqueue_dma source(%dma_start3A_186 : memref<2x1x128xi32, #tpu.memory_space<hbm>>) target(%dma_start3A_181 : memref<2x1x128xi32, #tpu.memory_space<vmem>>) target_semaphore(%dma_start3A_176 : memref<!tpu.dma_semaphore, #tpu.memory_space<semaphore_mem>>)
        } else {
        }
        %add3A_154 = arith.constant 3 : i32
        %add3A_155 = arith.addi %while3A_94, %add3A_154 : i32
        %sub3A_156 = arith.constant 1 : i32
        %sub3A_157 = arith.subi %add3A_155, %sub3A_156 : i32
        %lt3A_158 = arith.cmpi slt, %sub3A_157, %select_n3A : i32
        %convert_element_type3A_159 = arith.extui %lt3A_158 : i1 to i32
        %cond3A_160 = arith.constant 0 : i32
        %cond3A_161 = arith.cmpi ne, %convert_element_type3A_159, %cond3A_160 : i32
        scf.if %cond3A_161 {
          %rem3A_162 = arith.constant 5 : i32
          %rem3A_163 = arith.remsi %sub3A_157, %rem3A_162 : i32
          %add3A_164 = arith.addi %select_n3A_20, %sub3A_157 : i32
          %dma_wait3A_165 = arith.constant 0 : i32
          %dma_wait3A_166 = arith.constant 0 : i32
          %dma_wait3A_167 = arith.constant 0 : i32
          %dma_wait3A_168 = tpu.memref_slice %arg6[%rem3A_163, %dma_wait3A_165, %dma_wait3A_166, %dma_wait3A_167] : memref<5x2x1x128xi32, #tpu.memory_space<vmem>> -> memref<1x2x1x128xi32, #tpu.memory_space<vmem>>
          %dma_wait3A_169 = tpu.memref_squeeze %dma_wait3A_168 : memref<1x2x1x128xi32, #tpu.memory_space<vmem>> -> memref<2x1x128xi32, #tpu.memory_space<vmem>>
          %dma_wait3A_170 = arith.constant 0 : i32
          %dma_wait3A_171 = arith.constant 0 : i32
          %dma_wait3A_172 = arith.constant 0 : i32
          %dma_wait3A_173 = tpu.memref_slice %arg3[%add3A_164, %dma_wait3A_170, %dma_wait3A_171, %dma_wait3A_172] : memref<2500x2x1x128xi32, #tpu.memory_space<hbm>> -> memref<1x2x1x128xi32, #tpu.memory_space<hbm>>
          %dma_wait3A_174 = tpu.memref_squeeze %dma_wait3A_173 : memref<1x2x1x128xi32, #tpu.memory_space<hbm>> -> memref<2x1x128xi32, #tpu.memory_space<hbm>>
          %dma_wait3A_175 = tpu.memref_slice %arg9[%rem3A_163] : memref<5x!tpu.dma_semaphore, #tpu.memory_space<semaphore_mem>> -> memref<1x!tpu.dma_semaphore, #tpu.memory_space<semaphore_mem>>
          %dma_wait3A_176 = tpu.memref_squeeze %dma_wait3A_175 : memref<1x!tpu.dma_semaphore, #tpu.memory_space<semaphore_mem>> -> memref<!tpu.dma_semaphore, #tpu.memory_space<semaphore_mem>>
          %dma_wait3A_177 = arith.constant 0 : i32
          %dma_wait3A_178 = arith.constant 0 : i32
          %dma_wait3A_179 = arith.constant 0 : i32
          %dma_wait3A_180 = tpu.memref_slice %arg6[%rem3A_163, %dma_wait3A_177, %dma_wait3A_178, %dma_wait3A_179] : memref<5x2x1x128xi32, #tpu.memory_space<vmem>> -> memref<1x2x1x128xi32, #tpu.memory_space<vmem>>
          %dma_wait3A_181 = tpu.memref_squeeze %dma_wait3A_180 : memref<1x2x1x128xi32, #tpu.memory_space<vmem>> -> memref<2x1x128xi32, #tpu.memory_space<vmem>>
          %dma_wait3A_182 = arith.constant 0 : i32
          %dma_wait3A_183 = arith.constant 0 : i32
          %dma_wait3A_184 = arith.constant 0 : i32
          %dma_wait3A_185 = tpu.memref_slice %arg3[%add3A_164, %dma_wait3A_182, %dma_wait3A_183, %dma_wait3A_184] : memref<2500x2x1x128xi32, #tpu.memory_space<hbm>> -> memref<1x2x1x128xi32, #tpu.memory_space<hbm>>
          %dma_wait3A_186 = tpu.memref_squeeze %dma_wait3A_185 : memref<1x2x1x128xi32, #tpu.memory_space<hbm>> -> memref<2x1x128xi32, #tpu.memory_space<hbm>>
          tpu.wait_dma2 semaphore(%dma_wait3A_176 : memref<!tpu.dma_semaphore, #tpu.memory_space<semaphore_mem>>) src(%dma_wait3A_186 : memref<2x1x128xi32, #tpu.memory_space<hbm>>) dst(%dma_wait3A_181 : memref<2x1x128xi32, #tpu.memory_space<vmem>>)
          %dma_start3A_187 = arith.constant 0 : i32
          %dma_start3A_188 = arith.constant 0 : i32
          %dma_start3A_189 = arith.constant 0 : i32
          %dma_start3A_190 = arith.constant 0 : i32
          %dma_start3A_191 = tpu.memref_slice %arg7[%rem3A_131, %dma_start3A_189, %dma_start3A_190] : memref<3x128x128xf32, #tpu.memory_space<vmem>> -> memref<1x128x128xf32, #tpu.memory_space<vmem>>
          %dma_start3A_192 = tpu.memref_squeeze %dma_start3A_191 : memref<1x128x128xf32, #tpu.memory_space<vmem>> -> memref<128x128xf32, #tpu.memory_space<vmem>>
          %dma_start3A_193 = arith.constant 0 : i32
          %dma_start3A_194 = tpu.memref_slice %arg6[%rem3A_163, %dma_start3A_187, %dma_start3A_188, %dma_start3A_193] : memref<5x2x1x128xi32, #tpu.memory_space<vmem>> -> memref<1x1x1x128xi32, #tpu.memory_space<vmem>>
          %dma_start3A_195 = tpu.memref_squeeze %dma_start3A_194 : memref<1x1x1x128xi32, #tpu.memory_space<vmem>> -> memref<128xi32, #tpu.memory_space<vmem>>
          %dma_start3A_196 = arith.constant 0 : i32
          %dma_start3A_197 = arith.constant 0 : i32
          %dma_start3A_198 = tpu.memref_slice %arg2[%dma_start3A_196, %dma_start3A_197] : memref<10000x128xf32, #tpu.memory_space<hbm>> -> memref<10000x128xf32, #tpu.memory_space<hbm>>
          %dma_start3A_199 = tpu.memref_slice %arg10[%rem3A_131] : memref<3x!tpu.dma_semaphore, #tpu.memory_space<semaphore_mem>> -> memref<1x!tpu.dma_semaphore, #tpu.memory_space<semaphore_mem>>
          %dma_start3A_200 = tpu.memref_squeeze %dma_start3A_199 : memref<1x!tpu.dma_semaphore, #tpu.memory_space<semaphore_mem>> -> memref<!tpu.dma_semaphore, #tpu.memory_space<semaphore_mem>>
          tpu.enqueue_indirect_dma source(%dma_start3A_198 : memref<10000x128xf32, #tpu.memory_space<hbm>>) target(%dma_start3A_192 : memref<128x128xf32, #tpu.memory_space<vmem>>) offsets(%dma_start3A_195 : memref<128xi32, #tpu.memory_space<vmem>>) semaphore(%dma_start3A_200 : memref<!tpu.dma_semaphore, #tpu.memory_space<semaphore_mem>>)
        } else {
        }
      } else {
      }
    }
    %while3A_77 = arith.constant 1 : i32
    scf.for %while3A_94 = %while3A_75 to %while3A_71 step %while3A_77  : i32 {
      %rem3A = arith.constant 3 : i32
      %rem3A_95 = arith.remsi %while3A_94, %rem3A : i32
      %rem3A_96 = arith.constant 5 : i32
      %rem3A_97 = arith.remsi %while3A_94, %rem3A_96 : i32
      %dma_wait3A = arith.constant 0 : i32
      %dma_wait3A_98 = arith.constant 0 : i32
      %dma_wait3A_99 = arith.constant 0 : i32
      %dma_wait3A_100 = arith.constant 0 : i32
      %dma_wait3A_101 = tpu.memref_slice %arg7[%rem3A_95, %dma_wait3A_99, %dma_wait3A_100] : memref<3x128x128xf32, #tpu.memory_space<vmem>> -> memref<1x128x128xf32, #tpu.memory_space<vmem>>
      %dma_wait3A_102 = tpu.memref_squeeze %dma_wait3A_101 : memref<1x128x128xf32, #tpu.memory_space<vmem>> -> memref<128x128xf32, #tpu.memory_space<vmem>>
      %dma_wait3A_103 = arith.constant 0 : i32
      %dma_wait3A_104 = tpu.memref_slice %arg6[%rem3A_97, %dma_wait3A, %dma_wait3A_98, %dma_wait3A_103] : memref<5x2x1x128xi32, #tpu.memory_space<vmem>> -> memref<1x1x1x128xi32, #tpu.memory_space<vmem>>
      %dma_wait3A_105 = tpu.memref_squeeze %dma_wait3A_104 : memref<1x1x1x128xi32, #tpu.memory_space<vmem>> -> memref<128xi32, #tpu.memory_space<vmem>>
      %dma_wait3A_106 = arith.constant 0 : i32
      %dma_wait3A_107 = arith.constant 0 : i32
      %dma_wait3A_108 = tpu.memref_slice %arg2[%dma_wait3A_106, %dma_wait3A_107] : memref<10000x128xf32, #tpu.memory_space<hbm>> -> memref<10000x128xf32, #tpu.memory_space<hbm>>
      %dma_wait3A_109 = tpu.memref_slice %arg10[%rem3A_95] : memref<3x!tpu.dma_semaphore, #tpu.memory_space<semaphore_mem>> -> memref<1x!tpu.dma_semaphore, #tpu.memory_space<semaphore_mem>>
      %dma_wait3A_110 = tpu.memref_squeeze %dma_wait3A_109 : memref<1x!tpu.dma_semaphore, #tpu.memory_space<semaphore_mem>> -> memref<!tpu.dma_semaphore, #tpu.memory_space<semaphore_mem>>
      tpu.wait_indirect_dma semaphore(%dma_wait3A_110 : memref<!tpu.dma_semaphore, #tpu.memory_space<semaphore_mem>>) src(%dma_wait3A_108 : memref<10000x128xf32, #tpu.memory_space<hbm>>) dst(%dma_wait3A_102 : memref<128x128xf32, #tpu.memory_space<vmem>>)
      %dma_start3A = arith.constant 1 : i32
      %dma_start3A_111 = arith.constant 0 : i32
      %dma_start3A_112 = arith.constant 0 : i32
      %dma_start3A_113 = arith.constant 0 : i32
      %dma_start3A_114 = tpu.memref_slice %arg7[%rem3A_95, %dma_start3A_112, %dma_start3A_113] : memref<3x128x128xf32, #tpu.memory_space<vmem>> -> memref<1x128x128xf32, #tpu.memory_space<vmem>>
      %dma_start3A_115 = tpu.memref_squeeze %dma_start3A_114 : memref<1x128x128xf32, #tpu.memory_space<vmem>> -> memref<128x128xf32, #tpu.memory_space<vmem>>
      %dma_start3A_116 = arith.constant 0 : i32
      %dma_start3A_117 = tpu.memref_slice %arg6[%rem3A_97, %dma_start3A, %dma_start3A_111, %dma_start3A_116] : memref<5x2x1x128xi32, #tpu.memory_space<vmem>> -> memref<1x1x1x128xi32, #tpu.memory_space<vmem>>
      %dma_start3A_118 = tpu.memref_squeeze %dma_start3A_117 : memref<1x1x1x128xi32, #tpu.memory_space<vmem>> -> memref<128xi32, #tpu.memory_space<vmem>>
      %dma_start3A_119 = arith.constant 0 : i32
      %dma_start3A_120 = arith.constant 0 : i32
      %dma_start3A_121 = tpu.memref_slice %arg8[%dma_start3A_119, %dma_start3A_120] : memref<10000x128xf32, #tpu.memory_space<vmem_shared>> -> memref<10000x128xf32, #tpu.memory_space<vmem_shared>>
      %dma_start3A_122 = tpu.memref_slice %arg11[%rem3A_95] : memref<3x!tpu.dma_semaphore, #tpu.memory_space<semaphore_mem>> -> memref<1x!tpu.dma_semaphore, #tpu.memory_space<semaphore_mem>>
      %dma_start3A_123 = tpu.memref_squeeze %dma_start3A_122 : memref<1x!tpu.dma_semaphore, #tpu.memory_space<semaphore_mem>> -> memref<!tpu.dma_semaphore, #tpu.memory_space<semaphore_mem>>
      tpu.enqueue_indirect_dma source(%dma_start3A_115 : memref<128x128xf32, #tpu.memory_space<vmem>>) target(%dma_start3A_121 : memref<10000x128xf32, #tpu.memory_space<vmem_shared>>) offsets(%dma_start3A_118 : memref<128xi32, #tpu.memory_space<vmem>>) semaphore(%dma_start3A_123 : memref<!tpu.dma_semaphore, #tpu.memory_space<semaphore_mem>>) {add = true}
      %gt3A_124 = arith.constant 0 : i32
      %gt3A_125 = arith.cmpi sgt, %while3A_94, %gt3A_124 : i32
      %convert_element_type3A_126 = arith.extui %gt3A_125 : i1 to i32
      %cond3A_127 = arith.constant 0 : i32
      %cond3A_128 = arith.cmpi ne, %convert_element_type3A_126, %cond3A_127 : i32
      scf.if %cond3A_128 {
        %sub3A = arith.constant 1 : i32
        %sub3A_129 = arith.subi %while3A_94, %sub3A : i32
        %rem3A_130 = arith.constant 3 : i32
        %rem3A_131 = arith.remsi %sub3A_129, %rem3A_130 : i32
        %rem3A_132 = arith.constant 5 : i32
        %rem3A_133 = arith.remsi %sub3A_129, %rem3A_132 : i32
        %dma_wait3A_134 = arith.constant 1 : i32
        %dma_wait3A_135 = arith.constant 0 : i32
        %dma_wait3A_136 = arith.constant 0 : i32
        %dma_wait3A_137 = arith.constant 0 : i32
        %dma_wait3A_138 = tpu.memref_slice %arg7[%rem3A_131, %dma_wait3A_136, %dma_wait3A_137] : memref<3x128x128xf32, #tpu.memory_space<vmem>> -> memref<1x128x128xf32, #tpu.memory_space<vmem>>
        %dma_wait3A_139 = tpu.memref_squeeze %dma_wait3A_138 : memref<1x128x128xf32, #tpu.memory_space<vmem>> -> memref<128x128xf32, #tpu.memory_space<vmem>>
        %dma_wait3A_140 = arith.constant 0 : i32
        %dma_wait3A_141 = tpu.memref_slice %arg6[%rem3A_133, %dma_wait3A_134, %dma_wait3A_135, %dma_wait3A_140] : memref<5x2x1x128xi32, #tpu.memory_space<vmem>> -> memref<1x1x1x128xi32, #tpu.memory_space<vmem>>
        %dma_wait3A_142 = tpu.memref_squeeze %dma_wait3A_141 : memref<1x1x1x128xi32, #tpu.memory_space<vmem>> -> memref<128xi32, #tpu.memory_space<vmem>>
        %dma_wait3A_143 = arith.constant 0 : i32
        %dma_wait3A_144 = arith.constant 0 : i32
        %dma_wait3A_145 = tpu.memref_slice %arg8[%dma_wait3A_143, %dma_wait3A_144] : memref<10000x128xf32, #tpu.memory_space<vmem_shared>> -> memref<10000x128xf32, #tpu.memory_space<vmem_shared>>
        %dma_wait3A_146 = tpu.memref_slice %arg11[%rem3A_131] : memref<3x!tpu.dma_semaphore, #tpu.memory_space<semaphore_mem>> -> memref<1x!tpu.dma_semaphore, #tpu.memory_space<semaphore_mem>>
        %dma_wait3A_147 = tpu.memref_squeeze %dma_wait3A_146 : memref<1x!tpu.dma_semaphore, #tpu.memory_space<semaphore_mem>> -> memref<!tpu.dma_semaphore, #tpu.memory_space<semaphore_mem>>
        tpu.wait_indirect_dma semaphore(%dma_wait3A_147 : memref<!tpu.dma_semaphore, #tpu.memory_space<semaphore_mem>>) src(%dma_wait3A_139 : memref<128x128xf32, #tpu.memory_space<vmem>>) dst(%dma_wait3A_145 : memref<10000x128xf32, #tpu.memory_space<vmem_shared>>)
        %add3A_148 = arith.constant 5 : i32
        %add3A_149 = arith.addi %sub3A_129, %add3A_148 : i32
        %lt3A_150 = arith.cmpi slt, %add3A_149, %select_n3A : i32
        %convert_element_type3A_151 = arith.extui %lt3A_150 : i1 to i32
        %cond3A_152 = arith.constant 0 : i32
        %cond3A_153 = arith.cmpi ne, %convert_element_type3A_151, %cond3A_152 : i32
        scf.if %cond3A_153 {
          %add3A_162 = arith.constant 5 : i32
          %add3A_163 = arith.addi %sub3A_129, %add3A_162 : i32
          %add3A_164 = arith.addi %select_n3A_20, %add3A_163 : i32
          %dma_start3A_165 = arith.constant 0 : i32
          %dma_start3A_166 = arith.constant 0 : i32
          %dma_start3A_167 = arith.constant 0 : i32
          %dma_start3A_168 = tpu.memref_slice %arg6[%rem3A_133, %dma_start3A_165, %dma_start3A_166, %dma_start3A_167] : memref<5x2x1x128xi32, #tpu.memory_space<vmem>> -> memref<1x2x1x128xi32, #tpu.memory_space<vmem>>
          %dma_start3A_169 = tpu.memref_squeeze %dma_start3A_168 : memref<1x2x1x128xi32, #tpu.memory_space<vmem>> -> memref<2x1x128xi32, #tpu.memory_space<vmem>>
          %dma_start3A_170 = arith.constant 0 : i32
          %dma_start3A_171 = arith.constant 0 : i32
          %dma_start3A_172 = arith.constant 0 : i32
          %dma_start3A_173 = tpu.memref_slice %arg3[%add3A_164, %dma_start3A_170, %dma_start3A_171, %dma_start3A_172] : memref<2500x2x1x128xi32, #tpu.memory_space<hbm>> -> memref<1x2x1x128xi32, #tpu.memory_space<hbm>>
          %dma_start3A_174 = tpu.memref_squeeze %dma_start3A_173 : memref<1x2x1x128xi32, #tpu.memory_space<hbm>> -> memref<2x1x128xi32, #tpu.memory_space<hbm>>
          %dma_start3A_175 = tpu.memref_slice %arg9[%rem3A_133] : memref<5x!tpu.dma_semaphore, #tpu.memory_space<semaphore_mem>> -> memref<1x!tpu.dma_semaphore, #tpu.memory_space<semaphore_mem>>
          %dma_start3A_176 = tpu.memref_squeeze %dma_start3A_175 : memref<1x!tpu.dma_semaphore, #tpu.memory_space<semaphore_mem>> -> memref<!tpu.dma_semaphore, #tpu.memory_space<semaphore_mem>>
          %dma_start3A_177 = arith.constant 0 : i32
          %dma_start3A_178 = arith.constant 0 : i32
          %dma_start3A_179 = arith.constant 0 : i32
          %dma_start3A_180 = tpu.memref_slice %arg6[%rem3A_133, %dma_start3A_177, %dma_start3A_178, %dma_start3A_179] : memref<5x2x1x128xi32, #tpu.memory_space<vmem>> -> memref<1x2x1x128xi32, #tpu.memory_space<vmem>>
          %dma_start3A_181 = tpu.memref_squeeze %dma_start3A_180 : memref<1x2x1x128xi32, #tpu.memory_space<vmem>> -> memref<2x1x128xi32, #tpu.memory_space<vmem>>
          %dma_start3A_182 = arith.constant 0 : i32
          %dma_start3A_183 = arith.constant 0 : i32
          %dma_start3A_184 = arith.constant 0 : i32
          %dma_start3A_185 = tpu.memref_slice %arg3[%add3A_164, %dma_start3A_182, %dma_start3A_183, %dma_start3A_184] : memref<2500x2x1x128xi32, #tpu.memory_space<hbm>> -> memref<1x2x1x128xi32, #tpu.memory_space<hbm>>
          %dma_start3A_186 = tpu.memref_squeeze %dma_start3A_185 : memref<1x2x1x128xi32, #tpu.memory_space<hbm>> -> memref<2x1x128xi32, #tpu.memory_space<hbm>>
          tpu.enqueue_dma source(%dma_start3A_186 : memref<2x1x128xi32, #tpu.memory_space<hbm>>) target(%dma_start3A_181 : memref<2x1x128xi32, #tpu.memory_space<vmem>>) target_semaphore(%dma_start3A_176 : memref<!tpu.dma_semaphore, #tpu.memory_space<semaphore_mem>>)
        } else {
        }
        %add3A_154 = arith.constant 3 : i32
        %add3A_155 = arith.addi %while3A_94, %add3A_154 : i32
        %sub3A_156 = arith.constant 1 : i32
        %sub3A_157 = arith.subi %add3A_155, %sub3A_156 : i32
        %lt3A_158 = arith.cmpi slt, %sub3A_157, %select_n3A : i32
        %convert_element_type3A_159 = arith.extui %lt3A_158 : i1 to i32
        %cond3A_160 = arith.constant 0 : i32
        %cond3A_161 = arith.cmpi ne, %convert_element_type3A_159, %cond3A_160 : i32
        scf.if %cond3A_161 {
          %rem3A_162 = arith.constant 5 : i32
          %rem3A_163 = arith.remsi %sub3A_157, %rem3A_162 : i32
          %add3A_164 = arith.addi %select_n3A_20, %sub3A_157 : i32
          %dma_wait3A_165 = arith.constant 0 : i32
          %dma_wait3A_166 = arith.constant 0 : i32
          %dma_wait3A_167 = arith.constant 0 : i32
          %dma_wait3A_168 = tpu.memref_slice %arg6[%rem3A_163, %dma_wait3A_165, %dma_wait3A_166, %dma_wait3A_167] : memref<5x2x1x128xi32, #tpu.memory_space<vmem>> -> memref<1x2x1x128xi32, #tpu.memory_space<vmem>>
          %dma_wait3A_169 = tpu.memref_squeeze %dma_wait3A_168 : memref<1x2x1x128xi32, #tpu.memory_space<vmem>> -> memref<2x1x128xi32, #tpu.memory_space<vmem>>
          %dma_wait3A_170 = arith.constant 0 : i32
          %dma_wait3A_171 = arith.constant 0 : i32
          %dma_wait3A_172 = arith.constant 0 : i32
          %dma_wait3A_173 = tpu.memref_slice %arg3[%add3A_164, %dma_wait3A_170, %dma_wait3A_171, %dma_wait3A_172] : memref<2500x2x1x128xi32, #tpu.memory_space<hbm>> -> memref<1x2x1x128xi32, #tpu.memory_space<hbm>>
          %dma_wait3A_174 = tpu.memref_squeeze %dma_wait3A_173 : memref<1x2x1x128xi32, #tpu.memory_space<hbm>> -> memref<2x1x128xi32, #tpu.memory_space<hbm>>
          %dma_wait3A_175 = tpu.memref_slice %arg9[%rem3A_163] : memref<5x!tpu.dma_semaphore, #tpu.memory_space<semaphore_mem>> -> memref<1x!tpu.dma_semaphore, #tpu.memory_space<semaphore_mem>>
          %dma_wait3A_176 = tpu.memref_squeeze %dma_wait3A_175 : memref<1x!tpu.dma_semaphore, #tpu.memory_space<semaphore_mem>> -> memref<!tpu.dma_semaphore, #tpu.memory_space<semaphore_mem>>
          %dma_wait3A_177 = arith.constant 0 : i32
          %dma_wait3A_178 = arith.constant 0 : i32
          %dma_wait3A_179 = arith.constant 0 : i32
          %dma_wait3A_180 = tpu.memref_slice %arg6[%rem3A_163, %dma_wait3A_177, %dma_wait3A_178, %dma_wait3A_179] : memref<5x2x1x128xi32, #tpu.memory_space<vmem>> -> memref<1x2x1x128xi32, #tpu.memory_space<vmem>>
          %dma_wait3A_181 = tpu.memref_squeeze %dma_wait3A_180 : memref<1x2x1x128xi32, #tpu.memory_space<vmem>> -> memref<2x1x128xi32, #tpu.memory_space<vmem>>
          %dma_wait3A_182 = arith.constant 0 : i32
          %dma_wait3A_183 = arith.constant 0 : i32
          %dma_wait3A_184 = arith.constant 0 : i32
          %dma_wait3A_185 = tpu.memref_slice %arg3[%add3A_164, %dma_wait3A_182, %dma_wait3A_183, %dma_wait3A_184] : memref<2500x2x1x128xi32, #tpu.memory_space<hbm>> -> memref<1x2x1x128xi32, #tpu.memory_space<hbm>>
          %dma_wait3A_186 = tpu.memref_squeeze %dma_wait3A_185 : memref<1x2x1x128xi32, #tpu.memory_space<hbm>> -> memref<2x1x128xi32, #tpu.memory_space<hbm>>
          tpu.wait_dma2 semaphore(%dma_wait3A_176 : memref<!tpu.dma_semaphore, #tpu.memory_space<semaphore_mem>>) src(%dma_wait3A_186 : memref<2x1x128xi32, #tpu.memory_space<hbm>>) dst(%dma_wait3A_181 : memref<2x1x128xi32, #tpu.memory_space<vmem>>)
          %dma_start3A_187 = arith.constant 0 : i32
          %dma_start3A_188 = arith.constant 0 : i32
          %dma_start3A_189 = arith.constant 0 : i32
          %dma_start3A_190 = arith.constant 0 : i32
          %dma_start3A_191 = tpu.memref_slice %arg7[%rem3A_131, %dma_start3A_189, %dma_start3A_190] : memref<3x128x128xf32, #tpu.memory_space<vmem>> -> memref<1x128x128xf32, #tpu.memory_space<vmem>>
          %dma_start3A_192 = tpu.memref_squeeze %dma_start3A_191 : memref<1x128x128xf32, #tpu.memory_space<vmem>> -> memref<128x128xf32, #tpu.memory_space<vmem>>
          %dma_start3A_193 = arith.constant 0 : i32
          %dma_start3A_194 = tpu.memref_slice %arg6[%rem3A_163, %dma_start3A_187, %dma_start3A_188, %dma_start3A_193] : memref<5x2x1x128xi32, #tpu.memory_space<vmem>> -> memref<1x1x1x128xi32, #tpu.memory_space<vmem>>
          %dma_start3A_195 = tpu.memref_squeeze %dma_start3A_194 : memref<1x1x1x128xi32, #tpu.memory_space<vmem>> -> memref<128xi32, #tpu.memory_space<vmem>>
          %dma_start3A_196 = arith.constant 0 : i32
          %dma_start3A_197 = arith.constant 0 : i32
          %dma_start3A_198 = tpu.memref_slice %arg2[%dma_start3A_196, %dma_start3A_197] : memref<10000x128xf32, #tpu.memory_space<hbm>> -> memref<10000x128xf32, #tpu.memory_space<hbm>>
          %dma_start3A_199 = tpu.memref_slice %arg10[%rem3A_131] : memref<3x!tpu.dma_semaphore, #tpu.memory_space<semaphore_mem>> -> memref<1x!tpu.dma_semaphore, #tpu.memory_space<semaphore_mem>>
          %dma_start3A_200 = tpu.memref_squeeze %dma_start3A_199 : memref<1x!tpu.dma_semaphore, #tpu.memory_space<semaphore_mem>> -> memref<!tpu.dma_semaphore, #tpu.memory_space<semaphore_mem>>
          tpu.enqueue_indirect_dma source(%dma_start3A_198 : memref<10000x128xf32, #tpu.memory_space<hbm>>) target(%dma_start3A_192 : memref<128x128xf32, #tpu.memory_space<vmem>>) offsets(%dma_start3A_195 : memref<128xi32, #tpu.memory_space<vmem>>) semaphore(%dma_start3A_200 : memref<!tpu.dma_semaphore, #tpu.memory_space<semaphore_mem>>)
        } else {
        }
      } else {
      }
    }
    %gt3A_78 = arith.constant 0 : i32
    %gt3A_79 = arith.cmpi sgt, %select_n3A, %gt3A_78 : i32
    %convert_element_type3A_80 = arith.extui %gt3A_79 : i1 to i32
    %cond3A_81 = arith.constant 0 : i32
    %cond3A_82 = arith.cmpi ne, %convert_element_type3A_80, %cond3A_81 : i32
    scf.if %cond3A_82 {
      %sub3A = arith.constant 1 : i32
      %sub3A_94 = arith.subi %select_n3A, %sub3A : i32
      %rem3A = arith.constant 5 : i32
      %rem3A_95 = arith.remsi %sub3A_94, %rem3A : i32
      %sub3A_96 = arith.constant 1 : i32
      %sub3A_97 = arith.subi %select_n3A, %sub3A_96 : i32
      %rem3A_98 = arith.constant 3 : i32
      %rem3A_99 = arith.remsi %sub3A_97, %rem3A_98 : i32
      %dma_wait3A = arith.constant 1 : i32
      %dma_wait3A_100 = arith.constant 0 : i32
      %dma_wait3A_101 = arith.constant 0 : i32
      %dma_wait3A_102 = arith.constant 0 : i32
      %dma_wait3A_103 = tpu.memref_slice %arg7[%rem3A_99, %dma_wait3A_101, %dma_wait3A_102] : memref<3x128x128xf32, #tpu.memory_space<vmem>> -> memref<1x128x128xf32, #tpu.memory_space<vmem>>
      %dma_wait3A_104 = tpu.memref_squeeze %dma_wait3A_103 : memref<1x128x128xf32, #tpu.memory_space<vmem>> -> memref<128x128xf32, #tpu.memory_space<vmem>>
      %dma_wait3A_105 = arith.constant 0 : i32
      %dma_wait3A_106 = tpu.memref_slice %arg6[%rem3A_95, %dma_wait3A, %dma_wait3A_100, %dma_wait3A_105] : memref<5x2x1x128xi32, #tpu.memory_space<vmem>> -> memref<1x1x1x128xi32, #tpu.memory_space<vmem>>
      %dma_wait3A_107 = tpu.memref_squeeze %dma_wait3A_106 : memref<1x1x1x128xi32, #tpu.memory_space<vmem>> -> memref<128xi32, #tpu.memory_space<vmem>>
      %dma_wait3A_108 = arith.constant 0 : i32
      %dma_wait3A_109 = arith.constant 0 : i32
      %dma_wait3A_110 = tpu.memref_slice %arg8[%dma_wait3A_108, %dma_wait3A_109] : memref<10000x128xf32, #tpu.memory_space<vmem_shared>> -> memref<10000x128xf32, #tpu.memory_space<vmem_shared>>
      %dma_wait3A_111 = tpu.memref_slice %arg11[%rem3A_99] : memref<3x!tpu.dma_semaphore, #tpu.memory_space<semaphore_mem>> -> memref<1x!tpu.dma_semaphore, #tpu.memory_space<semaphore_mem>>
      %dma_wait3A_112 = tpu.memref_squeeze %dma_wait3A_111 : memref<1x!tpu.dma_semaphore, #tpu.memory_space<semaphore_mem>> -> memref<!tpu.dma_semaphore, #tpu.memory_space<semaphore_mem>>
      tpu.wait_indirect_dma semaphore(%dma_wait3A_112 : memref<!tpu.dma_semaphore, #tpu.memory_space<semaphore_mem>>) src(%dma_wait3A_104 : memref<128x128xf32, #tpu.memory_space<vmem>>) dst(%dma_wait3A_110 : memref<10000x128xf32, #tpu.memory_space<vmem_shared>>)
    } else {
    }
    %barrier3A_83 = arith.constant 0 : index
    tpu.barrier barrier_id(%barrier3A_83)
    %lt3A_84 = arith.constant 15 : i32
    %lt3A_85 = arith.cmpi slt, %arg1, %lt3A_84 : i32
    %convert_element_type3A_86 = arith.extui %lt3A_85 : i1 to i32
    %cond3A_87 = arith.constant 0 : i32
    %cond3A_88 = arith.cmpi ne, %convert_element_type3A_86, %cond3A_87 : i32
    scf.if %cond3A_88 {
      %mul3A_94 = arith.constant 624 : i32
      %mul3A_95 = arith.muli %arg1, %mul3A_94 : i32
      %mul3A_96 = arith.constant 624 : i32
      %mul3A_97 = arith.muli %arg1, %mul3A_96 : i32
      "tpu.region"() ({
        %run_scoped3A = tpu.sem_alloc : memref<!tpu.dma_semaphore, #tpu.memory_space<semaphore_mem>>
        %dma_start3A = arith.constant 0 : i32
        %dma_start3A_98 = arith.constant 0 : i32
        %dma_start3A_99 = tpu.memref_slice %arg5[%arg0, %dma_start3A, %dma_start3A_98] : memref<2x10000x128xf32, #tpu.memory_space<hbm>> -> memref<1x10000x128xf32, #tpu.memory_space<hbm>>
        %dma_start3A_100 = tpu.memref_squeeze %dma_start3A_99 : memref<1x10000x128xf32, #tpu.memory_space<hbm>> -> memref<10000x128xf32, #tpu.memory_space<hbm>>
        %dma_start3A_101 = arith.constant 0 : i32
        %dma_start3A_102 = tpu.memref_slice %dma_start3A_100[%mul3A_97, %dma_start3A_101] : memref<10000x128xf32, #tpu.memory_space<hbm>> -> memref<624x128xf32, #tpu.memory_space<hbm>>
        %dma_start3A_103 = arith.constant 0 : i32
        %dma_start3A_104 = tpu.memref_slice %arg8[%mul3A_95, %dma_start3A_103] : memref<10000x128xf32, #tpu.memory_space<vmem_shared>> -> memref<624x128xf32, #tpu.memory_space<vmem_shared>>
        tpu.enqueue_dma source(%dma_start3A_104 : memref<624x128xf32, #tpu.memory_space<vmem_shared>>) target(%dma_start3A_102 : memref<624x128xf32, #tpu.memory_space<hbm>>) target_semaphore(%run_scoped3A : memref<!tpu.dma_semaphore, #tpu.memory_space<semaphore_mem>>)
        %dma_wait3A = arith.constant 0 : i32
        %dma_wait3A_105 = arith.constant 0 : i32
        %dma_wait3A_106 = tpu.memref_slice %arg5[%arg0, %dma_wait3A, %dma_wait3A_105] : memref<2x10000x128xf32, #tpu.memory_space<hbm>> -> memref<1x10000x128xf32, #tpu.memory_space<hbm>>
        %dma_wait3A_107 = tpu.memref_squeeze %dma_wait3A_106 : memref<1x10000x128xf32, #tpu.memory_space<hbm>> -> memref<10000x128xf32, #tpu.memory_space<hbm>>
        %dma_wait3A_108 = arith.constant 0 : i32
        %dma_wait3A_109 = tpu.memref_slice %dma_wait3A_107[%mul3A_97, %dma_wait3A_108] : memref<10000x128xf32, #tpu.memory_space<hbm>> -> memref<624x128xf32, #tpu.memory_space<hbm>>
        %dma_wait3A_110 = arith.constant 0 : i32
        %dma_wait3A_111 = tpu.memref_slice %arg8[%mul3A_95, %dma_wait3A_110] : memref<10000x128xf32, #tpu.memory_space<vmem_shared>> -> memref<624x128xf32, #tpu.memory_space<vmem_shared>>
        tpu.wait_dma2 semaphore(%run_scoped3A : memref<!tpu.dma_semaphore, #tpu.memory_space<semaphore_mem>>) src(%dma_wait3A_111 : memref<624x128xf32, #tpu.memory_space<vmem_shared>>) dst(%dma_wait3A_109 : memref<624x128xf32, #tpu.memory_space<hbm>>)
        tpu.yield
      }) : () -> ()
    } else {
    }
    %eq3A_89 = arith.constant 15 : i32
    %eq3A_90 = arith.cmpi eq, %arg1, %eq3A_89 : i32
    %convert_element_type3A_91 = arith.extui %eq3A_90 : i1 to i32
    %cond3A_92 = arith.constant 0 : i32
    %cond3A_93 = arith.cmpi ne, %convert_element_type3A_91, %cond3A_92 : i32
    scf.if %cond3A_93 {
      "tpu.region"() ({
        %run_scoped3A = tpu.sem_alloc : memref<!tpu.dma_semaphore, #tpu.memory_space<semaphore_mem>>
        %dma_start3A = arith.constant 0 : i32
        %dma_start3A_94 = arith.constant 0 : i32
        %dma_start3A_95 = tpu.memref_slice %arg5[%arg0, %dma_start3A, %dma_start3A_94] : memref<2x10000x128xf32, #tpu.memory_space<hbm>> -> memref<1x10000x128xf32, #tpu.memory_space<hbm>>
        %dma_start3A_96 = tpu.memref_squeeze %dma_start3A_95 : memref<1x10000x128xf32, #tpu.memory_space<hbm>> -> memref<10000x128xf32, #tpu.memory_space<hbm>>
        %dma_start3A_97 = arith.constant 9360 : i32
        %dma_start3A_98 = arith.constant 0 : i32
        %dma_start3A_99 = tpu.memref_slice %dma_start3A_96[%dma_start3A_97, %dma_start3A_98] : memref<10000x128xf32, #tpu.memory_space<hbm>> -> memref<640x128xf32, #tpu.memory_space<hbm>>
        %dma_start3A_100 = arith.constant 9360 : i32
        %dma_start3A_101 = arith.constant 0 : i32
        %dma_start3A_102 = tpu.memref_slice %arg8[%dma_start3A_100, %dma_start3A_101] : memref<10000x128xf32, #tpu.memory_space<vmem_shared>> -> memref<640x128xf32, #tpu.memory_space<vmem_shared>>
        tpu.enqueue_dma source(%dma_start3A_102 : memref<640x128xf32, #tpu.memory_space<vmem_shared>>) target(%dma_start3A_99 : memref<640x128xf32, #tpu.memory_space<hbm>>) target_semaphore(%run_scoped3A : memref<!tpu.dma_semaphore, #tpu.memory_space<semaphore_mem>>)
        %dma_wait3A = arith.constant 0 : i32
        %dma_wait3A_103 = arith.constant 0 : i32
        %dma_wait3A_104 = tpu.memref_slice %arg5[%arg0, %dma_wait3A, %dma_wait3A_103] : memref<2x10000x128xf32, #tpu.memory_space<hbm>> -> memref<1x10000x128xf32, #tpu.memory_space<hbm>>
        %dma_wait3A_105 = tpu.memref_squeeze %dma_wait3A_104 : memref<1x10000x128xf32, #tpu.memory_space<hbm>> -> memref<10000x128xf32, #tpu.memory_space<hbm>>
        %dma_wait3A_106 = arith.constant 9360 : i32
        %dma_wait3A_107 = arith.constant 0 : i32
        %dma_wait3A_108 = tpu.memref_slice %dma_wait3A_105[%dma_wait3A_106, %dma_wait3A_107] : memref<10000x128xf32, #tpu.memory_space<hbm>> -> memref<640x128xf32, #tpu.memory_space<hbm>>
        %dma_wait3A_109 = arith.constant 9360 : i32
        %dma_wait3A_110 = arith.constant 0 : i32
        %dma_wait3A_111 = tpu.memref_slice %arg8[%dma_wait3A_109, %dma_wait3A_110] : memref<10000x128xf32, #tpu.memory_space<vmem_shared>> -> memref<640x128xf32, #tpu.memory_space<vmem_shared>>
        tpu.wait_dma2 semaphore(%run_scoped3A : memref<!tpu.dma_semaphore, #tpu.memory_space<semaphore_mem>>) src(%dma_wait3A_111 : memref<640x128xf32, #tpu.memory_space<vmem_shared>>) dst(%dma_wait3A_108 : memref<640x128xf32, #tpu.memory_space<hbm>>)
        tpu.yield
      }) : () -> ()
    } else {
    }
    return
  }
}

module attributes {stable_mosaic.version = 14 : i64} {
  func.func @_mm_scale_body(%arg0: i32, %arg1: memref<2048x1xf32, #tpu.memory_space<vmem>>, %arg2: memref<2048x128xf32, #tpu.memory_space<vmem>>, %arg3: memref<128x128xf32, #tpu.memory_space<vmem>>, %arg4: memref<2048x128xf32, #tpu.memory_space<vmem>>) attributes {dimension_semantics = [#tpu.dimension_semantics<arbitrary>], iteration_bounds = array<i64: 5>, scalar_prefetch = 0 : i64, scratch_operands = 0 : i64, tpu.core_type = #tpu.core_type<tc>, window_params = [{transform_indices = @transform_0, window_bounds = array<i64: 2048, 1>}, {transform_indices = @transform_1, window_bounds = array<i64: 2048, 128>}, {pipeline_mode = #tpu.pipeline_mode<synchronous>, transform_indices = @transform_2, window_bounds = array<i64: 128, 128>}, {transform_indices = @transform_3, window_bounds = array<i64: 2048, 128>}]} {
    %get3A = arith.constant 0 : index
    %get3A_0 = arith.constant 0 : index
    %get3A_1 = vector.load %arg1[%get3A, %get3A_0] : memref<2048x1xf32, #tpu.memory_space<vmem>>, vector<2048x1xf32>
    %add3A = arith.constant 1.000000e+00 : f32
    %add3A_2 = vector.broadcast %add3A : f32 to vector<2048x1xf32>
    %add3A_3 = arith.addf %get3A_1, %add3A_2 : vector<2048x1xf32>
    %rsqrt3A = math.rsqrt %add3A_3 : vector<2048x1xf32>
    %get3A_4 = arith.constant 0 : index
    %get3A_5 = arith.constant 0 : index
    %get3A_6 = vector.load %arg2[%get3A_4, %get3A_5] : memref<2048x128xf32, #tpu.memory_space<vmem>>, vector<2048x128xf32>
    %get3A_7 = arith.constant 0 : index
    %get3A_8 = arith.constant 0 : index
    %get3A_9 = vector.load %arg3[%get3A_7, %get3A_8] : memref<128x128xf32, #tpu.memory_space<vmem>>, vector<128x128xf32>
    %dot_general3A = arith.constant dense<0.000000e+00> : vector<2048x128xf32>
    %dot_general3A_10 = tpu.matmul %get3A_6, %get3A_9, %dot_general3A {dimension_numbers = #tpu.dot_dimension_numbers<[1], [0], [0], [1], [0, 0, 1, 1], [], []>, transpose_lhs_hint = false} : vector<2048x128xf32>, vector<128x128xf32>, vector<2048x128xf32> -> vector<2048x128xf32>
    %mul3A = vector.broadcast %rsqrt3A : vector<2048x1xf32> to vector<2048x128xf32>
    %mul3A_11 = arith.mulf %dot_general3A_10, %mul3A : vector<2048x128xf32>
    %swap3A = arith.constant 0 : index
    %swap3A_12 = arith.constant 0 : index
    %swap3A_13 = vector.load %arg4[%swap3A, %swap3A_12] : memref<2048x128xf32, #tpu.memory_space<vmem>>, vector<2048x128xf32>
    tpu.vector_store %arg4[%swap3A, %swap3A_12], %mul3A_11 {strides = array<i32>} : memref<2048x128xf32, #tpu.memory_space<vmem>>, vector<2048x128xf32>,
    return
  }
  func.func @transform_0(%arg0: i32) -> (i32, i32) {
    %c0_i32 = arith.constant 0 : i32
    %c0_i32_0 = arith.constant 0 : i32
    return %arg0, %c0_i32 : i32, i32
  }
  func.func @transform_1(%arg0: i32) -> (i32, i32) {
    %c0_i32 = arith.constant 0 : i32
    %c0_i32_0 = arith.constant 0 : i32
    return %arg0, %c0_i32 : i32, i32
  }
  func.func @transform_2(%arg0: i32) -> (i32, i32) {
    %c0_i32 = arith.constant 0 : i32
    %c0_i32_0 = arith.constant 0 : i32
    %c0_i32_1 = arith.constant 0 : i32
    return %c0_i32, %c0_i32_0 : i32, i32
  }
  func.func @transform_3(%arg0: i32) -> (i32, i32) {
    %c0_i32 = arith.constant 0 : i32
    %c0_i32_0 = arith.constant 0 : i32
    return %arg0, %c0_i32 : i32, i32
  }
}

module attributes {stable_mosaic.version = 14 : i64} {
  func.func @_final_body(%arg0: i32, %arg1: memref<2x2048x128xf32, #tpu.memory_space<vmem>>, %arg2: memref<2048x1xf32, #tpu.memory_space<vmem>>, %arg3: memref<1x128xf32, #tpu.memory_space<vmem>>, %arg4: memref<2048x128xf32, #tpu.memory_space<vmem>>) attributes {dimension_semantics = [#tpu.dimension_semantics<arbitrary>], iteration_bounds = array<i64: 5>, scalar_prefetch = 0 : i64, scratch_operands = 0 : i64, tpu.core_type = #tpu.core_type<tc>, window_params = [{transform_indices = @transform_0, window_bounds = array<i64: 2, 2048, 128>}, {transform_indices = @transform_1, window_bounds = array<i64: 2048, 1>}, {pipeline_mode = #tpu.pipeline_mode<synchronous>, transform_indices = @transform_2, window_bounds = array<i64: 1, 128>}, {transform_indices = @transform_3, window_bounds = array<i64: 2048, 128>}]} {
    %get3A = arith.constant 0 : index
    %get3A_0 = arith.constant 0 : index
    %get3A_1 = vector.load %arg2[%get3A, %get3A_0] : memref<2048x1xf32, #tpu.memory_space<vmem>>, vector<2048x1xf32>
    %add3A = arith.constant 1.000000e+00 : f32
    %add3A_2 = vector.broadcast %add3A : f32 to vector<2048x1xf32>
    %add3A_3 = arith.addf %get3A_1, %add3A_2 : vector<2048x1xf32>
    %rsqrt3A = math.rsqrt %add3A_3 : vector<2048x1xf32>
    %get3A_4 = arith.constant 0 : index
    %get3A_5 = arith.constant 0 : index
    %get3A_6 = arith.constant 0 : index
    %get3A_7 = vector.load %arg1[%get3A_4, %get3A_5, %get3A_6] : memref<2x2048x128xf32, #tpu.memory_space<vmem>>, vector<1x2048x128xf32>
    %get3A_8 = vector.shape_cast %get3A_7 : vector<1x2048x128xf32> to vector<2048x128xf32>
    %get3A_9 = arith.constant 1 : index
    %get3A_10 = arith.constant 0 : index
    %get3A_11 = arith.constant 0 : index
    %get3A_12 = vector.load %arg1[%get3A_9, %get3A_10, %get3A_11] : memref<2x2048x128xf32, #tpu.memory_space<vmem>>, vector<1x2048x128xf32>
    %get3A_13 = vector.shape_cast %get3A_12 : vector<1x2048x128xf32> to vector<2048x128xf32>
    %add3A_14 = arith.addf %get3A_8, %get3A_13 : vector<2048x128xf32>
    %mul3A = vector.broadcast %rsqrt3A : vector<2048x1xf32> to vector<2048x128xf32>
    %mul3A_15 = arith.mulf %add3A_14, %mul3A : vector<2048x128xf32>
    %get3A_16 = arith.constant 0 : index
    %get3A_17 = arith.constant 0 : index
    %get3A_18 = vector.load %arg3[%get3A_16, %get3A_17] : memref<1x128xf32, #tpu.memory_space<vmem>>, vector<1x128xf32>
    %add3A_19 = vector.broadcast %get3A_18 : vector<1x128xf32> to vector<2048x128xf32>
    %add3A_20 = arith.addf %mul3A_15, %add3A_19 : vector<2048x128xf32>
    %swap3A = arith.constant 0 : index
    %swap3A_21 = arith.constant 0 : index
    %swap3A_22 = vector.load %arg4[%swap3A, %swap3A_21] : memref<2048x128xf32, #tpu.memory_space<vmem>>, vector<2048x128xf32>
    tpu.vector_store %arg4[%swap3A, %swap3A_21], %add3A_20 {strides = array<i32>} : memref<2048x128xf32, #tpu.memory_space<vmem>>, vector<2048x128xf32>,
    return
  }
  func.func @transform_0(%arg0: i32) -> (i32, i32, i32) {
    %c0_i32 = arith.constant 0 : i32
    %c0_i32_0 = arith.constant 0 : i32
    %c0_i32_1 = arith.constant 0 : i32
    return %c0_i32, %arg0, %c0_i32_0 : i32, i32, i32
  }
  func.func @transform_1(%arg0: i32) -> (i32, i32) {
    %c0_i32 = arith.constant 0 : i32
    %c0_i32_0 = arith.constant 0 : i32
    return %arg0, %c0_i32 : i32, i32
  }
  func.func @transform_2(%arg0: i32) -> (i32, i32) {
    %c0_i32 = arith.constant 0 : i32
    %c0_i32_0 = arith.constant 0 : i32
    %c0_i32_1 = arith.constant 0 : i32
    return %c0_i32, %c0_i32_0 : i32, i32
  }
  func.func @transform_3(%arg0: i32) -> (i32, i32) {
    %c0_i32 = arith.constant 0 : i32
    %c0_i32_0 = arith.constant 0 : i32
    return %arg0, %c0_i32 : i32, i32
  }
}

module attributes {stable_mosaic.version = 14 : i64} {
  func.func @_mid_body(%arg0: i32, %arg1: memref<2x2048x128xf32, #tpu.memory_space<vmem>>, %arg2: memref<2048x1xf32, #tpu.memory_space<vmem>>, %arg3: memref<1x128xf32, #tpu.memory_space<vmem>>, %arg4: memref<128x128xf32, #tpu.memory_space<vmem>>, %arg5: memref<2048x128xf32, #tpu.memory_space<vmem>>, %arg6: memref<2048x128xf32, #tpu.memory_space<vmem>>) attributes {dimension_semantics = [#tpu.dimension_semantics<arbitrary>], iteration_bounds = array<i64: 5>, scalar_prefetch = 0 : i64, scratch_operands = 0 : i64, tpu.core_type = #tpu.core_type<tc>, window_params = [{transform_indices = @transform_0, window_bounds = array<i64: 2, 2048, 128>}, {transform_indices = @transform_1, window_bounds = array<i64: 2048, 1>}, {pipeline_mode = #tpu.pipeline_mode<synchronous>, transform_indices = @transform_2, window_bounds = array<i64: 1, 128>}, {pipeline_mode = #tpu.pipeline_mode<synchronous>, transform_indices = @transform_3, window_bounds = array<i64: 128, 128>}, {transform_indices = @transform_4, window_bounds = array<i64: 2048, 128>}, {transform_indices = @transform_5, window_bounds = array<i64: 2048, 128>}]} {
    %get3A = arith.constant 0 : index
    %get3A_0 = arith.constant 0 : index
    %get3A_1 = vector.load %arg2[%get3A, %get3A_0] : memref<2048x1xf32, #tpu.memory_space<vmem>>, vector<2048x1xf32>
    %add3A = arith.constant 1.000000e+00 : f32
    %add3A_2 = vector.broadcast %add3A : f32 to vector<2048x1xf32>
    %add3A_3 = arith.addf %get3A_1, %add3A_2 : vector<2048x1xf32>
    %rsqrt3A = math.rsqrt %add3A_3 : vector<2048x1xf32>
    %get3A_4 = arith.constant 0 : index
    %get3A_5 = arith.constant 0 : index
    %get3A_6 = arith.constant 0 : index
    %get3A_7 = vector.load %arg1[%get3A_4, %get3A_5, %get3A_6] : memref<2x2048x128xf32, #tpu.memory_space<vmem>>, vector<1x2048x128xf32>
    %get3A_8 = vector.shape_cast %get3A_7 : vector<1x2048x128xf32> to vector<2048x128xf32>
    %get3A_9 = arith.constant 1 : index
    %get3A_10 = arith.constant 0 : index
    %get3A_11 = arith.constant 0 : index
    %get3A_12 = vector.load %arg1[%get3A_9, %get3A_10, %get3A_11] : memref<2x2048x128xf32, #tpu.memory_space<vmem>>, vector<1x2048x128xf32>
    %get3A_13 = vector.shape_cast %get3A_12 : vector<1x2048x128xf32> to vector<2048x128xf32>
    %add3A_14 = arith.addf %get3A_8, %get3A_13 : vector<2048x128xf32>
    %mul3A = vector.broadcast %rsqrt3A : vector<2048x1xf32> to vector<2048x128xf32>
    %mul3A_15 = arith.mulf %add3A_14, %mul3A : vector<2048x128xf32>
    %get3A_16 = arith.constant 0 : index
    %get3A_17 = arith.constant 0 : index
    %get3A_18 = vector.load %arg3[%get3A_16, %get3A_17] : memref<1x128xf32, #tpu.memory_space<vmem>>, vector<1x128xf32>
    %add3A_19 = vector.broadcast %get3A_18 : vector<1x128xf32> to vector<2048x128xf32>
    %add3A_20 = arith.addf %mul3A_15, %add3A_19 : vector<2048x128xf32>
    %max3A = arith.constant 0.000000e+00 : f32
    %max3A_21 = vector.broadcast %max3A : f32 to vector<2048x128xf32>
    %max3A_22 = arith.maximumf %add3A_20, %max3A_21 : vector<2048x128xf32>
    %swap3A = arith.constant 0 : index
    %swap3A_23 = arith.constant 0 : index
    %swap3A_24 = vector.load %arg5[%swap3A, %swap3A_23] : memref<2048x128xf32, #tpu.memory_space<vmem>>, vector<2048x128xf32>
    tpu.vector_store %arg5[%swap3A, %swap3A_23], %max3A_22 {strides = array<i32>} : memref<2048x128xf32, #tpu.memory_space<vmem>>, vector<2048x128xf32>,
    %get3A_25 = arith.constant 0 : index
    %get3A_26 = arith.constant 0 : index
    %get3A_27 = vector.load %arg4[%get3A_25, %get3A_26] : memref<128x128xf32, #tpu.memory_space<vmem>>, vector<128x128xf32>
    %dot_general3A = arith.constant dense<0.000000e+00> : vector<2048x128xf32>
    %dot_general3A_28 = tpu.matmul %max3A_22, %get3A_27, %dot_general3A {dimension_numbers = #tpu.dot_dimension_numbers<[1], [0], [0], [1], [0, 0, 1, 1], [], []>, transpose_lhs_hint = false} : vector<2048x128xf32>, vector<128x128xf32>, vector<2048x128xf32> -> vector<2048x128xf32>
    %mul3A_29 = vector.broadcast %rsqrt3A : vector<2048x1xf32> to vector<2048x128xf32>
    %mul3A_30 = arith.mulf %dot_general3A_28, %mul3A_29 : vector<2048x128xf32>
    %swap3A_31 = arith.constant 0 : index
    %swap3A_32 = arith.constant 0 : index
    %swap3A_33 = vector.load %arg6[%swap3A_31, %swap3A_32] : memref<2048x128xf32, #tpu.memory_space<vmem>>, vector<2048x128xf32>
    tpu.vector_store %arg6[%swap3A_31, %swap3A_32], %mul3A_30 {strides = array<i32>} : memref<2048x128xf32, #tpu.memory_space<vmem>>, vector<2048x128xf32>,
    return
  }
  func.func @transform_0(%arg0: i32) -> (i32, i32, i32) {
    %c0_i32 = arith.constant 0 : i32
    %c0_i32_0 = arith.constant 0 : i32
    %c0_i32_1 = arith.constant 0 : i32
    return %c0_i32, %arg0, %c0_i32_0 : i32, i32, i32
  }
  func.func @transform_1(%arg0: i32) -> (i32, i32) {
    %c0_i32 = arith.constant 0 : i32
    %c0_i32_0 = arith.constant 0 : i32
    return %arg0, %c0_i32 : i32, i32
  }
  func.func @transform_2(%arg0: i32) -> (i32, i32) {
    %c0_i32 = arith.constant 0 : i32
    %c0_i32_0 = arith.constant 0 : i32
    %c0_i32_1 = arith.constant 0 : i32
    return %c0_i32, %c0_i32_0 : i32, i32
  }
  func.func @transform_3(%arg0: i32) -> (i32, i32) {
    %c0_i32 = arith.constant 0 : i32
    %c0_i32_0 = arith.constant 0 : i32
    %c0_i32_1 = arith.constant 0 : i32
    return %c0_i32, %c0_i32_0 : i32, i32
  }
  func.func @transform_4(%arg0: i32) -> (i32, i32) {
    %c0_i32 = arith.constant 0 : i32
    %c0_i32_0 = arith.constant 0 : i32
    return %arg0, %c0_i32 : i32, i32
  }
  func.func @transform_5(%arg0: i32) -> (i32, i32) {
    %c0_i32 = arith.constant 0 : i32
    %c0_i32_0 = arith.constant 0 : i32
    return %arg0, %c0_i32 : i32, i32
  }
}

</mosaic_0001>

<sc_bundles>
// kernel: kernel.11.cloned.1.call-start
scs
__scs_entry_jumppad:
0x0: {  	(pc) =	sbr.rel $0x88, $3  }
0x1: {  	(tag) =	ssettag $0x0;
	lr =	simm.s32 $0x1  }
0x2: {  	[smem:$0x3F9B] =	sst lr;
	_ =	strace $0xD0000000  }
0x3: {  	_ = 	snop  }
0x4: {  	_ = 	snop  }
0x5: {  	_ = 	snop  }
0x6: {  	_ = 	snop  }
0x7: {  	_ = 	snop  }
__scs_overlays_trampoline_lowered:
0x8: {  	[smem:$0x3FAA] =	sst s0  }
0x9: {  	[smem:$0x3FAB] =	sst s1  }
0xa: {  	[smem:$0x3FAC] =	sst s2  }
0xb: {  	[smem:$0x3FAD] =	sst s3  }
0xc: {  	[smem:$0x3FAE] =	sst s4  }
0xd: {  	[smem:$0x3FAF] =	sst s5  }
0xe: {  	[smem:$0x3FB0] =	sst s6  }
0xf: {  	[smem:$0x3FB1] =	sst s7  }
0x10: {  	[smem:$0x3FB2] =	sst s8  }
0x11: {  	[smem:$0x3FB3] =	sst s9;
	s0 =	simm.s32 @!p0 $0x0  }
0x12: {  	s1 =	sld [smem:$0x3F99];
	s0 =	simm.s32 @p0 $0x1  }
0x13: {  	[smem:$0x3FB4] =	sst s0;
	s0 =	simm.s32 @!p1 $0x0  }
0x14: {  	s2 =	sld [smem:$0x3F98];
	s0 =	simm.s32 @p1 $0x1  }
0x15: {  	[smem:$0x3FB5] =	sst s0;
	s0 =	simm.s32 @!p2 $0x0  }
0x16: {  	s3 =	sld [smem:$0x3FDB];
	s0 =	simm.s32 @p2 $0x1  }
0x17: {  	s4 =	simm.s32 $0x1BF5;
	[smem:$0x3FB7] =	sst s0  }
0x18: {  	s0 =	sld [smem:$0x3F9A];
	_ =	swait.ge [sflag:s4], $0x0  }
0x19: {  	s7 =	sld [smem:$0x3F9B]  }
0x1a: {  	s8 =	sadd.s32 $0xFFFFE003, lr  }
0x1b: {  	s9 =	sadd.s32 $0xFFFFFEF7, lr;
	s5 =	simm.s32 $0xFFFFFFFF;
	p2 =	slt.u32 s8, $0xFFFFF086  }
0x1c: {  	p1 =	slt.u32 s9, $0xF7A;
	s5 =	simm.s32 @!p2 $0x0  }
0x1d: {  	s5 =	simm.s32 @p1 $0x1;
	p0 =	seq.s32 s7, s2  }
0x1e: {  	s7 =	smul.u32 @!p0 $0xF7A, s2;
	p2 =	seq.s32 @!p0 s5, $0x0  }
0x1f: {  	s9 =	smul.u32 $0xF7A, s1;
	s8 =	simm.s32 @!p0 $0x1BF5;
	p2 =	por !p2, p0  }
0x20: {  	[sflag:s8] =	ssyncset.s32 @!p0 $0xFFFFF086;
	s6 =	sadd.s32 @!p0 s3, s7;
	s7 =	simm.s32 @!p0 $0x108  }
0x21: {  	s3 =	sadd.s32 s3, s9;
	s6 =	sadd.s32 @!p0 $0x88, s6;
	s7 =	simm.s32 @p2 $0x1082  }
0x22: {  	[simem:s7], [sflag:s8] =	dma.local @!p0 [hbm:s6], $0xF7A  }
0x23: {  	s9 =	sor.u32 $0xD0000000, s2;
	s6 =	simm.s32 $0x108;
	_ =	swait.ge @!p0 [sflag:s8], $0x0  }
0x24: {  	s3 =	sadd.s32 $0x88, s3;
	s6 =	simm.s32 @!p1 $0x1082;
	[sflag:s4] =	ssyncset.s32 $0xFFFFF086  }
0x25: {  	[simem:s6], [sflag:s4] =	dma.local [hbm:s3], $0xF7A  }
0x26: {  	[smem:$0x3F9B] =	sst s1;
	(tag) =	ssettag s2;
	_ =	strace s9  }
0x27: {  	s1 =	sld [smem:$0x3FAB]  }
0x28: {  	s2 =	sld [smem:$0x3FAC]  }
0x29: {  	s4 =	sld [smem:$0x3FAE]  }
0x2a: {  	p0 =	seq.s32 s5, $0x0;
	s5 =	sld [smem:$0x3FAF]  }
0x2b: {  	s6 =	sld [smem:$0x3FB0]  }
0x2c: {  	s7 =	sld [smem:$0x3FB1]  }
0x2d: {  	s3 =	simm.s32 $0x108;
	s8 =	sld [smem:$0x3FB2]  }
0x2e: {  	s3 =	simm.s32 @!p0 $0x1082;
	s9 =	sld [smem:$0x3FB3]  }
0x2f: {  	lr =	sadd.s32 s0, s3;
	s0 =	sld [smem:$0x3FAA]  }
0x30: {  	s3 =	sld [smem:$0x3FAD]  }
0x31: {  	[smem:$0x3FB6] =	sst s10  }
0x32: {  	s10 =	sld [smem:$0x3FB4];
	_ =	sdelay $0x3  }
0x33: {  	p0 =	seq.s32 s10, $0x1;
	s10 =	sld [smem:$0x3FB6];
	_ =	sdelay $0x3  }
0x34: {  	[smem:$0x3FB6] =	sst s10  }
0x35: {  	s10 =	sld [smem:$0x3FB5];
	_ =	sdelay $0x3  }
0x36: {  	p1 =	seq.s32 s10, $0x1;
	s10 =	sld [smem:$0x3FB6];
	_ =	sdelay $0x3  }
0x37: {  	[smem:$0x3FB6] =	sst s10  }
0x38: {  	s10 =	sld [smem:$0x3FB7]  }
0x39: {  	_ = 	snop;
	(pc) =	sbr.ind lr, $3  }
0x3a: {  	_ = 	snop  }
0x3b: {  	_ = 	snop  }
0x3c: {  	p2 =	seq.s32 s10, $0x1;
	s10 =	sld [smem:$0x3FB6]  }
0x3d: {  	_ =	shalt  }
0x3e: {  	_ =	shalt  }
0x3f: {  	_ =	shalt  }
0x40: {  	_ =	shalt  }
0x41: {  	_ =	shalt  }
0x42: {  	_ =	shalt  }
0x43: {  	_ =	shalt  }
0x44: {  	_ =	shalt  }
0x45: {  	_ =	shalt  }
0x46: {  	_ =	shalt  }
0x47: {  	_ =	shalt  }
0x48: {  	_ =	shalt  }
0x49: {  	_ =	shalt  }
0x4a: {  	_ =	shalt  }
0x4b: {  	_ =	shalt  }
0x4c: {  	_ =	shalt  }
0x4d: {  	_ =	shalt  }
0x4e: {  	_ =	shalt  }
0x4f: {  	_ =	shalt  }
0x50: {  	_ =	shalt  }
0x51: {  	_ =	shalt  }
0x52: {  	_ =	shalt  }
0x53: {  	_ =	shalt  }
0x54: {  	_ =	shalt  }
0x55: {  	_ =	shalt  }
0x56: {  	_ =	shalt  }
0x57: {  	_ =	shalt  }
0x58: {  	_ =	shalt  }
0x59: {  	_ =	shalt  }
0x5a: {  	_ =	shalt  }
0x5b: {  	_ =	shalt  }
0x5c: {  	_ =	shalt  }
0x5d: {  	_ =	shalt  }
0x5e: {  	_ =	shalt  }
0x5f: {  	_ =	shalt  }
0x60: {  	_ =	shalt  }
0x61: {  	_ =	shalt  }
0x62: {  	_ =	shalt  }
0x63: {  	_ =	shalt  }
0x64: {  	_ =	shalt  }
0x65: {  	_ =	shalt  }
0x66: {  	_ =	shalt  }
0x67: {  	_ =	shalt  }
0x68: {  	_ =	shalt  }
0x69: {  	_ =	shalt  }
0x6a: {  	_ =	shalt  }
0x6b: {  	_ =	shalt  }
0x6c: {  	_ =	shalt  }
0x6d: {  	_ =	shalt  }
0x6e: {  	_ =	shalt  }
0x6f: {  	_ =	shalt  }
0x70: {  	_ =	shalt  }
0x71: {  	_ =	shalt  }
0x72: {  	_ =	shalt  }
0x73: {  	_ =	shalt  }
0x74: {  	_ =	shalt  }
0x75: {  	_ =	shalt  }
0x76: {  	_ =	shalt  }
0x77: {  	_ =	shalt  }
0x78: {  	_ =	shalt  }
0x79: {  	_ =	shalt  }
0x7a: {  	_ =	shalt  }
0x7b: {  	_ =	shalt  }
0x7c: {  	_ =	shalt  }
0x7d: {  	_ =	shalt  }
0x7e: {  	_ =	shalt  }
0x7f: {  	_ =	shalt  }
0x80: {  	_ =	shalt  }
0x81: {  	_ =	shalt  }
0x82: {  	_ =	shalt  }
0x83: {  	_ =	shalt  }
0x84: {  	_ =	shalt  }
0x85: {  	_ =	shalt  }
0x86: {  	_ =	shalt  }
0x87: {  	_ =	shalt  }
.Lfunc_end0:
.L_simem_size_0:
called_computation.1_lowered:
.L_overlay_start_0:
0x88: {  	s2 =	sld [smem:$0x3FD9]  }
0x89: {  	s3 =	sld [smem:$0x3FFE];
	_ =	sdelay $0x1  }
0x8a: {  	s1 =	srdreg.scid  }
0x8b: {  	s0 =	sand.u32 $0x1, s1  }
0x8c: {  	s14 =	sshll.u32 s0, $0xA;
	s2 =	sadd.s32 s3, s2  }
0x8d: {  	s2 =	sadd.s32 s2, s14  }
0x8e: {  	[smem:$0x3FC2] =	sst s2  }
0x8f: {  	_ = 	snop  }
0x90: {  	s2 =	sld [smem:$0x3FD0];
	_ =	sdelay $0x2  }
0x91: {  	s4 =	simm.s32 $0xA;
	s5 =	simm.s32 $0x10;
	s15 =	sld [smem:$0x3FC8]  }
0x92: {  	[smem:s5], [sflag:s4] =	dma.local [hbm:s2], $0x1  }
0x93: {  	_ =	swait.eq [sflag:s4], $0x1  }
0x94: {  	[sflag:s4] =	ssyncset.done $0x0  }
0x95: {  	s16 =	sld [smem:$0x10];
	[sflag:s4] =	ssyncadd.s32 $0xFFFFFFFF  }
0x96: {  	s17 =	sld [smem:$0x12];
	(tm) =	ssettm $0x1  }
0x97: {  	s18 =	sld [smem:$0x3FFB];
	_ =	sdelay $0x3  }
0x98: {  	_ =	strace s18  }
0x99: {  	s5 =	sld [smem:$0x3FFC];
	_ =	sdelay $0x3  }
0x9a: {  	_ =	strace s5  }
0x9b: {  	s5 =	sld [smem:$0x3FFD];
	_ =	sdelay $0x3  }
0x9c: {  	_ =	strace s5  }
0x9d: {  	_ =	strace $0x8FFFFFFF  }
0x9e: {  	s19 =	sld [smem:$0x3FDB];
	_ =	sdelay $0x1  }
0x9f: {  	s6 =	simm.s32 $_scs_section_size  }
0xa0: {  	s7 =	simm.s32 $_size__tile_overlayer_lowered;
	s8 =	simm.s32 $_tile_overlayer_lowered  }
0xa1: {  	s22 =	simm.s32 $0x1BFF;
	s21 =	sshll.u32 s8, $0x1;
	s5 =	sadd.s32 s6, s19  }
0xa2: {  	s9 =	simm.s32 $0x0;
	s20 =	sshll.u32 s7, $0x1;
	s7 =	sadd.s32 s21, s5  }
0xa3: {  	[timem:s9], [sflag:s22] =	dma.local [hbm:s7], s20  }
0xa4: {  	_ =	swait.ge [sflag:s22], s20  }
0xa5: {  	s6 =	ssub.s32 $0x0, s20;
	[sflag:s22] =	ssyncset.done $0x0  }
0xa6: {  	[sflag:s22] =	ssyncadd.s32 s6;
	_ =	sdelay $0x1  }
0xa7: {  	s23 =	simm.s32 $0x1B8B  }
0xa8: {  	_ =	swait.ge [sflag:s23], $0x1  }
0xa9: {  	[sflag:s23] =	ssyncset.done $0x0  }
0xaa: {  	s25 =	simm.s32 $0x1B8E;
	s24 =	sld [smem:$0x3FFE];
	[sflag:s23] =	ssyncadd.s32 $0xFFFFFFFF  }
0xab: {  	s26 =	simm.s32 $execute0_lowered;
	[smem:$0x3FD2] =	sst s25  }
0xac: {  	s7 =	sshll.u32 s26, $0x1;
	_ =	strace $0x80000049;
	[dreg:$0x1] =	wrdreg $0xFFFFFFFF  }
0xad: {  	s28 =	simm.s32 $_size_execute0_lowered;
	s5 =	sadd.s32 s5, s7;
	[dreg:$0x0] =	wrdreg $0x0  }
0xae: {  	s7 =	sshll.u32 s28, $0x1;
	[dreg:$0x2] =	wrdreg s5  }
0xaf: {  	[dreg:$0x3] =	wrdreg s7  }
0xb0: {  	[dreg:$0x4] =	wrdreg $0xC0  }
0xb1: {  	_ =	task [dreg:s9], $0x5FFFF  }
0xb2: {  	[dreg:$0x1] =	wrdreg $0xFFFFFFFF  }
0xb3: {  	[dreg:$0x0] =	wrdreg $0x60  }
0xb4: {  	[dreg:$0x2] =	wrdreg s17  }
0xb5: {  	[dreg:$0x3] =	wrdreg s15  }
0xb6: {  	[dreg:$0x4] =	wrdreg s16  }
0xb7: {  	[dreg:$0x5] =	wrdreg s24  }
0xb8: {  	[dreg:$0x6] =	wrdreg $0xC5000  }
0xb9: {  	[dreg:$0x7] =	wrdreg $0x9  }
0xba: {  	_ =	task.clear_ibuf [dreg:s9], $0x8FFFF;
	_ =	strace $0x90000049  }
0xbb: {  	s29 =	simm.s32 $0x9;
	_ =	strace $0x8000004B  }
0xbc: {  	_ =	swait.ge [sflag:s29], $0x1  }
0xbd: {  	[sflag:s29] =	ssyncadd.s32 $0xFFFFFFFF  }
0xbe: {  	_ =	strace $0x9000004B  }
0xbf: {  	_ =	sfence  }
0xc0: {  	s30 =	sld [smem:$0x0];
	_ =	sdelay $0x2  }
0xc1: {  	s31 =	sshll.u32 s1, $0xD;
	s1 =	sshrl.u32 s1, $0x2  }
0xc2: {  	s3 =	sand.u32 $0x4000, s31;
	s1 =	sadd.s32 s1, s30  }
0xc3: {  	s0 =	sor.u32 s3, s0;
	s1 =	sshll.u32 s1, $0x11  }
0xc4: {  	s0 =	sor.u32 s1, s0  }
0xc5: {  	s0 =	sadd.s32 $0x8F2B, s0  }
0xc6: {  	[sflag:s0] =	ssyncadd.remote.s32 $0x1  }
0xc7: {  	_ =	sfence.sel $0xFFFF  }
0xc8: {  	[dreg:$0x0] =	wrdreg $0xFFFFFFFF;
	(pc) =	sbr.abs _section_cstart, $3  }
0xc9: {  	[dreg:$0x1] =	wrdreg $0xFFFFFFFF  }
0xca: {  	_ =	task.clear_ibuf [dreg:s9], $0x2FFFF;
	_ =	strace $0x9FFFFFFF  }
0xcb: {  	(tm) =	ssettm $0x7FFFFFFF  }
tec
execute0_lowered:
.L_overlay_start_1:
0x0: {  	(tag) =	ssettag $0x1  }
0x1: {  	s1 =	rddreg [dreg:$0x0]  }
0x2: {  	s0 =	rddreg [dreg:$0x1]  }
0x3: {  	s4 =	rddreg [dreg:$0x2]  }
0x4: {  	s5 =	rddreg [dreg:$0x3]  }
0x5: {  	s2 =	rddreg [dreg:$0x4];
	s6 =	srdreg.scid  }
0x6: {  	s3 =	simm.s32 $0x0;
	s16 =	stileid.u32;
	s10 =	simm.s32 $0x4F  }
0x7: {  	s28 =	simm.s32 $0x200;
	s31 =	simm.s32 $0x1;
	s30 =	simm.s32 $0x3  }
0x8: {  	s29 =	simm.s32 $0x0;
	s6 =	sand.u32 $0x1, s6;
	s11 =	smul.u32 $0x4E, s16  }
0x9: {  	[smem:$0x7FF] =	sst s3;
	p0 =	slt.u32 s16, $0xC;
	s12 =	smul.u32 $0x4D, s16  }
0xa: {  	p1 =	slt.u32 s16, $0x8;
	s24 =	smin.u32 s16, $0xC;
	s13 =	smul.u32 $0x4E000, s16  }
0xb: {  	s25 =	smin.u32 s16, $0x8;
	s17 =	smul.u32 $0x2700, s16;
	s21 =	sadd.s32 $0x24900, s1  }
0xc: {  	s7 =	smul.u32 $0x27100, s6;
	_ =	strace $0x8000004A;
	s23 =	ssub.s32 $0x2, s6  }
0xd: {  	s10 =	simm.s32 @!p0 $0x4E;
	p0 =	seq.s32 s6, $0x0;
	[dreg:$0xb] =	wrdreg s21  }
0xe: {  	p3 =	sne.s32 s6, $0x0;
	s9 =	sshrl.u32 s23, $0x1;
	s13 =	sshrl.u32 s13, $0x2  }
0xf: {  	[dreg:$0x7] =	wrdreg s17;
	s20 =	sadd.s32 s1, s17;
	p4 =	seq.s32 @!p3 s16, $0xF  }
0x10: {  	s8 =	sadd.s32 s7, s5;
	s5 =	simm.s32 $0x4E;
	s15 =	ssub.s32 s23, s9  }
0x11: {  	s7 =	sadd.s32 s13, s2;
	s13 =	sadd.s32 s4, s17;
	s9 =	sadd.s32 $0x124800, s2  }
0x12: {  	s4 =	sadd.s32 $0x24900, s4;
	[dreg:$0xa] =	wrdreg s20;
	s5 =	simm.s32 @!p1 $0x4D  }
0x13: {  	p2 =	por !p4, p3;
	[dreg:$0x8] =	wrdreg s13;
	s5 =	smov.u32 @p0 s10  }
0x14: {  	s10 =	sadd.s32 s24, s11;
	s11 =	sadd.s32 s25, s12;
	s26 =	sadd.s32 $0xFFFFFFFF, s5  }
0x15: {  	[dreg:$0x9] =	wrdreg s4;
	s11 =	sadd.s32 $0x4EC, s11;
	s14 =	smul.u32 $0x56, s26  }
0x16: {  	p1 =	seq.s32 @p3 s16, $0xF;
	s25 =	smax.u32 s15, $0x1;
	s11 =	smov.u32 @p0 s10  }
0x17: {  	[dreg:$0x10] =	wrdreg s25;
	s19 =	sshll.u32 s11, $0x5;
	s18 =	sshrl.u32 s14, $0x8  }
0x18: {  	p0 =	por !p1, !p3;
	s4 =	sadd.s32 s0, s19;
	s10 =	smul.u32 $0x3, s18  }
0x19: {  	p1 =	por p1, !p3;
	s0 =	sadd.s32 $0x20, s4;
	[dreg:$0xc] =	wrdreg s4  }
0x1a: {  	s22 =	sadd.s32 $0x40, s4;
	[dreg:$0xd] =	wrdreg s0;
	s23 =	ssub.s32 s26, s10  }
0x1b: {  	s24 =	sadd.s32 $0x60, s4;
	[dreg:$0xe] =	wrdreg s22;
	s0 =	sand.u32 $0xFF, s23  }
0x1c: {  	[dreg:$0xf] =	wrdreg s24;
	s18 =	sadd.s32 $0x9, s0;
	s0 =	sshrl.u32 @!p0 s9, $0x3  }
0x1d: {  	s26 =	sshll.u32 s5, $0x2;
	[dreg:$0x11] =	wrdreg s0;
	s0 =	sshll.u32 @!p1 s16, $0x6  }
0x1e: {  	p3 =	por p4, p3;
	[dreg:$0x6] =	wrdreg s26;
	s0 =	sor.u32 @!p1 $0x1C0C, s0  }
0x1f: {  	p4 =	seq.s32 s16, $0xF;
	[dreg:$0x12] =	wrdreg s0;
	s0 =	sshrl.u32 @!p1 s7, $0x3  }
0x20: {  	s19 =	sadd.s32 $0x2800, s8;
	[dreg:$0x13] =	wrdreg s0;
	s0 =	sshrl.u32 @!p2 s9, $0x3  }
0x21: {  	s14 =	sadd.s32 $0x80, s4;
	[dreg:$0x14] =	wrdreg s0;
	s0 =	sshll.u32 @!p3 s16, $0x6  }
0x22: {  	s26 =	smov.u32 s9;
	s25 =	sor.u32 @!p3 $0x1C0C, s0;
	s0 =	simm.s32 $0x80  }
.LBB2_1:
0x23: {  	s6 =	rddreg [dreg:$0x9]  }
0x24: {  	s4 =	simm.s32 @!p0 $0x1FCC;
	s8 =	rddreg [dreg:$0x11]  }
0x25: {  	[spmem:s8], [sflag:s4] =	dma.local @!p0 [hbm:s6], $0x2800  }
0x26: {  	s4 =	simm.s32 @!p0 $0xC  }
0x27: {  	_ =	swait.ge @!p0 [sflag:s4], $0x2800  }
0x28: {  	s6 =	rddreg [dreg:$0x12]  }
0x29: {  	[sflag:s4] =	ssyncset.done @!p0 $0x0;
	s8 =	rddreg [dreg:$0x13]  }
0x2a: {  	[sflag:s4] =	ssyncadd.s32 @!p0 $0xFFFFD800;
	s4 =	rddreg [dreg:$0x8]  }
0x2b: {  	[spmem:s8], [sflag:s6] =	dma.local @!p1 [hbm:s4], $0x2700  }
0x2c: {  	s4 =	simm.s32 @!p1 $0xC  }
0x2d: {  	_ =	swait.ge @!p1 [sflag:s4], $0x2700  }
0x2e: {  	[sflag:s4] =	ssyncset.done @!p1 $0x0;
	s6 =	rddreg [dreg:$0xb]  }
0x2f: {  	s8 =	rddreg [dreg:$0x14];
	[sflag:s4] =	ssyncadd.s32 @!p1 $0xFFFFD900;
	s4 =	simm.s32 @!p2 $0x1FCC  }
0x30: {  	[spmem:s8], [sflag:s4] =	dma.local @!p2 [hbm:s6], $0x2800  }
0x31: {  	s4 =	simm.s32 @!p2 $0xC  }
0x32: {  	_ =	swait.ge @!p2 [sflag:s4], $0x2800  }
0x33: {  	[sflag:s4] =	ssyncset.done @!p2 $0x0  }
0x34: {  	s6 =	rddreg [dreg:$0xa];
	[sflag:s4] =	ssyncadd.s32 @!p2 $0xFFFFD800;
	s4 =	sshrl.u32 @!p3 s7, $0x3  }
0x35: {  	[spmem:s4], [sflag:s25] =	dma.local @!p3 [hbm:s6], $0x2700  }
0x36: {  	s4 =	simm.s32 @!p3 $0xC  }
0x37: {  	_ =	swait.ge @!p3 [sflag:s4], $0x2700  }
0x38: {  	[sflag:s4] =	ssyncset.done @!p3 $0x0  }
0x39: {  	s15 =	rddreg [dreg:$0xc];
	[sflag:s4] =	ssyncadd.s32 @!p3 $0xFFFFD900  }
0x3a: {  	[tilespmem:s3], [sflag:$0x1] =	stream.linear.gather [hbm4b:s15+s3], $0x100, $0x38;
	[tilespmem:$0x1FD80] =	vst v63  }
0x3b: {  	s17 =	simm.s32 $0x100;
	s16 =	rddreg [dreg:$0xd]  }
0x3c: {  	[tilespmem:s17], [sflag:$0x2] =	stream.linear.gather [hbm4b:s16+s3], $0x100, $0x38;
	[tilespmem:$0x1FD80] =	vst v63  }
0x3d: {  	s20 =	rddreg [dreg:$0xe]  }
0x3e: {  	[tilespmem:s28], [sflag:$0x3] =	stream.linear.gather [hbm4b:s20+s3], $0x100, $0x38;
	[tilespmem:$0x1FD80] =	vst v63  }
0x3f: {  	s22 =	simm.s32 $0x300;
	s21 =	rddreg [dreg:$0xf]  }
0x40: {  	[tilespmem:s22], [sflag:$0x4] =	stream.linear.gather [hbm4b:s21+s3], $0x100, $0x38;
	[tilespmem:$0x1FD80] =	vst v63  }
0x41: {  	s23 =	simm.s32 $0x400  }
0x42: {  	[tilespmem:s23], [sflag:$0x5] =	stream.linear.gather [hbm4b:s14+s3], $0x100, $0x38;
	[tilespmem:$0x1FD80] =	vst v63  }
0x43: {  	_ =	swait.ge [sflag:s31], $0x100  }
0x44: {  	[sflag:s31] =	ssyncset.done $0x0  }
0x45: {  	s8 =	simm.s32 $0x2;
	s4 =	simm.s32 $0x500;
	[sflag:s31] =	ssyncadd.s32 $0xFFFFFF00  }
0x46: {  	[tilespmem:s4], [sflag:$0x6] =	stream.indirect.gather [hbm4b:s1+s0], $0x80, s3, s0, $0xb8;
	[tilespmem:$0x1FD80] =	vst v63  }
0x47: {  	_ =	swait.ge [sflag:s8], $0x100  }
0x48: {  	[sflag:s8] =	ssyncset.done $0x0  }
0x49: {  	s9 =	simm.s32 $0x4500;
	[sflag:s8] =	ssyncadd.s32 $0xFFFFFF00  }
0x4a: {  	[tilespmem:s9], [sflag:$0x7] =	stream.indirect.gather [hbm4b:s1+s0], $0x80, s17, s0, $0xb8;
	[tilespmem:$0x1FD80] =	vst v63  }
0x4b: {  	s24 =	simm.s32 $0x8500;
	s10 =	simm.s32 $0xFFFFFFFF;
	_ =	swait.ge [sflag:s30], $0x100  }
0x4c: {  	s11 =	simm.s32 $0xFFFFC500;
	s12 =	simm.s32 $0x4;
	[sflag:s30] =	ssyncset.done $0x0  }
0x4d: {  	s6 =	simm.s32 $0xFFFFFF00;
	s15 =	simm.s32 $0x0;
	[sflag:s30] =	ssyncadd.s32 $0xFFFFFF00  }
0x4e: {  	[tilespmem:s24], [sflag:$0x8] =	stream.indirect.gather [hbm4b:s1+s0], $0x80, s28, s0, $0xb8;
	[tilespmem:$0x1FD80] =	vst v63  }
0x4f: {  	s16 =	simm.s32 $0x0;
	s17 =	smov.u32 s14;
	[bflag:$0x0] =	sbarrier.arrive $0xFFFF  }
.LBB2_2:
0x50: {  	s9 =	smulhi.u32 $0xAAAAAAAB, s16  }
0x51: {  	s20 =	smulhi.u32 $0xCCCCCCCD, s10  }
0x52: {  	s22 =	smulhi.u32 $0xCCCCCCCD, s16  }
0x53: {  	s23 =	smulhi.u32 $0xAAAAAAAB, s10;
	s9 =	sshrl.u32 s9, $0x1  }
0x54: {  	s21 =	smul.u32 $0xFFFFFFF4, s9  }
0x55: {  	s24 =	sshra.s32 s15, $0x2;
	s22 =	sshrl.u32 s22, $0x2;
	s9 =	smul.u32 $0xFFFD0000, s9  }
0x56: {  	p5 =	seq.s32 s15, $0x0;
	s22 =	smul.u32 $0xFFFFEC00, s22;
	s21 =	sshra.s32 s21, $0x2  }
0x57: {  	s23 =	sshrl.u32 s23, $0x1;
	s20 =	sshrl.u32 s20, $0x2;
	s21 =	sadd.s32 s24, s21  }
0x58: {  	s9 =	sshra.s32 s9, $0x2;
	s22 =	sshra.s32 s22, $0x2;
	s13 =	sadd.s32 $0x6, s21  }
0x59: {  	s24 =	smul.u32 $0xFFFFFFF4, s23;
	s22 =	sadd.s32 s22, s6;
	_ =	swait.ge [sflag:s13], $0x4000  }
0x5a: {  	s9 =	sadd.s32 s9, s4;
	s22 =	sadd.s32 $0x180, s22;
	[sflag:s13] =	ssyncset.done $0x0  }
0x5b: {  	s21 =	sadd.s32 $0x9, s21;
	[sflag:s13] =	ssyncadd.s32 $0xFFFFC000;
	s13 =	sshra.s32 s24, $0x2  }
0x5c: {  	[spmem:s2] =	stream.indirect.scatter.add.f32 [tilespmem:s9], [sflag:s21], $0x80, s22, s0, $0xb8;
	[tilespmem:$0x1FD80] =	vst v63  }
0x5d: {  	s24 =	smulhi.u32 $0xCCCCCCCD, s8;
	s21 =	sadd.s32 $0x8, s13;
	s22 =	sshra.s32 @!p5 s15, $0x2  }
0x5e: {  	p6 =	sge.u32 @!p5 s12, s5;
	s9 =	smul.u32 $0xFFFFFFEC, s20;
	s21 =	sadd.s32 @!p5 s22, s21  }
0x5f: {  	p6 =	por p6, p5;
	s20 =	smul.u32 $0xFFFFEC00, s20;
	_ =	swait.ge @!p5 [sflag:s21], $0x4000  }
0x60: {  	s24 =	sshrl.u32 s24, $0x2;
	s9 =	sshra.s32 s9, $0x2;
	[sflag:s21] =	ssyncset.done @!p5 $0x0  }
0x61: {  	s20 =	sshra.s32 @!p6 s20, $0x2;
	[sflag:s21] =	ssyncadd.s32 @!p5 $0xFFFFC000;
	s21 =	sshra.s32 @!p6 s15, $0x2  }
0x62: {  	s20 =	sadd.s32 @!p6 s20, s6;
	s9 =	sadd.s32 @!p6 s21, s9;
	s21 =	simm.s32 @!p6 $0x0  }
0x63: {  	[tilespmem:s20], [sflag:s9] =	stream.linear.gather @!p6 [hbm4b:s17+s21], $0x100, $0x38;
	[tilespmem:$0x1FD80] =	vst v63  }
0x64: {  	s21 =	smul.u32 $0xFFFFFFEC, s24;
	s20 =	sadd.s32 @!p5 $0xFFFFFFFE, s12  }
0x65: {  	p6 =	sge.u32 @!p5 s20, s5  }
0x66: {  	s23 =	smul.u32 $0xFFFD0000, s23;
	s9 =	sshra.s32 s21, $0x2;
	p5 =	por p6, p5  }
0x67: {  	s9 =	sadd.s32 $0x3, s9;
	s21 =	sshra.s32 @!p5 s15, $0x2  }
0x68: {  	s22 =	smul.u32 $0xFFFFEC00, s24;
	s20 =	sshra.s32 s23, $0x2;
	s9 =	sadd.s32 @!p5 s21, s9  }
0x69: {  	s13 =	sadd.s32 $0x5, s13;
	s20 =	sadd.s32 s20, s11;
	_ =	swait.ge @!p5 [sflag:s9], $0x100  }
0x6a: {  	s22 =	sshra.s32 @!p5 s22, $0x2;
	s15 =	sadd.s32 $0x4, s15;
	[sflag:s9] =	ssyncset.done @!p5 $0x0  }
0x6b: {  	s13 =	sadd.s32 @!p5 s21, s13;
	[sflag:s9] =	ssyncadd.s32 @!p5 $0xFFFFFF00;
	s9 =	sadd.s32 @!p5 s22, s6  }
0x6c: {  	s21 =	simm.s32 @!p5 $0x80;
	s24 =	rddreg [dreg:$0x6];
	s9 =	sadd.s32 @!p5 $0x300, s9  }
0x6d: {  	[tilespmem:s20], [sflag:s13] =	stream.indirect.gather @!p5 [hbm4b:s1+s21], $0x80, s9, s21, $0xb8;
	[tilespmem:$0x1FD80] =	vst v63  }
0x6e: {  	p5 =	sne.s32 s24, s15  }
.Ltmp0:
0x6f: {  	_ = 	snop;
	(pc) =	sbr.rel @p5 .LBB2_2-.Ltmp0, $4  }
0x70: {  	_ = 	snop  }
0x71: {  	s16 =	sadd.s32 $0x1, s16;
	s10 =	sadd.s32 $0x1, s10  }
0x72: {  	s4 =	sadd.s32 $0x4000, s4;
	s8 =	sadd.s32 $0x1, s8;
	s17 =	sadd.s32 $0x20, s17  }
0x73: {  	s12 =	sadd.s32 $0x1, s12;
	s11 =	sadd.s32 $0x4000, s11;
	s6 =	sadd.s32 $0x100, s6  }
0x74: {  	_ =	swait.ge [sflag:s18], $0x4000  }
0x75: {  	[sflag:s18] =	ssyncset.done $0x0  }
0x76: {  	s4 =	sadd.s32 @p4 $0x24900, s19;
	[sflag:s18] =	ssyncadd.s32 $0xFFFFC000  }
0x77: {  	s6 =	sshrl.u32 @p4 s26, $0x3;
	s8 =	simm.s32 @p4 $0x1FCC;
	[bflag:$0x0] =	sbarrier.arrive $0xFFFF  }
0x78: {  	[hbm:s4], [sflag:s8] =	dma.local @p4 [spmem:s6], $0x2800  }
0x79: {  	s4 =	simm.s32 @p4 $0xC  }
0x7a: {  	_ =	swait.ge @p4 [sflag:s4], $0x2800  }
0x7b: {  	[sflag:s4] =	ssyncset.done @p4 $0x0  }
0x7c: {  	[sflag:s4] =	ssyncadd.s32 @p4 $0xFFFFD800;
	s4 =	stileid.u32  }
0x7d: {  	s6 =	rddreg [dreg:$0x7];
	s4 =	sshll.u32 @!p4 s4, $0x6  }
0x7e: {  	s8 =	sshrl.u32 @!p4 s7, $0x3;
	s6 =	sadd.s32 @!p4 s6, s19;
	s4 =	sor.u32 @!p4 $0x1C0C, s4  }
0x7f: {  	[hbm:s6], [sflag:s4] =	dma.local @!p4 [spmem:s8], $0x2700  }
0x80: {  	s4 =	simm.s32 @!p4 $0xC  }
0x81: {  	_ =	swait.ge @!p4 [sflag:s4], $0x2700  }
0x82: {  	s29 =	sadd.s32 $0x1, s29;
	s24 =	rddreg [dreg:$0x10]  }
0x83: {  	p5 =	sne.s32 s29, s24  }
.Ltmp1:
0x84: {  	_ = 	snop;
	(pc) =	sbr.rel @p5 .LBB2_1-.Ltmp1, $3  }
0x85: {  	_ =	sdelay $0x1  }
0x86: {  	[sflag:s4] =	ssyncset.done @!p4 $0x0  }
0x87: {  	[sflag:s4] =	ssyncadd.s32 @!p4 $0xFFFFD900  }
0x88: {  	_ =	sfence.sel $0x180000  }
0x89: {  	[bflag:$0x0] =	sbarrier.arrive $0xFFFF  }
0x8a: {  	_ =	strace $0x9000004A  }
0x8b: {  	s0 =	stileid.u32;
	[bflag:$0x2] =	sbarrier.arrive $0xFFFF  }
0x8c: {  	p0 =	sne.s32 s0, $0x0;
	s0 =	rddreg [dreg:$0x5]  }
0x8d: {  	s0 =	sadd.s32 @!p0 $0x100000, s0  }
0x8e: {  	[sflag:s0] =	ssyncadd.tile.s32 @!p0 $0x1;
	_ =	shalt  }
.Lfunc_end2:
_tile_overlayer_lowered:
.L_overlay_start_2:
0x8f: {  	(tag) =	ssettag $0x2  }
0x90: {  	s0 =	rddreg [dreg:$0x0];
	s2 =	stileid.u32  }
0x91: {  	s1 =	rddreg [dreg:$0x1];
	p0 =	sne.s32 s2, $0x0  }
0x92: {  	s3 =	rddreg [dreg:$0x2];
	[bflag:$0x3] =	sbarrier.arrive $0xFFFF;
	s2 =	simm.s32 @!p0 $0x1C0C  }
0x93: {  	[timem:s3], [sflag:s2] =	dma.local @!p0 [hbm:s0], s1  }
0x94: {  	s0 =	simm.s32 @!p0 $0xC  }
0x95: {  	_ =	swait.ge @!p0 [sflag:s0], s1  }
0x96: {  	s1 =	ssub.s32 @!p0 $0x0, s1;
	[sflag:s0] =	ssyncset.done @!p0 $0x0  }
0x97: {  	[sflag:s0] =	ssyncadd.s32 @!p0 s1  }
0x98: {  	[bflag:$0x3] =	sbarrier.arrive $0xFFFF  }
0x99: {  	_ =	shalt  }

// kernel: kernel.14.cloned.1.call-start
scs
__scs_entry_jumppad:
0x0: {  	(pc) =	sbr.rel $0x88, $3  }
0x1: {  	(tag) =	ssettag $0x0;
	lr =	simm.s32 $0x1  }
0x2: {  	[smem:$0x3F9B] =	sst lr;
	_ =	strace $0xD0000000  }
0x3: {  	_ = 	snop  }
0x4: {  	_ = 	snop  }
0x5: {  	_ = 	snop  }
0x6: {  	_ = 	snop  }
0x7: {  	_ = 	snop  }
__scs_overlays_trampoline_lowered:
0x8: {  	[smem:$0x3FAA] =	sst s0  }
0x9: {  	[smem:$0x3FAB] =	sst s1  }
0xa: {  	[smem:$0x3FAC] =	sst s2  }
0xb: {  	[smem:$0x3FAD] =	sst s3  }
0xc: {  	[smem:$0x3FAE] =	sst s4  }
0xd: {  	[smem:$0x3FAF] =	sst s5  }
0xe: {  	[smem:$0x3FB0] =	sst s6  }
0xf: {  	[smem:$0x3FB1] =	sst s7  }
0x10: {  	[smem:$0x3FB2] =	sst s8  }
0x11: {  	[smem:$0x3FB3] =	sst s9;
	s0 =	simm.s32 @!p0 $0x0  }
0x12: {  	s1 =	sld [smem:$0x3F99];
	s0 =	simm.s32 @p0 $0x1  }
0x13: {  	[smem:$0x3FB4] =	sst s0;
	s0 =	simm.s32 @!p1 $0x0  }
0x14: {  	s2 =	sld [smem:$0x3F98];
	s0 =	simm.s32 @p1 $0x1  }
0x15: {  	[smem:$0x3FB5] =	sst s0;
	s0 =	simm.s32 @!p2 $0x0  }
0x16: {  	s3 =	sld [smem:$0x3FDB];
	s0 =	simm.s32 @p2 $0x1  }
0x17: {  	s4 =	simm.s32 $0x1BF5;
	[smem:$0x3FB7] =	sst s0  }
0x18: {  	s0 =	sld [smem:$0x3F9A];
	_ =	swait.ge [sflag:s4], $0x0  }
0x19: {  	s7 =	sld [smem:$0x3F9B]  }
0x1a: {  	s8 =	sadd.s32 $0xFFFFE003, lr  }
0x1b: {  	s9 =	sadd.s32 $0xFFFFFEF7, lr;
	s5 =	simm.s32 $0xFFFFFFFF;
	p2 =	slt.u32 s8, $0xFFFFF086  }
0x1c: {  	p1 =	slt.u32 s9, $0xF7A;
	s5 =	simm.s32 @!p2 $0x0  }
0x1d: {  	s5 =	simm.s32 @p1 $0x1;
	p0 =	seq.s32 s7, s2  }
0x1e: {  	s7 =	smul.u32 @!p0 $0xF7A, s2;
	p2 =	seq.s32 @!p0 s5, $0x0  }
0x1f: {  	s9 =	smul.u32 $0xF7A, s1;
	s8 =	simm.s32 @!p0 $0x1BF5;
	p2 =	por !p2, p0  }
0x20: {  	[sflag:s8] =	ssyncset.s32 @!p0 $0xFFFFF086;
	s6 =	sadd.s32 @!p0 s3, s7;
	s7 =	simm.s32 @!p0 $0x108  }
0x21: {  	s3 =	sadd.s32 s3, s9;
	s6 =	sadd.s32 @!p0 $0x88, s6;
	s7 =	simm.s32 @p2 $0x1082  }
0x22: {  	[simem:s7], [sflag:s8] =	dma.local @!p0 [hbm:s6], $0xF7A  }
0x23: {  	s9 =	sor.u32 $0xD0000000, s2;
	s6 =	simm.s32 $0x108;
	_ =	swait.ge @!p0 [sflag:s8], $0x0  }
0x24: {  	s3 =	sadd.s32 $0x88, s3;
	s6 =	simm.s32 @!p1 $0x1082;
	[sflag:s4] =	ssyncset.s32 $0xFFFFF086  }
0x25: {  	[simem:s6], [sflag:s4] =	dma.local [hbm:s3], $0xF7A  }
0x26: {  	[smem:$0x3F9B] =	sst s1;
	(tag) =	ssettag s2;
	_ =	strace s9  }
0x27: {  	s1 =	sld [smem:$0x3FAB]  }
0x28: {  	s2 =	sld [smem:$0x3FAC]  }
0x29: {  	s4 =	sld [smem:$0x3FAE]  }
0x2a: {  	p0 =	seq.s32 s5, $0x0;
	s5 =	sld [smem:$0x3FAF]  }
0x2b: {  	s6 =	sld [smem:$0x3FB0]  }
0x2c: {  	s7 =	sld [smem:$0x3FB1]  }
0x2d: {  	s3 =	simm.s32 $0x108;
	s8 =	sld [smem:$0x3FB2]  }
0x2e: {  	s3 =	simm.s32 @!p0 $0x1082;
	s9 =	sld [smem:$0x3FB3]  }
0x2f: {  	lr =	sadd.s32 s0, s3;
	s0 =	sld [smem:$0x3FAA]  }
0x30: {  	s3 =	sld [smem:$0x3FAD]  }
0x31: {  	[smem:$0x3FB6] =	sst s10  }
0x32: {  	s10 =	sld [smem:$0x3FB4];
	_ =	sdelay $0x3  }
0x33: {  	p0 =	seq.s32 s10, $0x1;
	s10 =	sld [smem:$0x3FB6];
	_ =	sdelay $0x3  }
0x34: {  	[smem:$0x3FB6] =	sst s10  }
0x35: {  	s10 =	sld [smem:$0x3FB5];
	_ =	sdelay $0x3  }
0x36: {  	p1 =	seq.s32 s10, $0x1;
	s10 =	sld [smem:$0x3FB6];
	_ =	sdelay $0x3  }
0x37: {  	[smem:$0x3FB6] =	sst s10  }
0x38: {  	s10 =	sld [smem:$0x3FB7]  }
0x39: {  	_ = 	snop;
	(pc) =	sbr.ind lr, $3  }
0x3a: {  	_ = 	snop  }
0x3b: {  	_ = 	snop  }
0x3c: {  	p2 =	seq.s32 s10, $0x1;
	s10 =	sld [smem:$0x3FB6]  }
0x3d: {  	_ =	shalt  }
0x3e: {  	_ =	shalt  }
0x3f: {  	_ =	shalt  }
0x40: {  	_ =	shalt  }
0x41: {  	_ =	shalt  }
0x42: {  	_ =	shalt  }
0x43: {  	_ =	shalt  }
0x44: {  	_ =	shalt  }
0x45: {  	_ =	shalt  }
0x46: {  	_ =	shalt  }
0x47: {  	_ =	shalt  }
0x48: {  	_ =	shalt  }
0x49: {  	_ =	shalt  }
0x4a: {  	_ =	shalt  }
0x4b: {  	_ =	shalt  }
0x4c: {  	_ =	shalt  }
0x4d: {  	_ =	shalt  }
0x4e: {  	_ =	shalt  }
0x4f: {  	_ =	shalt  }
0x50: {  	_ =	shalt  }
0x51: {  	_ =	shalt  }
0x52: {  	_ =	shalt  }
0x53: {  	_ =	shalt  }
0x54: {  	_ =	shalt  }
0x55: {  	_ =	shalt  }
0x56: {  	_ =	shalt  }
0x57: {  	_ =	shalt  }
0x58: {  	_ =	shalt  }
0x59: {  	_ =	shalt  }
0x5a: {  	_ =	shalt  }
0x5b: {  	_ =	shalt  }
0x5c: {  	_ =	shalt  }
0x5d: {  	_ =	shalt  }
0x5e: {  	_ =	shalt  }
0x5f: {  	_ =	shalt  }
0x60: {  	_ =	shalt  }
0x61: {  	_ =	shalt  }
0x62: {  	_ =	shalt  }
0x63: {  	_ =	shalt  }
0x64: {  	_ =	shalt  }
0x65: {  	_ =	shalt  }
0x66: {  	_ =	shalt  }
0x67: {  	_ =	shalt  }
0x68: {  	_ =	shalt  }
0x69: {  	_ =	shalt  }
0x6a: {  	_ =	shalt  }
0x6b: {  	_ =	shalt  }
0x6c: {  	_ =	shalt  }
0x6d: {  	_ =	shalt  }
0x6e: {  	_ =	shalt  }
0x6f: {  	_ =	shalt  }
0x70: {  	_ =	shalt  }
0x71: {  	_ =	shalt  }
0x72: {  	_ =	shalt  }
0x73: {  	_ =	shalt  }
0x74: {  	_ =	shalt  }
0x75: {  	_ =	shalt  }
0x76: {  	_ =	shalt  }
0x77: {  	_ =	shalt  }
0x78: {  	_ =	shalt  }
0x79: {  	_ =	shalt  }
0x7a: {  	_ =	shalt  }
0x7b: {  	_ =	shalt  }
0x7c: {  	_ =	shalt  }
0x7d: {  	_ =	shalt  }
0x7e: {  	_ =	shalt  }
0x7f: {  	_ =	shalt  }
0x80: {  	_ =	shalt  }
0x81: {  	_ =	shalt  }
0x82: {  	_ =	shalt  }
0x83: {  	_ =	shalt  }
0x84: {  	_ =	shalt  }
0x85: {  	_ =	shalt  }
0x86: {  	_ =	shalt  }
0x87: {  	_ =	shalt  }
.Lfunc_end0:
.L_simem_size_0:
called_computation.2_lowered:
.L_overlay_start_0:
0x88: {  	s2 =	sld [smem:$0x3FD9]  }
0x89: {  	s3 =	sld [smem:$0x3FFE];
	_ =	sdelay $0x1  }
0x8a: {  	s1 =	srdreg.scid  }
0x8b: {  	s0 =	sand.u32 $0x1, s1  }
0x8c: {  	s14 =	sshll.u32 s0, $0xA;
	s2 =	sadd.s32 s3, s2  }
0x8d: {  	s2 =	sadd.s32 s2, s14  }
0x8e: {  	[smem:$0x3FC2] =	sst s2  }
0x8f: {  	_ = 	snop  }
0x90: {  	s2 =	sld [smem:$0x3FD0];
	_ =	sdelay $0x2  }
0x91: {  	s4 =	simm.s32 $0xA;
	s5 =	simm.s32 $0x10;
	s15 =	sld [smem:$0x3FC8]  }
0x92: {  	[smem:s5], [sflag:s4] =	dma.local [hbm:s2], $0x1  }
0x93: {  	_ =	swait.eq [sflag:s4], $0x1  }
0x94: {  	[sflag:s4] =	ssyncset.done $0x0  }
0x95: {  	s16 =	sld [smem:$0x10];
	[sflag:s4] =	ssyncadd.s32 $0xFFFFFFFF  }
0x96: {  	s17 =	sld [smem:$0x12];
	(tm) =	ssettm $0x1  }
0x97: {  	s18 =	sld [smem:$0x3FFB];
	_ =	sdelay $0x3  }
0x98: {  	_ =	strace s18  }
0x99: {  	s5 =	sld [smem:$0x3FFC];
	_ =	sdelay $0x3  }
0x9a: {  	_ =	strace s5  }
0x9b: {  	s5 =	sld [smem:$0x3FFD];
	_ =	sdelay $0x3  }
0x9c: {  	_ =	strace s5  }
0x9d: {  	_ =	strace $0x8FFFFFFF  }
0x9e: {  	s19 =	sld [smem:$0x3FDB];
	_ =	sdelay $0x1  }
0x9f: {  	s6 =	simm.s32 $_scs_section_size  }
0xa0: {  	s7 =	simm.s32 $_size__tile_overlayer_lowered;
	s8 =	simm.s32 $_tile_overlayer_lowered  }
0xa1: {  	s22 =	simm.s32 $0x1BFF;
	s21 =	sshll.u32 s8, $0x1;
	s5 =	sadd.s32 s6, s19  }
0xa2: {  	s9 =	simm.s32 $0x0;
	s20 =	sshll.u32 s7, $0x1;
	s7 =	sadd.s32 s21, s5  }
0xa3: {  	[timem:s9], [sflag:s22] =	dma.local [hbm:s7], s20  }
0xa4: {  	_ =	swait.ge [sflag:s22], s20  }
0xa5: {  	s6 =	ssub.s32 $0x0, s20;
	[sflag:s22] =	ssyncset.done $0x0  }
0xa6: {  	[sflag:s22] =	ssyncadd.s32 s6;
	_ =	sdelay $0x1  }
0xa7: {  	s23 =	simm.s32 $0x1B8B  }
0xa8: {  	_ =	swait.ge [sflag:s23], $0x1  }
0xa9: {  	[sflag:s23] =	ssyncset.done $0x0  }
0xaa: {  	s25 =	simm.s32 $0x1B8E;
	s24 =	sld [smem:$0x3FFE];
	[sflag:s23] =	ssyncadd.s32 $0xFFFFFFFF  }
0xab: {  	s26 =	simm.s32 $execute0_lowered;
	[smem:$0x3FD2] =	sst s25  }
0xac: {  	s7 =	sshll.u32 s26, $0x1;
	_ =	strace $0x8000004C;
	[dreg:$0x1] =	wrdreg $0xFFFFFFFF  }
0xad: {  	s28 =	simm.s32 $_size_execute0_lowered;
	s5 =	sadd.s32 s5, s7;
	[dreg:$0x0] =	wrdreg $0x0  }
0xae: {  	s7 =	sshll.u32 s28, $0x1;
	[dreg:$0x2] =	wrdreg s5  }
0xaf: {  	[dreg:$0x3] =	wrdreg s7  }
0xb0: {  	[dreg:$0x4] =	wrdreg $0xC0  }
0xb1: {  	_ =	task [dreg:s9], $0x5FFFF  }
0xb2: {  	[dreg:$0x1] =	wrdreg $0xFFFFFFFF  }
0xb3: {  	[dreg:$0x0] =	wrdreg $0x60  }
0xb4: {  	[dreg:$0x2] =	wrdreg s17  }
0xb5: {  	[dreg:$0x3] =	wrdreg s15  }
0xb6: {  	[dreg:$0x4] =	wrdreg s16  }
0xb7: {  	[dreg:$0x5] =	wrdreg s24  }
0xb8: {  	[dreg:$0x6] =	wrdreg $0xC5000  }
0xb9: {  	[dreg:$0x7] =	wrdreg $0x9  }
0xba: {  	_ =	task.clear_ibuf [dreg:s9], $0x8FFFF;
	_ =	strace $0x9000004C  }
0xbb: {  	s29 =	simm.s32 $0x9;
	_ =	strace $0x8000004E  }
0xbc: {  	_ =	swait.ge [sflag:s29], $0x1  }
0xbd: {  	[sflag:s29] =	ssyncadd.s32 $0xFFFFFFFF  }
0xbe: {  	_ =	strace $0x9000004E  }
0xbf: {  	_ =	sfence  }
0xc0: {  	s30 =	sld [smem:$0x0];
	_ =	sdelay $0x2  }
0xc1: {  	s31 =	sshll.u32 s1, $0xD;
	s1 =	sshrl.u32 s1, $0x2  }
0xc2: {  	s3 =	sand.u32 $0x4000, s31;
	s1 =	sadd.s32 s1, s30  }
0xc3: {  	s0 =	sor.u32 s3, s0;
	s1 =	sshll.u32 s1, $0x11  }
0xc4: {  	s0 =	sor.u32 s1, s0  }
0xc5: {  	s0 =	sadd.s32 $0x8F2B, s0  }
0xc6: {  	[sflag:s0] =	ssyncadd.remote.s32 $0x1  }
0xc7: {  	_ =	sfence.sel $0xFFFF  }
0xc8: {  	[dreg:$0x0] =	wrdreg $0xFFFFFFFF;
	(pc) =	sbr.abs _section_cstart, $3  }
0xc9: {  	[dreg:$0x1] =	wrdreg $0xFFFFFFFF  }
0xca: {  	_ =	task.clear_ibuf [dreg:s9], $0x2FFFF;
	_ =	strace $0x9FFFFFFF  }
0xcb: {  	(tm) =	ssettm $0x7FFFFFFF  }
tec
execute0_lowered:
.L_overlay_start_1:
0x0: {  	(tag) =	ssettag $0x1  }
0x1: {  	s1 =	rddreg [dreg:$0x0]  }
0x2: {  	s0 =	rddreg [dreg:$0x1]  }
0x3: {  	s4 =	rddreg [dreg:$0x2]  }
0x4: {  	s5 =	rddreg [dreg:$0x3]  }
0x5: {  	s2 =	rddreg [dreg:$0x4];
	s6 =	srdreg.scid  }
0x6: {  	s3 =	simm.s32 $0x0;
	s16 =	stileid.u32;
	s10 =	simm.s32 $0x4F  }
0x7: {  	s28 =	simm.s32 $0x200;
	s31 =	simm.s32 $0x1;
	s30 =	simm.s32 $0x3  }
0x8: {  	s29 =	simm.s32 $0x0;
	s6 =	sand.u32 $0x1, s6;
	s11 =	smul.u32 $0x4E, s16  }
0x9: {  	[smem:$0x7FF] =	sst s3;
	p0 =	slt.u32 s16, $0xC;
	s12 =	smul.u32 $0x4D, s16  }
0xa: {  	p1 =	slt.u32 s16, $0x8;
	s24 =	smin.u32 s16, $0xC;
	s13 =	smul.u32 $0x4E000, s16  }
0xb: {  	s25 =	smin.u32 s16, $0x8;
	s17 =	smul.u32 $0x2700, s16;
	s21 =	sadd.s32 $0x24900, s1  }
0xc: {  	s7 =	smul.u32 $0x27100, s6;
	_ =	strace $0x8000004D;
	s23 =	ssub.s32 $0x2, s6  }
0xd: {  	s10 =	simm.s32 @!p0 $0x4E;
	p0 =	seq.s32 s6, $0x0;
	[dreg:$0xb] =	wrdreg s21  }
0xe: {  	p3 =	sne.s32 s6, $0x0;
	s9 =	sshrl.u32 s23, $0x1;
	s13 =	sshrl.u32 s13, $0x2  }
0xf: {  	[dreg:$0x7] =	wrdreg s17;
	s20 =	sadd.s32 s1, s17;
	p4 =	seq.s32 @!p3 s16, $0xF  }
0x10: {  	s8 =	sadd.s32 s7, s5;
	s5 =	simm.s32 $0x4E;
	s15 =	ssub.s32 s23, s9  }
0x11: {  	s7 =	sadd.s32 s13, s2;
	s13 =	sadd.s32 s4, s17;
	s9 =	sadd.s32 $0x124800, s2  }
0x12: {  	s4 =	sadd.s32 $0x24900, s4;
	[dreg:$0xa] =	wrdreg s20;
	s5 =	simm.s32 @!p1 $0x4D  }
0x13: {  	p2 =	por !p4, p3;
	[dreg:$0x8] =	wrdreg s13;
	s5 =	smov.u32 @p0 s10  }
0x14: {  	s10 =	sadd.s32 s24, s11;
	s11 =	sadd.s32 s25, s12;
	s26 =	sadd.s32 $0xFFFFFFFF, s5  }
0x15: {  	[dreg:$0x9] =	wrdreg s4;
	s11 =	sadd.s32 $0x4EC, s11;
	s14 =	smul.u32 $0x56, s26  }
0x16: {  	p1 =	seq.s32 @p3 s16, $0xF;
	s25 =	smax.u32 s15, $0x1;
	s11 =	smov.u32 @p0 s10  }
0x17: {  	[dreg:$0x10] =	wrdreg s25;
	s19 =	sshll.u32 s11, $0x5;
	s18 =	sshrl.u32 s14, $0x8  }
0x18: {  	p0 =	por !p1, !p3;
	s4 =	sadd.s32 s0, s19;
	s10 =	smul.u32 $0x3, s18  }
0x19: {  	p1 =	por p1, !p3;
	s0 =	sadd.s32 $0x20, s4;
	[dreg:$0xc] =	wrdreg s4  }
0x1a: {  	s22 =	sadd.s32 $0x40, s4;
	[dreg:$0xd] =	wrdreg s0;
	s23 =	ssub.s32 s26, s10  }
0x1b: {  	s24 =	sadd.s32 $0x60, s4;
	[dreg:$0xe] =	wrdreg s22;
	s0 =	sand.u32 $0xFF, s23  }
0x1c: {  	[dreg:$0xf] =	wrdreg s24;
	s18 =	sadd.s32 $0x9, s0;
	s0 =	sshrl.u32 @!p0 s9, $0x3  }
0x1d: {  	s26 =	sshll.u32 s5, $0x2;
	[dreg:$0x11] =	wrdreg s0;
	s0 =	sshll.u32 @!p1 s16, $0x6  }
0x1e: {  	p3 =	por p4, p3;
	[dreg:$0x6] =	wrdreg s26;
	s0 =	sor.u32 @!p1 $0x1C0C, s0  }
0x1f: {  	p4 =	seq.s32 s16, $0xF;
	[dreg:$0x12] =	wrdreg s0;
	s0 =	sshrl.u32 @!p1 s7, $0x3  }
0x20: {  	s19 =	sadd.s32 $0x2800, s8;
	[dreg:$0x13] =	wrdreg s0;
	s0 =	sshrl.u32 @!p2 s9, $0x3  }
0x21: {  	s14 =	sadd.s32 $0x80, s4;
	[dreg:$0x14] =	wrdreg s0;
	s0 =	sshll.u32 @!p3 s16, $0x6  }
0x22: {  	s26 =	smov.u32 s9;
	s25 =	sor.u32 @!p3 $0x1C0C, s0;
	s0 =	simm.s32 $0x80  }
.LBB2_1:
0x23: {  	s6 =	rddreg [dreg:$0x9]  }
0x24: {  	s4 =	simm.s32 @!p0 $0x1FCC;
	s8 =	rddreg [dreg:$0x11]  }
0x25: {  	[spmem:s8], [sflag:s4] =	dma.local @!p0 [hbm:s6], $0x2800  }
0x26: {  	s4 =	simm.s32 @!p0 $0xC  }
0x27: {  	_ =	swait.ge @!p0 [sflag:s4], $0x2800  }
0x28: {  	s6 =	rddreg [dreg:$0x12]  }
0x29: {  	[sflag:s4] =	ssyncset.done @!p0 $0x0;
	s8 =	rddreg [dreg:$0x13]  }
0x2a: {  	[sflag:s4] =	ssyncadd.s32 @!p0 $0xFFFFD800;
	s4 =	rddreg [dreg:$0x8]  }
0x2b: {  	[spmem:s8], [sflag:s6] =	dma.local @!p1 [hbm:s4], $0x2700  }
0x2c: {  	s4 =	simm.s32 @!p1 $0xC  }
0x2d: {  	_ =	swait.ge @!p1 [sflag:s4], $0x2700  }
0x2e: {  	[sflag:s4] =	ssyncset.done @!p1 $0x0;
	s6 =	rddreg [dreg:$0xb]  }
0x2f: {  	s8 =	rddreg [dreg:$0x14];
	[sflag:s4] =	ssyncadd.s32 @!p1 $0xFFFFD900;
	s4 =	simm.s32 @!p2 $0x1FCC  }
0x30: {  	[spmem:s8], [sflag:s4] =	dma.local @!p2 [hbm:s6], $0x2800  }
0x31: {  	s4 =	simm.s32 @!p2 $0xC  }
0x32: {  	_ =	swait.ge @!p2 [sflag:s4], $0x2800  }
0x33: {  	[sflag:s4] =	ssyncset.done @!p2 $0x0  }
0x34: {  	s6 =	rddreg [dreg:$0xa];
	[sflag:s4] =	ssyncadd.s32 @!p2 $0xFFFFD800;
	s4 =	sshrl.u32 @!p3 s7, $0x3  }
0x35: {  	[spmem:s4], [sflag:s25] =	dma.local @!p3 [hbm:s6], $0x2700  }
0x36: {  	s4 =	simm.s32 @!p3 $0xC  }
0x37: {  	_ =	swait.ge @!p3 [sflag:s4], $0x2700  }
0x38: {  	[sflag:s4] =	ssyncset.done @!p3 $0x0  }
0x39: {  	s15 =	rddreg [dreg:$0xc];
	[sflag:s4] =	ssyncadd.s32 @!p3 $0xFFFFD900  }
0x3a: {  	[tilespmem:s3], [sflag:$0x1] =	stream.linear.gather [hbm4b:s15+s3], $0x100, $0x38;
	[tilespmem:$0x1FD80] =	vst v63  }
0x3b: {  	s17 =	simm.s32 $0x100;
	s16 =	rddreg [dreg:$0xd]  }
0x3c: {  	[tilespmem:s17], [sflag:$0x2] =	stream.linear.gather [hbm4b:s16+s3], $0x100, $0x38;
	[tilespmem:$0x1FD80] =	vst v63  }
0x3d: {  	s20 =	rddreg [dreg:$0xe]  }
0x3e: {  	[tilespmem:s28], [sflag:$0x3] =	stream.linear.gather [hbm4b:s20+s3], $0x100, $0x38;
	[tilespmem:$0x1FD80] =	vst v63  }
0x3f: {  	s22 =	simm.s32 $0x300;
	s21 =	rddreg [dreg:$0xf]  }
0x40: {  	[tilespmem:s22], [sflag:$0x4] =	stream.linear.gather [hbm4b:s21+s3], $0x100, $0x38;
	[tilespmem:$0x1FD80] =	vst v63  }
0x41: {  	s23 =	simm.s32 $0x400  }
0x42: {  	[tilespmem:s23], [sflag:$0x5] =	stream.linear.gather [hbm4b:s14+s3], $0x100, $0x38;
	[tilespmem:$0x1FD80] =	vst v63  }
0x43: {  	_ =	swait.ge [sflag:s31], $0x100  }
0x44: {  	[sflag:s31] =	ssyncset.done $0x0  }
0x45: {  	s8 =	simm.s32 $0x2;
	s4 =	simm.s32 $0x500;
	[sflag:s31] =	ssyncadd.s32 $0xFFFFFF00  }
0x46: {  	[tilespmem:s4], [sflag:$0x6] =	stream.indirect.gather [hbm4b:s1+s0], $0x80, s3, s0, $0xb8;
	[tilespmem:$0x1FD80] =	vst v63  }
0x47: {  	_ =	swait.ge [sflag:s8], $0x100  }
0x48: {  	[sflag:s8] =	ssyncset.done $0x0  }
0x49: {  	s9 =	simm.s32 $0x4500;
	[sflag:s8] =	ssyncadd.s32 $0xFFFFFF00  }
0x4a: {  	[tilespmem:s9], [sflag:$0x7] =	stream.indirect.gather [hbm4b:s1+s0], $0x80, s17, s0, $0xb8;
	[tilespmem:$0x1FD80] =	vst v63  }
0x4b: {  	s24 =	simm.s32 $0x8500;
	s10 =	simm.s32 $0xFFFFFFFF;
	_ =	swait.ge [sflag:s30], $0x100  }
0x4c: {  	s11 =	simm.s32 $0xFFFFC500;
	s12 =	simm.s32 $0x4;
	[sflag:s30] =	ssyncset.done $0x0  }
0x4d: {  	s6 =	simm.s32 $0xFFFFFF00;
	s15 =	simm.s32 $0x0;
	[sflag:s30] =	ssyncadd.s32 $0xFFFFFF00  }
0x4e: {  	[tilespmem:s24], [sflag:$0x8] =	stream.indirect.gather [hbm4b:s1+s0], $0x80, s28, s0, $0xb8;
	[tilespmem:$0x1FD80] =	vst v63  }
0x4f: {  	s16 =	simm.s32 $0x0;
	s17 =	smov.u32 s14;
	[bflag:$0x0] =	sbarrier.arrive $0xFFFF  }
.LBB2_2:
0x50: {  	s9 =	smulhi.u32 $0xAAAAAAAB, s16  }
0x51: {  	s20 =	smulhi.u32 $0xCCCCCCCD, s10  }
0x52: {  	s22 =	smulhi.u32 $0xCCCCCCCD, s16  }
0x53: {  	s23 =	smulhi.u32 $0xAAAAAAAB, s10;
	s9 =	sshrl.u32 s9, $0x1  }
0x54: {  	s21 =	smul.u32 $0xFFFFFFF4, s9  }
0x55: {  	s24 =	sshra.s32 s15, $0x2;
	s22 =	sshrl.u32 s22, $0x2;
	s9 =	smul.u32 $0xFFFD0000, s9  }
0x56: {  	p5 =	seq.s32 s15, $0x0;
	s22 =	smul.u32 $0xFFFFEC00, s22;
	s21 =	sshra.s32 s21, $0x2  }
0x57: {  	s23 =	sshrl.u32 s23, $0x1;
	s20 =	sshrl.u32 s20, $0x2;
	s21 =	sadd.s32 s24, s21  }
0x58: {  	s9 =	sshra.s32 s9, $0x2;
	s22 =	sshra.s32 s22, $0x2;
	s13 =	sadd.s32 $0x6, s21  }
0x59: {  	s24 =	smul.u32 $0xFFFFFFF4, s23;
	s22 =	sadd.s32 s22, s6;
	_ =	swait.ge [sflag:s13], $0x4000  }
0x5a: {  	s9 =	sadd.s32 s9, s4;
	s22 =	sadd.s32 $0x180, s22;
	[sflag:s13] =	ssyncset.done $0x0  }
0x5b: {  	s21 =	sadd.s32 $0x9, s21;
	[sflag:s13] =	ssyncadd.s32 $0xFFFFC000;
	s13 =	sshra.s32 s24, $0x2  }
0x5c: {  	[spmem:s2] =	stream.indirect.scatter.add.f32 [tilespmem:s9], [sflag:s21], $0x80, s22, s0, $0xb8;
	[tilespmem:$0x1FD80] =	vst v63  }
0x5d: {  	s24 =	smulhi.u32 $0xCCCCCCCD, s8;
	s21 =	sadd.s32 $0x8, s13;
	s22 =	sshra.s32 @!p5 s15, $0x2  }
0x5e: {  	p6 =	sge.u32 @!p5 s12, s5;
	s9 =	smul.u32 $0xFFFFFFEC, s20;
	s21 =	sadd.s32 @!p5 s22, s21  }
0x5f: {  	p6 =	por p6, p5;
	s20 =	smul.u32 $0xFFFFEC00, s20;
	_ =	swait.ge @!p5 [sflag:s21], $0x4000  }
0x60: {  	s24 =	sshrl.u32 s24, $0x2;
	s9 =	sshra.s32 s9, $0x2;
	[sflag:s21] =	ssyncset.done @!p5 $0x0  }
0x61: {  	s20 =	sshra.s32 @!p6 s20, $0x2;
	[sflag:s21] =	ssyncadd.s32 @!p5 $0xFFFFC000;
	s21 =	sshra.s32 @!p6 s15, $0x2  }
0x62: {  	s20 =	sadd.s32 @!p6 s20, s6;
	s9 =	sadd.s32 @!p6 s21, s9;
	s21 =	simm.s32 @!p6 $0x0  }
0x63: {  	[tilespmem:s20], [sflag:s9] =	stream.linear.gather @!p6 [hbm4b:s17+s21], $0x100, $0x38;
	[tilespmem:$0x1FD80] =	vst v63  }
0x64: {  	s21 =	smul.u32 $0xFFFFFFEC, s24;
	s20 =	sadd.s32 @!p5 $0xFFFFFFFE, s12  }
0x65: {  	p6 =	sge.u32 @!p5 s20, s5  }
0x66: {  	s23 =	smul.u32 $0xFFFD0000, s23;
	s9 =	sshra.s32 s21, $0x2;
	p5 =	por p6, p5  }
0x67: {  	s9 =	sadd.s32 $0x3, s9;
	s21 =	sshra.s32 @!p5 s15, $0x2  }
0x68: {  	s22 =	smul.u32 $0xFFFFEC00, s24;
	s20 =	sshra.s32 s23, $0x2;
	s9 =	sadd.s32 @!p5 s21, s9  }
0x69: {  	s13 =	sadd.s32 $0x5, s13;
	s20 =	sadd.s32 s20, s11;
	_ =	swait.ge @!p5 [sflag:s9], $0x100  }
0x6a: {  	s22 =	sshra.s32 @!p5 s22, $0x2;
	s15 =	sadd.s32 $0x4, s15;
	[sflag:s9] =	ssyncset.done @!p5 $0x0  }
0x6b: {  	s13 =	sadd.s32 @!p5 s21, s13;
	[sflag:s9] =	ssyncadd.s32 @!p5 $0xFFFFFF00;
	s9 =	sadd.s32 @!p5 s22, s6  }
0x6c: {  	s21 =	simm.s32 @!p5 $0x80;
	s24 =	rddreg [dreg:$0x6];
	s9 =	sadd.s32 @!p5 $0x300, s9  }
0x6d: {  	[tilespmem:s20], [sflag:s13] =	stream.indirect.gather @!p5 [hbm4b:s1+s21], $0x80, s9, s21, $0xb8;
	[tilespmem:$0x1FD80] =	vst v63  }
0x6e: {  	p5 =	sne.s32 s24, s15  }
.Ltmp0:
0x6f: {  	_ = 	snop;
	(pc) =	sbr.rel @p5 .LBB2_2-.Ltmp0, $4  }
0x70: {  	_ = 	snop  }
0x71: {  	s16 =	sadd.s32 $0x1, s16;
	s10 =	sadd.s32 $0x1, s10  }
0x72: {  	s4 =	sadd.s32 $0x4000, s4;
	s8 =	sadd.s32 $0x1, s8;
	s17 =	sadd.s32 $0x20, s17  }
0x73: {  	s12 =	sadd.s32 $0x1, s12;
	s11 =	sadd.s32 $0x4000, s11;
	s6 =	sadd.s32 $0x100, s6  }
0x74: {  	_ =	swait.ge [sflag:s18], $0x4000  }
0x75: {  	[sflag:s18] =	ssyncset.done $0x0  }
0x76: {  	s4 =	sadd.s32 @p4 $0x24900, s19;
	[sflag:s18] =	ssyncadd.s32 $0xFFFFC000  }
0x77: {  	s6 =	sshrl.u32 @p4 s26, $0x3;
	s8 =	simm.s32 @p4 $0x1FCC;
	[bflag:$0x0] =	sbarrier.arrive $0xFFFF  }
0x78: {  	[hbm:s4], [sflag:s8] =	dma.local @p4 [spmem:s6], $0x2800  }
0x79: {  	s4 =	simm.s32 @p4 $0xC  }
0x7a: {  	_ =	swait.ge @p4 [sflag:s4], $0x2800  }
0x7b: {  	[sflag:s4] =	ssyncset.done @p4 $0x0  }
0x7c: {  	[sflag:s4] =	ssyncadd.s32 @p4 $0xFFFFD800;
	s4 =	stileid.u32  }
0x7d: {  	s6 =	rddreg [dreg:$0x7];
	s4 =	sshll.u32 @!p4 s4, $0x6  }
0x7e: {  	s8 =	sshrl.u32 @!p4 s7, $0x3;
	s6 =	sadd.s32 @!p4 s6, s19;
	s4 =	sor.u32 @!p4 $0x1C0C, s4  }
0x7f: {  	[hbm:s6], [sflag:s4] =	dma.local @!p4 [spmem:s8], $0x2700  }
0x80: {  	s4 =	simm.s32 @!p4 $0xC  }
0x81: {  	_ =	swait.ge @!p4 [sflag:s4], $0x2700  }
0x82: {  	s29 =	sadd.s32 $0x1, s29;
	s24 =	rddreg [dreg:$0x10]  }
0x83: {  	p5 =	sne.s32 s29, s24  }
.Ltmp1:
0x84: {  	_ = 	snop;
	(pc) =	sbr.rel @p5 .LBB2_1-.Ltmp1, $3  }
0x85: {  	_ =	sdelay $0x1  }
0x86: {  	[sflag:s4] =	ssyncset.done @!p4 $0x0  }
0x87: {  	[sflag:s4] =	ssyncadd.s32 @!p4 $0xFFFFD900  }
0x88: {  	_ =	sfence.sel $0x180000  }
0x89: {  	[bflag:$0x0] =	sbarrier.arrive $0xFFFF  }
0x8a: {  	_ =	strace $0x9000004D  }
0x8b: {  	s0 =	stileid.u32;
	[bflag:$0x2] =	sbarrier.arrive $0xFFFF  }
0x8c: {  	p0 =	sne.s32 s0, $0x0;
	s0 =	rddreg [dreg:$0x5]  }
0x8d: {  	s0 =	sadd.s32 @!p0 $0x100000, s0  }
0x8e: {  	[sflag:s0] =	ssyncadd.tile.s32 @!p0 $0x1;
	_ =	shalt  }
.Lfunc_end2:
_tile_overlayer_lowered:
.L_overlay_start_2:
0x8f: {  	(tag) =	ssettag $0x2  }
0x90: {  	s0 =	rddreg [dreg:$0x0];
	s2 =	stileid.u32  }
0x91: {  	s1 =	rddreg [dreg:$0x1];
	p0 =	sne.s32 s2, $0x0  }
0x92: {  	s3 =	rddreg [dreg:$0x2];
	[bflag:$0x3] =	sbarrier.arrive $0xFFFF;
	s2 =	simm.s32 @!p0 $0x1C0C  }
0x93: {  	[timem:s3], [sflag:s2] =	dma.local @!p0 [hbm:s0], s1  }
0x94: {  	s0 =	simm.s32 @!p0 $0xC  }
0x95: {  	_ =	swait.ge @!p0 [sflag:s0], s1  }
0x96: {  	s1 =	ssub.s32 @!p0 $0x0, s1;
	[sflag:s0] =	ssyncset.done @!p0 $0x0  }
0x97: {  	[sflag:s0] =	ssyncadd.s32 @!p0 s1  }
0x98: {  	[bflag:$0x3] =	sbarrier.arrive $0xFFFF  }
0x99: {  	_ =	shalt  }

// kernel: kernel.8.cloned.1.call-start
scs
__scs_entry_jumppad:
0x0: {  	(pc) =	sbr.rel $0x88, $3  }
0x1: {  	(tag) =	ssettag $0x0;
	lr =	simm.s32 $0x1  }
0x2: {  	[smem:$0x3F9B] =	sst lr;
	_ =	strace $0xD0000000  }
0x3: {  	_ = 	snop  }
0x4: {  	_ = 	snop  }
0x5: {  	_ = 	snop  }
0x6: {  	_ = 	snop  }
0x7: {  	_ = 	snop  }
__scs_overlays_trampoline_lowered:
0x8: {  	[smem:$0x3FAA] =	sst s0  }
0x9: {  	[smem:$0x3FAB] =	sst s1  }
0xa: {  	[smem:$0x3FAC] =	sst s2  }
0xb: {  	[smem:$0x3FAD] =	sst s3  }
0xc: {  	[smem:$0x3FAE] =	sst s4  }
0xd: {  	[smem:$0x3FAF] =	sst s5  }
0xe: {  	[smem:$0x3FB0] =	sst s6  }
0xf: {  	[smem:$0x3FB1] =	sst s7  }
0x10: {  	[smem:$0x3FB2] =	sst s8  }
0x11: {  	[smem:$0x3FB3] =	sst s9;
	s0 =	simm.s32 @!p0 $0x0  }
0x12: {  	s1 =	sld [smem:$0x3F99];
	s0 =	simm.s32 @p0 $0x1  }
0x13: {  	[smem:$0x3FB4] =	sst s0;
	s0 =	simm.s32 @!p1 $0x0  }
0x14: {  	s2 =	sld [smem:$0x3F98];
	s0 =	simm.s32 @p1 $0x1  }
0x15: {  	[smem:$0x3FB5] =	sst s0;
	s0 =	simm.s32 @!p2 $0x0  }
0x16: {  	s3 =	sld [smem:$0x3FDB];
	s0 =	simm.s32 @p2 $0x1  }
0x17: {  	s4 =	simm.s32 $0x1BF5;
	[smem:$0x3FB7] =	sst s0  }
0x18: {  	s0 =	sld [smem:$0x3F9A];
	_ =	swait.ge [sflag:s4], $0x0  }
0x19: {  	s7 =	sld [smem:$0x3F9B]  }
0x1a: {  	s8 =	sadd.s32 $0xFFFFE003, lr  }
0x1b: {  	s9 =	sadd.s32 $0xFFFFFEF7, lr;
	s5 =	simm.s32 $0xFFFFFFFF;
	p2 =	slt.u32 s8, $0xFFFFF086  }
0x1c: {  	p1 =	slt.u32 s9, $0xF7A;
	s5 =	simm.s32 @!p2 $0x0  }
0x1d: {  	s5 =	simm.s32 @p1 $0x1;
	p0 =	seq.s32 s7, s2  }
0x1e: {  	s7 =	smul.u32 @!p0 $0xF7A, s2;
	p2 =	seq.s32 @!p0 s5, $0x0  }
0x1f: {  	s9 =	smul.u32 $0xF7A, s1;
	s8 =	simm.s32 @!p0 $0x1BF5;
	p2 =	por !p2, p0  }
0x20: {  	[sflag:s8] =	ssyncset.s32 @!p0 $0xFFFFF086;
	s6 =	sadd.s32 @!p0 s3, s7;
	s7 =	simm.s32 @!p0 $0x108  }
0x21: {  	s3 =	sadd.s32 s3, s9;
	s6 =	sadd.s32 @!p0 $0x88, s6;
	s7 =	simm.s32 @p2 $0x1082  }
0x22: {  	[simem:s7], [sflag:s8] =	dma.local @!p0 [hbm:s6], $0xF7A  }
0x23: {  	s9 =	sor.u32 $0xD0000000, s2;
	s6 =	simm.s32 $0x108;
	_ =	swait.ge @!p0 [sflag:s8], $0x0  }
0x24: {  	s3 =	sadd.s32 $0x88, s3;
	s6 =	simm.s32 @!p1 $0x1082;
	[sflag:s4] =	ssyncset.s32 $0xFFFFF086  }
0x25: {  	[simem:s6], [sflag:s4] =	dma.local [hbm:s3], $0xF7A  }
0x26: {  	[smem:$0x3F9B] =	sst s1;
	(tag) =	ssettag s2;
	_ =	strace s9  }
0x27: {  	s1 =	sld [smem:$0x3FAB]  }
0x28: {  	s2 =	sld [smem:$0x3FAC]  }
0x29: {  	s4 =	sld [smem:$0x3FAE]  }
0x2a: {  	p0 =	seq.s32 s5, $0x0;
	s5 =	sld [smem:$0x3FAF]  }
0x2b: {  	s6 =	sld [smem:$0x3FB0]  }
0x2c: {  	s7 =	sld [smem:$0x3FB1]  }
0x2d: {  	s3 =	simm.s32 $0x108;
	s8 =	sld [smem:$0x3FB2]  }
0x2e: {  	s3 =	simm.s32 @!p0 $0x1082;
	s9 =	sld [smem:$0x3FB3]  }
0x2f: {  	lr =	sadd.s32 s0, s3;
	s0 =	sld [smem:$0x3FAA]  }
0x30: {  	s3 =	sld [smem:$0x3FAD]  }
0x31: {  	[smem:$0x3FB6] =	sst s10  }
0x32: {  	s10 =	sld [smem:$0x3FB4];
	_ =	sdelay $0x3  }
0x33: {  	p0 =	seq.s32 s10, $0x1;
	s10 =	sld [smem:$0x3FB6];
	_ =	sdelay $0x3  }
0x34: {  	[smem:$0x3FB6] =	sst s10  }
0x35: {  	s10 =	sld [smem:$0x3FB5];
	_ =	sdelay $0x3  }
0x36: {  	p1 =	seq.s32 s10, $0x1;
	s10 =	sld [smem:$0x3FB6];
	_ =	sdelay $0x3  }
0x37: {  	[smem:$0x3FB6] =	sst s10  }
0x38: {  	s10 =	sld [smem:$0x3FB7]  }
0x39: {  	_ = 	snop;
	(pc) =	sbr.ind lr, $3  }
0x3a: {  	_ = 	snop  }
0x3b: {  	_ = 	snop  }
0x3c: {  	p2 =	seq.s32 s10, $0x1;
	s10 =	sld [smem:$0x3FB6]  }
0x3d: {  	_ =	shalt  }
0x3e: {  	_ =	shalt  }
0x3f: {  	_ =	shalt  }
0x40: {  	_ =	shalt  }
0x41: {  	_ =	shalt  }
0x42: {  	_ =	shalt  }
0x43: {  	_ =	shalt  }
0x44: {  	_ =	shalt  }
0x45: {  	_ =	shalt  }
0x46: {  	_ =	shalt  }
0x47: {  	_ =	shalt  }
0x48: {  	_ =	shalt  }
0x49: {  	_ =	shalt  }
0x4a: {  	_ =	shalt  }
0x4b: {  	_ =	shalt  }
0x4c: {  	_ =	shalt  }
0x4d: {  	_ =	shalt  }
0x4e: {  	_ =	shalt  }
0x4f: {  	_ =	shalt  }
0x50: {  	_ =	shalt  }
0x51: {  	_ =	shalt  }
0x52: {  	_ =	shalt  }
0x53: {  	_ =	shalt  }
0x54: {  	_ =	shalt  }
0x55: {  	_ =	shalt  }
0x56: {  	_ =	shalt  }
0x57: {  	_ =	shalt  }
0x58: {  	_ =	shalt  }
0x59: {  	_ =	shalt  }
0x5a: {  	_ =	shalt  }
0x5b: {  	_ =	shalt  }
0x5c: {  	_ =	shalt  }
0x5d: {  	_ =	shalt  }
0x5e: {  	_ =	shalt  }
0x5f: {  	_ =	shalt  }
0x60: {  	_ =	shalt  }
0x61: {  	_ =	shalt  }
0x62: {  	_ =	shalt  }
0x63: {  	_ =	shalt  }
0x64: {  	_ =	shalt  }
0x65: {  	_ =	shalt  }
0x66: {  	_ =	shalt  }
0x67: {  	_ =	shalt  }
0x68: {  	_ =	shalt  }
0x69: {  	_ =	shalt  }
0x6a: {  	_ =	shalt  }
0x6b: {  	_ =	shalt  }
0x6c: {  	_ =	shalt  }
0x6d: {  	_ =	shalt  }
0x6e: {  	_ =	shalt  }
0x6f: {  	_ =	shalt  }
0x70: {  	_ =	shalt  }
0x71: {  	_ =	shalt  }
0x72: {  	_ =	shalt  }
0x73: {  	_ =	shalt  }
0x74: {  	_ =	shalt  }
0x75: {  	_ =	shalt  }
0x76: {  	_ =	shalt  }
0x77: {  	_ =	shalt  }
0x78: {  	_ =	shalt  }
0x79: {  	_ =	shalt  }
0x7a: {  	_ =	shalt  }
0x7b: {  	_ =	shalt  }
0x7c: {  	_ =	shalt  }
0x7d: {  	_ =	shalt  }
0x7e: {  	_ =	shalt  }
0x7f: {  	_ =	shalt  }
0x80: {  	_ =	shalt  }
0x81: {  	_ =	shalt  }
0x82: {  	_ =	shalt  }
0x83: {  	_ =	shalt  }
0x84: {  	_ =	shalt  }
0x85: {  	_ =	shalt  }
0x86: {  	_ =	shalt  }
0x87: {  	_ =	shalt  }
.Lfunc_end0:
.L_simem_size_0:
called_computation_lowered:
.L_overlay_start_0:
0x88: {  	s2 =	sld [smem:$0x3FD9]  }
0x89: {  	s3 =	sld [smem:$0x3FFE];
	_ =	sdelay $0x1  }
0x8a: {  	s1 =	srdreg.scid  }
0x8b: {  	s0 =	sand.u32 $0x1, s1  }
0x8c: {  	s15 =	sshll.u32 s0, $0xA;
	s2 =	sadd.s32 s3, s2  }
0x8d: {  	s2 =	sadd.s32 s2, s15  }
0x8e: {  	[smem:$0x3FC2] =	sst s2  }
0x8f: {  	_ = 	snop  }
0x90: {  	s2 =	sld [smem:$0x3FD0];
	_ =	sdelay $0x2  }
0x91: {  	s4 =	simm.s32 $0xA;
	s5 =	simm.s32 $0x10;
	s16 =	sld [smem:$0x3FC8]  }
0x92: {  	[smem:s5], [sflag:s4] =	dma.local [hbm:s2], $0x1  }
0x93: {  	_ =	swait.eq [sflag:s4], $0x1  }
0x94: {  	[sflag:s4] =	ssyncset.done $0x0  }
0x95: {  	[sflag:s4] =	ssyncadd.s32 $0xFFFFFFFF  }
0x96: {  	s17 =	sld [smem:$0x12];
	(tm) =	ssettm $0x1  }
0x97: {  	s18 =	sld [smem:$0x3FFB];
	_ =	sdelay $0x3  }
0x98: {  	_ =	strace s18  }
0x99: {  	s4 =	sld [smem:$0x3FFC];
	_ =	sdelay $0x3  }
0x9a: {  	_ =	strace s4  }
0x9b: {  	s4 =	sld [smem:$0x3FFD];
	_ =	sdelay $0x3  }
0x9c: {  	_ =	strace s4  }
0x9d: {  	_ =	strace $0x8FFFFFFF  }
0x9e: {  	s19 =	sld [smem:$0x3FDB];
	_ =	sdelay $0x1  }
0x9f: {  	s20 =	simm.s32 $_scs_section_size  }
0xa0: {  	s6 =	simm.s32 $_size__tile_overlayer_lowered;
	s7 =	simm.s32 $_tile_overlayer_lowered  }
0xa1: {  	s23 =	simm.s32 $0x1BFF;
	s22 =	sshll.u32 s7, $0x1;
	s4 =	sadd.s32 s20, s19  }
0xa2: {  	s8 =	simm.s32 $0x0;
	s21 =	sshll.u32 s6, $0x1;
	s6 =	sadd.s32 s22, s4  }
0xa3: {  	[timem:s8], [sflag:s23] =	dma.local [hbm:s6], s21  }
0xa4: {  	_ =	swait.ge [sflag:s23], s21  }
0xa5: {  	s5 =	ssub.s32 $0x0, s21;
	[sflag:s23] =	ssyncset.done $0x0  }
0xa6: {  	[sflag:s23] =	ssyncadd.s32 s5;
	_ =	sdelay $0x1  }
0xa7: {  	s24 =	simm.s32 $0x1B8B  }
0xa8: {  	_ =	swait.ge [sflag:s24], $0x1  }
0xa9: {  	[sflag:s24] =	ssyncset.done $0x0  }
0xaa: {  	s25 =	simm.s32 $0x1B8E;
	[sflag:s24] =	ssyncadd.s32 $0xFFFFFFFF  }
0xab: {  	s26 =	simm.s32 $execute0_lowered;
	[smem:$0x3FD2] =	sst s25  }
0xac: {  	s5 =	sshll.u32 s26, $0x1;
	_ =	strace $0x80000046;
	[dreg:$0x1] =	wrdreg $0xFFFFFFFF  }
0xad: {  	s28 =	simm.s32 $_size_execute0_lowered;
	s4 =	sadd.s32 s4, s5;
	[dreg:$0x0] =	wrdreg $0x0  }
0xae: {  	s5 =	sshll.u32 s28, $0x1;
	[dreg:$0x2] =	wrdreg s4  }
0xaf: {  	[dreg:$0x3] =	wrdreg s5  }
0xb0: {  	[dreg:$0x4] =	wrdreg $0xC0  }
0xb1: {  	_ =	task [dreg:s8], $0x5FFFF  }
0xb2: {  	[dreg:$0x1] =	wrdreg $0xFFFFFFFF  }
0xb3: {  	[dreg:$0x0] =	wrdreg $0x60  }
0xb4: {  	[dreg:$0x2] =	wrdreg s16  }
0xb5: {  	[dreg:$0x3] =	wrdreg s17  }
0xb6: {  	[dreg:$0x4] =	wrdreg $0x5800  }
0xb7: {  	[dreg:$0x5] =	wrdreg $0x9  }
0xb8: {  	_ =	task.clear_ibuf [dreg:s8], $0x6FFFF;
	_ =	strace $0x90000046  }
0xb9: {  	s29 =	simm.s32 $0x9;
	_ =	strace $0x80000048  }
0xba: {  	_ =	swait.ge [sflag:s29], $0x1  }
0xbb: {  	[sflag:s29] =	ssyncadd.s32 $0xFFFFFFFF  }
0xbc: {  	_ =	strace $0x90000048  }
0xbd: {  	_ =	sfence  }
0xbe: {  	s30 =	sld [smem:$0x0];
	_ =	sdelay $0x2  }
0xbf: {  	s31 =	sshll.u32 s1, $0xD;
	s1 =	sshrl.u32 s1, $0x2  }
0xc0: {  	s3 =	sand.u32 $0x4000, s31;
	s1 =	sadd.s32 s1, s30  }
0xc1: {  	s0 =	sor.u32 s3, s0;
	s1 =	sshll.u32 s1, $0x11  }
0xc2: {  	s0 =	sor.u32 s1, s0  }
0xc3: {  	s0 =	sadd.s32 $0x8F2B, s0  }
0xc4: {  	[sflag:s0] =	ssyncadd.remote.s32 $0x1  }
0xc5: {  	_ =	sfence.sel $0xFFFF  }
0xc6: {  	[dreg:$0x0] =	wrdreg $0xFFFFFFFF;
	(pc) =	sbr.abs _section_cstart, $3  }
0xc7: {  	[dreg:$0x1] =	wrdreg $0xFFFFFFFF  }
0xc8: {  	_ =	task.clear_ibuf [dreg:s8], $0x2FFFF;
	_ =	strace $0x9FFFFFFF  }
0xc9: {  	(tm) =	ssettm $0x7FFFFFFF  }
tec
execute0_lowered:
.L_overlay_start_1:
0x0: {  	(tag) =	ssettag $0x1  }
0x1: {  	s5 =	rddreg [dreg:$0x0]  }
0x2: {  	s12 =	rddreg [dreg:$0x1]  }
0x3: {  	s1 =	rddreg [dreg:$0x2];
	s3 =	simm.s32 $0x0;
	s4 =	srdreg.scid  }
0x4: {  	s0 =	stileid.u32;
	s7 =	simm.s32 $0x4F;
	s21 =	simm.s32 $0x280  }
0x5: {  	s22 =	simm.s32 $0x10;
	s23 =	simm.s32 $0x0;
	s8 =	smul.u32 $0x4D, s0  }
0x6: {  	[smem:$0x7FF] =	sst s3;
	s13 =	sand.u32 $0x1, s4;
	s9 =	smul.u32 $0x4E, s0  }
0x7: {  	p1 =	slt.u32 s0, $0xC;
	s10 =	smin.u32 s0, $0x8;
	s25 =	smul.u32 $0xA00, s0  }
0x8: {  	s4 =	simm.s32 $0x4E;
	s11 =	smin.u32 s0, $0xC;
	s20 =	smul.u32 $0xA0, s0  }
0x9: {  	_ =	strace $0x80000047;
	s6 =	ssub.s32 $0x2, s13;
	p0 =	seq.s32 s13, $0x0  }
0xa: {  	s7 =	simm.s32 @!p1 $0x4E;
	p1 =	slt.u32 s0, $0x8;
	s13 =	sshll.u32 s13, $0x4  }
0xb: {  	[dreg:$0x4] =	wrdreg s21;
	s21 =	simm.s32 $0x20;
	s8 =	sadd.s32 s10, s8  }
0xc: {  	s4 =	simm.s32 @!p1 $0x4D;
	s9 =	sadd.s32 s11, s9;
	s24 =	sshrl.u32 s6, $0x1  }
0xd: {  	s29 =	sshrl.u32 s25, $0x2;
	s19 =	sadd.s32 s12, s13;
	s8 =	sadd.s32 $0x4EC, s8  }
0xe: {  	s14 =	ssub.s32 s6, s24;
	s4 =	smov.u32 @p0 s7;
	s19 =	sadd.s32 s20, s19  }
0xf: {  	s20 =	simm.s32 $0x1;
	s8 =	smov.u32 @p0 s9;
	s28 =	sxor.u32 $0xFFFFFFFF, s4  }
0x10: {  	s31 =	ssub.s32 $0x0, s4;
	s12 =	smax.u32 s14, $0x1;
	s14 =	simm.s32 $0x8  }
0x11: {  	s26 =	sshll.u32 s8, $0x5;
	s15 =	sand.u32 $0x1, s28;
	[dreg:$0x5] =	wrdreg s31  }
0x12: {  	s30 =	sadd.s32 s5, s26;
	s5 =	sadd.s32 s29, s1;
	s11 =	sor.u32 $0x6, s15  }
0x13: {  	s15 =	simm.s32 $0x80;
	s6 =	sadd.s32 $0x10, s30;
	s7 =	sadd.s32 $0x30, s30  }
0x14: {  	v0 =	vimm.f32 $1.000000000e+00;
	v1 =	vimm.f32 $0.0e+00;
	s8 =	sadd.s32 $0x50, s30;
	s9 =	sadd.s32 $0x70, s30;
	s10 =	sadd.s32 $0x90, s30  }
.LBB2_1:
0x15: {  	[tilespmem:$0x280] =	vst v0  }
0x16: {  	[tilespmem:$0x290] =	vst v0  }
0x17: {  	[tilespmem:$0x2A0] =	vst v0  }
0x18: {  	[tilespmem:$0x2B0] =	vst v0  }
0x19: {  	[tilespmem:$0x2C0] =	vst v0  }
0x1a: {  	[tilespmem:$0x2D0] =	vst v0  }
0x1b: {  	[tilespmem:$0x2E0] =	vst v0  }
0x1c: {  	[tilespmem:$0x2F0] =	vst v0  }
0x1d: {  	[tilespmem:$0x300] =	vst v1  }
0x1e: {  	[tilespmem:$0x310] =	vst v1  }
0x1f: {  	[tilespmem:$0x320] =	vst v1  }
0x20: {  	[tilespmem:$0x330] =	vst v1  }
0x21: {  	[tilespmem:$0x340] =	vst v1  }
0x22: {  	[tilespmem:$0x350] =	vst v1  }
0x23: {  	[tilespmem:$0x360] =	vst v1  }
0x24: {  	[tilespmem:$0x370] =	vst v1  }
0x25: {  	[tilespmem:$0x380] =	vst v1  }
0x26: {  	[tilespmem:$0x390] =	vst v1  }
0x27: {  	[tilespmem:$0x3A0] =	vst v1  }
0x28: {  	[tilespmem:$0x3B0] =	vst v1  }
0x29: {  	[tilespmem:$0x3C0] =	vst v1  }
0x2a: {  	[tilespmem:$0x3D0] =	vst v1  }
0x2b: {  	[tilespmem:$0x3E0] =	vst v1  }
0x2c: {  	[tilespmem:$0x3F0] =	vst v1  }
0x2d: {  	[tilespmem:$0x400] =	vst v1  }
0x2e: {  	[tilespmem:$0x410] =	vst v1  }
0x2f: {  	[tilespmem:$0x420] =	vst v1  }
0x30: {  	[tilespmem:$0x430] =	vst v1  }
0x31: {  	[tilespmem:$0x440] =	vst v1  }
0x32: {  	[tilespmem:$0x450] =	vst v1  }
0x33: {  	[tilespmem:$0x460] =	vst v1  }
0x34: {  	[tilespmem:$0x470] =	vst v1  }
0x35: {  	[tilespmem:$0x480] =	vst v1  }
0x36: {  	[tilespmem:$0x490] =	vst v1  }
0x37: {  	[tilespmem:$0x4A0] =	vst v1  }
0x38: {  	[tilespmem:$0x4B0] =	vst v1  }
0x39: {  	[tilespmem:$0x4C0] =	vst v1  }
0x3a: {  	[tilespmem:$0x4D0] =	vst v1  }
0x3b: {  	[tilespmem:$0x4E0] =	vst v1  }
0x3c: {  	[tilespmem:$0x4F0] =	vst v1  }
0x3d: {  	[tilespmem:$0x500] =	vst v1  }
0x3e: {  	[tilespmem:$0x510] =	vst v1  }
0x3f: {  	[tilespmem:$0x520] =	vst v1  }
0x40: {  	[tilespmem:$0x530] =	vst v1  }
0x41: {  	[tilespmem:$0x540] =	vst v1  }
0x42: {  	[tilespmem:$0x550] =	vst v1  }
0x43: {  	[tilespmem:$0x560] =	vst v1  }
0x44: {  	[tilespmem:$0x570] =	vst v1;
	s0 =	simm.s32 $0x300  }
0x45: {  	[spmem:s5] =	stream.linear.scatter [tilespmem:s0], [sflag:$0x8], $0x280, $0x38;
	[tilespmem:$0x800] =	vst v63  }
0x46: {  	_ =	swait.ge [sflag:s14], $0x280  }
0x47: {  	[sflag:s14] =	ssyncset.done $0x0  }
0x48: {  	[sflag:s14] =	ssyncadd.s32 $0xFFFFFD80  }
0x49: {  	[tilespmem:s3], [sflag:$0x1] =	stream.linear.gather [hbm4b:s6+s3], $0x80, $0x38;
	[tilespmem:$0x800] =	vst v63  }
0x4a: {  	_ = 	snop  }
0x4b: {  	[tilespmem:s15], [sflag:$0x2] =	stream.linear.gather [hbm4b:s7+s3], $0x80, $0x38;
	[tilespmem:$0x800] =	vst v63  }
0x4c: {  	s24 =	simm.s32 $0x100;
	s25 =	simm.s32 $0x180  }
0x4d: {  	[tilespmem:s24], [sflag:$0x3] =	stream.linear.gather [hbm4b:s8+s3], $0x80, $0x38;
	[tilespmem:$0x800] =	vst v63  }
0x4e: {  	s26 =	simm.s32 $0x200;
	s31 =	simm.s32 $0xFFFFFFFF;
	s28 =	smov.u32 s10  }
0x4f: {  	[tilespmem:s25], [sflag:$0x4] =	stream.linear.gather [hbm4b:s9+s3], $0x80, $0x38;
	[tilespmem:$0x800] =	vst v63  }
0x50: {  	s29 =	simm.s32 $0x0;
	s30 =	simm.s32 $0x0;
	s24 =	simm.s32 $0xFFFFFF80  }
0x51: {  	[tilespmem:s26], [sflag:$0x5] =	stream.linear.gather [hbm4b:s10+s3], $0x80, $0x38;
	[tilespmem:$0x800] =	vst v63  }
0x52: {  	s25 =	simm.s32 $0x0;
	s26 =	simm.s32 $0x1;
	[bflag:$0x0] =	sbarrier.arrive $0xFFFF  }
.LBB2_2:
0x53: {  	s0 =	smulhi.u32 $0xCCCCCCCD, s30;
	_ =	sdelay $0x1  }
0x54: {  	s0 =	sshrl.u32 s0, $0x2  }
0x55: {  	s2 =	smul.u32 $0xFFFFFFEC, s0;
	_ =	sdelay $0x1  }
0x56: {  	s13 =	smulhi.u32 $0xCCCCCCCD, s31;
	s2 =	sshra.s32 s2, $0x2  }
0x57: {  	s17 =	sadd.s32 $0x1, s31;
	s2 =	sadd.s32 s2, s26  }
0x58: {  	s13 =	sshrl.u32 s13, $0x2;
	s0 =	smul.u32 $0xFFFFF600, s0;
	_ =	swait.ge [sflag:s2], $0x80  }
0x59: {  	p0 =	seq.s32 s17, $0x0;
	s16 =	smul.u32 $0xFFFFFFEC, s13;
	[sflag:s2] =	ssyncset.done $0x0  }
0x5a: {  	s0 =	sshra.s32 s0, $0x2;
	[sflag:s2] =	ssyncadd.s32 $0xFFFFFF80;
	s2 =	sand.u32 $0x1, s17  }
0x5b: {  	s0 =	sadd.s32 s0, s25;
	s18 =	rddreg [dreg:$0x4];
	s2 =	sor.u32 $0x6, s2  }
0x5c: {  	[spmem:s1] =	stream.indirect.scatter.add.f32 [tilespmem:s18], [sflag:s2], $0x1, s0, s15, $0xb8;
	[tilespmem:$0x800] =	vst v63  }
0x5d: {  	s18 =	smul.u32 $0xFFFFF600, s13;
	s13 =	sand.u32 @!p0 $0x1, s31  }
0x5e: {  	s16 =	sshra.s32 s16, $0x2;
	s13 =	sor.u32 @!p0 $0x6, s13  }
0x5f: {  	s0 =	sadd.s32 s16, s29;
	_ =	swait.ge @!p0 [sflag:s13], $0x80  }
0x60: {  	s16 =	sadd.s32 @!p0 $0x5, s31;
	s2 =	sshra.s32 s18, $0x2;
	s18 =	rddreg [dreg:$0x5]  }
0x61: {  	p1 =	sge.u32 @!p0 s16, s4;
	[sflag:s13] =	ssyncset.done @!p0 $0x0;
	s18 =	sadd.s32 s17, s18  }
0x62: {  	p1 =	por p1, p0;
	[sflag:s13] =	ssyncadd.s32 @!p0 $0xFFFFFF80;
	p0 =	sne.s32 s18, $0xFFFFFFFF  }
.Ltmp0:
0x63: {  	_ = 	snop;
	(pc) =	sbr.rel @p0 .LBB2_2-.Ltmp0, $4  }
0x64: {  	s30 =	sadd.s32 $0x1, s30;
	s26 =	sadd.s32 $0x1, s26;
	s25 =	sadd.s32 $0x80, s25  }
0x65: {  	s29 =	sadd.s32 $0x1, s29;
	s2 =	sadd.s32 s2, s24;
	s13 =	simm.s32 @!p1 $0x0  }
0x66: {  	[tilespmem:s2], [sflag:s0] =	stream.linear.gather @!p1 [hbm4b:s28+s13], $0x80, $0x38;
	[tilespmem:$0x800] =	vst v63  }
0x67: {  	s31 =	smov.u32 s17;
	s24 =	sadd.s32 $0x80, s24;
	s28 =	sadd.s32 $0x20, s28  }
0x68: {  	_ =	swait.ge [sflag:s11], $0x80;
	s0 =	stileid.u32  }
0x69: {  	s2 =	sshrl.u32 s5, $0x3;
	s23 =	sadd.s32 $0x1, s23;
	[sflag:s11] =	ssyncset.done $0x0  }
0x6a: {  	s0 =	sshll.u32 s0, $0x6;
	p0 =	sne.s32 s23, s12;
	[sflag:s11] =	ssyncadd.s32 $0xFFFFFF80  }
.Ltmp1:
0x6b: {  	s0 =	sor.u32 $0x1C08, s0;
	[bflag:$0x0] =	sbarrier.arrive $0xFFFF;
	(pc) =	sbr.rel @p0 .LBB2_1-.Ltmp1, $4  }
0x6c: {  	[hbm:s19@s21], [sflag:s0] =	dma.strided [spmem:s2@s22], $0x50, s20, $0x10   }
0x6d: {  	_ =	swait.ge [sflag:s14], $0x50  }
0x6e: {  	[sflag:s14] =	ssyncset.done $0x0  }
0x6f: {  	[sflag:s14] =	ssyncadd.s32 $0xFFFFFFB0  }
0x70: {  	_ =	sfence.sel $0x180000  }
0x71: {  	[bflag:$0x0] =	sbarrier.arrive $0xFFFF  }
0x72: {  	_ =	strace $0x90000047  }
0x73: {  	s0 =	stileid.u32;
	[bflag:$0x2] =	sbarrier.arrive $0xFFFF  }
0x74: {  	p0 =	sne.s32 s0, $0x0;
	s0 =	rddreg [dreg:$0x3]  }
0x75: {  	s0 =	sadd.s32 @!p0 $0x100000, s0  }
0x76: {  	[sflag:s0] =	ssyncadd.tile.s32 @!p0 $0x1;
	_ =	shalt  }
.Lfunc_end2:
_tile_overlayer_lowered:
.L_overlay_start_2:
0x77: {  	(tag) =	ssettag $0x2  }
0x78: {  	s0 =	rddreg [dreg:$0x0];
	s2 =	stileid.u32  }
0x79: {  	s1 =	rddreg [dreg:$0x1];
	p0 =	sne.s32 s2, $0x0  }
0x7a: {  	s3 =	rddreg [dreg:$0x2];
	[bflag:$0x3] =	sbarrier.arrive $0xFFFF;
	s2 =	simm.s32 @!p0 $0x1C08  }
0x7b: {  	[timem:s3], [sflag:s2] =	dma.local @!p0 [hbm:s0], s1  }
0x7c: {  	s0 =	simm.s32 @!p0 $0x8  }
0x7d: {  	_ =	swait.ge @!p0 [sflag:s0], s1  }
0x7e: {  	s1 =	ssub.s32 @!p0 $0x0, s1;
	[sflag:s0] =	ssyncset.done @!p0 $0x0  }
0x7f: {  	[sflag:s0] =	ssyncadd.s32 @!p0 s1  }
0x80: {  	[bflag:$0x3] =	sbarrier.arrive $0xFFFF  }
0x81: {  	_ =	shalt  }

</sc_bundles>
